<compile_context>
chip_gen: v7x
topology: tpu7x:2x2x1
jax: 0.10.2.dev20260603
libtpu: 0.0.44.dev20260713+nightly
codegen_flags: <defaults>
</compile_context>

<pallas_src>
import functools

import jax
import jax.numpy as jnp
from jax import lax
from jax.experimental import pallas as pl
from jax.experimental.pallas import tpu as pltpu
from jax.experimental.pallas import tpu_sc as plsc

D = 128
N = 10000
NP = 10240
E = 320000
NC = 2
NS = 16
NW = NC * NS
CH = 128
NCHW = 80
E_PAD = NW * NCHW * CH
REAL_CROWS = E // CH
ROWS_PER_TILE = NP // NS


def _mesh():
    return plsc.VectorSubcoreMesh(core_axis_name="c", subcore_axis_name="s")


def _wid():
    return lax.axis_index("s") * NC + lax.axis_index("c")


def _sc_gather_rows(table, idx, ch):
    (b,) = idx.shape
    _, d = table.shape
    bpw = b // NW
    nch = bpw // ch

    @functools.partial(
        pl.kernel,
        out_type=jax.ShapeDtypeStruct((b, d), jnp.float32),
        mesh=_mesh(),
        scratch_types=[
            pltpu.VMEM((ch,), jnp.int32),
            pltpu.VMEM((ch, d), jnp.float32),
            pltpu.SemaphoreType.DMA,
        ],
    )
    def k(table_h, idx_h, out_h, idx_v, rows_v, sem):
        base = _wid() * bpw

        def body(j, carry):
            off = pl.multiple_of(base + j * ch, 8)
            pltpu.sync_copy(idx_h.at[pl.ds(off, ch)], idx_v)
            pltpu.async_copy(table_h.at[idx_v], rows_v, sem).wait()
            pltpu.sync_copy(rows_v, out_h.at[pl.ds(off, ch)])
            return carry

        lax.fori_loop(0, nch, body, 0)

    return k(table, idx)


def _sc_msgpass(x, ea, src, dst, rel, zblk):
    MCH = 64
    MNCH = E_PAD // (NW * MCH)
    EW = MNCH * MCH

    @functools.partial(
        pl.kernel,
        out_type=jax.ShapeDtypeStruct((NC, NP, D), jnp.float32),
        mesh=_mesh(),
        scratch_types=[
            pltpu.VMEM((MCH,), jnp.int32),
            pltpu.VMEM((MCH,), jnp.int32),
            pltpu.VMEM((MCH,), jnp.int32),
            pltpu.VMEM((MCH,), jnp.int32),
            pltpu.VMEM((MCH,), jnp.int32),
            pltpu.VMEM((MCH,), jnp.int32),
            pltpu.VMEM((MCH, D), jnp.float32),
            pltpu.VMEM((MCH, D), jnp.float32),
            pltpu.VMEM((MCH, D), jnp.float32),
            pltpu.VMEM((MCH, D), jnp.float32),
            pltpu.VMEM((MCH,), jnp.int32),
            pltpu.VMEM((MCH,), jnp.int32),
            pltpu.VMEM_SHARED((NP, D), jnp.float32),
            pltpu.VMEM_SHARED((64, D), jnp.float32),
            pltpu.SemaphoreType.DMA,
            pltpu.SemaphoreType.DMA,
            pltpu.SemaphoreType.DMA,
            pltpu.SemaphoreType.DMA,
            pltpu.SemaphoreType.DMA,
            pltpu.SemaphoreType.DMA,
            pltpu.SemaphoreType.DMA,
            pltpu.SemaphoreType.DMA,
        ],
    )
    def k(x_h, ea_h, src_h, dst_h, rel_h, z_h, out_h,
          sia, sib, ria, rib, dia, dib, xsa, xsb, eaa, eab, dsa, dsb, agg, ea_sh,
          sxa, sxb, sea, seb, sda, sdb, ssca, sscb):
        cid = lax.axis_index("c")
        sid = lax.axis_index("s")
        base = (sid * NC + cid) * EW

        @pl.when(sid == 0)
        def _():
            pltpu.sync_copy(ea_h, ea_sh)

        def zbody(t, carry):
            r0 = pl.multiple_of(sid * ROWS_PER_TILE + t * CH, 8)
            pltpu.sync_copy(z_h, agg.at[pl.ds(r0, CH)])
            return carry

        lax.fori_loop(0, ROWS_PER_TILE // CH, zbody, 0)
        plsc.subcore_barrier()

        def issue_idx(j, si_, ri_, di_, sd):
            off = pl.multiple_of(base + j * MCH, 8)
            pltpu.async_copy(src_h.at[pl.ds(off, MCH)], si_, sd)
            pltpu.async_copy(rel_h.at[pl.ds(off, MCH)], ri_, sd)
            pltpu.async_copy(dst_h.at[pl.ds(off, MCH)], di_, sd)

        def wait_idx(j, si_, ri_, di_, sd):
            off = pl.multiple_of(base + j * MCH, 8)
            pltpu.make_async_copy(src_h.at[pl.ds(off, MCH)], si_, sd).wait()
            pltpu.make_async_copy(rel_h.at[pl.ds(off, MCH)], ri_, sd).wait()
            pltpu.make_async_copy(dst_h.at[pl.ds(off, MCH)], di_, sd).wait()

        def issue_gath(si_, ri_, xs_, ea_, sx, se):
            pltpu.async_copy(x_h.at[si_], xs_, sx)
            pltpu.async_copy(ea_sh.at[ri_], ea_, se)

        def wait_gath(si_, ri_, xs_, ea_, sx, se):
            pltpu.make_async_copy(x_h.at[si_], xs_, sx).wait()
            pltpu.make_async_copy(ea_sh.at[ri_], ea_, se).wait()

        def compute(xs_, ea_, di_, ds_):
            def cbody(i, carry):
                for jj in range(D // 16):
                    sl = pl.ds(jj * 16, 16)
                    ea_[i, sl] = jnp.maximum(xs_[i, sl] + ea_[i, sl], 0.0)
                return carry

            lax.fori_loop(0, MCH, cbody, 0)
            for jj in range(MCH // 16):
                sl = pl.ds(jj * 16, 16)
                ds_[sl] = di_[sl]

        def scat(ea_, ds_, ssc):
            pltpu.async_copy(ea_, agg.at[ds_], ssc, add=True)

        def wait_scat(ea_, ds_, ssc):
            pltpu.make_async_copy(ea_, agg.at[ds_], ssc).wait()

        issue_idx(0, sia, ria, dia, sda)
        issue_idx(1, sib, rib, dib, sdb)
        wait_idx(0, sia, ria, dia, sda)
        issue_gath(sia, ria, xsa, eaa, sxa, sea)
        last_t = MNCH // 2 - 1

        def ebody(t, carry):
            c0 = 2 * t
            c1 = 2 * t + 1
            wait_idx(c1, sib, rib, dib, sdb)

            @pl.when(t > 0)
            def _():
                wait_scat(eab, dsb, sscb)

            issue_gath(sib, rib, xsb, eab, sxb, seb)
            wait_gath(sia, ria, xsa, eaa, sxa, sea)
            compute(xsa, eaa, dia, dsa)
            scat(eaa, dsa, ssca)

            @pl.when(t < last_t)
            def _():
                issue_idx(c0 + 2, sia, ria, dia, sda)

            wait_gath(sib, rib, xsb, eab, sxb, seb)

            @pl.when(t < last_t)
            def _():
                wait_idx(c0 + 2, sia, ria, dia, sda)
                wait_scat(eaa, dsa, ssca)
                issue_gath(sia, ria, xsa, eaa, sxa, sea)

            compute(xsb, eab, dib, dsb)
            scat(eab, dsb, sscb)

            @pl.when(t < last_t)
            def _():
                issue_idx(c1 + 2, sib, rib, dib, sdb)

            return carry

        lax.fori_loop(0, MNCH // 2, ebody, 0)
        wait_scat(eaa, dsa, ssca)
        wait_scat(eab, dsb, sscb)

        plsc.subcore_barrier()

        def obody(t, carry):
            r0 = pl.multiple_of(sid * ROWS_PER_TILE + t * CH, 8)
            pltpu.sync_copy(agg.at[pl.ds(r0, CH)], out_h.at[cid, pl.ds(r0, CH)])
            return carry

        lax.fori_loop(0, ROWS_PER_TILE // CH, obody, 0)

    return k(x, ea, src, dst, rel, zblk)


def _sc_edge_head(s_head, d_head, src, dst):
    k64 = 64
    EW = NCHW * CH
    ECH = 64
    ENCH = EW // ECH
    RC = E // ECH

    @functools.partial(
        pl.kernel,
        out_type=jax.ShapeDtypeStruct((E, k64), jnp.float32),
        mesh=_mesh(),
        scratch_types=[
            pltpu.VMEM((EW,), jnp.int32),
            pltpu.VMEM((EW,), jnp.int32),
            pltpu.VMEM((ECH, k64), jnp.float32),
            pltpu.VMEM((ECH, k64), jnp.float32),
            pltpu.VMEM((ECH, k64), jnp.float32),
            pltpu.VMEM((ECH, k64), jnp.float32),
            pltpu.VMEM_SHARED((NP, k64), jnp.float32),
            pltpu.VMEM_SHARED((NP, k64), jnp.float32),
            pltpu.SemaphoreType.DMA,
            pltpu.SemaphoreType.DMA,
            pltpu.SemaphoreType.DMA,
            pltpu.SemaphoreType.DMA,
            pltpu.SemaphoreType.DMA,
            pltpu.SemaphoreType.DMA,
        ],
        compiler_params=pltpu.CompilerParams(use_tc_tiling_on_sc=False),
    )
    def k(s_h, d_h, src_h, dst_h, out_h,
          si, di, sva, svb, dva, dvb, s_sh, d_sh, ssa, ssb, sda, sdb, swa, swb):
        sid = lax.axis_index("s")
        crow0 = _wid() * ENCH
        base = crow0 * ECH

        r0 = pl.multiple_of(sid * ROWS_PER_TILE, 8)
        pltpu.sync_copy(s_h.at[pl.ds(r0, ROWS_PER_TILE)],
                        s_sh.at[pl.ds(r0, ROWS_PER_TILE)])
        pltpu.sync_copy(d_h.at[pl.ds(r0, ROWS_PER_TILE)],
                        d_sh.at[pl.ds(r0, ROWS_PER_TILE)])
        pltpu.sync_copy(src_h.at[pl.ds(base, EW)], si)
        pltpu.sync_copy(dst_h.at[pl.ds(base, EW)], di)
        plsc.subcore_barrier()

        def issue(j, sv_, dv_, ss, sd):
            iw = pl.multiple_of(j * ECH, 8)
            pltpu.async_copy(s_sh.at[si.at[pl.ds(iw, ECH)]], sv_, ss)
            pltpu.async_copy(d_sh.at[di.at[pl.ds(iw, ECH)]], dv_, sd)

        def wait(j, sv_, dv_, ss, sd):
            iw = pl.multiple_of(j * ECH, 8)
            pltpu.make_async_copy(s_sh.at[si.at[pl.ds(iw, ECH)]], sv_, ss).wait()
            pltpu.make_async_copy(d_sh.at[di.at[pl.ds(iw, ECH)]], dv_, sd).wait()

        def compute_store(j, sv_, dv_, sw):
            def cbody(i, carry):
                for jj in range(k64 // 16):
                    sl = pl.ds(jj * 16, 16)
                    sv_[i, sl] = sv_[i, sl] + dv_[i, sl]
                return carry

            lax.fori_loop(0, ECH, cbody, 0)

            @pl.when(crow0 + j < RC)
            def _():
                off = pl.multiple_of((crow0 + j) * ECH, 8)
                pltpu.async_copy(sv_, out_h.at[pl.ds(off, ECH)], sw)

        def wait_store(j, sv_, sw):
            @pl.when(crow0 + j < RC)
            def _():
                off = pl.multiple_of((crow0 + j) * ECH, 8)
                pltpu.make_async_copy(sv_, out_h.at[pl.ds(off, ECH)], sw).wait()

        issue(0, sva, dva, ssa, sda)
        last_t = ENCH // 2 - 1

        def ebody(t, carry):
            c0 = 2 * t
            c1 = 2 * t + 1

            @pl.when(t > 0)
            def _():
                wait_store(c1 - 2, svb, swb)

            issue(c1, svb, dvb, ssb, sdb)
            wait(c0, sva, dva, ssa, sda)
            compute_store(c0, sva, dva, swa)

            @pl.when(t < last_t)
            def _():
                wait_store(c0, sva, swa)
                issue(c0 + 2, sva, dva, ssa, sda)

            wait(c1, svb, dvb, ssb, sdb)
            compute_store(c1, svb, dvb, swb)
            return carry

        lax.fori_loop(0, ENCH // 2, ebody, 0)
        wait_store(ENCH - 2, sva, swa)
        wait_store(ENCH - 1, svb, swb)

    return k(s_head, d_head, src, dst)


def _tc_dense(x, agg, wt, b, do_norm, do_relu, blk, row_off=0, mask_pad=False):
    bb, d = x.shape
    kk = wt.shape[1]
    has_agg = agg is not None
    nrows = bb - row_off * blk

    def body(*refs):
        xv = refs[0][...]
        if has_agg:
            av = refs[1][...]
            xv = xv + av[0] + av[1]
        iw = 1 + int(has_agg)
        if do_norm:
            s = jnp.sum(xv * xv, axis=1, keepdims=True)
            xv = xv / jnp.maximum(jnp.sqrt(s), 1e-12)
        y = jnp.dot(xv, refs[iw][...], preferred_element_type=jnp.float32)
        y = y + refs[iw + 1][...]
        if do_relu:
            y = jnp.maximum(y, 0.0)
        if mask_pad:
            rows = (jax.lax.broadcasted_iota(jnp.int32, (blk, kk), 0)
                    + pl.program_id(0) * blk)
            y = jnp.where(rows < N, y, -1e9)
        refs[iw + 2][...] = y

    in_specs = [pl.BlockSpec((blk, d), lambda i: (i + row_off, 0))]
    if has_agg:
        in_specs.append(pl.BlockSpec((NC, blk, d), lambda i: (0, i + row_off, 0)))
    in_specs += [
        pl.BlockSpec((d, kk), lambda i: (0, 0)),
        pl.BlockSpec((1, kk), lambda i: (0, 0)),
    ]
    args = (x, agg, wt, b) if has_agg else (x, wt, b)
    return pl.pallas_call(
        body,
        grid=(nrows // blk,),
        in_specs=in_specs,
        out_specs=pl.BlockSpec((blk, kk), lambda i: (i, 0)),
        out_shape=jax.ShapeDtypeStruct((nrows, kk), jnp.float32),
    )(*args)


def _tc_heads(x2, ws, bs, wd, wb, bb_):
    bb, d = x2.shape
    blk = 512

    def body(x_ref, ws_ref, bs_ref, wd_ref, wb_ref, bb_ref, s_ref, d_ref, b_ref):
        xv = x_ref[...]
        s_ref[...] = jnp.dot(xv, ws_ref[...], preferred_element_type=jnp.float32) + bs_ref[...]
        d_ref[...] = jnp.dot(xv, wd_ref[...], preferred_element_type=jnp.float32)
        b_ref[...] = jnp.dot(xv, wb_ref[...], preferred_element_type=jnp.float32) + bb_ref[...]

    return pl.pallas_call(
        body,
        grid=(bb // blk,),
        in_specs=[
            pl.BlockSpec((blk, d), lambda i: (i, 0)),
            pl.BlockSpec((d, 64), lambda i: (0, 0)),
            pl.BlockSpec((1, 64), lambda i: (0, 0)),
            pl.BlockSpec((d, 64), lambda i: (0, 0)),
            pl.BlockSpec((d, 8), lambda i: (0, 0)),
            pl.BlockSpec((1, 8), lambda i: (0, 0)),
        ],
        out_specs=[
            pl.BlockSpec((blk, 64), lambda i: (i, 0)),
            pl.BlockSpec((blk, 64), lambda i: (i, 0)),
            pl.BlockSpec((blk, 8), lambda i: (i, 0)),
        ],
        out_shape=[
            jax.ShapeDtypeStruct((bb, 64), jnp.float32),
            jax.ShapeDtypeStruct((bb, 64), jnp.float32),
            jax.ShapeDtypeStruct((bb, 8), jnp.float32),
        ],
    )(x2, ws, bs, wd, wb, bb_)


def kernel(node_ids, rel_ids, center_mol_idx, non_molecule_node_ids, edge_index,
           node_emb_table, rel_emb_table, lin_W, lin_b,
           conv1_W, conv1_b, conv2_W, conv2_b,
           ec_W, ec_b, mp_W, mp_b, nc_W, nc_b, bp_W, bp_b):
    f32 = jnp.float32
    i32 = jnp.int32
    node_ids = node_ids.astype(i32)
    rel_ids = rel_ids.astype(i32)
    src = edge_index[0].astype(i32)
    dst = edge_index[1].astype(i32)

    epw = E // NW
    ppw = E_PAD // NW - epw
    pad_s = jnp.full((NW, ppw), N, i32)
    src_p = jnp.concatenate([src.reshape(NW, epw), pad_s], 1).reshape(-1)
    rel_p = jnp.concatenate([rel_ids.reshape(NW, epw),
                             jnp.zeros((NW, ppw), i32)], 1).reshape(-1)
    pad_d = ((jnp.arange(NW * ppw, dtype=i32) * 1337) % NP).reshape(NW, ppw)
    dst_p = jnp.concatenate([dst.reshape(NW, epw), pad_d], 1).reshape(-1)
    npad = E_PAD - E
    src_q = jnp.concatenate([src, jnp.zeros((npad,), i32)])
    dst_q = jnp.concatenate([dst, jnp.zeros((npad,), i32)])

    ids_pad = jnp.concatenate([node_ids, jnp.zeros((NP - N,), i32)])
    rows = _sc_gather_rows(node_emb_table.astype(f32), ids_pad, 64)

    lin_bt = lin_b.reshape(1, -1)
    x0 = _tc_dense(rows, None, lin_W.T, lin_bt, True, True, 512, mask_pad=True)
    ea_u = _tc_dense(rel_emb_table.astype(f32), None, lin_W.T, lin_bt, True, True, 64)

    zblk = jnp.zeros((CH, D), f32)
    agg1 = _sc_msgpass(x0, ea_u, src_p, dst_p, rel_p, zblk)
    x1 = _tc_dense(x0, agg1, conv1_W.T, conv1_b.reshape(1, -1), False, True, 512,
                   mask_pad=True)
    agg2 = _sc_msgpass(x1, ea_u, src_p, dst_p, rel_p, zblk)
    x2 = _tc_dense(x1, agg2, conv2_W.T, conv2_b.reshape(1, -1), False, False, 512)

    wb = jnp.pad(bp_W.T, ((0, 0), (0, 7)))
    bb_ = jnp.pad(bp_b, (0, 7)).reshape(1, -1)
    s_head, d_head, bpad = _tc_heads(
        x2, ec_W[:, :D].T, ec_b.reshape(1, -1), ec_W[:, D:].T, wb, bb_)
    binary_pred = bpad[:N, :1]

    edge_class = _sc_edge_head(s_head, d_head, src_q, dst_q)

    gidx = jnp.concatenate([center_mol_idx.astype(i32),
                            non_molecule_node_ids.astype(i32)])
    xg = _sc_gather_rows(x2, gidx, 96)
    mp_wt = jnp.pad(mp_W.T, ((0, 0), (0, 28)))
    mp_bp = jnp.pad(mp_b, (0, 28)).reshape(1, -1)
    motif_pred = _tc_dense(xg, None, mp_wt, mp_bp, False, False, 512)[:1024, :100]
    nc_wt = jnp.pad(nc_W.T, ((0, 0), (0, 113)))
    nc_bp = jnp.pad(nc_b, (0, 113)).reshape(1, -1)
    node_class = _tc_dense(xg, None, nc_wt, nc_bp, False, False, 512, row_off=2)[:, :15]

    return (edge_class, motif_pred, node_class, binary_pred)

# --- scband reference (transcript-rebuilt; emitter-appended) ---
"""Pipeline reference for scband-kgnn-41566693491231 (READ-ONLY COPY).

The authoritative reference and input builder live on the scoring server;
editing this copy changes nothing except your own understanding.
"""

import jax, jax.numpy as jnp
import numpy as np

NUM_NODES_TABLE = 100000
NUM_RELS = 64
EMB_DIM = 128
HID = 128
NUM_MOTIFS = 100
NUM_NODE_CLASSES = 15
N = 10000
E = 320000
N_CENTER = 1024
N_NONMOL = 2048


def _l2norm(x, eps=1e-12):
    n = jnp.linalg.norm(x, axis=1, keepdims=True)
    return x / jnp.maximum(n, eps)


def setup_inputs(seed: int = 0) -> dict:
    key = jax.random.key(seed)
    ks = jax.random.split(key, 24)
    inp = {}
    # forward integer args
    inp["node_ids"] = jax.random.randint(ks[0], (N,), 0, NUM_NODES_TABLE)
    inp["rel_ids"] = jax.random.randint(ks[1], (E,), 0, NUM_RELS)
    inp["center_mol_idx"] = jax.random.randint(ks[2], (N_CENTER,), 0, N)
    inp["non_molecule_node_ids"] = jax.random.randint(ks[3], (N_NONMOL,), 0, N)
    inp["edge_index"] = jax.random.randint(ks[4], (2, E), 0, N)
    # learned parameters
    inp["node_emb_table"] = jax.random.normal(ks[5], (NUM_NODES_TABLE, EMB_DIM), jnp.float32)
    inp["rel_emb_table"] = jax.random.normal(ks[6], (NUM_RELS, EMB_DIM), jnp.float32)
    s = 1.0 / np.sqrt(EMB_DIM)
    sh = 1.0 / np.sqrt(HID)
    inp["lin_W"] = jax.random.uniform(ks[7], (HID, EMB_DIM), jnp.float32, -s, s)
    inp["lin_b"] = jax.random.uniform(ks[8], (HID,), jnp.float32, -s, s)
    inp["conv1_W"] = jax.random.uniform(ks[9], (HID, HID), jnp.float32, -sh, sh)
    inp["conv1_b"] = jax.random.uniform(ks[10], (HID,), jnp.float32, -sh, sh)
    inp["conv2_W"] = jax.random.uniform(ks[11], (HID, HID), jnp.float32, -sh, sh)
    inp["conv2_b"] = jax.random.uniform(ks[12], (HID,), jnp.float32, -sh, sh)
    s2 = 1.0 / np.sqrt(2 * HID)
    inp["ec_W"] = jax.random.uniform(ks[13], (NUM_RELS, 2 * HID), jnp.float32, -s2, s2)
    inp["ec_b"] = jax.random.uniform(ks[14], (NUM_RELS,), jnp.float32, -s2, s2)
    inp["mp_W"] = jax.random.uniform(ks[15], (NUM_MOTIFS, HID), jnp.float32, -sh, sh)
    inp["mp_b"] = jax.random.uniform(ks[16], (NUM_MOTIFS,), jnp.float32, -sh, sh)
    inp["nc_W"] = jax.random.uniform(ks[17], (NUM_NODE_CLASSES, HID), jnp.float32, -sh, sh)
    inp["nc_b"] = jax.random.uniform(ks[18], (NUM_NODE_CLASSES,), jnp.float32, -sh, sh)
    inp["bp_W"] = jax.random.uniform(ks[19], (1, HID), jnp.float32, -sh, sh)
    inp["bp_b"] = jax.random.uniform(ks[20], (1,), jnp.float32, -sh, sh)
    return inp


def _gine_conv(x, src, dst, edge_attr, W, b):
    # PyG GINEConv with eps=0: nn((1+eps)*x + sum_j relu(x_j + e_ij))
    msg = jax.nn.relu(x[src] + edge_attr)
    agg = jax.ops.segment_sum(msg, dst, num_segments=x.shape[0])
    return (x + agg) @ W.T + b


def reference(node_ids, rel_ids, center_mol_idx, non_molecule_node_ids, edge_index,
              node_emb_table, rel_emb_table, lin_W, lin_b,
              conv1_W, conv1_b, conv2_W, conv2_b,
              ec_W, ec_b, mp_W, mp_b, nc_W, nc_b, bp_W, bp_b):
    x = jnp.take(node_emb_table, node_ids, axis=0).astype(jnp.float32)
    x = _l2norm(x)
    ea = jnp.take(rel_emb_table, rel_ids, axis=0).astype(jnp.float32)
    ea = _l2norm(ea)
    x = jax.nn.relu(x @ lin_W.T + lin_b)
    ea = jax.nn.relu(ea @ lin_W.T + lin_b)
    src = edge_index[0]
    dst = edge_index[1]
    x = _gine_conv(x, src, dst, ea, conv1_W, conv1_b)
    x = jax.nn.relu(x)
    x = _gine_conv(x, src, dst, ea, conv2_W, conv2_b)
    edge_pred_input = jnp.concatenate([x[src], x[dst]], axis=1)
    edge_class = edge_pred_input @ ec_W.T + ec_b
    center_mol_embedding = x[center_mol_idx]
    motif_pred = center_mol_embedding @ mp_W.T + mp_b
    node_class = x[non_molecule_node_ids] @ nc_W.T + nc_b
    binary_pred = x @ bp_W.T + bp_b
    return (edge_class, motif_pred, node_class, binary_pred)

if __name__ == "__main__":
    import jax
    _d = setup_inputs()
    print(jax.jit(kernel)(*tuple(_d.values())))

</pallas_src>

<mosaic_0001>
#map = affine_map<(d0, d1) -> (0, 0)>
#map1 = affine_map<(d0, d1) -> (0)>
#map2 = affine_map<(d0, d1) -> (0, 0, 0)>
module attributes {stable_mosaic.version = 14 : i64} {
  func.func @k(%arg0: i32, %arg1: i32, %arg2: memref<10240x128xf32, #tpu.memory_space<hbm>>, %arg3: memref<64x128xf32, #tpu.memory_space<hbm>>, %arg4: memref<327680xi32, #tpu.memory_space<hbm>>, %arg5: memref<327680xi32, #tpu.memory_space<hbm>>, %arg6: memref<327680xi32, #tpu.memory_space<hbm>>, %arg7: memref<128x128xf32, #tpu.memory_space<hbm>>, %arg8: memref<2x10240x128xf32, #tpu.memory_space<hbm>>, %arg9: memref<64xi32, #tpu.memory_space<vmem>>, %arg10: memref<64xi32, #tpu.memory_space<vmem>>, %arg11: memref<64xi32, #tpu.memory_space<vmem>>, %arg12: memref<64xi32, #tpu.memory_space<vmem>>, %arg13: memref<64xi32, #tpu.memory_space<vmem>>, %arg14: memref<64xi32, #tpu.memory_space<vmem>>, %arg15: memref<64x128xf32, #tpu.memory_space<vmem>>, %arg16: memref<64x128xf32, #tpu.memory_space<vmem>>, %arg17: memref<64x128xf32, #tpu.memory_space<vmem>>, %arg18: memref<64x128xf32, #tpu.memory_space<vmem>>, %arg19: memref<64xi32, #tpu.memory_space<vmem>>, %arg20: memref<64xi32, #tpu.memory_space<vmem>>, %arg21: memref<10240x128xf32, #tpu.memory_space<vmem_shared>>, %arg22: memref<64x128xf32, #tpu.memory_space<vmem_shared>>, %arg23: memref<!tpu.dma_semaphore, #tpu.memory_space<semaphore_mem>>, %arg24: memref<!tpu.dma_semaphore, #tpu.memory_space<semaphore_mem>>, %arg25: memref<!tpu.dma_semaphore, #tpu.memory_space<semaphore_mem>>, %arg26: memref<!tpu.dma_semaphore, #tpu.memory_space<semaphore_mem>>, %arg27: memref<!tpu.dma_semaphore, #tpu.memory_space<semaphore_mem>>, %arg28: memref<!tpu.dma_semaphore, #tpu.memory_space<semaphore_mem>>, %arg29: memref<!tpu.dma_semaphore, #tpu.memory_space<semaphore_mem>>, %arg30: memref<!tpu.dma_semaphore, #tpu.memory_space<semaphore_mem>>) attributes {dimension_semantics = [#tpu.dimension_semantics<core_parallel>, #tpu.dimension_semantics<subcore_parallel>], iteration_bounds = array<i64: 2, 16>, scalar_prefetch = 0 : i64, scratch_operands = 22 : i64, tpu.core_type = #tpu.core_type<sc_vector_subcore>, window_params = [{transform_indices = #map}, {transform_indices = #map}, {transform_indices = #map1}, {transform_indices = #map1}, {transform_indices = #map1}, {transform_indices = #map}, {transform_indices = #map2}]} {
    %mul3A = arith.constant 2 : i32
    %mul3A_0 = arith.muli %arg1, %mul3A : i32
    %add3A = arith.addi %mul3A_0, %arg0 : i32
    %mul3A_1 = arith.constant 10240 : i32
    %mul3A_2 = arith.muli %add3A, %mul3A_1 : i32
    %eq3A = arith.constant 0 : i32
    %eq3A_3 = arith.cmpi eq, %arg1, %eq3A : i32
    %convert_element_type3A = arith.extui %eq3A_3 : i1 to i32
    %cond3A = arith.constant 0 : i32
    %cond3A_4 = arith.cmpi ne, %convert_element_type3A, %cond3A : i32
    scf.if %cond3A_4 {
      "tpu.region"() ({
        %run_scoped3A = tpu.sem_alloc : memref<!tpu.dma_semaphore, #tpu.memory_space<semaphore_mem>>
        tpu.enqueue_dma source(%arg3 : memref<64x128xf32, #tpu.memory_space<hbm>>) target(%arg22 : memref<64x128xf32, #tpu.memory_space<vmem_shared>>) target_semaphore(%run_scoped3A : memref<!tpu.dma_semaphore, #tpu.memory_space<semaphore_mem>>)
        tpu.wait_dma2 semaphore(%run_scoped3A : memref<!tpu.dma_semaphore, #tpu.memory_space<semaphore_mem>>) src(%arg3 : memref<64x128xf32, #tpu.memory_space<hbm>>) dst(%arg22 : memref<64x128xf32, #tpu.memory_space<vmem_shared>>)
        tpu.yield
      }) : () -> ()
    } else {
    }
    %scan3A = arith.constant 0 : i32
    %scan3A_5 = arith.constant 0 : i32
    %scan3A_6 = arith.constant 5 : i32
    %scan3A_7 = arith.addi %scan3A_5, %scan3A_6 : i32
    %scan3A_8 = arith.constant 1 : i32
    scf.for %scan3A_59 = %scan3A_5 to %scan3A_7 step %scan3A_8  : i32 {
      %mul3A_60 = arith.constant 640 : i32
      %mul3A_61 = arith.muli %arg1, %mul3A_60 : i32
      %mul3A_62 = arith.constant 128 : i32
      %mul3A_63 = arith.muli %scan3A_59, %mul3A_62 : i32
      %add3A_64 = arith.addi %mul3A_61, %mul3A_63 : i32
      %multiple_of3A_65 = tpu.assume_multiple %add3A_64, 8 : i32
      "tpu.region"() ({
        %run_scoped3A = tpu.sem_alloc : memref<!tpu.dma_semaphore, #tpu.memory_space<semaphore_mem>>
        %dma_start3A_66 = arith.constant 0 : i32
        %dma_start3A_67 = tpu.memref_slice %arg21[%multiple_of3A_65, %dma_start3A_66] : memref<10240x128xf32, #tpu.memory_space<vmem_shared>> -> memref<128x128xf32, #tpu.memory_space<vmem_shared>>
        tpu.enqueue_dma source(%arg7 : memref<128x128xf32, #tpu.memory_space<hbm>>) target(%dma_start3A_67 : memref<128x128xf32, #tpu.memory_space<vmem_shared>>) target_semaphore(%run_scoped3A : memref<!tpu.dma_semaphore, #tpu.memory_space<semaphore_mem>>)
        %dma_wait3A_68 = arith.constant 0 : i32
        %dma_wait3A_69 = tpu.memref_slice %arg21[%multiple_of3A_65, %dma_wait3A_68] : memref<10240x128xf32, #tpu.memory_space<vmem_shared>> -> memref<128x128xf32, #tpu.memory_space<vmem_shared>>
        tpu.wait_dma2 semaphore(%run_scoped3A : memref<!tpu.dma_semaphore, #tpu.memory_space<semaphore_mem>>) src(%arg7 : memref<128x128xf32, #tpu.memory_space<hbm>>) dst(%dma_wait3A_69 : memref<128x128xf32, #tpu.memory_space<vmem_shared>>)
        tpu.yield
      }) : () -> ()
    }
    %scan3A_9 = arith.constant 5 : i32
    %barrier3A = arith.constant 0 : index
    tpu.barrier barrier_id(%barrier3A)
    %add3A_10 = arith.constant 0 : i32
    %add3A_11 = arith.addi %mul3A_2, %add3A_10 : i32
    %multiple_of3A = tpu.assume_multiple %add3A_11, 8 : i32
    %dma_start3A = tpu.memref_slice %arg4[%multiple_of3A] : memref<327680xi32, #tpu.memory_space<hbm>> -> memref<64xi32, #tpu.memory_space<hbm>>
    %dma_start3A_12 = tpu.memref_slice %arg4[%multiple_of3A] : memref<327680xi32, #tpu.memory_space<hbm>> -> memref<64xi32, #tpu.memory_space<hbm>>
    tpu.enqueue_dma source(%dma_start3A_12 : memref<64xi32, #tpu.memory_space<hbm>>) target(%arg9 : memref<64xi32, #tpu.memory_space<vmem>>) target_semaphore(%arg27 : memref<!tpu.dma_semaphore, #tpu.memory_space<semaphore_mem>>)
    %dma_start3A_13 = tpu.memref_slice %arg6[%multiple_of3A] : memref<327680xi32, #tpu.memory_space<hbm>> -> memref<64xi32, #tpu.memory_space<hbm>>
    %dma_start3A_14 = tpu.memref_slice %arg6[%multiple_of3A] : memref<327680xi32, #tpu.memory_space<hbm>> -> memref<64xi32, #tpu.memory_space<hbm>>
    tpu.enqueue_dma source(%dma_start3A_14 : memref<64xi32, #tpu.memory_space<hbm>>) target(%arg11 : memref<64xi32, #tpu.memory_space<vmem>>) target_semaphore(%arg27 : memref<!tpu.dma_semaphore, #tpu.memory_space<semaphore_mem>>)
    %dma_start3A_15 = tpu.memref_slice %arg5[%multiple_of3A] : memref<327680xi32, #tpu.memory_space<hbm>> -> memref<64xi32, #tpu.memory_space<hbm>>
    %dma_start3A_16 = tpu.memref_slice %arg5[%multiple_of3A] : memref<327680xi32, #tpu.memory_space<hbm>> -> memref<64xi32, #tpu.memory_space<hbm>>
    tpu.enqueue_dma source(%dma_start3A_16 : memref<64xi32, #tpu.memory_space<hbm>>) target(%arg13 : memref<64xi32, #tpu.memory_space<vmem>>) target_semaphore(%arg27 : memref<!tpu.dma_semaphore, #tpu.memory_space<semaphore_mem>>)
    %add3A_17 = arith.constant 64 : i32
    %add3A_18 = arith.addi %mul3A_2, %add3A_17 : i32
    %multiple_of3A_19 = tpu.assume_multiple %add3A_18, 8 : i32
    %dma_start3A_20 = tpu.memref_slice %arg4[%multiple_of3A_19] : memref<327680xi32, #tpu.memory_space<hbm>> -> memref<64xi32, #tpu.memory_space<hbm>>
    %dma_start3A_21 = tpu.memref_slice %arg4[%multiple_of3A_19] : memref<327680xi32, #tpu.memory_space<hbm>> -> memref<64xi32, #tpu.memory_space<hbm>>
    tpu.enqueue_dma source(%dma_start3A_21 : memref<64xi32, #tpu.memory_space<hbm>>) target(%arg10 : memref<64xi32, #tpu.memory_space<vmem>>) target_semaphore(%arg28 : memref<!tpu.dma_semaphore, #tpu.memory_space<semaphore_mem>>)
    %dma_start3A_22 = tpu.memref_slice %arg6[%multiple_of3A_19] : memref<327680xi32, #tpu.memory_space<hbm>> -> memref<64xi32, #tpu.memory_space<hbm>>
    %dma_start3A_23 = tpu.memref_slice %arg6[%multiple_of3A_19] : memref<327680xi32, #tpu.memory_space<hbm>> -> memref<64xi32, #tpu.memory_space<hbm>>
    tpu.enqueue_dma source(%dma_start3A_23 : memref<64xi32, #tpu.memory_space<hbm>>) target(%arg12 : memref<64xi32, #tpu.memory_space<vmem>>) target_semaphore(%arg28 : memref<!tpu.dma_semaphore, #tpu.memory_space<semaphore_mem>>)
    %dma_start3A_24 = tpu.memref_slice %arg5[%multiple_of3A_19] : memref<327680xi32, #tpu.memory_space<hbm>> -> memref<64xi32, #tpu.memory_space<hbm>>
    %dma_start3A_25 = tpu.memref_slice %arg5[%multiple_of3A_19] : memref<327680xi32, #tpu.memory_space<hbm>> -> memref<64xi32, #tpu.memory_space<hbm>>
    tpu.enqueue_dma source(%dma_start3A_25 : memref<64xi32, #tpu.memory_space<hbm>>) target(%arg14 : memref<64xi32, #tpu.memory_space<vmem>>) target_semaphore(%arg28 : memref<!tpu.dma_semaphore, #tpu.memory_space<semaphore_mem>>)
    %add3A_26 = arith.constant 0 : i32
    %add3A_27 = arith.addi %mul3A_2, %add3A_26 : i32
    %multiple_of3A_28 = tpu.assume_multiple %add3A_27, 8 : i32
    %dma_wait3A = tpu.memref_slice %arg4[%multiple_of3A_28] : memref<327680xi32, #tpu.memory_space<hbm>> -> memref<64xi32, #tpu.memory_space<hbm>>
    %dma_wait3A_29 = tpu.memref_slice %arg4[%multiple_of3A_28] : memref<327680xi32, #tpu.memory_space<hbm>> -> memref<64xi32, #tpu.memory_space<hbm>>
    tpu.wait_dma2 semaphore(%arg27 : memref<!tpu.dma_semaphore, #tpu.memory_space<semaphore_mem>>) src(%dma_wait3A_29 : memref<64xi32, #tpu.memory_space<hbm>>) dst(%arg9 : memref<64xi32, #tpu.memory_space<vmem>>)
    %dma_wait3A_30 = tpu.memref_slice %arg6[%multiple_of3A_28] : memref<327680xi32, #tpu.memory_space<hbm>> -> memref<64xi32, #tpu.memory_space<hbm>>
    %dma_wait3A_31 = tpu.memref_slice %arg6[%multiple_of3A_28] : memref<327680xi32, #tpu.memory_space<hbm>> -> memref<64xi32, #tpu.memory_space<hbm>>
    tpu.wait_dma2 semaphore(%arg27 : memref<!tpu.dma_semaphore, #tpu.memory_space<semaphore_mem>>) src(%dma_wait3A_31 : memref<64xi32, #tpu.memory_space<hbm>>) dst(%arg11 : memref<64xi32, #tpu.memory_space<vmem>>)
    %dma_wait3A_32 = tpu.memref_slice %arg5[%multiple_of3A_28] : memref<327680xi32, #tpu.memory_space<hbm>> -> memref<64xi32, #tpu.memory_space<hbm>>
    %dma_wait3A_33 = tpu.memref_slice %arg5[%multiple_of3A_28] : memref<327680xi32, #tpu.memory_space<hbm>> -> memref<64xi32, #tpu.memory_space<hbm>>
    tpu.wait_dma2 semaphore(%arg27 : memref<!tpu.dma_semaphore, #tpu.memory_space<semaphore_mem>>) src(%dma_wait3A_33 : memref<64xi32, #tpu.memory_space<hbm>>) dst(%arg13 : memref<64xi32, #tpu.memory_space<vmem>>)
    %dma_start3A_34 = arith.constant 0 : i32
    %dma_start3A_35 = arith.constant 0 : i32
    %dma_start3A_36 = tpu.memref_slice %arg2[%dma_start3A_34, %dma_start3A_35] : memref<10240x128xf32, #tpu.memory_space<hbm>> -> memref<10240x128xf32, #tpu.memory_space<hbm>>
    tpu.enqueue_indirect_dma source(%dma_start3A_36 : memref<10240x128xf32, #tpu.memory_space<hbm>>) target(%arg15 : memref<64x128xf32, #tpu.memory_space<vmem>>) offsets(%arg9 : memref<64xi32, #tpu.memory_space<vmem>>) semaphore(%arg23 : memref<!tpu.dma_semaphore, #tpu.memory_space<semaphore_mem>>)
    %dma_start3A_37 = arith.constant 0 : i32
    %dma_start3A_38 = arith.constant 0 : i32
    %dma_start3A_39 = tpu.memref_slice %arg22[%dma_start3A_37, %dma_start3A_38] : memref<64x128xf32, #tpu.memory_space<vmem_shared>> -> memref<64x128xf32, #tpu.memory_space<vmem_shared>>
    tpu.enqueue_indirect_dma source(%dma_start3A_39 : memref<64x128xf32, #tpu.memory_space<vmem_shared>>) target(%arg17 : memref<64x128xf32, #tpu.memory_space<vmem>>) offsets(%arg11 : memref<64xi32, #tpu.memory_space<vmem>>) semaphore(%arg25 : memref<!tpu.dma_semaphore, #tpu.memory_space<semaphore_mem>>)
    %scan3A_40 = arith.constant 0 : i32
    %scan3A_41 = arith.constant 0 : i32
    %scan3A_42 = arith.constant 80 : i32
    %scan3A_43 = arith.addi %scan3A_41, %scan3A_42 : i32
    %scan3A_44 = arith.constant 1 : i32
    scf.for %scan3A_59 = %scan3A_41 to %scan3A_43 step %scan3A_44  : i32 {
      %mul3A_60 = arith.constant 2 : i32
      %mul3A_61 = arith.muli %mul3A_60, %scan3A_59 : i32
      %mul3A_62 = arith.constant 2 : i32
      %mul3A_63 = arith.muli %mul3A_62, %scan3A_59 : i32
      %add3A_64 = arith.constant 1 : i32
      %add3A_65 = arith.addi %mul3A_63, %add3A_64 : i32
      %mul3A_66 = arith.constant 64 : i32
      %mul3A_67 = arith.muli %add3A_65, %mul3A_66 : i32
      %add3A_68 = arith.addi %mul3A_2, %mul3A_67 : i32
      %multiple_of3A_69 = tpu.assume_multiple %add3A_68, 8 : i32
      %dma_wait3A_70 = tpu.memref_slice %arg4[%multiple_of3A_69] : memref<327680xi32, #tpu.memory_space<hbm>> -> memref<64xi32, #tpu.memory_space<hbm>>
      %dma_wait3A_71 = tpu.memref_slice %arg4[%multiple_of3A_69] : memref<327680xi32, #tpu.memory_space<hbm>> -> memref<64xi32, #tpu.memory_space<hbm>>
      tpu.wait_dma2 semaphore(%arg28 : memref<!tpu.dma_semaphore, #tpu.memory_space<semaphore_mem>>) src(%dma_wait3A_71 : memref<64xi32, #tpu.memory_space<hbm>>) dst(%arg10 : memref<64xi32, #tpu.memory_space<vmem>>)
      %dma_wait3A_72 = tpu.memref_slice %arg6[%multiple_of3A_69] : memref<327680xi32, #tpu.memory_space<hbm>> -> memref<64xi32, #tpu.memory_space<hbm>>
      %dma_wait3A_73 = tpu.memref_slice %arg6[%multiple_of3A_69] : memref<327680xi32, #tpu.memory_space<hbm>> -> memref<64xi32, #tpu.memory_space<hbm>>
      tpu.wait_dma2 semaphore(%arg28 : memref<!tpu.dma_semaphore, #tpu.memory_space<semaphore_mem>>) src(%dma_wait3A_73 : memref<64xi32, #tpu.memory_space<hbm>>) dst(%arg12 : memref<64xi32, #tpu.memory_space<vmem>>)
      %dma_wait3A_74 = tpu.memref_slice %arg5[%multiple_of3A_69] : memref<327680xi32, #tpu.memory_space<hbm>> -> memref<64xi32, #tpu.memory_space<hbm>>
      %dma_wait3A_75 = tpu.memref_slice %arg5[%multiple_of3A_69] : memref<327680xi32, #tpu.memory_space<hbm>> -> memref<64xi32, #tpu.memory_space<hbm>>
      tpu.wait_dma2 semaphore(%arg28 : memref<!tpu.dma_semaphore, #tpu.memory_space<semaphore_mem>>) src(%dma_wait3A_75 : memref<64xi32, #tpu.memory_space<hbm>>) dst(%arg14 : memref<64xi32, #tpu.memory_space<vmem>>)
      %gt3A = arith.constant 0 : i32
      %gt3A_76 = arith.cmpi sgt, %scan3A_59, %gt3A : i32
      %convert_element_type3A_77 = arith.extui %gt3A_76 : i1 to i32
      %cond3A_78 = arith.constant 0 : i32
      %cond3A_79 = arith.cmpi ne, %convert_element_type3A_77, %cond3A_78 : i32
      scf.if %cond3A_79 {
        %dma_wait3A_184 = arith.constant 0 : i32
        %dma_wait3A_185 = arith.constant 0 : i32
        %dma_wait3A_186 = tpu.memref_slice %arg21[%dma_wait3A_184, %dma_wait3A_185] : memref<10240x128xf32, #tpu.memory_space<vmem_shared>> -> memref<10240x128xf32, #tpu.memory_space<vmem_shared>>
        tpu.wait_indirect_dma semaphore(%arg30 : memref<!tpu.dma_semaphore, #tpu.memory_space<semaphore_mem>>) src(%arg18 : memref<64x128xf32, #tpu.memory_space<vmem>>) dst(%dma_wait3A_186 : memref<10240x128xf32, #tpu.memory_space<vmem_shared>>)
      } else {
      }
      %dma_start3A_80 = arith.constant 0 : i32
      %dma_start3A_81 = arith.constant 0 : i32
      %dma_start3A_82 = tpu.memref_slice %arg2[%dma_start3A_80, %dma_start3A_81] : memref<10240x128xf32, #tpu.memory_space<hbm>> -> memref<10240x128xf32, #tpu.memory_space<hbm>>
      tpu.enqueue_indirect_dma source(%dma_start3A_82 : memref<10240x128xf32, #tpu.memory_space<hbm>>) target(%arg16 : memref<64x128xf32, #tpu.memory_space<vmem>>) offsets(%arg10 : memref<64xi32, #tpu.memory_space<vmem>>) semaphore(%arg24 : memref<!tpu.dma_semaphore, #tpu.memory_space<semaphore_mem>>)
      %dma_start3A_83 = arith.constant 0 : i32
      %dma_start3A_84 = arith.constant 0 : i32
      %dma_start3A_85 = tpu.memref_slice %arg22[%dma_start3A_83, %dma_start3A_84] : memref<64x128xf32, #tpu.memory_space<vmem_shared>> -> memref<64x128xf32, #tpu.memory_space<vmem_shared>>
      tpu.enqueue_indirect_dma source(%dma_start3A_85 : memref<64x128xf32, #tpu.memory_space<vmem_shared>>) target(%arg18 : memref<64x128xf32, #tpu.memory_space<vmem>>) offsets(%arg12 : memref<64xi32, #tpu.memory_space<vmem>>) semaphore(%arg26 : memref<!tpu.dma_semaphore, #tpu.memory_space<semaphore_mem>>)
      %dma_wait3A_86 = arith.constant 0 : i32
      %dma_wait3A_87 = arith.constant 0 : i32
      %dma_wait3A_88 = tpu.memref_slice %arg2[%dma_wait3A_86, %dma_wait3A_87] : memref<10240x128xf32, #tpu.memory_space<hbm>> -> memref<10240x128xf32, #tpu.memory_space<hbm>>
      tpu.wait_indirect_dma semaphore(%arg23 : memref<!tpu.dma_semaphore, #tpu.memory_space<semaphore_mem>>) src(%dma_wait3A_88 : memref<10240x128xf32, #tpu.memory_space<hbm>>) dst(%arg15 : memref<64x128xf32, #tpu.memory_space<vmem>>)
      %dma_wait3A_89 = arith.constant 0 : i32
      %dma_wait3A_90 = arith.constant 0 : i32
      %dma_wait3A_91 = tpu.memref_slice %arg22[%dma_wait3A_89, %dma_wait3A_90] : memref<64x128xf32, #tpu.memory_space<vmem_shared>> -> memref<64x128xf32, #tpu.memory_space<vmem_shared>>
      tpu.wait_indirect_dma semaphore(%arg25 : memref<!tpu.dma_semaphore, #tpu.memory_space<semaphore_mem>>) src(%dma_wait3A_91 : memref<64x128xf32, #tpu.memory_space<vmem_shared>>) dst(%arg17 : memref<64x128xf32, #tpu.memory_space<vmem>>)
      %scan3A_92 = arith.constant 0 : i32
      %scan3A_93 = arith.constant 0 : i32
      %scan3A_94 = arith.constant 64 : i32
      %scan3A_95 = arith.addi %scan3A_93, %scan3A_94 : i32
      %scan3A_96 = arith.constant 1 : i32
      scf.for %scan3A_184 = %scan3A_93 to %scan3A_95 step %scan3A_96  : i32 {
        %get3A_185 = arith.index_cast %scan3A_184 : i32 to index
        %get3A_186 = arith.constant 0 : index
        %get3A_187 = tpu.vector_load %arg15[%get3A_185, %get3A_186] {strides = array<i32>} : memref<64x128xf32, #tpu.memory_space<vmem>>, vector<1x16xf32>,
        %get3A_188 = vector.shape_cast %get3A_187 : vector<1x16xf32> to vector<16xf32>
        %get3A_189 = arith.index_cast %scan3A_184 : i32 to index
        %get3A_190 = arith.constant 0 : index
        %get3A_191 = tpu.vector_load %arg17[%get3A_189, %get3A_190] {strides = array<i32>} : memref<64x128xf32, #tpu.memory_space<vmem>>, vector<1x16xf32>,
        %get3A_192 = vector.shape_cast %get3A_191 : vector<1x16xf32> to vector<16xf32>
        %add3A_193 = arith.addf %get3A_188, %get3A_192 : vector<16xf32>
        %max3A = arith.constant 0.000000e+00 : f32
        %max3A_194 = vector.broadcast %max3A : f32 to vector<16xf32>
        %max3A_195 = arith.maximumf %add3A_193, %max3A_194 : vector<16xf32>
        %swap3A_196 = arith.index_cast %scan3A_184 : i32 to index
        %swap3A_197 = arith.constant 0 : index
        %swap3A_198 = tpu.vector_load %arg17[%swap3A_196, %swap3A_197] {strides = array<i32>} : memref<64x128xf32, #tpu.memory_space<vmem>>, vector<1x16xf32>,
        %swap3A_199 = vector.shape_cast %swap3A_198 : vector<1x16xf32> to vector<16xf32>
        %swap3A_200 = vector.shape_cast %max3A_195 : vector<16xf32> to vector<1x16xf32>
        tpu.vector_store %arg17[%swap3A_196, %swap3A_197], %swap3A_200 {strides = array<i32>} : memref<64x128xf32, #tpu.memory_space<vmem>>, vector<1x16xf32>,
        %get3A_201 = arith.index_cast %scan3A_184 : i32 to index
        %get3A_202 = arith.constant 16 : index
        %get3A_203 = tpu.vector_load %arg15[%get3A_201, %get3A_202] {strides = array<i32>} : memref<64x128xf32, #tpu.memory_space<vmem>>, vector<1x16xf32>,
        %get3A_204 = vector.shape_cast %get3A_203 : vector<1x16xf32> to vector<16xf32>
        %get3A_205 = arith.index_cast %scan3A_184 : i32 to index
        %get3A_206 = arith.constant 16 : index
        %get3A_207 = tpu.vector_load %arg17[%get3A_205, %get3A_206] {strides = array<i32>} : memref<64x128xf32, #tpu.memory_space<vmem>>, vector<1x16xf32>,
        %get3A_208 = vector.shape_cast %get3A_207 : vector<1x16xf32> to vector<16xf32>
        %add3A_209 = arith.addf %get3A_204, %get3A_208 : vector<16xf32>
        %max3A_210 = arith.constant 0.000000e+00 : f32
        %max3A_211 = vector.broadcast %max3A_210 : f32 to vector<16xf32>
        %max3A_212 = arith.maximumf %add3A_209, %max3A_211 : vector<16xf32>
        %swap3A_213 = arith.index_cast %scan3A_184 : i32 to index
        %swap3A_214 = arith.constant 16 : index
        %swap3A_215 = tpu.vector_load %arg17[%swap3A_213, %swap3A_214] {strides = array<i32>} : memref<64x128xf32, #tpu.memory_space<vmem>>, vector<1x16xf32>,
        %swap3A_216 = vector.shape_cast %swap3A_215 : vector<1x16xf32> to vector<16xf32>
        %swap3A_217 = vector.shape_cast %max3A_212 : vector<16xf32> to vector<1x16xf32>
        tpu.vector_store %arg17[%swap3A_213, %swap3A_214], %swap3A_217 {strides = array<i32>} : memref<64x128xf32, #tpu.memory_space<vmem>>, vector<1x16xf32>,
        %get3A_218 = arith.index_cast %scan3A_184 : i32 to index
        %get3A_219 = arith.constant 32 : index
        %get3A_220 = tpu.vector_load %arg15[%get3A_218, %get3A_219] {strides = array<i32>} : memref<64x128xf32, #tpu.memory_space<vmem>>, vector<1x16xf32>,
        %get3A_221 = vector.shape_cast %get3A_220 : vector<1x16xf32> to vector<16xf32>
        %get3A_222 = arith.index_cast %scan3A_184 : i32 to index
        %get3A_223 = arith.constant 32 : index
        %get3A_224 = tpu.vector_load %arg17[%get3A_222, %get3A_223] {strides = array<i32>} : memref<64x128xf32, #tpu.memory_space<vmem>>, vector<1x16xf32>,
        %get3A_225 = vector.shape_cast %get3A_224 : vector<1x16xf32> to vector<16xf32>
        %add3A_226 = arith.addf %get3A_221, %get3A_225 : vector<16xf32>
        %max3A_227 = arith.constant 0.000000e+00 : f32
        %max3A_228 = vector.broadcast %max3A_227 : f32 to vector<16xf32>
        %max3A_229 = arith.maximumf %add3A_226, %max3A_228 : vector<16xf32>
        %swap3A_230 = arith.index_cast %scan3A_184 : i32 to index
        %swap3A_231 = arith.constant 32 : index
        %swap3A_232 = tpu.vector_load %arg17[%swap3A_230, %swap3A_231] {strides = array<i32>} : memref<64x128xf32, #tpu.memory_space<vmem>>, vector<1x16xf32>,
        %swap3A_233 = vector.shape_cast %swap3A_232 : vector<1x16xf32> to vector<16xf32>
        %swap3A_234 = vector.shape_cast %max3A_229 : vector<16xf32> to vector<1x16xf32>
        tpu.vector_store %arg17[%swap3A_230, %swap3A_231], %swap3A_234 {strides = array<i32>} : memref<64x128xf32, #tpu.memory_space<vmem>>, vector<1x16xf32>,
        %get3A_235 = arith.index_cast %scan3A_184 : i32 to index
        %get3A_236 = arith.constant 48 : index
        %get3A_237 = tpu.vector_load %arg15[%get3A_235, %get3A_236] {strides = array<i32>} : memref<64x128xf32, #tpu.memory_space<vmem>>, vector<1x16xf32>,
        %get3A_238 = vector.shape_cast %get3A_237 : vector<1x16xf32> to vector<16xf32>
        %get3A_239 = arith.index_cast %scan3A_184 : i32 to index
        %get3A_240 = arith.constant 48 : index
        %get3A_241 = tpu.vector_load %arg17[%get3A_239, %get3A_240] {strides = array<i32>} : memref<64x128xf32, #tpu.memory_space<vmem>>, vector<1x16xf32>,
        %get3A_242 = vector.shape_cast %get3A_241 : vector<1x16xf32> to vector<16xf32>
        %add3A_243 = arith.addf %get3A_238, %get3A_242 : vector<16xf32>
        %max3A_244 = arith.constant 0.000000e+00 : f32
        %max3A_245 = vector.broadcast %max3A_244 : f32 to vector<16xf32>
        %max3A_246 = arith.maximumf %add3A_243, %max3A_245 : vector<16xf32>
        %swap3A_247 = arith.index_cast %scan3A_184 : i32 to index
        %swap3A_248 = arith.constant 48 : index
        %swap3A_249 = tpu.vector_load %arg17[%swap3A_247, %swap3A_248] {strides = array<i32>} : memref<64x128xf32, #tpu.memory_space<vmem>>, vector<1x16xf32>,
        %swap3A_250 = vector.shape_cast %swap3A_249 : vector<1x16xf32> to vector<16xf32>
        %swap3A_251 = vector.shape_cast %max3A_246 : vector<16xf32> to vector<1x16xf32>
        tpu.vector_store %arg17[%swap3A_247, %swap3A_248], %swap3A_251 {strides = array<i32>} : memref<64x128xf32, #tpu.memory_space<vmem>>, vector<1x16xf32>,
        %get3A_252 = arith.index_cast %scan3A_184 : i32 to index
        %get3A_253 = arith.constant 64 : index
        %get3A_254 = tpu.vector_load %arg15[%get3A_252, %get3A_253] {strides = array<i32>} : memref<64x128xf32, #tpu.memory_space<vmem>>, vector<1x16xf32>,
        %get3A_255 = vector.shape_cast %get3A_254 : vector<1x16xf32> to vector<16xf32>
        %get3A_256 = arith.index_cast %scan3A_184 : i32 to index
        %get3A_257 = arith.constant 64 : index
        %get3A_258 = tpu.vector_load %arg17[%get3A_256, %get3A_257] {strides = array<i32>} : memref<64x128xf32, #tpu.memory_space<vmem>>, vector<1x16xf32>,
        %get3A_259 = vector.shape_cast %get3A_258 : vector<1x16xf32> to vector<16xf32>
        %add3A_260 = arith.addf %get3A_255, %get3A_259 : vector<16xf32>
        %max3A_261 = arith.constant 0.000000e+00 : f32
        %max3A_262 = vector.broadcast %max3A_261 : f32 to vector<16xf32>
        %max3A_263 = arith.maximumf %add3A_260, %max3A_262 : vector<16xf32>
        %swap3A_264 = arith.index_cast %scan3A_184 : i32 to index
        %swap3A_265 = arith.constant 64 : index
        %swap3A_266 = tpu.vector_load %arg17[%swap3A_264, %swap3A_265] {strides = array<i32>} : memref<64x128xf32, #tpu.memory_space<vmem>>, vector<1x16xf32>,
        %swap3A_267 = vector.shape_cast %swap3A_266 : vector<1x16xf32> to vector<16xf32>
        %swap3A_268 = vector.shape_cast %max3A_263 : vector<16xf32> to vector<1x16xf32>
        tpu.vector_store %arg17[%swap3A_264, %swap3A_265], %swap3A_268 {strides = array<i32>} : memref<64x128xf32, #tpu.memory_space<vmem>>, vector<1x16xf32>,
        %get3A_269 = arith.index_cast %scan3A_184 : i32 to index
        %get3A_270 = arith.constant 80 : index
        %get3A_271 = tpu.vector_load %arg15[%get3A_269, %get3A_270] {strides = array<i32>} : memref<64x128xf32, #tpu.memory_space<vmem>>, vector<1x16xf32>,
        %get3A_272 = vector.shape_cast %get3A_271 : vector<1x16xf32> to vector<16xf32>
        %get3A_273 = arith.index_cast %scan3A_184 : i32 to index
        %get3A_274 = arith.constant 80 : index
        %get3A_275 = tpu.vector_load %arg17[%get3A_273, %get3A_274] {strides = array<i32>} : memref<64x128xf32, #tpu.memory_space<vmem>>, vector<1x16xf32>,
        %get3A_276 = vector.shape_cast %get3A_275 : vector<1x16xf32> to vector<16xf32>
        %add3A_277 = arith.addf %get3A_272, %get3A_276 : vector<16xf32>
        %max3A_278 = arith.constant 0.000000e+00 : f32
        %max3A_279 = vector.broadcast %max3A_278 : f32 to vector<16xf32>
        %max3A_280 = arith.maximumf %add3A_277, %max3A_279 : vector<16xf32>
        %swap3A_281 = arith.index_cast %scan3A_184 : i32 to index
        %swap3A_282 = arith.constant 80 : index
        %swap3A_283 = tpu.vector_load %arg17[%swap3A_281, %swap3A_282] {strides = array<i32>} : memref<64x128xf32, #tpu.memory_space<vmem>>, vector<1x16xf32>,
        %swap3A_284 = vector.shape_cast %swap3A_283 : vector<1x16xf32> to vector<16xf32>
        %swap3A_285 = vector.shape_cast %max3A_280 : vector<16xf32> to vector<1x16xf32>
        tpu.vector_store %arg17[%swap3A_281, %swap3A_282], %swap3A_285 {strides = array<i32>} : memref<64x128xf32, #tpu.memory_space<vmem>>, vector<1x16xf32>,
        %get3A_286 = arith.index_cast %scan3A_184 : i32 to index
        %get3A_287 = arith.constant 96 : index
        %get3A_288 = tpu.vector_load %arg15[%get3A_286, %get3A_287] {strides = array<i32>} : memref<64x128xf32, #tpu.memory_space<vmem>>, vector<1x16xf32>,
        %get3A_289 = vector.shape_cast %get3A_288 : vector<1x16xf32> to vector<16xf32>
        %get3A_290 = arith.index_cast %scan3A_184 : i32 to index
        %get3A_291 = arith.constant 96 : index
        %get3A_292 = tpu.vector_load %arg17[%get3A_290, %get3A_291] {strides = array<i32>} : memref<64x128xf32, #tpu.memory_space<vmem>>, vector<1x16xf32>,
        %get3A_293 = vector.shape_cast %get3A_292 : vector<1x16xf32> to vector<16xf32>
        %add3A_294 = arith.addf %get3A_289, %get3A_293 : vector<16xf32>
        %max3A_295 = arith.constant 0.000000e+00 : f32
        %max3A_296 = vector.broadcast %max3A_295 : f32 to vector<16xf32>
        %max3A_297 = arith.maximumf %add3A_294, %max3A_296 : vector<16xf32>
        %swap3A_298 = arith.index_cast %scan3A_184 : i32 to index
        %swap3A_299 = arith.constant 96 : index
        %swap3A_300 = tpu.vector_load %arg17[%swap3A_298, %swap3A_299] {strides = array<i32>} : memref<64x128xf32, #tpu.memory_space<vmem>>, vector<1x16xf32>,
        %swap3A_301 = vector.shape_cast %swap3A_300 : vector<1x16xf32> to vector<16xf32>
        %swap3A_302 = vector.shape_cast %max3A_297 : vector<16xf32> to vector<1x16xf32>
        tpu.vector_store %arg17[%swap3A_298, %swap3A_299], %swap3A_302 {strides = array<i32>} : memref<64x128xf32, #tpu.memory_space<vmem>>, vector<1x16xf32>,
        %get3A_303 = arith.index_cast %scan3A_184 : i32 to index
        %get3A_304 = arith.constant 112 : index
        %get3A_305 = tpu.vector_load %arg15[%get3A_303, %get3A_304] {strides = array<i32>} : memref<64x128xf32, #tpu.memory_space<vmem>>, vector<1x16xf32>,
        %get3A_306 = vector.shape_cast %get3A_305 : vector<1x16xf32> to vector<16xf32>
        %get3A_307 = arith.index_cast %scan3A_184 : i32 to index
        %get3A_308 = arith.constant 112 : index
        %get3A_309 = tpu.vector_load %arg17[%get3A_307, %get3A_308] {strides = array<i32>} : memref<64x128xf32, #tpu.memory_space<vmem>>, vector<1x16xf32>,
        %get3A_310 = vector.shape_cast %get3A_309 : vector<1x16xf32> to vector<16xf32>
        %add3A_311 = arith.addf %get3A_306, %get3A_310 : vector<16xf32>
        %max3A_312 = arith.constant 0.000000e+00 : f32
        %max3A_313 = vector.broadcast %max3A_312 : f32 to vector<16xf32>
        %max3A_314 = arith.maximumf %add3A_311, %max3A_313 : vector<16xf32>
        %swap3A_315 = arith.index_cast %scan3A_184 : i32 to index
        %swap3A_316 = arith.constant 112 : index
        %swap3A_317 = tpu.vector_load %arg17[%swap3A_315, %swap3A_316] {strides = array<i32>} : memref<64x128xf32, #tpu.memory_space<vmem>>, vector<1x16xf32>,
        %swap3A_318 = vector.shape_cast %swap3A_317 : vector<1x16xf32> to vector<16xf32>
        %swap3A_319 = vector.shape_cast %max3A_314 : vector<16xf32> to vector<1x16xf32>
        tpu.vector_store %arg17[%swap3A_315, %swap3A_316], %swap3A_319 {strides = array<i32>} : memref<64x128xf32, #tpu.memory_space<vmem>>, vector<1x16xf32>,
      }
      %scan3A_97 = arith.constant 64 : i32
      %get3A = arith.constant 0 : index
      %get3A_98 = tpu.vector_load %arg13[%get3A] {strides = array<i32>} : memref<64xi32, #tpu.memory_space<vmem>>, vector<16xi32>,
      %get3A_99 = vector.shape_cast %get3A_98 : vector<16xi32> to vector<16xi32>
      %swap3A = arith.constant 0 : index
      %swap3A_100 = tpu.vector_load %arg19[%swap3A] {strides = array<i32>} : memref<64xi32, #tpu.memory_space<vmem>>, vector<16xi32>,
      %swap3A_101 = vector.shape_cast %swap3A_100 : vector<16xi32> to vector<16xi32>
      %swap3A_102 = vector.shape_cast %get3A_99 : vector<16xi32> to vector<16xi32>
      tpu.vector_store %arg19[%swap3A], %swap3A_102 {strides = array<i32>} : memref<64xi32, #tpu.memory_space<vmem>>, vector<16xi32>,
      %get3A_103 = arith.constant 16 : index
      %get3A_104 = tpu.vector_load %arg13[%get3A_103] {strides = array<i32>} : memref<64xi32, #tpu.memory_space<vmem>>, vector<16xi32>,
      %get3A_105 = vector.shape_cast %get3A_104 : vector<16xi32> to vector<16xi32>
      %swap3A_106 = arith.constant 16 : index
      %swap3A_107 = tpu.vector_load %arg19[%swap3A_106] {strides = array<i32>} : memref<64xi32, #tpu.memory_space<vmem>>, vector<16xi32>,
      %swap3A_108 = vector.shape_cast %swap3A_107 : vector<16xi32> to vector<16xi32>
      %swap3A_109 = vector.shape_cast %get3A_105 : vector<16xi32> to vector<16xi32>
      tpu.vector_store %arg19[%swap3A_106], %swap3A_109 {strides = array<i32>} : memref<64xi32, #tpu.memory_space<vmem>>, vector<16xi32>,
      %get3A_110 = arith.constant 32 : index
      %get3A_111 = tpu.vector_load %arg13[%get3A_110] {strides = array<i32>} : memref<64xi32, #tpu.memory_space<vmem>>, vector<16xi32>,
      %get3A_112 = vector.shape_cast %get3A_111 : vector<16xi32> to vector<16xi32>
      %swap3A_113 = arith.constant 32 : index
      %swap3A_114 = tpu.vector_load %arg19[%swap3A_113] {strides = array<i32>} : memref<64xi32, #tpu.memory_space<vmem>>, vector<16xi32>,
      %swap3A_115 = vector.shape_cast %swap3A_114 : vector<16xi32> to vector<16xi32>
      %swap3A_116 = vector.shape_cast %get3A_112 : vector<16xi32> to vector<16xi32>
      tpu.vector_store %arg19[%swap3A_113], %swap3A_116 {strides = array<i32>} : memref<64xi32, #tpu.memory_space<vmem>>, vector<16xi32>,
      %get3A_117 = arith.constant 48 : index
      %get3A_118 = tpu.vector_load %arg13[%get3A_117] {strides = array<i32>} : memref<64xi32, #tpu.memory_space<vmem>>, vector<16xi32>,
      %get3A_119 = vector.shape_cast %get3A_118 : vector<16xi32> to vector<16xi32>
      %swap3A_120 = arith.constant 48 : index
      %swap3A_121 = tpu.vector_load %arg19[%swap3A_120] {strides = array<i32>} : memref<64xi32, #tpu.memory_space<vmem>>, vector<16xi32>,
      %swap3A_122 = vector.shape_cast %swap3A_121 : vector<16xi32> to vector<16xi32>
      %swap3A_123 = vector.shape_cast %get3A_119 : vector<16xi32> to vector<16xi32>
      tpu.vector_store %arg19[%swap3A_120], %swap3A_123 {strides = array<i32>} : memref<64xi32, #tpu.memory_space<vmem>>, vector<16xi32>,
      %dma_start3A_124 = arith.constant 0 : i32
      %dma_start3A_125 = arith.constant 0 : i32
      %dma_start3A_126 = tpu.memref_slice %arg21[%dma_start3A_124, %dma_start3A_125] : memref<10240x128xf32, #tpu.memory_space<vmem_shared>> -> memref<10240x128xf32, #tpu.memory_space<vmem_shared>>
      tpu.enqueue_indirect_dma source(%arg17 : memref<64x128xf32, #tpu.memory_space<vmem>>) target(%dma_start3A_126 : memref<10240x128xf32, #tpu.memory_space<vmem_shared>>) offsets(%arg19 : memref<64xi32, #tpu.memory_space<vmem>>) semaphore(%arg29 : memref<!tpu.dma_semaphore, #tpu.memory_space<semaphore_mem>>) {add = true}
      %lt3A = arith.constant 79 : i32
      %lt3A_127 = arith.cmpi slt, %scan3A_59, %lt3A : i32
      %convert_element_type3A_128 = arith.extui %lt3A_127 : i1 to i32
      %cond3A_129 = arith.constant 0 : i32
      %cond3A_130 = arith.cmpi ne, %convert_element_type3A_128, %cond3A_129 : i32
      scf.if %cond3A_130 {
        %add3A_184 = arith.constant 2 : i32
        %add3A_185 = arith.addi %mul3A_61, %add3A_184 : i32
        %mul3A_186 = arith.constant 64 : i32
        %mul3A_187 = arith.muli %add3A_185, %mul3A_186 : i32
        %add3A_188 = arith.addi %mul3A_2, %mul3A_187 : i32
        %multiple_of3A_189 = tpu.assume_multiple %add3A_188, 8 : i32
        %dma_start3A_190 = tpu.memref_slice %arg4[%multiple_of3A_189] : memref<327680xi32, #tpu.memory_space<hbm>> -> memref<64xi32, #tpu.memory_space<hbm>>
        %dma_start3A_191 = tpu.memref_slice %arg4[%multiple_of3A_189] : memref<327680xi32, #tpu.memory_space<hbm>> -> memref<64xi32, #tpu.memory_space<hbm>>
        tpu.enqueue_dma source(%dma_start3A_191 : memref<64xi32, #tpu.memory_space<hbm>>) target(%arg9 : memref<64xi32, #tpu.memory_space<vmem>>) target_semaphore(%arg27 : memref<!tpu.dma_semaphore, #tpu.memory_space<semaphore_mem>>)
        %dma_start3A_192 = tpu.memref_slice %arg6[%multiple_of3A_189] : memref<327680xi32, #tpu.memory_space<hbm>> -> memref<64xi32, #tpu.memory_space<hbm>>
        %dma_start3A_193 = tpu.memref_slice %arg6[%multiple_of3A_189] : memref<327680xi32, #tpu.memory_space<hbm>> -> memref<64xi32, #tpu.memory_space<hbm>>
        tpu.enqueue_dma source(%dma_start3A_193 : memref<64xi32, #tpu.memory_space<hbm>>) target(%arg11 : memref<64xi32, #tpu.memory_space<vmem>>) target_semaphore(%arg27 : memref<!tpu.dma_semaphore, #tpu.memory_space<semaphore_mem>>)
        %dma_start3A_194 = tpu.memref_slice %arg5[%multiple_of3A_189] : memref<327680xi32, #tpu.memory_space<hbm>> -> memref<64xi32, #tpu.memory_space<hbm>>
        %dma_start3A_195 = tpu.memref_slice %arg5[%multiple_of3A_189] : memref<327680xi32, #tpu.memory_space<hbm>> -> memref<64xi32, #tpu.memory_space<hbm>>
        tpu.enqueue_dma source(%dma_start3A_195 : memref<64xi32, #tpu.memory_space<hbm>>) target(%arg13 : memref<64xi32, #tpu.memory_space<vmem>>) target_semaphore(%arg27 : memref<!tpu.dma_semaphore, #tpu.memory_space<semaphore_mem>>)
      } else {
      }
      %dma_wait3A_131 = arith.constant 0 : i32
      %dma_wait3A_132 = arith.constant 0 : i32
      %dma_wait3A_133 = tpu.memref_slice %arg2[%dma_wait3A_131, %dma_wait3A_132] : memref<10240x128xf32, #tpu.memory_space<hbm>> -> memref<10240x128xf32, #tpu.memory_space<hbm>>
      tpu.wait_indirect_dma semaphore(%arg24 : memref<!tpu.dma_semaphore, #tpu.memory_space<semaphore_mem>>) src(%dma_wait3A_133 : memref<10240x128xf32, #tpu.memory_space<hbm>>) dst(%arg16 : memref<64x128xf32, #tpu.memory_space<vmem>>)
      %dma_wait3A_134 = arith.constant 0 : i32
      %dma_wait3A_135 = arith.constant 0 : i32
      %dma_wait3A_136 = tpu.memref_slice %arg22[%dma_wait3A_134, %dma_wait3A_135] : memref<64x128xf32, #tpu.memory_space<vmem_shared>> -> memref<64x128xf32, #tpu.memory_space<vmem_shared>>
      tpu.wait_indirect_dma semaphore(%arg26 : memref<!tpu.dma_semaphore, #tpu.memory_space<semaphore_mem>>) src(%dma_wait3A_136 : memref<64x128xf32, #tpu.memory_space<vmem_shared>>) dst(%arg18 : memref<64x128xf32, #tpu.memory_space<vmem>>)
      %lt3A_137 = arith.constant 79 : i32
      %lt3A_138 = arith.cmpi slt, %scan3A_59, %lt3A_137 : i32
      %convert_element_type3A_139 = arith.extui %lt3A_138 : i1 to i32
      %cond3A_140 = arith.constant 0 : i32
      %cond3A_141 = arith.cmpi ne, %convert_element_type3A_139, %cond3A_140 : i32
      scf.if %cond3A_141 {
        %add3A_184 = arith.constant 2 : i32
        %add3A_185 = arith.addi %mul3A_61, %add3A_184 : i32
        %mul3A_186 = arith.constant 64 : i32
        %mul3A_187 = arith.muli %add3A_185, %mul3A_186 : i32
        %add3A_188 = arith.addi %mul3A_2, %mul3A_187 : i32
        %multiple_of3A_189 = tpu.assume_multiple %add3A_188, 8 : i32
        %dma_wait3A_190 = tpu.memref_slice %arg4[%multiple_of3A_189] : memref<327680xi32, #tpu.memory_space<hbm>> -> memref<64xi32, #tpu.memory_space<hbm>>
        %dma_wait3A_191 = tpu.memref_slice %arg4[%multiple_of3A_189] : memref<327680xi32, #tpu.memory_space<hbm>> -> memref<64xi32, #tpu.memory_space<hbm>>
        tpu.wait_dma2 semaphore(%arg27 : memref<!tpu.dma_semaphore, #tpu.memory_space<semaphore_mem>>) src(%dma_wait3A_191 : memref<64xi32, #tpu.memory_space<hbm>>) dst(%arg9 : memref<64xi32, #tpu.memory_space<vmem>>)
        %dma_wait3A_192 = tpu.memref_slice %arg6[%multiple_of3A_189] : memref<327680xi32, #tpu.memory_space<hbm>> -> memref<64xi32, #tpu.memory_space<hbm>>
        %dma_wait3A_193 = tpu.memref_slice %arg6[%multiple_of3A_189] : memref<327680xi32, #tpu.memory_space<hbm>> -> memref<64xi32, #tpu.memory_space<hbm>>
        tpu.wait_dma2 semaphore(%arg27 : memref<!tpu.dma_semaphore, #tpu.memory_space<semaphore_mem>>) src(%dma_wait3A_193 : memref<64xi32, #tpu.memory_space<hbm>>) dst(%arg11 : memref<64xi32, #tpu.memory_space<vmem>>)
        %dma_wait3A_194 = tpu.memref_slice %arg5[%multiple_of3A_189] : memref<327680xi32, #tpu.memory_space<hbm>> -> memref<64xi32, #tpu.memory_space<hbm>>
        %dma_wait3A_195 = tpu.memref_slice %arg5[%multiple_of3A_189] : memref<327680xi32, #tpu.memory_space<hbm>> -> memref<64xi32, #tpu.memory_space<hbm>>
        tpu.wait_dma2 semaphore(%arg27 : memref<!tpu.dma_semaphore, #tpu.memory_space<semaphore_mem>>) src(%dma_wait3A_195 : memref<64xi32, #tpu.memory_space<hbm>>) dst(%arg13 : memref<64xi32, #tpu.memory_space<vmem>>)
        %dma_wait3A_196 = arith.constant 0 : i32
        %dma_wait3A_197 = arith.constant 0 : i32
        %dma_wait3A_198 = tpu.memref_slice %arg21[%dma_wait3A_196, %dma_wait3A_197] : memref<10240x128xf32, #tpu.memory_space<vmem_shared>> -> memref<10240x128xf32, #tpu.memory_space<vmem_shared>>
        tpu.wait_indirect_dma semaphore(%arg29 : memref<!tpu.dma_semaphore, #tpu.memory_space<semaphore_mem>>) src(%arg17 : memref<64x128xf32, #tpu.memory_space<vmem>>) dst(%dma_wait3A_198 : memref<10240x128xf32, #tpu.memory_space<vmem_shared>>)
        %dma_start3A_199 = arith.constant 0 : i32
        %dma_start3A_200 = arith.constant 0 : i32
        %dma_start3A_201 = tpu.memref_slice %arg2[%dma_start3A_199, %dma_start3A_200] : memref<10240x128xf32, #tpu.memory_space<hbm>> -> memref<10240x128xf32, #tpu.memory_space<hbm>>
        tpu.enqueue_indirect_dma source(%dma_start3A_201 : memref<10240x128xf32, #tpu.memory_space<hbm>>) target(%arg15 : memref<64x128xf32, #tpu.memory_space<vmem>>) offsets(%arg9 : memref<64xi32, #tpu.memory_space<vmem>>) semaphore(%arg23 : memref<!tpu.dma_semaphore, #tpu.memory_space<semaphore_mem>>)
        %dma_start3A_202 = arith.constant 0 : i32
        %dma_start3A_203 = arith.constant 0 : i32
        %dma_start3A_204 = tpu.memref_slice %arg22[%dma_start3A_202, %dma_start3A_203] : memref<64x128xf32, #tpu.memory_space<vmem_shared>> -> memref<64x128xf32, #tpu.memory_space<vmem_shared>>
        tpu.enqueue_indirect_dma source(%dma_start3A_204 : memref<64x128xf32, #tpu.memory_space<vmem_shared>>) target(%arg17 : memref<64x128xf32, #tpu.memory_space<vmem>>) offsets(%arg11 : memref<64xi32, #tpu.memory_space<vmem>>) semaphore(%arg25 : memref<!tpu.dma_semaphore, #tpu.memory_space<semaphore_mem>>)
      } else {
      }
      %scan3A_142 = arith.constant 0 : i32
      %scan3A_143 = arith.constant 0 : i32
      %scan3A_144 = arith.constant 64 : i32
      %scan3A_145 = arith.addi %scan3A_143, %scan3A_144 : i32
      %scan3A_146 = arith.constant 1 : i32
      scf.for %scan3A_184 = %scan3A_143 to %scan3A_145 step %scan3A_146  : i32 {
        %get3A_185 = arith.index_cast %scan3A_184 : i32 to index
        %get3A_186 = arith.constant 0 : index
        %get3A_187 = tpu.vector_load %arg16[%get3A_185, %get3A_186] {strides = array<i32>} : memref<64x128xf32, #tpu.memory_space<vmem>>, vector<1x16xf32>,
        %get3A_188 = vector.shape_cast %get3A_187 : vector<1x16xf32> to vector<16xf32>
        %get3A_189 = arith.index_cast %scan3A_184 : i32 to index
        %get3A_190 = arith.constant 0 : index
        %get3A_191 = tpu.vector_load %arg18[%get3A_189, %get3A_190] {strides = array<i32>} : memref<64x128xf32, #tpu.memory_space<vmem>>, vector<1x16xf32>,
        %get3A_192 = vector.shape_cast %get3A_191 : vector<1x16xf32> to vector<16xf32>
        %add3A_193 = arith.addf %get3A_188, %get3A_192 : vector<16xf32>
        %max3A = arith.constant 0.000000e+00 : f32
        %max3A_194 = vector.broadcast %max3A : f32 to vector<16xf32>
        %max3A_195 = arith.maximumf %add3A_193, %max3A_194 : vector<16xf32>
        %swap3A_196 = arith.index_cast %scan3A_184 : i32 to index
        %swap3A_197 = arith.constant 0 : index
        %swap3A_198 = tpu.vector_load %arg18[%swap3A_196, %swap3A_197] {strides = array<i32>} : memref<64x128xf32, #tpu.memory_space<vmem>>, vector<1x16xf32>,
        %swap3A_199 = vector.shape_cast %swap3A_198 : vector<1x16xf32> to vector<16xf32>
        %swap3A_200 = vector.shape_cast %max3A_195 : vector<16xf32> to vector<1x16xf32>
        tpu.vector_store %arg18[%swap3A_196, %swap3A_197], %swap3A_200 {strides = array<i32>} : memref<64x128xf32, #tpu.memory_space<vmem>>, vector<1x16xf32>,
        %get3A_201 = arith.index_cast %scan3A_184 : i32 to index
        %get3A_202 = arith.constant 16 : index
        %get3A_203 = tpu.vector_load %arg16[%get3A_201, %get3A_202] {strides = array<i32>} : memref<64x128xf32, #tpu.memory_space<vmem>>, vector<1x16xf32>,
        %get3A_204 = vector.shape_cast %get3A_203 : vector<1x16xf32> to vector<16xf32>
        %get3A_205 = arith.index_cast %scan3A_184 : i32 to index
        %get3A_206 = arith.constant 16 : index
        %get3A_207 = tpu.vector_load %arg18[%get3A_205, %get3A_206] {strides = array<i32>} : memref<64x128xf32, #tpu.memory_space<vmem>>, vector<1x16xf32>,
        %get3A_208 = vector.shape_cast %get3A_207 : vector<1x16xf32> to vector<16xf32>
        %add3A_209 = arith.addf %get3A_204, %get3A_208 : vector<16xf32>
        %max3A_210 = arith.constant 0.000000e+00 : f32
        %max3A_211 = vector.broadcast %max3A_210 : f32 to vector<16xf32>
        %max3A_212 = arith.maximumf %add3A_209, %max3A_211 : vector<16xf32>
        %swap3A_213 = arith.index_cast %scan3A_184 : i32 to index
        %swap3A_214 = arith.constant 16 : index
        %swap3A_215 = tpu.vector_load %arg18[%swap3A_213, %swap3A_214] {strides = array<i32>} : memref<64x128xf32, #tpu.memory_space<vmem>>, vector<1x16xf32>,
        %swap3A_216 = vector.shape_cast %swap3A_215 : vector<1x16xf32> to vector<16xf32>
        %swap3A_217 = vector.shape_cast %max3A_212 : vector<16xf32> to vector<1x16xf32>
        tpu.vector_store %arg18[%swap3A_213, %swap3A_214], %swap3A_217 {strides = array<i32>} : memref<64x128xf32, #tpu.memory_space<vmem>>, vector<1x16xf32>,
        %get3A_218 = arith.index_cast %scan3A_184 : i32 to index
        %get3A_219 = arith.constant 32 : index
        %get3A_220 = tpu.vector_load %arg16[%get3A_218, %get3A_219] {strides = array<i32>} : memref<64x128xf32, #tpu.memory_space<vmem>>, vector<1x16xf32>,
        %get3A_221 = vector.shape_cast %get3A_220 : vector<1x16xf32> to vector<16xf32>
        %get3A_222 = arith.index_cast %scan3A_184 : i32 to index
        %get3A_223 = arith.constant 32 : index
        %get3A_224 = tpu.vector_load %arg18[%get3A_222, %get3A_223] {strides = array<i32>} : memref<64x128xf32, #tpu.memory_space<vmem>>, vector<1x16xf32>,
        %get3A_225 = vector.shape_cast %get3A_224 : vector<1x16xf32> to vector<16xf32>
        %add3A_226 = arith.addf %get3A_221, %get3A_225 : vector<16xf32>
        %max3A_227 = arith.constant 0.000000e+00 : f32
        %max3A_228 = vector.broadcast %max3A_227 : f32 to vector<16xf32>
        %max3A_229 = arith.maximumf %add3A_226, %max3A_228 : vector<16xf32>
        %swap3A_230 = arith.index_cast %scan3A_184 : i32 to index
        %swap3A_231 = arith.constant 32 : index
        %swap3A_232 = tpu.vector_load %arg18[%swap3A_230, %swap3A_231] {strides = array<i32>} : memref<64x128xf32, #tpu.memory_space<vmem>>, vector<1x16xf32>,
        %swap3A_233 = vector.shape_cast %swap3A_232 : vector<1x16xf32> to vector<16xf32>
        %swap3A_234 = vector.shape_cast %max3A_229 : vector<16xf32> to vector<1x16xf32>
        tpu.vector_store %arg18[%swap3A_230, %swap3A_231], %swap3A_234 {strides = array<i32>} : memref<64x128xf32, #tpu.memory_space<vmem>>, vector<1x16xf32>,
        %get3A_235 = arith.index_cast %scan3A_184 : i32 to index
        %get3A_236 = arith.constant 48 : index
        %get3A_237 = tpu.vector_load %arg16[%get3A_235, %get3A_236] {strides = array<i32>} : memref<64x128xf32, #tpu.memory_space<vmem>>, vector<1x16xf32>,
        %get3A_238 = vector.shape_cast %get3A_237 : vector<1x16xf32> to vector<16xf32>
        %get3A_239 = arith.index_cast %scan3A_184 : i32 to index
        %get3A_240 = arith.constant 48 : index
        %get3A_241 = tpu.vector_load %arg18[%get3A_239, %get3A_240] {strides = array<i32>} : memref<64x128xf32, #tpu.memory_space<vmem>>, vector<1x16xf32>,
        %get3A_242 = vector.shape_cast %get3A_241 : vector<1x16xf32> to vector<16xf32>
        %add3A_243 = arith.addf %get3A_238, %get3A_242 : vector<16xf32>
        %max3A_244 = arith.constant 0.000000e+00 : f32
        %max3A_245 = vector.broadcast %max3A_244 : f32 to vector<16xf32>
        %max3A_246 = arith.maximumf %add3A_243, %max3A_245 : vector<16xf32>
        %swap3A_247 = arith.index_cast %scan3A_184 : i32 to index
        %swap3A_248 = arith.constant 48 : index
        %swap3A_249 = tpu.vector_load %arg18[%swap3A_247, %swap3A_248] {strides = array<i32>} : memref<64x128xf32, #tpu.memory_space<vmem>>, vector<1x16xf32>,
        %swap3A_250 = vector.shape_cast %swap3A_249 : vector<1x16xf32> to vector<16xf32>
        %swap3A_251 = vector.shape_cast %max3A_246 : vector<16xf32> to vector<1x16xf32>
        tpu.vector_store %arg18[%swap3A_247, %swap3A_248], %swap3A_251 {strides = array<i32>} : memref<64x128xf32, #tpu.memory_space<vmem>>, vector<1x16xf32>,
        %get3A_252 = arith.index_cast %scan3A_184 : i32 to index
        %get3A_253 = arith.constant 64 : index
        %get3A_254 = tpu.vector_load %arg16[%get3A_252, %get3A_253] {strides = array<i32>} : memref<64x128xf32, #tpu.memory_space<vmem>>, vector<1x16xf32>,
        %get3A_255 = vector.shape_cast %get3A_254 : vector<1x16xf32> to vector<16xf32>
        %get3A_256 = arith.index_cast %scan3A_184 : i32 to index
        %get3A_257 = arith.constant 64 : index
        %get3A_258 = tpu.vector_load %arg18[%get3A_256, %get3A_257] {strides = array<i32>} : memref<64x128xf32, #tpu.memory_space<vmem>>, vector<1x16xf32>,
        %get3A_259 = vector.shape_cast %get3A_258 : vector<1x16xf32> to vector<16xf32>
        %add3A_260 = arith.addf %get3A_255, %get3A_259 : vector<16xf32>
        %max3A_261 = arith.constant 0.000000e+00 : f32
        %max3A_262 = vector.broadcast %max3A_261 : f32 to vector<16xf32>
        %max3A_263 = arith.maximumf %add3A_260, %max3A_262 : vector<16xf32>
        %swap3A_264 = arith.index_cast %scan3A_184 : i32 to index
        %swap3A_265 = arith.constant 64 : index
        %swap3A_266 = tpu.vector_load %arg18[%swap3A_264, %swap3A_265] {strides = array<i32>} : memref<64x128xf32, #tpu.memory_space<vmem>>, vector<1x16xf32>,
        %swap3A_267 = vector.shape_cast %swap3A_266 : vector<1x16xf32> to vector<16xf32>
        %swap3A_268 = vector.shape_cast %max3A_263 : vector<16xf32> to vector<1x16xf32>
        tpu.vector_store %arg18[%swap3A_264, %swap3A_265], %swap3A_268 {strides = array<i32>} : memref<64x128xf32, #tpu.memory_space<vmem>>, vector<1x16xf32>,
        %get3A_269 = arith.index_cast %scan3A_184 : i32 to index
        %get3A_270 = arith.constant 80 : index
        %get3A_271 = tpu.vector_load %arg16[%get3A_269, %get3A_270] {strides = array<i32>} : memref<64x128xf32, #tpu.memory_space<vmem>>, vector<1x16xf32>,
        %get3A_272 = vector.shape_cast %get3A_271 : vector<1x16xf32> to vector<16xf32>
        %get3A_273 = arith.index_cast %scan3A_184 : i32 to index
        %get3A_274 = arith.constant 80 : index
        %get3A_275 = tpu.vector_load %arg18[%get3A_273, %get3A_274] {strides = array<i32>} : memref<64x128xf32, #tpu.memory_space<vmem>>, vector<1x16xf32>,
        %get3A_276 = vector.shape_cast %get3A_275 : vector<1x16xf32> to vector<16xf32>
        %add3A_277 = arith.addf %get3A_272, %get3A_276 : vector<16xf32>
        %max3A_278 = arith.constant 0.000000e+00 : f32
        %max3A_279 = vector.broadcast %max3A_278 : f32 to vector<16xf32>
        %max3A_280 = arith.maximumf %add3A_277, %max3A_279 : vector<16xf32>
        %swap3A_281 = arith.index_cast %scan3A_184 : i32 to index
        %swap3A_282 = arith.constant 80 : index
        %swap3A_283 = tpu.vector_load %arg18[%swap3A_281, %swap3A_282] {strides = array<i32>} : memref<64x128xf32, #tpu.memory_space<vmem>>, vector<1x16xf32>,
        %swap3A_284 = vector.shape_cast %swap3A_283 : vector<1x16xf32> to vector<16xf32>
        %swap3A_285 = vector.shape_cast %max3A_280 : vector<16xf32> to vector<1x16xf32>
        tpu.vector_store %arg18[%swap3A_281, %swap3A_282], %swap3A_285 {strides = array<i32>} : memref<64x128xf32, #tpu.memory_space<vmem>>, vector<1x16xf32>,
        %get3A_286 = arith.index_cast %scan3A_184 : i32 to index
        %get3A_287 = arith.constant 96 : index
        %get3A_288 = tpu.vector_load %arg16[%get3A_286, %get3A_287] {strides = array<i32>} : memref<64x128xf32, #tpu.memory_space<vmem>>, vector<1x16xf32>,
        %get3A_289 = vector.shape_cast %get3A_288 : vector<1x16xf32> to vector<16xf32>
        %get3A_290 = arith.index_cast %scan3A_184 : i32 to index
        %get3A_291 = arith.constant 96 : index
        %get3A_292 = tpu.vector_load %arg18[%get3A_290, %get3A_291] {strides = array<i32>} : memref<64x128xf32, #tpu.memory_space<vmem>>, vector<1x16xf32>,
        %get3A_293 = vector.shape_cast %get3A_292 : vector<1x16xf32> to vector<16xf32>
        %add3A_294 = arith.addf %get3A_289, %get3A_293 : vector<16xf32>
        %max3A_295 = arith.constant 0.000000e+00 : f32
        %max3A_296 = vector.broadcast %max3A_295 : f32 to vector<16xf32>
        %max3A_297 = arith.maximumf %add3A_294, %max3A_296 : vector<16xf32>
        %swap3A_298 = arith.index_cast %scan3A_184 : i32 to index
        %swap3A_299 = arith.constant 96 : index
        %swap3A_300 = tpu.vector_load %arg18[%swap3A_298, %swap3A_299] {strides = array<i32>} : memref<64x128xf32, #tpu.memory_space<vmem>>, vector<1x16xf32>,
        %swap3A_301 = vector.shape_cast %swap3A_300 : vector<1x16xf32> to vector<16xf32>
        %swap3A_302 = vector.shape_cast %max3A_297 : vector<16xf32> to vector<1x16xf32>
        tpu.vector_store %arg18[%swap3A_298, %swap3A_299], %swap3A_302 {strides = array<i32>} : memref<64x128xf32, #tpu.memory_space<vmem>>, vector<1x16xf32>,
        %get3A_303 = arith.index_cast %scan3A_184 : i32 to index
        %get3A_304 = arith.constant 112 : index
        %get3A_305 = tpu.vector_load %arg16[%get3A_303, %get3A_304] {strides = array<i32>} : memref<64x128xf32, #tpu.memory_space<vmem>>, vector<1x16xf32>,
        %get3A_306 = vector.shape_cast %get3A_305 : vector<1x16xf32> to vector<16xf32>
        %get3A_307 = arith.index_cast %scan3A_184 : i32 to index
        %get3A_308 = arith.constant 112 : index
        %get3A_309 = tpu.vector_load %arg18[%get3A_307, %get3A_308] {strides = array<i32>} : memref<64x128xf32, #tpu.memory_space<vmem>>, vector<1x16xf32>,
        %get3A_310 = vector.shape_cast %get3A_309 : vector<1x16xf32> to vector<16xf32>
        %add3A_311 = arith.addf %get3A_306, %get3A_310 : vector<16xf32>
        %max3A_312 = arith.constant 0.000000e+00 : f32
        %max3A_313 = vector.broadcast %max3A_312 : f32 to vector<16xf32>
        %max3A_314 = arith.maximumf %add3A_311, %max3A_313 : vector<16xf32>
        %swap3A_315 = arith.index_cast %scan3A_184 : i32 to index
        %swap3A_316 = arith.constant 112 : index
        %swap3A_317 = tpu.vector_load %arg18[%swap3A_315, %swap3A_316] {strides = array<i32>} : memref<64x128xf32, #tpu.memory_space<vmem>>, vector<1x16xf32>,
        %swap3A_318 = vector.shape_cast %swap3A_317 : vector<1x16xf32> to vector<16xf32>
        %swap3A_319 = vector.shape_cast %max3A_314 : vector<16xf32> to vector<1x16xf32>
        tpu.vector_store %arg18[%swap3A_315, %swap3A_316], %swap3A_319 {strides = array<i32>} : memref<64x128xf32, #tpu.memory_space<vmem>>, vector<1x16xf32>,
      }
      %scan3A_147 = arith.constant 64 : i32
      %get3A_148 = arith.constant 0 : index
      %get3A_149 = tpu.vector_load %arg14[%get3A_148] {strides = array<i32>} : memref<64xi32, #tpu.memory_space<vmem>>, vector<16xi32>,
      %get3A_150 = vector.shape_cast %get3A_149 : vector<16xi32> to vector<16xi32>
      %swap3A_151 = arith.constant 0 : index
      %swap3A_152 = tpu.vector_load %arg20[%swap3A_151] {strides = array<i32>} : memref<64xi32, #tpu.memory_space<vmem>>, vector<16xi32>,
      %swap3A_153 = vector.shape_cast %swap3A_152 : vector<16xi32> to vector<16xi32>
      %swap3A_154 = vector.shape_cast %get3A_150 : vector<16xi32> to vector<16xi32>
      tpu.vector_store %arg20[%swap3A_151], %swap3A_154 {strides = array<i32>} : memref<64xi32, #tpu.memory_space<vmem>>, vector<16xi32>,
      %get3A_155 = arith.constant 16 : index
      %get3A_156 = tpu.vector_load %arg14[%get3A_155] {strides = array<i32>} : memref<64xi32, #tpu.memory_space<vmem>>, vector<16xi32>,
      %get3A_157 = vector.shape_cast %get3A_156 : vector<16xi32> to vector<16xi32>
      %swap3A_158 = arith.constant 16 : index
      %swap3A_159 = tpu.vector_load %arg20[%swap3A_158] {strides = array<i32>} : memref<64xi32, #tpu.memory_space<vmem>>, vector<16xi32>,
      %swap3A_160 = vector.shape_cast %swap3A_159 : vector<16xi32> to vector<16xi32>
      %swap3A_161 = vector.shape_cast %get3A_157 : vector<16xi32> to vector<16xi32>
      tpu.vector_store %arg20[%swap3A_158], %swap3A_161 {strides = array<i32>} : memref<64xi32, #tpu.memory_space<vmem>>, vector<16xi32>,
      %get3A_162 = arith.constant 32 : index
      %get3A_163 = tpu.vector_load %arg14[%get3A_162] {strides = array<i32>} : memref<64xi32, #tpu.memory_space<vmem>>, vector<16xi32>,
      %get3A_164 = vector.shape_cast %get3A_163 : vector<16xi32> to vector<16xi32>
      %swap3A_165 = arith.constant 32 : index
      %swap3A_166 = tpu.vector_load %arg20[%swap3A_165] {strides = array<i32>} : memref<64xi32, #tpu.memory_space<vmem>>, vector<16xi32>,
      %swap3A_167 = vector.shape_cast %swap3A_166 : vector<16xi32> to vector<16xi32>
      %swap3A_168 = vector.shape_cast %get3A_164 : vector<16xi32> to vector<16xi32>
      tpu.vector_store %arg20[%swap3A_165], %swap3A_168 {strides = array<i32>} : memref<64xi32, #tpu.memory_space<vmem>>, vector<16xi32>,
      %get3A_169 = arith.constant 48 : index
      %get3A_170 = tpu.vector_load %arg14[%get3A_169] {strides = array<i32>} : memref<64xi32, #tpu.memory_space<vmem>>, vector<16xi32>,
      %get3A_171 = vector.shape_cast %get3A_170 : vector<16xi32> to vector<16xi32>
      %swap3A_172 = arith.constant 48 : index
      %swap3A_173 = tpu.vector_load %arg20[%swap3A_172] {strides = array<i32>} : memref<64xi32, #tpu.memory_space<vmem>>, vector<16xi32>,
      %swap3A_174 = vector.shape_cast %swap3A_173 : vector<16xi32> to vector<16xi32>
      %swap3A_175 = vector.shape_cast %get3A_171 : vector<16xi32> to vector<16xi32>
      tpu.vector_store %arg20[%swap3A_172], %swap3A_175 {strides = array<i32>} : memref<64xi32, #tpu.memory_space<vmem>>, vector<16xi32>,
      %dma_start3A_176 = arith.constant 0 : i32
      %dma_start3A_177 = arith.constant 0 : i32
      %dma_start3A_178 = tpu.memref_slice %arg21[%dma_start3A_176, %dma_start3A_177] : memref<10240x128xf32, #tpu.memory_space<vmem_shared>> -> memref<10240x128xf32, #tpu.memory_space<vmem_shared>>
      tpu.enqueue_indirect_dma source(%arg18 : memref<64x128xf32, #tpu.memory_space<vmem>>) target(%dma_start3A_178 : memref<10240x128xf32, #tpu.memory_space<vmem_shared>>) offsets(%arg20 : memref<64xi32, #tpu.memory_space<vmem>>) semaphore(%arg30 : memref<!tpu.dma_semaphore, #tpu.memory_space<semaphore_mem>>) {add = true}
      %lt3A_179 = arith.constant 79 : i32
      %lt3A_180 = arith.cmpi slt, %scan3A_59, %lt3A_179 : i32
      %convert_element_type3A_181 = arith.extui %lt3A_180 : i1 to i32
      %cond3A_182 = arith.constant 0 : i32
      %cond3A_183 = arith.cmpi ne, %convert_element_type3A_181, %cond3A_182 : i32
      scf.if %cond3A_183 {
        %add3A_184 = arith.constant 2 : i32
        %add3A_185 = arith.addi %add3A_65, %add3A_184 : i32
        %mul3A_186 = arith.constant 64 : i32
        %mul3A_187 = arith.muli %add3A_185, %mul3A_186 : i32
        %add3A_188 = arith.addi %mul3A_2, %mul3A_187 : i32
        %multiple_of3A_189 = tpu.assume_multiple %add3A_188, 8 : i32
        %dma_start3A_190 = tpu.memref_slice %arg4[%multiple_of3A_189] : memref<327680xi32, #tpu.memory_space<hbm>> -> memref<64xi32, #tpu.memory_space<hbm>>
        %dma_start3A_191 = tpu.memref_slice %arg4[%multiple_of3A_189] : memref<327680xi32, #tpu.memory_space<hbm>> -> memref<64xi32, #tpu.memory_space<hbm>>
        tpu.enqueue_dma source(%dma_start3A_191 : memref<64xi32, #tpu.memory_space<hbm>>) target(%arg10 : memref<64xi32, #tpu.memory_space<vmem>>) target_semaphore(%arg28 : memref<!tpu.dma_semaphore, #tpu.memory_space<semaphore_mem>>)
        %dma_start3A_192 = tpu.memref_slice %arg6[%multiple_of3A_189] : memref<327680xi32, #tpu.memory_space<hbm>> -> memref<64xi32, #tpu.memory_space<hbm>>
        %dma_start3A_193 = tpu.memref_slice %arg6[%multiple_of3A_189] : memref<327680xi32, #tpu.memory_space<hbm>> -> memref<64xi32, #tpu.memory_space<hbm>>
        tpu.enqueue_dma source(%dma_start3A_193 : memref<64xi32, #tpu.memory_space<hbm>>) target(%arg12 : memref<64xi32, #tpu.memory_space<vmem>>) target_semaphore(%arg28 : memref<!tpu.dma_semaphore, #tpu.memory_space<semaphore_mem>>)
        %dma_start3A_194 = tpu.memref_slice %arg5[%multiple_of3A_189] : memref<327680xi32, #tpu.memory_space<hbm>> -> memref<64xi32, #tpu.memory_space<hbm>>
        %dma_start3A_195 = tpu.memref_slice %arg5[%multiple_of3A_189] : memref<327680xi32, #tpu.memory_space<hbm>> -> memref<64xi32, #tpu.memory_space<hbm>>
        tpu.enqueue_dma source(%dma_start3A_195 : memref<64xi32, #tpu.memory_space<hbm>>) target(%arg14 : memref<64xi32, #tpu.memory_space<vmem>>) target_semaphore(%arg28 : memref<!tpu.dma_semaphore, #tpu.memory_space<semaphore_mem>>)
      } else {
      }
    }
    %scan3A_45 = arith.constant 80 : i32
    %dma_wait3A_46 = arith.constant 0 : i32
    %dma_wait3A_47 = arith.constant 0 : i32
    %dma_wait3A_48 = tpu.memref_slice %arg21[%dma_wait3A_46, %dma_wait3A_47] : memref<10240x128xf32, #tpu.memory_space<vmem_shared>> -> memref<10240x128xf32, #tpu.memory_space<vmem_shared>>
    tpu.wait_indirect_dma semaphore(%arg29 : memref<!tpu.dma_semaphore, #tpu.memory_space<semaphore_mem>>) src(%arg17 : memref<64x128xf32, #tpu.memory_space<vmem>>) dst(%dma_wait3A_48 : memref<10240x128xf32, #tpu.memory_space<vmem_shared>>)
    %dma_wait3A_49 = arith.constant 0 : i32
    %dma_wait3A_50 = arith.constant 0 : i32
    %dma_wait3A_51 = tpu.memref_slice %arg21[%dma_wait3A_49, %dma_wait3A_50] : memref<10240x128xf32, #tpu.memory_space<vmem_shared>> -> memref<10240x128xf32, #tpu.memory_space<vmem_shared>>
    tpu.wait_indirect_dma semaphore(%arg30 : memref<!tpu.dma_semaphore, #tpu.memory_space<semaphore_mem>>) src(%arg18 : memref<64x128xf32, #tpu.memory_space<vmem>>) dst(%dma_wait3A_51 : memref<10240x128xf32, #tpu.memory_space<vmem_shared>>)
    %barrier3A_52 = arith.constant 0 : index
    tpu.barrier barrier_id(%barrier3A_52)
    %scan3A_53 = arith.constant 0 : i32
    %scan3A_54 = arith.constant 0 : i32
    %scan3A_55 = arith.constant 5 : i32
    %scan3A_56 = arith.addi %scan3A_54, %scan3A_55 : i32
    %scan3A_57 = arith.constant 1 : i32
    scf.for %scan3A_59 = %scan3A_54 to %scan3A_56 step %scan3A_57  : i32 {
      %mul3A_60 = arith.constant 640 : i32
      %mul3A_61 = arith.muli %arg1, %mul3A_60 : i32
      %mul3A_62 = arith.constant 128 : i32
      %mul3A_63 = arith.muli %scan3A_59, %mul3A_62 : i32
      %add3A_64 = arith.addi %mul3A_61, %mul3A_63 : i32
      %multiple_of3A_65 = tpu.assume_multiple %add3A_64, 8 : i32
      "tpu.region"() ({
        %run_scoped3A = tpu.sem_alloc : memref<!tpu.dma_semaphore, #tpu.memory_space<semaphore_mem>>
        %dma_start3A_66 = arith.constant 0 : i32
        %dma_start3A_67 = tpu.memref_slice %arg8[%arg0, %multiple_of3A_65, %dma_start3A_66] : memref<2x10240x128xf32, #tpu.memory_space<hbm>> -> memref<1x128x128xf32, #tpu.memory_space<hbm>>
        %dma_start3A_68 = tpu.memref_squeeze %dma_start3A_67 : memref<1x128x128xf32, #tpu.memory_space<hbm>> -> memref<128x128xf32, #tpu.memory_space<hbm>>
        %dma_start3A_69 = arith.constant 0 : i32
        %dma_start3A_70 = tpu.memref_slice %arg21[%multiple_of3A_65, %dma_start3A_69] : memref<10240x128xf32, #tpu.memory_space<vmem_shared>> -> memref<128x128xf32, #tpu.memory_space<vmem_shared>>
        tpu.enqueue_dma source(%dma_start3A_70 : memref<128x128xf32, #tpu.memory_space<vmem_shared>>) target(%dma_start3A_68 : memref<128x128xf32, #tpu.memory_space<hbm>>) target_semaphore(%run_scoped3A : memref<!tpu.dma_semaphore, #tpu.memory_space<semaphore_mem>>)
        %dma_wait3A_71 = arith.constant 0 : i32
        %dma_wait3A_72 = tpu.memref_slice %arg8[%arg0, %multiple_of3A_65, %dma_wait3A_71] : memref<2x10240x128xf32, #tpu.memory_space<hbm>> -> memref<1x128x128xf32, #tpu.memory_space<hbm>>
        %dma_wait3A_73 = tpu.memref_squeeze %dma_wait3A_72 : memref<1x128x128xf32, #tpu.memory_space<hbm>> -> memref<128x128xf32, #tpu.memory_space<hbm>>
        %dma_wait3A_74 = arith.constant 0 : i32
        %dma_wait3A_75 = tpu.memref_slice %arg21[%multiple_of3A_65, %dma_wait3A_74] : memref<10240x128xf32, #tpu.memory_space<vmem_shared>> -> memref<128x128xf32, #tpu.memory_space<vmem_shared>>
        tpu.wait_dma2 semaphore(%run_scoped3A : memref<!tpu.dma_semaphore, #tpu.memory_space<semaphore_mem>>) src(%dma_wait3A_75 : memref<128x128xf32, #tpu.memory_space<vmem_shared>>) dst(%dma_wait3A_73 : memref<128x128xf32, #tpu.memory_space<hbm>>)
        tpu.yield
      }) : () -> ()
    }
    %scan3A_58 = arith.constant 5 : i32
    return
  }
}

#map = affine_map<(d0, d1) -> (0, 0)>
#map1 = affine_map<(d0, d1) -> (0)>
#map2 = affine_map<(d0, d1) -> (0, 0, 0)>
module attributes {stable_mosaic.version = 14 : i64} {
  func.func @k(%arg0: i32, %arg1: i32, %arg2: memref<10240x128xf32, #tpu.memory_space<hbm>>, %arg3: memref<64x128xf32, #tpu.memory_space<hbm>>, %arg4: memref<327680xi32, #tpu.memory_space<hbm>>, %arg5: memref<327680xi32, #tpu.memory_space<hbm>>, %arg6: memref<327680xi32, #tpu.memory_space<hbm>>, %arg7: memref<128x128xf32, #tpu.memory_space<hbm>>, %arg8: memref<2x10240x128xf32, #tpu.memory_space<hbm>>, %arg9: memref<64xi32, #tpu.memory_space<vmem>>, %arg10: memref<64xi32, #tpu.memory_space<vmem>>, %arg11: memref<64xi32, #tpu.memory_space<vmem>>, %arg12: memref<64xi32, #tpu.memory_space<vmem>>, %arg13: memref<64xi32, #tpu.memory_space<vmem>>, %arg14: memref<64xi32, #tpu.memory_space<vmem>>, %arg15: memref<64x128xf32, #tpu.memory_space<vmem>>, %arg16: memref<64x128xf32, #tpu.memory_space<vmem>>, %arg17: memref<64x128xf32, #tpu.memory_space<vmem>>, %arg18: memref<64x128xf32, #tpu.memory_space<vmem>>, %arg19: memref<64xi32, #tpu.memory_space<vmem>>, %arg20: memref<64xi32, #tpu.memory_space<vmem>>, %arg21: memref<10240x128xf32, #tpu.memory_space<vmem_shared>>, %arg22: memref<64x128xf32, #tpu.memory_space<vmem_shared>>, %arg23: memref<!tpu.dma_semaphore, #tpu.memory_space<semaphore_mem>>, %arg24: memref<!tpu.dma_semaphore, #tpu.memory_space<semaphore_mem>>, %arg25: memref<!tpu.dma_semaphore, #tpu.memory_space<semaphore_mem>>, %arg26: memref<!tpu.dma_semaphore, #tpu.memory_space<semaphore_mem>>, %arg27: memref<!tpu.dma_semaphore, #tpu.memory_space<semaphore_mem>>, %arg28: memref<!tpu.dma_semaphore, #tpu.memory_space<semaphore_mem>>, %arg29: memref<!tpu.dma_semaphore, #tpu.memory_space<semaphore_mem>>, %arg30: memref<!tpu.dma_semaphore, #tpu.memory_space<semaphore_mem>>) attributes {dimension_semantics = [#tpu.dimension_semantics<core_parallel>, #tpu.dimension_semantics<subcore_parallel>], iteration_bounds = array<i64: 2, 16>, scalar_prefetch = 0 : i64, scratch_operands = 22 : i64, tpu.core_type = #tpu.core_type<sc_vector_subcore>, window_params = [{transform_indices = #map}, {transform_indices = #map}, {transform_indices = #map1}, {transform_indices = #map1}, {transform_indices = #map1}, {transform_indices = #map}, {transform_indices = #map2}]} {
    %mul3A = arith.constant 2 : i32
    %mul3A_0 = arith.muli %arg1, %mul3A : i32
    %add3A = arith.addi %mul3A_0, %arg0 : i32
    %mul3A_1 = arith.constant 10240 : i32
    %mul3A_2 = arith.muli %add3A, %mul3A_1 : i32
    %eq3A = arith.constant 0 : i32
    %eq3A_3 = arith.cmpi eq, %arg1, %eq3A : i32
    %convert_element_type3A = arith.extui %eq3A_3 : i1 to i32
    %cond3A = arith.constant 0 : i32
    %cond3A_4 = arith.cmpi ne, %convert_element_type3A, %cond3A : i32
    scf.if %cond3A_4 {
      "tpu.region"() ({
        %run_scoped3A = tpu.sem_alloc : memref<!tpu.dma_semaphore, #tpu.memory_space<semaphore_mem>>
        tpu.enqueue_dma source(%arg3 : memref<64x128xf32, #tpu.memory_space<hbm>>) target(%arg22 : memref<64x128xf32, #tpu.memory_space<vmem_shared>>) target_semaphore(%run_scoped3A : memref<!tpu.dma_semaphore, #tpu.memory_space<semaphore_mem>>)
        tpu.wait_dma2 semaphore(%run_scoped3A : memref<!tpu.dma_semaphore, #tpu.memory_space<semaphore_mem>>) src(%arg3 : memref<64x128xf32, #tpu.memory_space<hbm>>) dst(%arg22 : memref<64x128xf32, #tpu.memory_space<vmem_shared>>)
        tpu.yield
      }) : () -> ()
    } else {
    }
    %scan3A = arith.constant 0 : i32
    %scan3A_5 = arith.constant 0 : i32
    %scan3A_6 = arith.constant 5 : i32
    %scan3A_7 = arith.addi %scan3A_5, %scan3A_6 : i32
    %scan3A_8 = arith.constant 1 : i32
    scf.for %scan3A_59 = %scan3A_5 to %scan3A_7 step %scan3A_8  : i32 {
      %mul3A_60 = arith.constant 640 : i32
      %mul3A_61 = arith.muli %arg1, %mul3A_60 : i32
      %mul3A_62 = arith.constant 128 : i32
      %mul3A_63 = arith.muli %scan3A_59, %mul3A_62 : i32
      %add3A_64 = arith.addi %mul3A_61, %mul3A_63 : i32
      %multiple_of3A_65 = tpu.assume_multiple %add3A_64, 8 : i32
      "tpu.region"() ({
        %run_scoped3A = tpu.sem_alloc : memref<!tpu.dma_semaphore, #tpu.memory_space<semaphore_mem>>
        %dma_start3A_66 = arith.constant 0 : i32
        %dma_start3A_67 = tpu.memref_slice %arg21[%multiple_of3A_65, %dma_start3A_66] : memref<10240x128xf32, #tpu.memory_space<vmem_shared>> -> memref<128x128xf32, #tpu.memory_space<vmem_shared>>
        tpu.enqueue_dma source(%arg7 : memref<128x128xf32, #tpu.memory_space<hbm>>) target(%dma_start3A_67 : memref<128x128xf32, #tpu.memory_space<vmem_shared>>) target_semaphore(%run_scoped3A : memref<!tpu.dma_semaphore, #tpu.memory_space<semaphore_mem>>)
        %dma_wait3A_68 = arith.constant 0 : i32
        %dma_wait3A_69 = tpu.memref_slice %arg21[%multiple_of3A_65, %dma_wait3A_68] : memref<10240x128xf32, #tpu.memory_space<vmem_shared>> -> memref<128x128xf32, #tpu.memory_space<vmem_shared>>
        tpu.wait_dma2 semaphore(%run_scoped3A : memref<!tpu.dma_semaphore, #tpu.memory_space<semaphore_mem>>) src(%arg7 : memref<128x128xf32, #tpu.memory_space<hbm>>) dst(%dma_wait3A_69 : memref<128x128xf32, #tpu.memory_space<vmem_shared>>)
        tpu.yield
      }) : () -> ()
    }
    %scan3A_9 = arith.constant 5 : i32
    %barrier3A = arith.constant 0 : index
    tpu.barrier barrier_id(%barrier3A)
    %add3A_10 = arith.constant 0 : i32
    %add3A_11 = arith.addi %mul3A_2, %add3A_10 : i32
    %multiple_of3A = tpu.assume_multiple %add3A_11, 8 : i32
    %dma_start3A = tpu.memref_slice %arg4[%multiple_of3A] : memref<327680xi32, #tpu.memory_space<hbm>> -> memref<64xi32, #tpu.memory_space<hbm>>
    %dma_start3A_12 = tpu.memref_slice %arg4[%multiple_of3A] : memref<327680xi32, #tpu.memory_space<hbm>> -> memref<64xi32, #tpu.memory_space<hbm>>
    tpu.enqueue_dma source(%dma_start3A_12 : memref<64xi32, #tpu.memory_space<hbm>>) target(%arg9 : memref<64xi32, #tpu.memory_space<vmem>>) target_semaphore(%arg27 : memref<!tpu.dma_semaphore, #tpu.memory_space<semaphore_mem>>)
    %dma_start3A_13 = tpu.memref_slice %arg6[%multiple_of3A] : memref<327680xi32, #tpu.memory_space<hbm>> -> memref<64xi32, #tpu.memory_space<hbm>>
    %dma_start3A_14 = tpu.memref_slice %arg6[%multiple_of3A] : memref<327680xi32, #tpu.memory_space<hbm>> -> memref<64xi32, #tpu.memory_space<hbm>>
    tpu.enqueue_dma source(%dma_start3A_14 : memref<64xi32, #tpu.memory_space<hbm>>) target(%arg11 : memref<64xi32, #tpu.memory_space<vmem>>) target_semaphore(%arg27 : memref<!tpu.dma_semaphore, #tpu.memory_space<semaphore_mem>>)
    %dma_start3A_15 = tpu.memref_slice %arg5[%multiple_of3A] : memref<327680xi32, #tpu.memory_space<hbm>> -> memref<64xi32, #tpu.memory_space<hbm>>
    %dma_start3A_16 = tpu.memref_slice %arg5[%multiple_of3A] : memref<327680xi32, #tpu.memory_space<hbm>> -> memref<64xi32, #tpu.memory_space<hbm>>
    tpu.enqueue_dma source(%dma_start3A_16 : memref<64xi32, #tpu.memory_space<hbm>>) target(%arg13 : memref<64xi32, #tpu.memory_space<vmem>>) target_semaphore(%arg27 : memref<!tpu.dma_semaphore, #tpu.memory_space<semaphore_mem>>)
    %add3A_17 = arith.constant 64 : i32
    %add3A_18 = arith.addi %mul3A_2, %add3A_17 : i32
    %multiple_of3A_19 = tpu.assume_multiple %add3A_18, 8 : i32
    %dma_start3A_20 = tpu.memref_slice %arg4[%multiple_of3A_19] : memref<327680xi32, #tpu.memory_space<hbm>> -> memref<64xi32, #tpu.memory_space<hbm>>
    %dma_start3A_21 = tpu.memref_slice %arg4[%multiple_of3A_19] : memref<327680xi32, #tpu.memory_space<hbm>> -> memref<64xi32, #tpu.memory_space<hbm>>
    tpu.enqueue_dma source(%dma_start3A_21 : memref<64xi32, #tpu.memory_space<hbm>>) target(%arg10 : memref<64xi32, #tpu.memory_space<vmem>>) target_semaphore(%arg28 : memref<!tpu.dma_semaphore, #tpu.memory_space<semaphore_mem>>)
    %dma_start3A_22 = tpu.memref_slice %arg6[%multiple_of3A_19] : memref<327680xi32, #tpu.memory_space<hbm>> -> memref<64xi32, #tpu.memory_space<hbm>>
    %dma_start3A_23 = tpu.memref_slice %arg6[%multiple_of3A_19] : memref<327680xi32, #tpu.memory_space<hbm>> -> memref<64xi32, #tpu.memory_space<hbm>>
    tpu.enqueue_dma source(%dma_start3A_23 : memref<64xi32, #tpu.memory_space<hbm>>) target(%arg12 : memref<64xi32, #tpu.memory_space<vmem>>) target_semaphore(%arg28 : memref<!tpu.dma_semaphore, #tpu.memory_space<semaphore_mem>>)
    %dma_start3A_24 = tpu.memref_slice %arg5[%multiple_of3A_19] : memref<327680xi32, #tpu.memory_space<hbm>> -> memref<64xi32, #tpu.memory_space<hbm>>
    %dma_start3A_25 = tpu.memref_slice %arg5[%multiple_of3A_19] : memref<327680xi32, #tpu.memory_space<hbm>> -> memref<64xi32, #tpu.memory_space<hbm>>
    tpu.enqueue_dma source(%dma_start3A_25 : memref<64xi32, #tpu.memory_space<hbm>>) target(%arg14 : memref<64xi32, #tpu.memory_space<vmem>>) target_semaphore(%arg28 : memref<!tpu.dma_semaphore, #tpu.memory_space<semaphore_mem>>)
    %add3A_26 = arith.constant 0 : i32
    %add3A_27 = arith.addi %mul3A_2, %add3A_26 : i32
    %multiple_of3A_28 = tpu.assume_multiple %add3A_27, 8 : i32
    %dma_wait3A = tpu.memref_slice %arg4[%multiple_of3A_28] : memref<327680xi32, #tpu.memory_space<hbm>> -> memref<64xi32, #tpu.memory_space<hbm>>
    %dma_wait3A_29 = tpu.memref_slice %arg4[%multiple_of3A_28] : memref<327680xi32, #tpu.memory_space<hbm>> -> memref<64xi32, #tpu.memory_space<hbm>>
    tpu.wait_dma2 semaphore(%arg27 : memref<!tpu.dma_semaphore, #tpu.memory_space<semaphore_mem>>) src(%dma_wait3A_29 : memref<64xi32, #tpu.memory_space<hbm>>) dst(%arg9 : memref<64xi32, #tpu.memory_space<vmem>>)
    %dma_wait3A_30 = tpu.memref_slice %arg6[%multiple_of3A_28] : memref<327680xi32, #tpu.memory_space<hbm>> -> memref<64xi32, #tpu.memory_space<hbm>>
    %dma_wait3A_31 = tpu.memref_slice %arg6[%multiple_of3A_28] : memref<327680xi32, #tpu.memory_space<hbm>> -> memref<64xi32, #tpu.memory_space<hbm>>
    tpu.wait_dma2 semaphore(%arg27 : memref<!tpu.dma_semaphore, #tpu.memory_space<semaphore_mem>>) src(%dma_wait3A_31 : memref<64xi32, #tpu.memory_space<hbm>>) dst(%arg11 : memref<64xi32, #tpu.memory_space<vmem>>)
    %dma_wait3A_32 = tpu.memref_slice %arg5[%multiple_of3A_28] : memref<327680xi32, #tpu.memory_space<hbm>> -> memref<64xi32, #tpu.memory_space<hbm>>
    %dma_wait3A_33 = tpu.memref_slice %arg5[%multiple_of3A_28] : memref<327680xi32, #tpu.memory_space<hbm>> -> memref<64xi32, #tpu.memory_space<hbm>>
    tpu.wait_dma2 semaphore(%arg27 : memref<!tpu.dma_semaphore, #tpu.memory_space<semaphore_mem>>) src(%dma_wait3A_33 : memref<64xi32, #tpu.memory_space<hbm>>) dst(%arg13 : memref<64xi32, #tpu.memory_space<vmem>>)
    %dma_start3A_34 = arith.constant 0 : i32
    %dma_start3A_35 = arith.constant 0 : i32
    %dma_start3A_36 = tpu.memref_slice %arg2[%dma_start3A_34, %dma_start3A_35] : memref<10240x128xf32, #tpu.memory_space<hbm>> -> memref<10240x128xf32, #tpu.memory_space<hbm>>
    tpu.enqueue_indirect_dma source(%dma_start3A_36 : memref<10240x128xf32, #tpu.memory_space<hbm>>) target(%arg15 : memref<64x128xf32, #tpu.memory_space<vmem>>) offsets(%arg9 : memref<64xi32, #tpu.memory_space<vmem>>) semaphore(%arg23 : memref<!tpu.dma_semaphore, #tpu.memory_space<semaphore_mem>>)
    %dma_start3A_37 = arith.constant 0 : i32
    %dma_start3A_38 = arith.constant 0 : i32
    %dma_start3A_39 = tpu.memref_slice %arg22[%dma_start3A_37, %dma_start3A_38] : memref<64x128xf32, #tpu.memory_space<vmem_shared>> -> memref<64x128xf32, #tpu.memory_space<vmem_shared>>
    tpu.enqueue_indirect_dma source(%dma_start3A_39 : memref<64x128xf32, #tpu.memory_space<vmem_shared>>) target(%arg17 : memref<64x128xf32, #tpu.memory_space<vmem>>) offsets(%arg11 : memref<64xi32, #tpu.memory_space<vmem>>) semaphore(%arg25 : memref<!tpu.dma_semaphore, #tpu.memory_space<semaphore_mem>>)
    %scan3A_40 = arith.constant 0 : i32
    %scan3A_41 = arith.constant 0 : i32
    %scan3A_42 = arith.constant 80 : i32
    %scan3A_43 = arith.addi %scan3A_41, %scan3A_42 : i32
    %scan3A_44 = arith.constant 1 : i32
    scf.for %scan3A_59 = %scan3A_41 to %scan3A_43 step %scan3A_44  : i32 {
      %mul3A_60 = arith.constant 2 : i32
      %mul3A_61 = arith.muli %mul3A_60, %scan3A_59 : i32
      %mul3A_62 = arith.constant 2 : i32
      %mul3A_63 = arith.muli %mul3A_62, %scan3A_59 : i32
      %add3A_64 = arith.constant 1 : i32
      %add3A_65 = arith.addi %mul3A_63, %add3A_64 : i32
      %mul3A_66 = arith.constant 64 : i32
      %mul3A_67 = arith.muli %add3A_65, %mul3A_66 : i32
      %add3A_68 = arith.addi %mul3A_2, %mul3A_67 : i32
      %multiple_of3A_69 = tpu.assume_multiple %add3A_68, 8 : i32
      %dma_wait3A_70 = tpu.memref_slice %arg4[%multiple_of3A_69] : memref<327680xi32, #tpu.memory_space<hbm>> -> memref<64xi32, #tpu.memory_space<hbm>>
      %dma_wait3A_71 = tpu.memref_slice %arg4[%multiple_of3A_69] : memref<327680xi32, #tpu.memory_space<hbm>> -> memref<64xi32, #tpu.memory_space<hbm>>
      tpu.wait_dma2 semaphore(%arg28 : memref<!tpu.dma_semaphore, #tpu.memory_space<semaphore_mem>>) src(%dma_wait3A_71 : memref<64xi32, #tpu.memory_space<hbm>>) dst(%arg10 : memref<64xi32, #tpu.memory_space<vmem>>)
      %dma_wait3A_72 = tpu.memref_slice %arg6[%multiple_of3A_69] : memref<327680xi32, #tpu.memory_space<hbm>> -> memref<64xi32, #tpu.memory_space<hbm>>
      %dma_wait3A_73 = tpu.memref_slice %arg6[%multiple_of3A_69] : memref<327680xi32, #tpu.memory_space<hbm>> -> memref<64xi32, #tpu.memory_space<hbm>>
      tpu.wait_dma2 semaphore(%arg28 : memref<!tpu.dma_semaphore, #tpu.memory_space<semaphore_mem>>) src(%dma_wait3A_73 : memref<64xi32, #tpu.memory_space<hbm>>) dst(%arg12 : memref<64xi32, #tpu.memory_space<vmem>>)
      %dma_wait3A_74 = tpu.memref_slice %arg5[%multiple_of3A_69] : memref<327680xi32, #tpu.memory_space<hbm>> -> memref<64xi32, #tpu.memory_space<hbm>>
      %dma_wait3A_75 = tpu.memref_slice %arg5[%multiple_of3A_69] : memref<327680xi32, #tpu.memory_space<hbm>> -> memref<64xi32, #tpu.memory_space<hbm>>
      tpu.wait_dma2 semaphore(%arg28 : memref<!tpu.dma_semaphore, #tpu.memory_space<semaphore_mem>>) src(%dma_wait3A_75 : memref<64xi32, #tpu.memory_space<hbm>>) dst(%arg14 : memref<64xi32, #tpu.memory_space<vmem>>)
      %gt3A = arith.constant 0 : i32
      %gt3A_76 = arith.cmpi sgt, %scan3A_59, %gt3A : i32
      %convert_element_type3A_77 = arith.extui %gt3A_76 : i1 to i32
      %cond3A_78 = arith.constant 0 : i32
      %cond3A_79 = arith.cmpi ne, %convert_element_type3A_77, %cond3A_78 : i32
      scf.if %cond3A_79 {
        %dma_wait3A_184 = arith.constant 0 : i32
        %dma_wait3A_185 = arith.constant 0 : i32
        %dma_wait3A_186 = tpu.memref_slice %arg21[%dma_wait3A_184, %dma_wait3A_185] : memref<10240x128xf32, #tpu.memory_space<vmem_shared>> -> memref<10240x128xf32, #tpu.memory_space<vmem_shared>>
        tpu.wait_indirect_dma semaphore(%arg30 : memref<!tpu.dma_semaphore, #tpu.memory_space<semaphore_mem>>) src(%arg18 : memref<64x128xf32, #tpu.memory_space<vmem>>) dst(%dma_wait3A_186 : memref<10240x128xf32, #tpu.memory_space<vmem_shared>>)
      } else {
      }
      %dma_start3A_80 = arith.constant 0 : i32
      %dma_start3A_81 = arith.constant 0 : i32
      %dma_start3A_82 = tpu.memref_slice %arg2[%dma_start3A_80, %dma_start3A_81] : memref<10240x128xf32, #tpu.memory_space<hbm>> -> memref<10240x128xf32, #tpu.memory_space<hbm>>
      tpu.enqueue_indirect_dma source(%dma_start3A_82 : memref<10240x128xf32, #tpu.memory_space<hbm>>) target(%arg16 : memref<64x128xf32, #tpu.memory_space<vmem>>) offsets(%arg10 : memref<64xi32, #tpu.memory_space<vmem>>) semaphore(%arg24 : memref<!tpu.dma_semaphore, #tpu.memory_space<semaphore_mem>>)
      %dma_start3A_83 = arith.constant 0 : i32
      %dma_start3A_84 = arith.constant 0 : i32
      %dma_start3A_85 = tpu.memref_slice %arg22[%dma_start3A_83, %dma_start3A_84] : memref<64x128xf32, #tpu.memory_space<vmem_shared>> -> memref<64x128xf32, #tpu.memory_space<vmem_shared>>
      tpu.enqueue_indirect_dma source(%dma_start3A_85 : memref<64x128xf32, #tpu.memory_space<vmem_shared>>) target(%arg18 : memref<64x128xf32, #tpu.memory_space<vmem>>) offsets(%arg12 : memref<64xi32, #tpu.memory_space<vmem>>) semaphore(%arg26 : memref<!tpu.dma_semaphore, #tpu.memory_space<semaphore_mem>>)
      %dma_wait3A_86 = arith.constant 0 : i32
      %dma_wait3A_87 = arith.constant 0 : i32
      %dma_wait3A_88 = tpu.memref_slice %arg2[%dma_wait3A_86, %dma_wait3A_87] : memref<10240x128xf32, #tpu.memory_space<hbm>> -> memref<10240x128xf32, #tpu.memory_space<hbm>>
      tpu.wait_indirect_dma semaphore(%arg23 : memref<!tpu.dma_semaphore, #tpu.memory_space<semaphore_mem>>) src(%dma_wait3A_88 : memref<10240x128xf32, #tpu.memory_space<hbm>>) dst(%arg15 : memref<64x128xf32, #tpu.memory_space<vmem>>)
      %dma_wait3A_89 = arith.constant 0 : i32
      %dma_wait3A_90 = arith.constant 0 : i32
      %dma_wait3A_91 = tpu.memref_slice %arg22[%dma_wait3A_89, %dma_wait3A_90] : memref<64x128xf32, #tpu.memory_space<vmem_shared>> -> memref<64x128xf32, #tpu.memory_space<vmem_shared>>
      tpu.wait_indirect_dma semaphore(%arg25 : memref<!tpu.dma_semaphore, #tpu.memory_space<semaphore_mem>>) src(%dma_wait3A_91 : memref<64x128xf32, #tpu.memory_space<vmem_shared>>) dst(%arg17 : memref<64x128xf32, #tpu.memory_space<vmem>>)
      %scan3A_92 = arith.constant 0 : i32
      %scan3A_93 = arith.constant 0 : i32
      %scan3A_94 = arith.constant 64 : i32
      %scan3A_95 = arith.addi %scan3A_93, %scan3A_94 : i32
      %scan3A_96 = arith.constant 1 : i32
      scf.for %scan3A_184 = %scan3A_93 to %scan3A_95 step %scan3A_96  : i32 {
        %get3A_185 = arith.index_cast %scan3A_184 : i32 to index
        %get3A_186 = arith.constant 0 : index
        %get3A_187 = tpu.vector_load %arg15[%get3A_185, %get3A_186] {strides = array<i32>} : memref<64x128xf32, #tpu.memory_space<vmem>>, vector<1x16xf32>,
        %get3A_188 = vector.shape_cast %get3A_187 : vector<1x16xf32> to vector<16xf32>
        %get3A_189 = arith.index_cast %scan3A_184 : i32 to index
        %get3A_190 = arith.constant 0 : index
        %get3A_191 = tpu.vector_load %arg17[%get3A_189, %get3A_190] {strides = array<i32>} : memref<64x128xf32, #tpu.memory_space<vmem>>, vector<1x16xf32>,
        %get3A_192 = vector.shape_cast %get3A_191 : vector<1x16xf32> to vector<16xf32>
        %add3A_193 = arith.addf %get3A_188, %get3A_192 : vector<16xf32>
        %max3A = arith.constant 0.000000e+00 : f32
        %max3A_194 = vector.broadcast %max3A : f32 to vector<16xf32>
        %max3A_195 = arith.maximumf %add3A_193, %max3A_194 : vector<16xf32>
        %swap3A_196 = arith.index_cast %scan3A_184 : i32 to index
        %swap3A_197 = arith.constant 0 : index
        %swap3A_198 = tpu.vector_load %arg17[%swap3A_196, %swap3A_197] {strides = array<i32>} : memref<64x128xf32, #tpu.memory_space<vmem>>, vector<1x16xf32>,
        %swap3A_199 = vector.shape_cast %swap3A_198 : vector<1x16xf32> to vector<16xf32>
        %swap3A_200 = vector.shape_cast %max3A_195 : vector<16xf32> to vector<1x16xf32>
        tpu.vector_store %arg17[%swap3A_196, %swap3A_197], %swap3A_200 {strides = array<i32>} : memref<64x128xf32, #tpu.memory_space<vmem>>, vector<1x16xf32>,
        %get3A_201 = arith.index_cast %scan3A_184 : i32 to index
        %get3A_202 = arith.constant 16 : index
        %get3A_203 = tpu.vector_load %arg15[%get3A_201, %get3A_202] {strides = array<i32>} : memref<64x128xf32, #tpu.memory_space<vmem>>, vector<1x16xf32>,
        %get3A_204 = vector.shape_cast %get3A_203 : vector<1x16xf32> to vector<16xf32>
        %get3A_205 = arith.index_cast %scan3A_184 : i32 to index
        %get3A_206 = arith.constant 16 : index
        %get3A_207 = tpu.vector_load %arg17[%get3A_205, %get3A_206] {strides = array<i32>} : memref<64x128xf32, #tpu.memory_space<vmem>>, vector<1x16xf32>,
        %get3A_208 = vector.shape_cast %get3A_207 : vector<1x16xf32> to vector<16xf32>
        %add3A_209 = arith.addf %get3A_204, %get3A_208 : vector<16xf32>
        %max3A_210 = arith.constant 0.000000e+00 : f32
        %max3A_211 = vector.broadcast %max3A_210 : f32 to vector<16xf32>
        %max3A_212 = arith.maximumf %add3A_209, %max3A_211 : vector<16xf32>
        %swap3A_213 = arith.index_cast %scan3A_184 : i32 to index
        %swap3A_214 = arith.constant 16 : index
        %swap3A_215 = tpu.vector_load %arg17[%swap3A_213, %swap3A_214] {strides = array<i32>} : memref<64x128xf32, #tpu.memory_space<vmem>>, vector<1x16xf32>,
        %swap3A_216 = vector.shape_cast %swap3A_215 : vector<1x16xf32> to vector<16xf32>
        %swap3A_217 = vector.shape_cast %max3A_212 : vector<16xf32> to vector<1x16xf32>
        tpu.vector_store %arg17[%swap3A_213, %swap3A_214], %swap3A_217 {strides = array<i32>} : memref<64x128xf32, #tpu.memory_space<vmem>>, vector<1x16xf32>,
        %get3A_218 = arith.index_cast %scan3A_184 : i32 to index
        %get3A_219 = arith.constant 32 : index
        %get3A_220 = tpu.vector_load %arg15[%get3A_218, %get3A_219] {strides = array<i32>} : memref<64x128xf32, #tpu.memory_space<vmem>>, vector<1x16xf32>,
        %get3A_221 = vector.shape_cast %get3A_220 : vector<1x16xf32> to vector<16xf32>
        %get3A_222 = arith.index_cast %scan3A_184 : i32 to index
        %get3A_223 = arith.constant 32 : index
        %get3A_224 = tpu.vector_load %arg17[%get3A_222, %get3A_223] {strides = array<i32>} : memref<64x128xf32, #tpu.memory_space<vmem>>, vector<1x16xf32>,
        %get3A_225 = vector.shape_cast %get3A_224 : vector<1x16xf32> to vector<16xf32>
        %add3A_226 = arith.addf %get3A_221, %get3A_225 : vector<16xf32>
        %max3A_227 = arith.constant 0.000000e+00 : f32
        %max3A_228 = vector.broadcast %max3A_227 : f32 to vector<16xf32>
        %max3A_229 = arith.maximumf %add3A_226, %max3A_228 : vector<16xf32>
        %swap3A_230 = arith.index_cast %scan3A_184 : i32 to index
        %swap3A_231 = arith.constant 32 : index
        %swap3A_232 = tpu.vector_load %arg17[%swap3A_230, %swap3A_231] {strides = array<i32>} : memref<64x128xf32, #tpu.memory_space<vmem>>, vector<1x16xf32>,
        %swap3A_233 = vector.shape_cast %swap3A_232 : vector<1x16xf32> to vector<16xf32>
        %swap3A_234 = vector.shape_cast %max3A_229 : vector<16xf32> to vector<1x16xf32>
        tpu.vector_store %arg17[%swap3A_230, %swap3A_231], %swap3A_234 {strides = array<i32>} : memref<64x128xf32, #tpu.memory_space<vmem>>, vector<1x16xf32>,
        %get3A_235 = arith.index_cast %scan3A_184 : i32 to index
        %get3A_236 = arith.constant 48 : index
        %get3A_237 = tpu.vector_load %arg15[%get3A_235, %get3A_236] {strides = array<i32>} : memref<64x128xf32, #tpu.memory_space<vmem>>, vector<1x16xf32>,
        %get3A_238 = vector.shape_cast %get3A_237 : vector<1x16xf32> to vector<16xf32>
        %get3A_239 = arith.index_cast %scan3A_184 : i32 to index
        %get3A_240 = arith.constant 48 : index
        %get3A_241 = tpu.vector_load %arg17[%get3A_239, %get3A_240] {strides = array<i32>} : memref<64x128xf32, #tpu.memory_space<vmem>>, vector<1x16xf32>,
        %get3A_242 = vector.shape_cast %get3A_241 : vector<1x16xf32> to vector<16xf32>
        %add3A_243 = arith.addf %get3A_238, %get3A_242 : vector<16xf32>
        %max3A_244 = arith.constant 0.000000e+00 : f32
        %max3A_245 = vector.broadcast %max3A_244 : f32 to vector<16xf32>
        %max3A_246 = arith.maximumf %add3A_243, %max3A_245 : vector<16xf32>
        %swap3A_247 = arith.index_cast %scan3A_184 : i32 to index
        %swap3A_248 = arith.constant 48 : index
        %swap3A_249 = tpu.vector_load %arg17[%swap3A_247, %swap3A_248] {strides = array<i32>} : memref<64x128xf32, #tpu.memory_space<vmem>>, vector<1x16xf32>,
        %swap3A_250 = vector.shape_cast %swap3A_249 : vector<1x16xf32> to vector<16xf32>
        %swap3A_251 = vector.shape_cast %max3A_246 : vector<16xf32> to vector<1x16xf32>
        tpu.vector_store %arg17[%swap3A_247, %swap3A_248], %swap3A_251 {strides = array<i32>} : memref<64x128xf32, #tpu.memory_space<vmem>>, vector<1x16xf32>,
        %get3A_252 = arith.index_cast %scan3A_184 : i32 to index
        %get3A_253 = arith.constant 64 : index
        %get3A_254 = tpu.vector_load %arg15[%get3A_252, %get3A_253] {strides = array<i32>} : memref<64x128xf32, #tpu.memory_space<vmem>>, vector<1x16xf32>,
        %get3A_255 = vector.shape_cast %get3A_254 : vector<1x16xf32> to vector<16xf32>
        %get3A_256 = arith.index_cast %scan3A_184 : i32 to index
        %get3A_257 = arith.constant 64 : index
        %get3A_258 = tpu.vector_load %arg17[%get3A_256, %get3A_257] {strides = array<i32>} : memref<64x128xf32, #tpu.memory_space<vmem>>, vector<1x16xf32>,
        %get3A_259 = vector.shape_cast %get3A_258 : vector<1x16xf32> to vector<16xf32>
        %add3A_260 = arith.addf %get3A_255, %get3A_259 : vector<16xf32>
        %max3A_261 = arith.constant 0.000000e+00 : f32
        %max3A_262 = vector.broadcast %max3A_261 : f32 to vector<16xf32>
        %max3A_263 = arith.maximumf %add3A_260, %max3A_262 : vector<16xf32>
        %swap3A_264 = arith.index_cast %scan3A_184 : i32 to index
        %swap3A_265 = arith.constant 64 : index
        %swap3A_266 = tpu.vector_load %arg17[%swap3A_264, %swap3A_265] {strides = array<i32>} : memref<64x128xf32, #tpu.memory_space<vmem>>, vector<1x16xf32>,
        %swap3A_267 = vector.shape_cast %swap3A_266 : vector<1x16xf32> to vector<16xf32>
        %swap3A_268 = vector.shape_cast %max3A_263 : vector<16xf32> to vector<1x16xf32>
        tpu.vector_store %arg17[%swap3A_264, %swap3A_265], %swap3A_268 {strides = array<i32>} : memref<64x128xf32, #tpu.memory_space<vmem>>, vector<1x16xf32>,
        %get3A_269 = arith.index_cast %scan3A_184 : i32 to index
        %get3A_270 = arith.constant 80 : index
        %get3A_271 = tpu.vector_load %arg15[%get3A_269, %get3A_270] {strides = array<i32>} : memref<64x128xf32, #tpu.memory_space<vmem>>, vector<1x16xf32>,
        %get3A_272 = vector.shape_cast %get3A_271 : vector<1x16xf32> to vector<16xf32>
        %get3A_273 = arith.index_cast %scan3A_184 : i32 to index
        %get3A_274 = arith.constant 80 : index
        %get3A_275 = tpu.vector_load %arg17[%get3A_273, %get3A_274] {strides = array<i32>} : memref<64x128xf32, #tpu.memory_space<vmem>>, vector<1x16xf32>,
        %get3A_276 = vector.shape_cast %get3A_275 : vector<1x16xf32> to vector<16xf32>
        %add3A_277 = arith.addf %get3A_272, %get3A_276 : vector<16xf32>
        %max3A_278 = arith.constant 0.000000e+00 : f32
        %max3A_279 = vector.broadcast %max3A_278 : f32 to vector<16xf32>
        %max3A_280 = arith.maximumf %add3A_277, %max3A_279 : vector<16xf32>
        %swap3A_281 = arith.index_cast %scan3A_184 : i32 to index
        %swap3A_282 = arith.constant 80 : index
        %swap3A_283 = tpu.vector_load %arg17[%swap3A_281, %swap3A_282] {strides = array<i32>} : memref<64x128xf32, #tpu.memory_space<vmem>>, vector<1x16xf32>,
        %swap3A_284 = vector.shape_cast %swap3A_283 : vector<1x16xf32> to vector<16xf32>
        %swap3A_285 = vector.shape_cast %max3A_280 : vector<16xf32> to vector<1x16xf32>
        tpu.vector_store %arg17[%swap3A_281, %swap3A_282], %swap3A_285 {strides = array<i32>} : memref<64x128xf32, #tpu.memory_space<vmem>>, vector<1x16xf32>,
        %get3A_286 = arith.index_cast %scan3A_184 : i32 to index
        %get3A_287 = arith.constant 96 : index
        %get3A_288 = tpu.vector_load %arg15[%get3A_286, %get3A_287] {strides = array<i32>} : memref<64x128xf32, #tpu.memory_space<vmem>>, vector<1x16xf32>,
        %get3A_289 = vector.shape_cast %get3A_288 : vector<1x16xf32> to vector<16xf32>
        %get3A_290 = arith.index_cast %scan3A_184 : i32 to index
        %get3A_291 = arith.constant 96 : index
        %get3A_292 = tpu.vector_load %arg17[%get3A_290, %get3A_291] {strides = array<i32>} : memref<64x128xf32, #tpu.memory_space<vmem>>, vector<1x16xf32>,
        %get3A_293 = vector.shape_cast %get3A_292 : vector<1x16xf32> to vector<16xf32>
        %add3A_294 = arith.addf %get3A_289, %get3A_293 : vector<16xf32>
        %max3A_295 = arith.constant 0.000000e+00 : f32
        %max3A_296 = vector.broadcast %max3A_295 : f32 to vector<16xf32>
        %max3A_297 = arith.maximumf %add3A_294, %max3A_296 : vector<16xf32>
        %swap3A_298 = arith.index_cast %scan3A_184 : i32 to index
        %swap3A_299 = arith.constant 96 : index
        %swap3A_300 = tpu.vector_load %arg17[%swap3A_298, %swap3A_299] {strides = array<i32>} : memref<64x128xf32, #tpu.memory_space<vmem>>, vector<1x16xf32>,
        %swap3A_301 = vector.shape_cast %swap3A_300 : vector<1x16xf32> to vector<16xf32>
        %swap3A_302 = vector.shape_cast %max3A_297 : vector<16xf32> to vector<1x16xf32>
        tpu.vector_store %arg17[%swap3A_298, %swap3A_299], %swap3A_302 {strides = array<i32>} : memref<64x128xf32, #tpu.memory_space<vmem>>, vector<1x16xf32>,
        %get3A_303 = arith.index_cast %scan3A_184 : i32 to index
        %get3A_304 = arith.constant 112 : index
        %get3A_305 = tpu.vector_load %arg15[%get3A_303, %get3A_304] {strides = array<i32>} : memref<64x128xf32, #tpu.memory_space<vmem>>, vector<1x16xf32>,
        %get3A_306 = vector.shape_cast %get3A_305 : vector<1x16xf32> to vector<16xf32>
        %get3A_307 = arith.index_cast %scan3A_184 : i32 to index
        %get3A_308 = arith.constant 112 : index
        %get3A_309 = tpu.vector_load %arg17[%get3A_307, %get3A_308] {strides = array<i32>} : memref<64x128xf32, #tpu.memory_space<vmem>>, vector<1x16xf32>,
        %get3A_310 = vector.shape_cast %get3A_309 : vector<1x16xf32> to vector<16xf32>
        %add3A_311 = arith.addf %get3A_306, %get3A_310 : vector<16xf32>
        %max3A_312 = arith.constant 0.000000e+00 : f32
        %max3A_313 = vector.broadcast %max3A_312 : f32 to vector<16xf32>
        %max3A_314 = arith.maximumf %add3A_311, %max3A_313 : vector<16xf32>
        %swap3A_315 = arith.index_cast %scan3A_184 : i32 to index
        %swap3A_316 = arith.constant 112 : index
        %swap3A_317 = tpu.vector_load %arg17[%swap3A_315, %swap3A_316] {strides = array<i32>} : memref<64x128xf32, #tpu.memory_space<vmem>>, vector<1x16xf32>,
        %swap3A_318 = vector.shape_cast %swap3A_317 : vector<1x16xf32> to vector<16xf32>
        %swap3A_319 = vector.shape_cast %max3A_314 : vector<16xf32> to vector<1x16xf32>
        tpu.vector_store %arg17[%swap3A_315, %swap3A_316], %swap3A_319 {strides = array<i32>} : memref<64x128xf32, #tpu.memory_space<vmem>>, vector<1x16xf32>,
      }
      %scan3A_97 = arith.constant 64 : i32
      %get3A = arith.constant 0 : index
      %get3A_98 = tpu.vector_load %arg13[%get3A] {strides = array<i32>} : memref<64xi32, #tpu.memory_space<vmem>>, vector<16xi32>,
      %get3A_99 = vector.shape_cast %get3A_98 : vector<16xi32> to vector<16xi32>
      %swap3A = arith.constant 0 : index
      %swap3A_100 = tpu.vector_load %arg19[%swap3A] {strides = array<i32>} : memref<64xi32, #tpu.memory_space<vmem>>, vector<16xi32>,
      %swap3A_101 = vector.shape_cast %swap3A_100 : vector<16xi32> to vector<16xi32>
      %swap3A_102 = vector.shape_cast %get3A_99 : vector<16xi32> to vector<16xi32>
      tpu.vector_store %arg19[%swap3A], %swap3A_102 {strides = array<i32>} : memref<64xi32, #tpu.memory_space<vmem>>, vector<16xi32>,
      %get3A_103 = arith.constant 16 : index
      %get3A_104 = tpu.vector_load %arg13[%get3A_103] {strides = array<i32>} : memref<64xi32, #tpu.memory_space<vmem>>, vector<16xi32>,
      %get3A_105 = vector.shape_cast %get3A_104 : vector<16xi32> to vector<16xi32>
      %swap3A_106 = arith.constant 16 : index
      %swap3A_107 = tpu.vector_load %arg19[%swap3A_106] {strides = array<i32>} : memref<64xi32, #tpu.memory_space<vmem>>, vector<16xi32>,
      %swap3A_108 = vector.shape_cast %swap3A_107 : vector<16xi32> to vector<16xi32>
      %swap3A_109 = vector.shape_cast %get3A_105 : vector<16xi32> to vector<16xi32>
      tpu.vector_store %arg19[%swap3A_106], %swap3A_109 {strides = array<i32>} : memref<64xi32, #tpu.memory_space<vmem>>, vector<16xi32>,
      %get3A_110 = arith.constant 32 : index
      %get3A_111 = tpu.vector_load %arg13[%get3A_110] {strides = array<i32>} : memref<64xi32, #tpu.memory_space<vmem>>, vector<16xi32>,
      %get3A_112 = vector.shape_cast %get3A_111 : vector<16xi32> to vector<16xi32>
      %swap3A_113 = arith.constant 32 : index
      %swap3A_114 = tpu.vector_load %arg19[%swap3A_113] {strides = array<i32>} : memref<64xi32, #tpu.memory_space<vmem>>, vector<16xi32>,
      %swap3A_115 = vector.shape_cast %swap3A_114 : vector<16xi32> to vector<16xi32>
      %swap3A_116 = vector.shape_cast %get3A_112 : vector<16xi32> to vector<16xi32>
      tpu.vector_store %arg19[%swap3A_113], %swap3A_116 {strides = array<i32>} : memref<64xi32, #tpu.memory_space<vmem>>, vector<16xi32>,
      %get3A_117 = arith.constant 48 : index
      %get3A_118 = tpu.vector_load %arg13[%get3A_117] {strides = array<i32>} : memref<64xi32, #tpu.memory_space<vmem>>, vector<16xi32>,
      %get3A_119 = vector.shape_cast %get3A_118 : vector<16xi32> to vector<16xi32>
      %swap3A_120 = arith.constant 48 : index
      %swap3A_121 = tpu.vector_load %arg19[%swap3A_120] {strides = array<i32>} : memref<64xi32, #tpu.memory_space<vmem>>, vector<16xi32>,
      %swap3A_122 = vector.shape_cast %swap3A_121 : vector<16xi32> to vector<16xi32>
      %swap3A_123 = vector.shape_cast %get3A_119 : vector<16xi32> to vector<16xi32>
      tpu.vector_store %arg19[%swap3A_120], %swap3A_123 {strides = array<i32>} : memref<64xi32, #tpu.memory_space<vmem>>, vector<16xi32>,
      %dma_start3A_124 = arith.constant 0 : i32
      %dma_start3A_125 = arith.constant 0 : i32
      %dma_start3A_126 = tpu.memref_slice %arg21[%dma_start3A_124, %dma_start3A_125] : memref<10240x128xf32, #tpu.memory_space<vmem_shared>> -> memref<10240x128xf32, #tpu.memory_space<vmem_shared>>
      tpu.enqueue_indirect_dma source(%arg17 : memref<64x128xf32, #tpu.memory_space<vmem>>) target(%dma_start3A_126 : memref<10240x128xf32, #tpu.memory_space<vmem_shared>>) offsets(%arg19 : memref<64xi32, #tpu.memory_space<vmem>>) semaphore(%arg29 : memref<!tpu.dma_semaphore, #tpu.memory_space<semaphore_mem>>) {add = true}
      %lt3A = arith.constant 79 : i32
      %lt3A_127 = arith.cmpi slt, %scan3A_59, %lt3A : i32
      %convert_element_type3A_128 = arith.extui %lt3A_127 : i1 to i32
      %cond3A_129 = arith.constant 0 : i32
      %cond3A_130 = arith.cmpi ne, %convert_element_type3A_128, %cond3A_129 : i32
      scf.if %cond3A_130 {
        %add3A_184 = arith.constant 2 : i32
        %add3A_185 = arith.addi %mul3A_61, %add3A_184 : i32
        %mul3A_186 = arith.constant 64 : i32
        %mul3A_187 = arith.muli %add3A_185, %mul3A_186 : i32
        %add3A_188 = arith.addi %mul3A_2, %mul3A_187 : i32
        %multiple_of3A_189 = tpu.assume_multiple %add3A_188, 8 : i32
        %dma_start3A_190 = tpu.memref_slice %arg4[%multiple_of3A_189] : memref<327680xi32, #tpu.memory_space<hbm>> -> memref<64xi32, #tpu.memory_space<hbm>>
        %dma_start3A_191 = tpu.memref_slice %arg4[%multiple_of3A_189] : memref<327680xi32, #tpu.memory_space<hbm>> -> memref<64xi32, #tpu.memory_space<hbm>>
        tpu.enqueue_dma source(%dma_start3A_191 : memref<64xi32, #tpu.memory_space<hbm>>) target(%arg9 : memref<64xi32, #tpu.memory_space<vmem>>) target_semaphore(%arg27 : memref<!tpu.dma_semaphore, #tpu.memory_space<semaphore_mem>>)
        %dma_start3A_192 = tpu.memref_slice %arg6[%multiple_of3A_189] : memref<327680xi32, #tpu.memory_space<hbm>> -> memref<64xi32, #tpu.memory_space<hbm>>
        %dma_start3A_193 = tpu.memref_slice %arg6[%multiple_of3A_189] : memref<327680xi32, #tpu.memory_space<hbm>> -> memref<64xi32, #tpu.memory_space<hbm>>
        tpu.enqueue_dma source(%dma_start3A_193 : memref<64xi32, #tpu.memory_space<hbm>>) target(%arg11 : memref<64xi32, #tpu.memory_space<vmem>>) target_semaphore(%arg27 : memref<!tpu.dma_semaphore, #tpu.memory_space<semaphore_mem>>)
        %dma_start3A_194 = tpu.memref_slice %arg5[%multiple_of3A_189] : memref<327680xi32, #tpu.memory_space<hbm>> -> memref<64xi32, #tpu.memory_space<hbm>>
        %dma_start3A_195 = tpu.memref_slice %arg5[%multiple_of3A_189] : memref<327680xi32, #tpu.memory_space<hbm>> -> memref<64xi32, #tpu.memory_space<hbm>>
        tpu.enqueue_dma source(%dma_start3A_195 : memref<64xi32, #tpu.memory_space<hbm>>) target(%arg13 : memref<64xi32, #tpu.memory_space<vmem>>) target_semaphore(%arg27 : memref<!tpu.dma_semaphore, #tpu.memory_space<semaphore_mem>>)
      } else {
      }
      %dma_wait3A_131 = arith.constant 0 : i32
      %dma_wait3A_132 = arith.constant 0 : i32
      %dma_wait3A_133 = tpu.memref_slice %arg2[%dma_wait3A_131, %dma_wait3A_132] : memref<10240x128xf32, #tpu.memory_space<hbm>> -> memref<10240x128xf32, #tpu.memory_space<hbm>>
      tpu.wait_indirect_dma semaphore(%arg24 : memref<!tpu.dma_semaphore, #tpu.memory_space<semaphore_mem>>) src(%dma_wait3A_133 : memref<10240x128xf32, #tpu.memory_space<hbm>>) dst(%arg16 : memref<64x128xf32, #tpu.memory_space<vmem>>)
      %dma_wait3A_134 = arith.constant 0 : i32
      %dma_wait3A_135 = arith.constant 0 : i32
      %dma_wait3A_136 = tpu.memref_slice %arg22[%dma_wait3A_134, %dma_wait3A_135] : memref<64x128xf32, #tpu.memory_space<vmem_shared>> -> memref<64x128xf32, #tpu.memory_space<vmem_shared>>
      tpu.wait_indirect_dma semaphore(%arg26 : memref<!tpu.dma_semaphore, #tpu.memory_space<semaphore_mem>>) src(%dma_wait3A_136 : memref<64x128xf32, #tpu.memory_space<vmem_shared>>) dst(%arg18 : memref<64x128xf32, #tpu.memory_space<vmem>>)
      %lt3A_137 = arith.constant 79 : i32
      %lt3A_138 = arith.cmpi slt, %scan3A_59, %lt3A_137 : i32
      %convert_element_type3A_139 = arith.extui %lt3A_138 : i1 to i32
      %cond3A_140 = arith.constant 0 : i32
      %cond3A_141 = arith.cmpi ne, %convert_element_type3A_139, %cond3A_140 : i32
      scf.if %cond3A_141 {
        %add3A_184 = arith.constant 2 : i32
        %add3A_185 = arith.addi %mul3A_61, %add3A_184 : i32
        %mul3A_186 = arith.constant 64 : i32
        %mul3A_187 = arith.muli %add3A_185, %mul3A_186 : i32
        %add3A_188 = arith.addi %mul3A_2, %mul3A_187 : i32
        %multiple_of3A_189 = tpu.assume_multiple %add3A_188, 8 : i32
        %dma_wait3A_190 = tpu.memref_slice %arg4[%multiple_of3A_189] : memref<327680xi32, #tpu.memory_space<hbm>> -> memref<64xi32, #tpu.memory_space<hbm>>
        %dma_wait3A_191 = tpu.memref_slice %arg4[%multiple_of3A_189] : memref<327680xi32, #tpu.memory_space<hbm>> -> memref<64xi32, #tpu.memory_space<hbm>>
        tpu.wait_dma2 semaphore(%arg27 : memref<!tpu.dma_semaphore, #tpu.memory_space<semaphore_mem>>) src(%dma_wait3A_191 : memref<64xi32, #tpu.memory_space<hbm>>) dst(%arg9 : memref<64xi32, #tpu.memory_space<vmem>>)
        %dma_wait3A_192 = tpu.memref_slice %arg6[%multiple_of3A_189] : memref<327680xi32, #tpu.memory_space<hbm>> -> memref<64xi32, #tpu.memory_space<hbm>>
        %dma_wait3A_193 = tpu.memref_slice %arg6[%multiple_of3A_189] : memref<327680xi32, #tpu.memory_space<hbm>> -> memref<64xi32, #tpu.memory_space<hbm>>
        tpu.wait_dma2 semaphore(%arg27 : memref<!tpu.dma_semaphore, #tpu.memory_space<semaphore_mem>>) src(%dma_wait3A_193 : memref<64xi32, #tpu.memory_space<hbm>>) dst(%arg11 : memref<64xi32, #tpu.memory_space<vmem>>)
        %dma_wait3A_194 = tpu.memref_slice %arg5[%multiple_of3A_189] : memref<327680xi32, #tpu.memory_space<hbm>> -> memref<64xi32, #tpu.memory_space<hbm>>
        %dma_wait3A_195 = tpu.memref_slice %arg5[%multiple_of3A_189] : memref<327680xi32, #tpu.memory_space<hbm>> -> memref<64xi32, #tpu.memory_space<hbm>>
        tpu.wait_dma2 semaphore(%arg27 : memref<!tpu.dma_semaphore, #tpu.memory_space<semaphore_mem>>) src(%dma_wait3A_195 : memref<64xi32, #tpu.memory_space<hbm>>) dst(%arg13 : memref<64xi32, #tpu.memory_space<vmem>>)
        %dma_wait3A_196 = arith.constant 0 : i32
        %dma_wait3A_197 = arith.constant 0 : i32
        %dma_wait3A_198 = tpu.memref_slice %arg21[%dma_wait3A_196, %dma_wait3A_197] : memref<10240x128xf32, #tpu.memory_space<vmem_shared>> -> memref<10240x128xf32, #tpu.memory_space<vmem_shared>>
        tpu.wait_indirect_dma semaphore(%arg29 : memref<!tpu.dma_semaphore, #tpu.memory_space<semaphore_mem>>) src(%arg17 : memref<64x128xf32, #tpu.memory_space<vmem>>) dst(%dma_wait3A_198 : memref<10240x128xf32, #tpu.memory_space<vmem_shared>>)
        %dma_start3A_199 = arith.constant 0 : i32
        %dma_start3A_200 = arith.constant 0 : i32
        %dma_start3A_201 = tpu.memref_slice %arg2[%dma_start3A_199, %dma_start3A_200] : memref<10240x128xf32, #tpu.memory_space<hbm>> -> memref<10240x128xf32, #tpu.memory_space<hbm>>
        tpu.enqueue_indirect_dma source(%dma_start3A_201 : memref<10240x128xf32, #tpu.memory_space<hbm>>) target(%arg15 : memref<64x128xf32, #tpu.memory_space<vmem>>) offsets(%arg9 : memref<64xi32, #tpu.memory_space<vmem>>) semaphore(%arg23 : memref<!tpu.dma_semaphore, #tpu.memory_space<semaphore_mem>>)
        %dma_start3A_202 = arith.constant 0 : i32
        %dma_start3A_203 = arith.constant 0 : i32
        %dma_start3A_204 = tpu.memref_slice %arg22[%dma_start3A_202, %dma_start3A_203] : memref<64x128xf32, #tpu.memory_space<vmem_shared>> -> memref<64x128xf32, #tpu.memory_space<vmem_shared>>
        tpu.enqueue_indirect_dma source(%dma_start3A_204 : memref<64x128xf32, #tpu.memory_space<vmem_shared>>) target(%arg17 : memref<64x128xf32, #tpu.memory_space<vmem>>) offsets(%arg11 : memref<64xi32, #tpu.memory_space<vmem>>) semaphore(%arg25 : memref<!tpu.dma_semaphore, #tpu.memory_space<semaphore_mem>>)
      } else {
      }
      %scan3A_142 = arith.constant 0 : i32
      %scan3A_143 = arith.constant 0 : i32
      %scan3A_144 = arith.constant 64 : i32
      %scan3A_145 = arith.addi %scan3A_143, %scan3A_144 : i32
      %scan3A_146 = arith.constant 1 : i32
      scf.for %scan3A_184 = %scan3A_143 to %scan3A_145 step %scan3A_146  : i32 {
        %get3A_185 = arith.index_cast %scan3A_184 : i32 to index
        %get3A_186 = arith.constant 0 : index
        %get3A_187 = tpu.vector_load %arg16[%get3A_185, %get3A_186] {strides = array<i32>} : memref<64x128xf32, #tpu.memory_space<vmem>>, vector<1x16xf32>,
        %get3A_188 = vector.shape_cast %get3A_187 : vector<1x16xf32> to vector<16xf32>
        %get3A_189 = arith.index_cast %scan3A_184 : i32 to index
        %get3A_190 = arith.constant 0 : index
        %get3A_191 = tpu.vector_load %arg18[%get3A_189, %get3A_190] {strides = array<i32>} : memref<64x128xf32, #tpu.memory_space<vmem>>, vector<1x16xf32>,
        %get3A_192 = vector.shape_cast %get3A_191 : vector<1x16xf32> to vector<16xf32>
        %add3A_193 = arith.addf %get3A_188, %get3A_192 : vector<16xf32>
        %max3A = arith.constant 0.000000e+00 : f32
        %max3A_194 = vector.broadcast %max3A : f32 to vector<16xf32>
        %max3A_195 = arith.maximumf %add3A_193, %max3A_194 : vector<16xf32>
        %swap3A_196 = arith.index_cast %scan3A_184 : i32 to index
        %swap3A_197 = arith.constant 0 : index
        %swap3A_198 = tpu.vector_load %arg18[%swap3A_196, %swap3A_197] {strides = array<i32>} : memref<64x128xf32, #tpu.memory_space<vmem>>, vector<1x16xf32>,
        %swap3A_199 = vector.shape_cast %swap3A_198 : vector<1x16xf32> to vector<16xf32>
        %swap3A_200 = vector.shape_cast %max3A_195 : vector<16xf32> to vector<1x16xf32>
        tpu.vector_store %arg18[%swap3A_196, %swap3A_197], %swap3A_200 {strides = array<i32>} : memref<64x128xf32, #tpu.memory_space<vmem>>, vector<1x16xf32>,
        %get3A_201 = arith.index_cast %scan3A_184 : i32 to index
        %get3A_202 = arith.constant 16 : index
        %get3A_203 = tpu.vector_load %arg16[%get3A_201, %get3A_202] {strides = array<i32>} : memref<64x128xf32, #tpu.memory_space<vmem>>, vector<1x16xf32>,
        %get3A_204 = vector.shape_cast %get3A_203 : vector<1x16xf32> to vector<16xf32>
        %get3A_205 = arith.index_cast %scan3A_184 : i32 to index
        %get3A_206 = arith.constant 16 : index
        %get3A_207 = tpu.vector_load %arg18[%get3A_205, %get3A_206] {strides = array<i32>} : memref<64x128xf32, #tpu.memory_space<vmem>>, vector<1x16xf32>,
        %get3A_208 = vector.shape_cast %get3A_207 : vector<1x16xf32> to vector<16xf32>
        %add3A_209 = arith.addf %get3A_204, %get3A_208 : vector<16xf32>
        %max3A_210 = arith.constant 0.000000e+00 : f32
        %max3A_211 = vector.broadcast %max3A_210 : f32 to vector<16xf32>
        %max3A_212 = arith.maximumf %add3A_209, %max3A_211 : vector<16xf32>
        %swap3A_213 = arith.index_cast %scan3A_184 : i32 to index
        %swap3A_214 = arith.constant 16 : index
        %swap3A_215 = tpu.vector_load %arg18[%swap3A_213, %swap3A_214] {strides = array<i32>} : memref<64x128xf32, #tpu.memory_space<vmem>>, vector<1x16xf32>,
        %swap3A_216 = vector.shape_cast %swap3A_215 : vector<1x16xf32> to vector<16xf32>
        %swap3A_217 = vector.shape_cast %max3A_212 : vector<16xf32> to vector<1x16xf32>
        tpu.vector_store %arg18[%swap3A_213, %swap3A_214], %swap3A_217 {strides = array<i32>} : memref<64x128xf32, #tpu.memory_space<vmem>>, vector<1x16xf32>,
        %get3A_218 = arith.index_cast %scan3A_184 : i32 to index
        %get3A_219 = arith.constant 32 : index
        %get3A_220 = tpu.vector_load %arg16[%get3A_218, %get3A_219] {strides = array<i32>} : memref<64x128xf32, #tpu.memory_space<vmem>>, vector<1x16xf32>,
        %get3A_221 = vector.shape_cast %get3A_220 : vector<1x16xf32> to vector<16xf32>
        %get3A_222 = arith.index_cast %scan3A_184 : i32 to index
        %get3A_223 = arith.constant 32 : index
        %get3A_224 = tpu.vector_load %arg18[%get3A_222, %get3A_223] {strides = array<i32>} : memref<64x128xf32, #tpu.memory_space<vmem>>, vector<1x16xf32>,
        %get3A_225 = vector.shape_cast %get3A_224 : vector<1x16xf32> to vector<16xf32>
        %add3A_226 = arith.addf %get3A_221, %get3A_225 : vector<16xf32>
        %max3A_227 = arith.constant 0.000000e+00 : f32
        %max3A_228 = vector.broadcast %max3A_227 : f32 to vector<16xf32>
        %max3A_229 = arith.maximumf %add3A_226, %max3A_228 : vector<16xf32>
        %swap3A_230 = arith.index_cast %scan3A_184 : i32 to index
        %swap3A_231 = arith.constant 32 : index
        %swap3A_232 = tpu.vector_load %arg18[%swap3A_230, %swap3A_231] {strides = array<i32>} : memref<64x128xf32, #tpu.memory_space<vmem>>, vector<1x16xf32>,
        %swap3A_233 = vector.shape_cast %swap3A_232 : vector<1x16xf32> to vector<16xf32>
        %swap3A_234 = vector.shape_cast %max3A_229 : vector<16xf32> to vector<1x16xf32>
        tpu.vector_store %arg18[%swap3A_230, %swap3A_231], %swap3A_234 {strides = array<i32>} : memref<64x128xf32, #tpu.memory_space<vmem>>, vector<1x16xf32>,
        %get3A_235 = arith.index_cast %scan3A_184 : i32 to index
        %get3A_236 = arith.constant 48 : index
        %get3A_237 = tpu.vector_load %arg16[%get3A_235, %get3A_236] {strides = array<i32>} : memref<64x128xf32, #tpu.memory_space<vmem>>, vector<1x16xf32>,
        %get3A_238 = vector.shape_cast %get3A_237 : vector<1x16xf32> to vector<16xf32>
        %get3A_239 = arith.index_cast %scan3A_184 : i32 to index
        %get3A_240 = arith.constant 48 : index
        %get3A_241 = tpu.vector_load %arg18[%get3A_239, %get3A_240] {strides = array<i32>} : memref<64x128xf32, #tpu.memory_space<vmem>>, vector<1x16xf32>,
        %get3A_242 = vector.shape_cast %get3A_241 : vector<1x16xf32> to vector<16xf32>
        %add3A_243 = arith.addf %get3A_238, %get3A_242 : vector<16xf32>
        %max3A_244 = arith.constant 0.000000e+00 : f32
        %max3A_245 = vector.broadcast %max3A_244 : f32 to vector<16xf32>
        %max3A_246 = arith.maximumf %add3A_243, %max3A_245 : vector<16xf32>
        %swap3A_247 = arith.index_cast %scan3A_184 : i32 to index
        %swap3A_248 = arith.constant 48 : index
        %swap3A_249 = tpu.vector_load %arg18[%swap3A_247, %swap3A_248] {strides = array<i32>} : memref<64x128xf32, #tpu.memory_space<vmem>>, vector<1x16xf32>,
        %swap3A_250 = vector.shape_cast %swap3A_249 : vector<1x16xf32> to vector<16xf32>
        %swap3A_251 = vector.shape_cast %max3A_246 : vector<16xf32> to vector<1x16xf32>
        tpu.vector_store %arg18[%swap3A_247, %swap3A_248], %swap3A_251 {strides = array<i32>} : memref<64x128xf32, #tpu.memory_space<vmem>>, vector<1x16xf32>,
        %get3A_252 = arith.index_cast %scan3A_184 : i32 to index
        %get3A_253 = arith.constant 64 : index
        %get3A_254 = tpu.vector_load %arg16[%get3A_252, %get3A_253] {strides = array<i32>} : memref<64x128xf32, #tpu.memory_space<vmem>>, vector<1x16xf32>,
        %get3A_255 = vector.shape_cast %get3A_254 : vector<1x16xf32> to vector<16xf32>
        %get3A_256 = arith.index_cast %scan3A_184 : i32 to index
        %get3A_257 = arith.constant 64 : index
        %get3A_258 = tpu.vector_load %arg18[%get3A_256, %get3A_257] {strides = array<i32>} : memref<64x128xf32, #tpu.memory_space<vmem>>, vector<1x16xf32>,
        %get3A_259 = vector.shape_cast %get3A_258 : vector<1x16xf32> to vector<16xf32>
        %add3A_260 = arith.addf %get3A_255, %get3A_259 : vector<16xf32>
        %max3A_261 = arith.constant 0.000000e+00 : f32
        %max3A_262 = vector.broadcast %max3A_261 : f32 to vector<16xf32>
        %max3A_263 = arith.maximumf %add3A_260, %max3A_262 : vector<16xf32>
        %swap3A_264 = arith.index_cast %scan3A_184 : i32 to index
        %swap3A_265 = arith.constant 64 : index
        %swap3A_266 = tpu.vector_load %arg18[%swap3A_264, %swap3A_265] {strides = array<i32>} : memref<64x128xf32, #tpu.memory_space<vmem>>, vector<1x16xf32>,
        %swap3A_267 = vector.shape_cast %swap3A_266 : vector<1x16xf32> to vector<16xf32>
        %swap3A_268 = vector.shape_cast %max3A_263 : vector<16xf32> to vector<1x16xf32>
        tpu.vector_store %arg18[%swap3A_264, %swap3A_265], %swap3A_268 {strides = array<i32>} : memref<64x128xf32, #tpu.memory_space<vmem>>, vector<1x16xf32>,
        %get3A_269 = arith.index_cast %scan3A_184 : i32 to index
        %get3A_270 = arith.constant 80 : index
        %get3A_271 = tpu.vector_load %arg16[%get3A_269, %get3A_270] {strides = array<i32>} : memref<64x128xf32, #tpu.memory_space<vmem>>, vector<1x16xf32>,
        %get3A_272 = vector.shape_cast %get3A_271 : vector<1x16xf32> to vector<16xf32>
        %get3A_273 = arith.index_cast %scan3A_184 : i32 to index
        %get3A_274 = arith.constant 80 : index
        %get3A_275 = tpu.vector_load %arg18[%get3A_273, %get3A_274] {strides = array<i32>} : memref<64x128xf32, #tpu.memory_space<vmem>>, vector<1x16xf32>,
        %get3A_276 = vector.shape_cast %get3A_275 : vector<1x16xf32> to vector<16xf32>
        %add3A_277 = arith.addf %get3A_272, %get3A_276 : vector<16xf32>
        %max3A_278 = arith.constant 0.000000e+00 : f32
        %max3A_279 = vector.broadcast %max3A_278 : f32 to vector<16xf32>
        %max3A_280 = arith.maximumf %add3A_277, %max3A_279 : vector<16xf32>
        %swap3A_281 = arith.index_cast %scan3A_184 : i32 to index
        %swap3A_282 = arith.constant 80 : index
        %swap3A_283 = tpu.vector_load %arg18[%swap3A_281, %swap3A_282] {strides = array<i32>} : memref<64x128xf32, #tpu.memory_space<vmem>>, vector<1x16xf32>,
        %swap3A_284 = vector.shape_cast %swap3A_283 : vector<1x16xf32> to vector<16xf32>
        %swap3A_285 = vector.shape_cast %max3A_280 : vector<16xf32> to vector<1x16xf32>
        tpu.vector_store %arg18[%swap3A_281, %swap3A_282], %swap3A_285 {strides = array<i32>} : memref<64x128xf32, #tpu.memory_space<vmem>>, vector<1x16xf32>,
        %get3A_286 = arith.index_cast %scan3A_184 : i32 to index
        %get3A_287 = arith.constant 96 : index
        %get3A_288 = tpu.vector_load %arg16[%get3A_286, %get3A_287] {strides = array<i32>} : memref<64x128xf32, #tpu.memory_space<vmem>>, vector<1x16xf32>,
        %get3A_289 = vector.shape_cast %get3A_288 : vector<1x16xf32> to vector<16xf32>
        %get3A_290 = arith.index_cast %scan3A_184 : i32 to index
        %get3A_291 = arith.constant 96 : index
        %get3A_292 = tpu.vector_load %arg18[%get3A_290, %get3A_291] {strides = array<i32>} : memref<64x128xf32, #tpu.memory_space<vmem>>, vector<1x16xf32>,
        %get3A_293 = vector.shape_cast %get3A_292 : vector<1x16xf32> to vector<16xf32>
        %add3A_294 = arith.addf %get3A_289, %get3A_293 : vector<16xf32>
        %max3A_295 = arith.constant 0.000000e+00 : f32
        %max3A_296 = vector.broadcast %max3A_295 : f32 to vector<16xf32>
        %max3A_297 = arith.maximumf %add3A_294, %max3A_296 : vector<16xf32>
        %swap3A_298 = arith.index_cast %scan3A_184 : i32 to index
        %swap3A_299 = arith.constant 96 : index
        %swap3A_300 = tpu.vector_load %arg18[%swap3A_298, %swap3A_299] {strides = array<i32>} : memref<64x128xf32, #tpu.memory_space<vmem>>, vector<1x16xf32>,
        %swap3A_301 = vector.shape_cast %swap3A_300 : vector<1x16xf32> to vector<16xf32>
        %swap3A_302 = vector.shape_cast %max3A_297 : vector<16xf32> to vector<1x16xf32>
        tpu.vector_store %arg18[%swap3A_298, %swap3A_299], %swap3A_302 {strides = array<i32>} : memref<64x128xf32, #tpu.memory_space<vmem>>, vector<1x16xf32>,
        %get3A_303 = arith.index_cast %scan3A_184 : i32 to index
        %get3A_304 = arith.constant 112 : index
        %get3A_305 = tpu.vector_load %arg16[%get3A_303, %get3A_304] {strides = array<i32>} : memref<64x128xf32, #tpu.memory_space<vmem>>, vector<1x16xf32>,
        %get3A_306 = vector.shape_cast %get3A_305 : vector<1x16xf32> to vector<16xf32>
        %get3A_307 = arith.index_cast %scan3A_184 : i32 to index
        %get3A_308 = arith.constant 112 : index
        %get3A_309 = tpu.vector_load %arg18[%get3A_307, %get3A_308] {strides = array<i32>} : memref<64x128xf32, #tpu.memory_space<vmem>>, vector<1x16xf32>,
        %get3A_310 = vector.shape_cast %get3A_309 : vector<1x16xf32> to vector<16xf32>
        %add3A_311 = arith.addf %get3A_306, %get3A_310 : vector<16xf32>
        %max3A_312 = arith.constant 0.000000e+00 : f32
        %max3A_313 = vector.broadcast %max3A_312 : f32 to vector<16xf32>
        %max3A_314 = arith.maximumf %add3A_311, %max3A_313 : vector<16xf32>
        %swap3A_315 = arith.index_cast %scan3A_184 : i32 to index
        %swap3A_316 = arith.constant 112 : index
        %swap3A_317 = tpu.vector_load %arg18[%swap3A_315, %swap3A_316] {strides = array<i32>} : memref<64x128xf32, #tpu.memory_space<vmem>>, vector<1x16xf32>,
        %swap3A_318 = vector.shape_cast %swap3A_317 : vector<1x16xf32> to vector<16xf32>
        %swap3A_319 = vector.shape_cast %max3A_314 : vector<16xf32> to vector<1x16xf32>
        tpu.vector_store %arg18[%swap3A_315, %swap3A_316], %swap3A_319 {strides = array<i32>} : memref<64x128xf32, #tpu.memory_space<vmem>>, vector<1x16xf32>,
      }
      %scan3A_147 = arith.constant 64 : i32
      %get3A_148 = arith.constant 0 : index
      %get3A_149 = tpu.vector_load %arg14[%get3A_148] {strides = array<i32>} : memref<64xi32, #tpu.memory_space<vmem>>, vector<16xi32>,
      %get3A_150 = vector.shape_cast %get3A_149 : vector<16xi32> to vector<16xi32>
      %swap3A_151 = arith.constant 0 : index
      %swap3A_152 = tpu.vector_load %arg20[%swap3A_151] {strides = array<i32>} : memref<64xi32, #tpu.memory_space<vmem>>, vector<16xi32>,
      %swap3A_153 = vector.shape_cast %swap3A_152 : vector<16xi32> to vector<16xi32>
      %swap3A_154 = vector.shape_cast %get3A_150 : vector<16xi32> to vector<16xi32>
      tpu.vector_store %arg20[%swap3A_151], %swap3A_154 {strides = array<i32>} : memref<64xi32, #tpu.memory_space<vmem>>, vector<16xi32>,
      %get3A_155 = arith.constant 16 : index
      %get3A_156 = tpu.vector_load %arg14[%get3A_155] {strides = array<i32>} : memref<64xi32, #tpu.memory_space<vmem>>, vector<16xi32>,
      %get3A_157 = vector.shape_cast %get3A_156 : vector<16xi32> to vector<16xi32>
      %swap3A_158 = arith.constant 16 : index
      %swap3A_159 = tpu.vector_load %arg20[%swap3A_158] {strides = array<i32>} : memref<64xi32, #tpu.memory_space<vmem>>, vector<16xi32>,
      %swap3A_160 = vector.shape_cast %swap3A_159 : vector<16xi32> to vector<16xi32>
      %swap3A_161 = vector.shape_cast %get3A_157 : vector<16xi32> to vector<16xi32>
      tpu.vector_store %arg20[%swap3A_158], %swap3A_161 {strides = array<i32>} : memref<64xi32, #tpu.memory_space<vmem>>, vector<16xi32>,
      %get3A_162 = arith.constant 32 : index
      %get3A_163 = tpu.vector_load %arg14[%get3A_162] {strides = array<i32>} : memref<64xi32, #tpu.memory_space<vmem>>, vector<16xi32>,
      %get3A_164 = vector.shape_cast %get3A_163 : vector<16xi32> to vector<16xi32>
      %swap3A_165 = arith.constant 32 : index
      %swap3A_166 = tpu.vector_load %arg20[%swap3A_165] {strides = array<i32>} : memref<64xi32, #tpu.memory_space<vmem>>, vector<16xi32>,
      %swap3A_167 = vector.shape_cast %swap3A_166 : vector<16xi32> to vector<16xi32>
      %swap3A_168 = vector.shape_cast %get3A_164 : vector<16xi32> to vector<16xi32>
      tpu.vector_store %arg20[%swap3A_165], %swap3A_168 {strides = array<i32>} : memref<64xi32, #tpu.memory_space<vmem>>, vector<16xi32>,
      %get3A_169 = arith.constant 48 : index
      %get3A_170 = tpu.vector_load %arg14[%get3A_169] {strides = array<i32>} : memref<64xi32, #tpu.memory_space<vmem>>, vector<16xi32>,
      %get3A_171 = vector.shape_cast %get3A_170 : vector<16xi32> to vector<16xi32>
      %swap3A_172 = arith.constant 48 : index
      %swap3A_173 = tpu.vector_load %arg20[%swap3A_172] {strides = array<i32>} : memref<64xi32, #tpu.memory_space<vmem>>, vector<16xi32>,
      %swap3A_174 = vector.shape_cast %swap3A_173 : vector<16xi32> to vector<16xi32>
      %swap3A_175 = vector.shape_cast %get3A_171 : vector<16xi32> to vector<16xi32>
      tpu.vector_store %arg20[%swap3A_172], %swap3A_175 {strides = array<i32>} : memref<64xi32, #tpu.memory_space<vmem>>, vector<16xi32>,
      %dma_start3A_176 = arith.constant 0 : i32
      %dma_start3A_177 = arith.constant 0 : i32
      %dma_start3A_178 = tpu.memref_slice %arg21[%dma_start3A_176, %dma_start3A_177] : memref<10240x128xf32, #tpu.memory_space<vmem_shared>> -> memref<10240x128xf32, #tpu.memory_space<vmem_shared>>
      tpu.enqueue_indirect_dma source(%arg18 : memref<64x128xf32, #tpu.memory_space<vmem>>) target(%dma_start3A_178 : memref<10240x128xf32, #tpu.memory_space<vmem_shared>>) offsets(%arg20 : memref<64xi32, #tpu.memory_space<vmem>>) semaphore(%arg30 : memref<!tpu.dma_semaphore, #tpu.memory_space<semaphore_mem>>) {add = true}
      %lt3A_179 = arith.constant 79 : i32
      %lt3A_180 = arith.cmpi slt, %scan3A_59, %lt3A_179 : i32
      %convert_element_type3A_181 = arith.extui %lt3A_180 : i1 to i32
      %cond3A_182 = arith.constant 0 : i32
      %cond3A_183 = arith.cmpi ne, %convert_element_type3A_181, %cond3A_182 : i32
      scf.if %cond3A_183 {
        %add3A_184 = arith.constant 2 : i32
        %add3A_185 = arith.addi %add3A_65, %add3A_184 : i32
        %mul3A_186 = arith.constant 64 : i32
        %mul3A_187 = arith.muli %add3A_185, %mul3A_186 : i32
        %add3A_188 = arith.addi %mul3A_2, %mul3A_187 : i32
        %multiple_of3A_189 = tpu.assume_multiple %add3A_188, 8 : i32
        %dma_start3A_190 = tpu.memref_slice %arg4[%multiple_of3A_189] : memref<327680xi32, #tpu.memory_space<hbm>> -> memref<64xi32, #tpu.memory_space<hbm>>
        %dma_start3A_191 = tpu.memref_slice %arg4[%multiple_of3A_189] : memref<327680xi32, #tpu.memory_space<hbm>> -> memref<64xi32, #tpu.memory_space<hbm>>
        tpu.enqueue_dma source(%dma_start3A_191 : memref<64xi32, #tpu.memory_space<hbm>>) target(%arg10 : memref<64xi32, #tpu.memory_space<vmem>>) target_semaphore(%arg28 : memref<!tpu.dma_semaphore, #tpu.memory_space<semaphore_mem>>)
        %dma_start3A_192 = tpu.memref_slice %arg6[%multiple_of3A_189] : memref<327680xi32, #tpu.memory_space<hbm>> -> memref<64xi32, #tpu.memory_space<hbm>>
        %dma_start3A_193 = tpu.memref_slice %arg6[%multiple_of3A_189] : memref<327680xi32, #tpu.memory_space<hbm>> -> memref<64xi32, #tpu.memory_space<hbm>>
        tpu.enqueue_dma source(%dma_start3A_193 : memref<64xi32, #tpu.memory_space<hbm>>) target(%arg12 : memref<64xi32, #tpu.memory_space<vmem>>) target_semaphore(%arg28 : memref<!tpu.dma_semaphore, #tpu.memory_space<semaphore_mem>>)
        %dma_start3A_194 = tpu.memref_slice %arg5[%multiple_of3A_189] : memref<327680xi32, #tpu.memory_space<hbm>> -> memref<64xi32, #tpu.memory_space<hbm>>
        %dma_start3A_195 = tpu.memref_slice %arg5[%multiple_of3A_189] : memref<327680xi32, #tpu.memory_space<hbm>> -> memref<64xi32, #tpu.memory_space<hbm>>
        tpu.enqueue_dma source(%dma_start3A_195 : memref<64xi32, #tpu.memory_space<hbm>>) target(%arg14 : memref<64xi32, #tpu.memory_space<vmem>>) target_semaphore(%arg28 : memref<!tpu.dma_semaphore, #tpu.memory_space<semaphore_mem>>)
      } else {
      }
    }
    %scan3A_45 = arith.constant 80 : i32
    %dma_wait3A_46 = arith.constant 0 : i32
    %dma_wait3A_47 = arith.constant 0 : i32
    %dma_wait3A_48 = tpu.memref_slice %arg21[%dma_wait3A_46, %dma_wait3A_47] : memref<10240x128xf32, #tpu.memory_space<vmem_shared>> -> memref<10240x128xf32, #tpu.memory_space<vmem_shared>>
    tpu.wait_indirect_dma semaphore(%arg29 : memref<!tpu.dma_semaphore, #tpu.memory_space<semaphore_mem>>) src(%arg17 : memref<64x128xf32, #tpu.memory_space<vmem>>) dst(%dma_wait3A_48 : memref<10240x128xf32, #tpu.memory_space<vmem_shared>>)
    %dma_wait3A_49 = arith.constant 0 : i32
    %dma_wait3A_50 = arith.constant 0 : i32
    %dma_wait3A_51 = tpu.memref_slice %arg21[%dma_wait3A_49, %dma_wait3A_50] : memref<10240x128xf32, #tpu.memory_space<vmem_shared>> -> memref<10240x128xf32, #tpu.memory_space<vmem_shared>>
    tpu.wait_indirect_dma semaphore(%arg30 : memref<!tpu.dma_semaphore, #tpu.memory_space<semaphore_mem>>) src(%arg18 : memref<64x128xf32, #tpu.memory_space<vmem>>) dst(%dma_wait3A_51 : memref<10240x128xf32, #tpu.memory_space<vmem_shared>>)
    %barrier3A_52 = arith.constant 0 : index
    tpu.barrier barrier_id(%barrier3A_52)
    %scan3A_53 = arith.constant 0 : i32
    %scan3A_54 = arith.constant 0 : i32
    %scan3A_55 = arith.constant 5 : i32
    %scan3A_56 = arith.addi %scan3A_54, %scan3A_55 : i32
    %scan3A_57 = arith.constant 1 : i32
    scf.for %scan3A_59 = %scan3A_54 to %scan3A_56 step %scan3A_57  : i32 {
      %mul3A_60 = arith.constant 640 : i32
      %mul3A_61 = arith.muli %arg1, %mul3A_60 : i32
      %mul3A_62 = arith.constant 128 : i32
      %mul3A_63 = arith.muli %scan3A_59, %mul3A_62 : i32
      %add3A_64 = arith.addi %mul3A_61, %mul3A_63 : i32
      %multiple_of3A_65 = tpu.assume_multiple %add3A_64, 8 : i32
      "tpu.region"() ({
        %run_scoped3A = tpu.sem_alloc : memref<!tpu.dma_semaphore, #tpu.memory_space<semaphore_mem>>
        %dma_start3A_66 = arith.constant 0 : i32
        %dma_start3A_67 = tpu.memref_slice %arg8[%arg0, %multiple_of3A_65, %dma_start3A_66] : memref<2x10240x128xf32, #tpu.memory_space<hbm>> -> memref<1x128x128xf32, #tpu.memory_space<hbm>>
        %dma_start3A_68 = tpu.memref_squeeze %dma_start3A_67 : memref<1x128x128xf32, #tpu.memory_space<hbm>> -> memref<128x128xf32, #tpu.memory_space<hbm>>
        %dma_start3A_69 = arith.constant 0 : i32
        %dma_start3A_70 = tpu.memref_slice %arg21[%multiple_of3A_65, %dma_start3A_69] : memref<10240x128xf32, #tpu.memory_space<vmem_shared>> -> memref<128x128xf32, #tpu.memory_space<vmem_shared>>
        tpu.enqueue_dma source(%dma_start3A_70 : memref<128x128xf32, #tpu.memory_space<vmem_shared>>) target(%dma_start3A_68 : memref<128x128xf32, #tpu.memory_space<hbm>>) target_semaphore(%run_scoped3A : memref<!tpu.dma_semaphore, #tpu.memory_space<semaphore_mem>>)
        %dma_wait3A_71 = arith.constant 0 : i32
        %dma_wait3A_72 = tpu.memref_slice %arg8[%arg0, %multiple_of3A_65, %dma_wait3A_71] : memref<2x10240x128xf32, #tpu.memory_space<hbm>> -> memref<1x128x128xf32, #tpu.memory_space<hbm>>
        %dma_wait3A_73 = tpu.memref_squeeze %dma_wait3A_72 : memref<1x128x128xf32, #tpu.memory_space<hbm>> -> memref<128x128xf32, #tpu.memory_space<hbm>>
        %dma_wait3A_74 = arith.constant 0 : i32
        %dma_wait3A_75 = tpu.memref_slice %arg21[%multiple_of3A_65, %dma_wait3A_74] : memref<10240x128xf32, #tpu.memory_space<vmem_shared>> -> memref<128x128xf32, #tpu.memory_space<vmem_shared>>
        tpu.wait_dma2 semaphore(%run_scoped3A : memref<!tpu.dma_semaphore, #tpu.memory_space<semaphore_mem>>) src(%dma_wait3A_75 : memref<128x128xf32, #tpu.memory_space<vmem_shared>>) dst(%dma_wait3A_73 : memref<128x128xf32, #tpu.memory_space<hbm>>)
        tpu.yield
      }) : () -> ()
    }
    %scan3A_58 = arith.constant 5 : i32
    return
  }
}

#map = affine_map<(d0, d1) -> (0, 0)>
#map1 = affine_map<(d0, d1) -> (0)>
module attributes {stable_mosaic.version = 14 : i64} {
  func.func @k(%arg0: i32, %arg1: i32, %arg2: memref<100000x128xf32, #tpu.memory_space<hbm>>, %arg3: memref<10240xi32, #tpu.memory_space<hbm>>, %arg4: memref<10240x128xf32, #tpu.memory_space<hbm>>, %arg5: memref<64xi32, #tpu.memory_space<vmem>>, %arg6: memref<64x128xf32, #tpu.memory_space<vmem>>, %arg7: memref<!tpu.dma_semaphore, #tpu.memory_space<semaphore_mem>>) attributes {dimension_semantics = [#tpu.dimension_semantics<core_parallel>, #tpu.dimension_semantics<subcore_parallel>], iteration_bounds = array<i64: 2, 16>, scalar_prefetch = 0 : i64, scratch_operands = 3 : i64, tpu.core_type = #tpu.core_type<sc_vector_subcore>, window_params = [{transform_indices = #map}, {transform_indices = #map1}, {transform_indices = #map}]} {
    %mul3A = arith.constant 2 : i32
    %mul3A_0 = arith.muli %arg1, %mul3A : i32
    %add3A = arith.addi %mul3A_0, %arg0 : i32
    %mul3A_1 = arith.constant 320 : i32
    %mul3A_2 = arith.muli %add3A, %mul3A_1 : i32
    %scan3A = arith.constant 0 : i32
    %scan3A_3 = arith.constant 0 : i32
    %scan3A_4 = arith.constant 5 : i32
    %scan3A_5 = arith.addi %scan3A_3, %scan3A_4 : i32
    %scan3A_6 = arith.constant 1 : i32
    scf.for %scan3A_8 = %scan3A_3 to %scan3A_5 step %scan3A_6  : i32 {
      %mul3A_9 = arith.constant 64 : i32
      %mul3A_10 = arith.muli %scan3A_8, %mul3A_9 : i32
      %add3A_11 = arith.addi %mul3A_2, %mul3A_10 : i32
      %multiple_of3A = tpu.assume_multiple %add3A_11, 8 : i32
      "tpu.region"() ({
        %run_scoped3A = tpu.sem_alloc : memref<!tpu.dma_semaphore, #tpu.memory_space<semaphore_mem>>
        %dma_start3A_16 = tpu.memref_slice %arg3[%multiple_of3A] : memref<10240xi32, #tpu.memory_space<hbm>> -> memref<64xi32, #tpu.memory_space<hbm>>
        %dma_start3A_17 = tpu.memref_slice %arg3[%multiple_of3A] : memref<10240xi32, #tpu.memory_space<hbm>> -> memref<64xi32, #tpu.memory_space<hbm>>
        tpu.enqueue_dma source(%dma_start3A_17 : memref<64xi32, #tpu.memory_space<hbm>>) target(%arg5 : memref<64xi32, #tpu.memory_space<vmem>>) target_semaphore(%run_scoped3A : memref<!tpu.dma_semaphore, #tpu.memory_space<semaphore_mem>>)
        %dma_wait3A_18 = tpu.memref_slice %arg3[%multiple_of3A] : memref<10240xi32, #tpu.memory_space<hbm>> -> memref<64xi32, #tpu.memory_space<hbm>>
        %dma_wait3A_19 = tpu.memref_slice %arg3[%multiple_of3A] : memref<10240xi32, #tpu.memory_space<hbm>> -> memref<64xi32, #tpu.memory_space<hbm>>
        tpu.wait_dma2 semaphore(%run_scoped3A : memref<!tpu.dma_semaphore, #tpu.memory_space<semaphore_mem>>) src(%dma_wait3A_19 : memref<64xi32, #tpu.memory_space<hbm>>) dst(%arg5 : memref<64xi32, #tpu.memory_space<vmem>>)
        tpu.yield
      }) : () -> ()
      %dma_start3A = arith.constant 0 : i32
      %dma_start3A_12 = arith.constant 0 : i32
      %dma_start3A_13 = tpu.memref_slice %arg2[%dma_start3A, %dma_start3A_12] : memref<100000x128xf32, #tpu.memory_space<hbm>> -> memref<100000x128xf32, #tpu.memory_space<hbm>>
      tpu.enqueue_indirect_dma source(%dma_start3A_13 : memref<100000x128xf32, #tpu.memory_space<hbm>>) target(%arg6 : memref<64x128xf32, #tpu.memory_space<vmem>>) offsets(%arg5 : memref<64xi32, #tpu.memory_space<vmem>>) semaphore(%arg7 : memref<!tpu.dma_semaphore, #tpu.memory_space<semaphore_mem>>)
      %dma_wait3A = arith.constant 0 : i32
      %dma_wait3A_14 = arith.constant 0 : i32
      %dma_wait3A_15 = tpu.memref_slice %arg2[%dma_wait3A, %dma_wait3A_14] : memref<100000x128xf32, #tpu.memory_space<hbm>> -> memref<100000x128xf32, #tpu.memory_space<hbm>>
      tpu.wait_indirect_dma semaphore(%arg7 : memref<!tpu.dma_semaphore, #tpu.memory_space<semaphore_mem>>) src(%dma_wait3A_15 : memref<100000x128xf32, #tpu.memory_space<hbm>>) dst(%arg6 : memref<64x128xf32, #tpu.memory_space<vmem>>)
      "tpu.region"() ({
        %run_scoped3A = tpu.sem_alloc : memref<!tpu.dma_semaphore, #tpu.memory_space<semaphore_mem>>
        %dma_start3A_16 = arith.constant 0 : i32
        %dma_start3A_17 = tpu.memref_slice %arg4[%multiple_of3A, %dma_start3A_16] : memref<10240x128xf32, #tpu.memory_space<hbm>> -> memref<64x128xf32, #tpu.memory_space<hbm>>
        %dma_start3A_18 = arith.constant 0 : i32
        %dma_start3A_19 = tpu.memref_slice %arg4[%multiple_of3A, %dma_start3A_18] : memref<10240x128xf32, #tpu.memory_space<hbm>> -> memref<64x128xf32, #tpu.memory_space<hbm>>
        tpu.enqueue_dma source(%arg6 : memref<64x128xf32, #tpu.memory_space<vmem>>) target(%dma_start3A_19 : memref<64x128xf32, #tpu.memory_space<hbm>>) target_semaphore(%run_scoped3A : memref<!tpu.dma_semaphore, #tpu.memory_space<semaphore_mem>>)
        %dma_wait3A_20 = arith.constant 0 : i32
        %dma_wait3A_21 = tpu.memref_slice %arg4[%multiple_of3A, %dma_wait3A_20] : memref<10240x128xf32, #tpu.memory_space<hbm>> -> memref<64x128xf32, #tpu.memory_space<hbm>>
        %dma_wait3A_22 = arith.constant 0 : i32
        %dma_wait3A_23 = tpu.memref_slice %arg4[%multiple_of3A, %dma_wait3A_22] : memref<10240x128xf32, #tpu.memory_space<hbm>> -> memref<64x128xf32, #tpu.memory_space<hbm>>
        tpu.wait_dma2 semaphore(%run_scoped3A : memref<!tpu.dma_semaphore, #tpu.memory_space<semaphore_mem>>) src(%arg6 : memref<64x128xf32, #tpu.memory_space<vmem>>) dst(%dma_wait3A_23 : memref<64x128xf32, #tpu.memory_space<hbm>>)
        tpu.yield
      }) : () -> ()
    }
    %scan3A_7 = arith.constant 5 : i32
    return
  }
}

#map = affine_map<(d0, d1) -> (0, 0)>
#map1 = affine_map<(d0, d1) -> (0)>
module attributes {stable_mosaic.version = 14 : i64} {
  func.func @k(%arg0: i32, %arg1: i32, %arg2: memref<10240x64xf32, #tpu.memory_space<hbm>>, %arg3: memref<10240x64xf32, #tpu.memory_space<hbm>>, %arg4: memref<327680xi32, #tpu.memory_space<hbm>>, %arg5: memref<327680xi32, #tpu.memory_space<hbm>>, %arg6: memref<320000x64xf32, #tpu.memory_space<hbm>>, %arg7: memref<10240xi32, #tpu.memory_space<vmem>>, %arg8: memref<10240xi32, #tpu.memory_space<vmem>>, %arg9: memref<64x64xf32, #tpu.memory_space<vmem>>, %arg10: memref<64x64xf32, #tpu.memory_space<vmem>>, %arg11: memref<64x64xf32, #tpu.memory_space<vmem>>, %arg12: memref<64x64xf32, #tpu.memory_space<vmem>>, %arg13: memref<10240x64xf32, #tpu.memory_space<vmem_shared>>, %arg14: memref<10240x64xf32, #tpu.memory_space<vmem_shared>>, %arg15: memref<!tpu.dma_semaphore, #tpu.memory_space<semaphore_mem>>, %arg16: memref<!tpu.dma_semaphore, #tpu.memory_space<semaphore_mem>>, %arg17: memref<!tpu.dma_semaphore, #tpu.memory_space<semaphore_mem>>, %arg18: memref<!tpu.dma_semaphore, #tpu.memory_space<semaphore_mem>>, %arg19: memref<!tpu.dma_semaphore, #tpu.memory_space<semaphore_mem>>, %arg20: memref<!tpu.dma_semaphore, #tpu.memory_space<semaphore_mem>>) attributes {dimension_semantics = [#tpu.dimension_semantics<core_parallel>, #tpu.dimension_semantics<subcore_parallel>], iteration_bounds = array<i64: 2, 16>, scalar_prefetch = 0 : i64, scratch_operands = 14 : i64, tpu.core_type = #tpu.core_type<sc_vector_subcore>, window_params = [{transform_indices = #map}, {transform_indices = #map}, {transform_indices = #map1}, {transform_indices = #map1}, {transform_indices = #map}]} {
    %mul3A = arith.constant 2 : i32
    %mul3A_0 = arith.muli %arg1, %mul3A : i32
    %add3A = arith.addi %mul3A_0, %arg0 : i32
    %mul3A_1 = arith.constant 160 : i32
    %mul3A_2 = arith.muli %add3A, %mul3A_1 : i32
    %mul3A_3 = arith.constant 64 : i32
    %mul3A_4 = arith.muli %mul3A_2, %mul3A_3 : i32
    %mul3A_5 = arith.constant 640 : i32
    %mul3A_6 = arith.muli %arg1, %mul3A_5 : i32
    %multiple_of3A = tpu.assume_multiple %mul3A_6, 8 : i32
    "tpu.region"() ({
      %run_scoped3A = tpu.sem_alloc : memref<!tpu.dma_semaphore, #tpu.memory_space<semaphore_mem>>
      %dma_start3A_32 = arith.constant 0 : i32
      %dma_start3A_33 = tpu.memref_slice %arg13[%multiple_of3A, %dma_start3A_32] : memref<10240x64xf32, #tpu.memory_space<vmem_shared>> -> memref<640x64xf32, #tpu.memory_space<vmem_shared>>
      %dma_start3A_34 = arith.constant 0 : i32
      %dma_start3A_35 = tpu.memref_slice %arg2[%multiple_of3A, %dma_start3A_34] : memref<10240x64xf32, #tpu.memory_space<hbm>> -> memref<640x64xf32, #tpu.memory_space<hbm>>
      tpu.enqueue_dma source(%dma_start3A_35 : memref<640x64xf32, #tpu.memory_space<hbm>>) target(%dma_start3A_33 : memref<640x64xf32, #tpu.memory_space<vmem_shared>>) target_semaphore(%run_scoped3A : memref<!tpu.dma_semaphore, #tpu.memory_space<semaphore_mem>>)
      %dma_wait3A = arith.constant 0 : i32
      %dma_wait3A_36 = tpu.memref_slice %arg13[%multiple_of3A, %dma_wait3A] : memref<10240x64xf32, #tpu.memory_space<vmem_shared>> -> memref<640x64xf32, #tpu.memory_space<vmem_shared>>
      %dma_wait3A_37 = arith.constant 0 : i32
      %dma_wait3A_38 = tpu.memref_slice %arg2[%multiple_of3A, %dma_wait3A_37] : memref<10240x64xf32, #tpu.memory_space<hbm>> -> memref<640x64xf32, #tpu.memory_space<hbm>>
      tpu.wait_dma2 semaphore(%run_scoped3A : memref<!tpu.dma_semaphore, #tpu.memory_space<semaphore_mem>>) src(%dma_wait3A_38 : memref<640x64xf32, #tpu.memory_space<hbm>>) dst(%dma_wait3A_36 : memref<640x64xf32, #tpu.memory_space<vmem_shared>>)
      tpu.yield
    }) : () -> ()
    "tpu.region"() ({
      %run_scoped3A = tpu.sem_alloc : memref<!tpu.dma_semaphore, #tpu.memory_space<semaphore_mem>>
      %dma_start3A_32 = arith.constant 0 : i32
      %dma_start3A_33 = tpu.memref_slice %arg14[%multiple_of3A, %dma_start3A_32] : memref<10240x64xf32, #tpu.memory_space<vmem_shared>> -> memref<640x64xf32, #tpu.memory_space<vmem_shared>>
      %dma_start3A_34 = arith.constant 0 : i32
      %dma_start3A_35 = tpu.memref_slice %arg3[%multiple_of3A, %dma_start3A_34] : memref<10240x64xf32, #tpu.memory_space<hbm>> -> memref<640x64xf32, #tpu.memory_space<hbm>>
      tpu.enqueue_dma source(%dma_start3A_35 : memref<640x64xf32, #tpu.memory_space<hbm>>) target(%dma_start3A_33 : memref<640x64xf32, #tpu.memory_space<vmem_shared>>) target_semaphore(%run_scoped3A : memref<!tpu.dma_semaphore, #tpu.memory_space<semaphore_mem>>)
      %dma_wait3A = arith.constant 0 : i32
      %dma_wait3A_36 = tpu.memref_slice %arg14[%multiple_of3A, %dma_wait3A] : memref<10240x64xf32, #tpu.memory_space<vmem_shared>> -> memref<640x64xf32, #tpu.memory_space<vmem_shared>>
      %dma_wait3A_37 = arith.constant 0 : i32
      %dma_wait3A_38 = tpu.memref_slice %arg3[%multiple_of3A, %dma_wait3A_37] : memref<10240x64xf32, #tpu.memory_space<hbm>> -> memref<640x64xf32, #tpu.memory_space<hbm>>
      tpu.wait_dma2 semaphore(%run_scoped3A : memref<!tpu.dma_semaphore, #tpu.memory_space<semaphore_mem>>) src(%dma_wait3A_38 : memref<640x64xf32, #tpu.memory_space<hbm>>) dst(%dma_wait3A_36 : memref<640x64xf32, #tpu.memory_space<vmem_shared>>)
      tpu.yield
    }) : () -> ()
    "tpu.region"() ({
      %run_scoped3A = tpu.sem_alloc : memref<!tpu.dma_semaphore, #tpu.memory_space<semaphore_mem>>
      %dma_start3A_32 = tpu.memref_slice %arg4[%mul3A_4] : memref<327680xi32, #tpu.memory_space<hbm>> -> memref<10240xi32, #tpu.memory_space<hbm>>
      %dma_start3A_33 = tpu.memref_slice %arg4[%mul3A_4] : memref<327680xi32, #tpu.memory_space<hbm>> -> memref<10240xi32, #tpu.memory_space<hbm>>
      tpu.enqueue_dma source(%dma_start3A_33 : memref<10240xi32, #tpu.memory_space<hbm>>) target(%arg7 : memref<10240xi32, #tpu.memory_space<vmem>>) target_semaphore(%run_scoped3A : memref<!tpu.dma_semaphore, #tpu.memory_space<semaphore_mem>>)
      %dma_wait3A = tpu.memref_slice %arg4[%mul3A_4] : memref<327680xi32, #tpu.memory_space<hbm>> -> memref<10240xi32, #tpu.memory_space<hbm>>
      %dma_wait3A_34 = tpu.memref_slice %arg4[%mul3A_4] : memref<327680xi32, #tpu.memory_space<hbm>> -> memref<10240xi32, #tpu.memory_space<hbm>>
      tpu.wait_dma2 semaphore(%run_scoped3A : memref<!tpu.dma_semaphore, #tpu.memory_space<semaphore_mem>>) src(%dma_wait3A_34 : memref<10240xi32, #tpu.memory_space<hbm>>) dst(%arg7 : memref<10240xi32, #tpu.memory_space<vmem>>)
      tpu.yield
    }) : () -> ()
    "tpu.region"() ({
      %run_scoped3A = tpu.sem_alloc : memref<!tpu.dma_semaphore, #tpu.memory_space<semaphore_mem>>
      %dma_start3A_32 = tpu.memref_slice %arg5[%mul3A_4] : memref<327680xi32, #tpu.memory_space<hbm>> -> memref<10240xi32, #tpu.memory_space<hbm>>
      %dma_start3A_33 = tpu.memref_slice %arg5[%mul3A_4] : memref<327680xi32, #tpu.memory_space<hbm>> -> memref<10240xi32, #tpu.memory_space<hbm>>
      tpu.enqueue_dma source(%dma_start3A_33 : memref<10240xi32, #tpu.memory_space<hbm>>) target(%arg8 : memref<10240xi32, #tpu.memory_space<vmem>>) target_semaphore(%run_scoped3A : memref<!tpu.dma_semaphore, #tpu.memory_space<semaphore_mem>>)
      %dma_wait3A = tpu.memref_slice %arg5[%mul3A_4] : memref<327680xi32, #tpu.memory_space<hbm>> -> memref<10240xi32, #tpu.memory_space<hbm>>
      %dma_wait3A_34 = tpu.memref_slice %arg5[%mul3A_4] : memref<327680xi32, #tpu.memory_space<hbm>> -> memref<10240xi32, #tpu.memory_space<hbm>>
      tpu.wait_dma2 semaphore(%run_scoped3A : memref<!tpu.dma_semaphore, #tpu.memory_space<semaphore_mem>>) src(%dma_wait3A_34 : memref<10240xi32, #tpu.memory_space<hbm>>) dst(%arg8 : memref<10240xi32, #tpu.memory_space<vmem>>)
      tpu.yield
    }) : () -> ()
    %barrier3A = arith.constant 0 : index
    tpu.barrier barrier_id(%barrier3A)
    %multiple_of3A_7 = arith.constant 0 : i32
    %multiple_of3A_8 = tpu.assume_multiple %multiple_of3A_7, 8 : i32
    %dma_start3A = tpu.memref_slice %arg7[%multiple_of3A_8] : memref<10240xi32, #tpu.memory_space<vmem>> -> memref<64xi32, #tpu.memory_space<vmem>>
    %dma_start3A_9 = arith.constant 0 : i32
    %dma_start3A_10 = arith.constant 0 : i32
    %dma_start3A_11 = tpu.memref_slice %arg13[%dma_start3A_9, %dma_start3A_10] : memref<10240x64xf32, #tpu.memory_space<vmem_shared>> -> memref<10240x64xf32, #tpu.memory_space<vmem_shared>>
    tpu.enqueue_indirect_dma source(%dma_start3A_11 : memref<10240x64xf32, #tpu.memory_space<vmem_shared>>) target(%arg9 : memref<64x64xf32, #tpu.memory_space<vmem>>) offsets(%dma_start3A : memref<64xi32, #tpu.memory_space<vmem>>) semaphore(%arg15 : memref<!tpu.dma_semaphore, #tpu.memory_space<semaphore_mem>>)
    %dma_start3A_12 = tpu.memref_slice %arg8[%multiple_of3A_8] : memref<10240xi32, #tpu.memory_space<vmem>> -> memref<64xi32, #tpu.memory_space<vmem>>
    %dma_start3A_13 = arith.constant 0 : i32
    %dma_start3A_14 = arith.constant 0 : i32
    %dma_start3A_15 = tpu.memref_slice %arg14[%dma_start3A_13, %dma_start3A_14] : memref<10240x64xf32, #tpu.memory_space<vmem_shared>> -> memref<10240x64xf32, #tpu.memory_space<vmem_shared>>
    tpu.enqueue_indirect_dma source(%dma_start3A_15 : memref<10240x64xf32, #tpu.memory_space<vmem_shared>>) target(%arg11 : memref<64x64xf32, #tpu.memory_space<vmem>>) offsets(%dma_start3A_12 : memref<64xi32, #tpu.memory_space<vmem>>) semaphore(%arg17 : memref<!tpu.dma_semaphore, #tpu.memory_space<semaphore_mem>>)
    %scan3A = arith.constant 0 : i32
    %scan3A_16 = arith.constant 0 : i32
    %scan3A_17 = arith.constant 80 : i32
    %scan3A_18 = arith.addi %scan3A_16, %scan3A_17 : i32
    %scan3A_19 = arith.constant 1 : i32
    scf.for %scan3A_32 = %scan3A_16 to %scan3A_18 step %scan3A_19  : i32 {
      %mul3A_33 = arith.constant 2 : i32
      %mul3A_34 = arith.muli %mul3A_33, %scan3A_32 : i32
      %mul3A_35 = arith.constant 2 : i32
      %mul3A_36 = arith.muli %mul3A_35, %scan3A_32 : i32
      %add3A_37 = arith.constant 1 : i32
      %add3A_38 = arith.addi %mul3A_36, %add3A_37 : i32
      %gt3A = arith.constant 0 : i32
      %gt3A_39 = arith.cmpi sgt, %scan3A_32, %gt3A : i32
      %convert_element_type3A_40 = arith.extui %gt3A_39 : i1 to i32
      %cond3A_41 = arith.constant 0 : i32
      %cond3A_42 = arith.cmpi ne, %convert_element_type3A_40, %cond3A_41 : i32
      scf.if %cond3A_42 {
        %sub3A = arith.constant 2 : i32
        %sub3A_104 = arith.subi %add3A_38, %sub3A : i32
        %add3A_105 = arith.addi %mul3A_2, %sub3A_104 : i32
        %lt3A_106 = arith.constant 5000 : i32
        %lt3A_107 = arith.cmpi slt, %add3A_105, %lt3A_106 : i32
        %convert_element_type3A_108 = arith.extui %lt3A_107 : i1 to i32
        %cond3A_109 = arith.constant 0 : i32
        %cond3A_110 = arith.cmpi ne, %convert_element_type3A_108, %cond3A_109 : i32
        scf.if %cond3A_110 {
          %add3A_111 = arith.addi %mul3A_2, %sub3A_104 : i32
          %mul3A_112 = arith.constant 64 : i32
          %mul3A_113 = arith.muli %add3A_111, %mul3A_112 : i32
          %multiple_of3A_114 = tpu.assume_multiple %mul3A_113, 8 : i32
          %dma_wait3A_115 = arith.constant 0 : i32
          %dma_wait3A_116 = tpu.memref_slice %arg6[%multiple_of3A_114, %dma_wait3A_115] : memref<320000x64xf32, #tpu.memory_space<hbm>> -> memref<64x64xf32, #tpu.memory_space<hbm>>
          %dma_wait3A_117 = arith.constant 0 : i32
          %dma_wait3A_118 = tpu.memref_slice %arg6[%multiple_of3A_114, %dma_wait3A_117] : memref<320000x64xf32, #tpu.memory_space<hbm>> -> memref<64x64xf32, #tpu.memory_space<hbm>>
          tpu.wait_dma2 semaphore(%arg20 : memref<!tpu.dma_semaphore, #tpu.memory_space<semaphore_mem>>) src(%arg10 : memref<64x64xf32, #tpu.memory_space<vmem>>) dst(%dma_wait3A_118 : memref<64x64xf32, #tpu.memory_space<hbm>>)
        } else {
        }
      } else {
      }
      %mul3A_43 = arith.constant 64 : i32
      %mul3A_44 = arith.muli %add3A_38, %mul3A_43 : i32
      %multiple_of3A_45 = tpu.assume_multiple %mul3A_44, 8 : i32
      %dma_start3A_46 = tpu.memref_slice %arg7[%multiple_of3A_45] : memref<10240xi32, #tpu.memory_space<vmem>> -> memref<64xi32, #tpu.memory_space<vmem>>
      %dma_start3A_47 = arith.constant 0 : i32
      %dma_start3A_48 = arith.constant 0 : i32
      %dma_start3A_49 = tpu.memref_slice %arg13[%dma_start3A_47, %dma_start3A_48] : memref<10240x64xf32, #tpu.memory_space<vmem_shared>> -> memref<10240x64xf32, #tpu.memory_space<vmem_shared>>
      tpu.enqueue_indirect_dma source(%dma_start3A_49 : memref<10240x64xf32, #tpu.memory_space<vmem_shared>>) target(%arg10 : memref<64x64xf32, #tpu.memory_space<vmem>>) offsets(%dma_start3A_46 : memref<64xi32, #tpu.memory_space<vmem>>) semaphore(%arg16 : memref<!tpu.dma_semaphore, #tpu.memory_space<semaphore_mem>>)
      %dma_start3A_50 = tpu.memref_slice %arg8[%multiple_of3A_45] : memref<10240xi32, #tpu.memory_space<vmem>> -> memref<64xi32, #tpu.memory_space<vmem>>
      %dma_start3A_51 = arith.constant 0 : i32
      %dma_start3A_52 = arith.constant 0 : i32
      %dma_start3A_53 = tpu.memref_slice %arg14[%dma_start3A_51, %dma_start3A_52] : memref<10240x64xf32, #tpu.memory_space<vmem_shared>> -> memref<10240x64xf32, #tpu.memory_space<vmem_shared>>
      tpu.enqueue_indirect_dma source(%dma_start3A_53 : memref<10240x64xf32, #tpu.memory_space<vmem_shared>>) target(%arg12 : memref<64x64xf32, #tpu.memory_space<vmem>>) offsets(%dma_start3A_50 : memref<64xi32, #tpu.memory_space<vmem>>) semaphore(%arg18 : memref<!tpu.dma_semaphore, #tpu.memory_space<semaphore_mem>>)
      %mul3A_54 = arith.constant 64 : i32
      %mul3A_55 = arith.muli %mul3A_34, %mul3A_54 : i32
      %multiple_of3A_56 = tpu.assume_multiple %mul3A_55, 8 : i32
      %dma_wait3A = tpu.memref_slice %arg7[%multiple_of3A_56] : memref<10240xi32, #tpu.memory_space<vmem>> -> memref<64xi32, #tpu.memory_space<vmem>>
      %dma_wait3A_57 = arith.constant 0 : i32
      %dma_wait3A_58 = arith.constant 0 : i32
      %dma_wait3A_59 = tpu.memref_slice %arg13[%dma_wait3A_57, %dma_wait3A_58] : memref<10240x64xf32, #tpu.memory_space<vmem_shared>> -> memref<10240x64xf32, #tpu.memory_space<vmem_shared>>
      tpu.wait_indirect_dma semaphore(%arg15 : memref<!tpu.dma_semaphore, #tpu.memory_space<semaphore_mem>>) src(%dma_wait3A_59 : memref<10240x64xf32, #tpu.memory_space<vmem_shared>>) dst(%arg9 : memref<64x64xf32, #tpu.memory_space<vmem>>)
      %dma_wait3A_60 = tpu.memref_slice %arg8[%multiple_of3A_56] : memref<10240xi32, #tpu.memory_space<vmem>> -> memref<64xi32, #tpu.memory_space<vmem>>
      %dma_wait3A_61 = arith.constant 0 : i32
      %dma_wait3A_62 = arith.constant 0 : i32
      %dma_wait3A_63 = tpu.memref_slice %arg14[%dma_wait3A_61, %dma_wait3A_62] : memref<10240x64xf32, #tpu.memory_space<vmem_shared>> -> memref<10240x64xf32, #tpu.memory_space<vmem_shared>>
      tpu.wait_indirect_dma semaphore(%arg17 : memref<!tpu.dma_semaphore, #tpu.memory_space<semaphore_mem>>) src(%dma_wait3A_63 : memref<10240x64xf32, #tpu.memory_space<vmem_shared>>) dst(%arg11 : memref<64x64xf32, #tpu.memory_space<vmem>>)
      %scan3A_64 = arith.constant 0 : i32
      %scan3A_65 = arith.constant 0 : i32
      %scan3A_66 = arith.constant 64 : i32
      %scan3A_67 = arith.addi %scan3A_65, %scan3A_66 : i32
      %scan3A_68 = arith.constant 1 : i32
      scf.for %scan3A_104 = %scan3A_65 to %scan3A_67 step %scan3A_68  : i32 {
        %get3A = arith.index_cast %scan3A_104 : i32 to index
        %get3A_105 = arith.constant 0 : index
        %get3A_106 = tpu.vector_load %arg9[%get3A, %get3A_105] {strides = array<i32>} : memref<64x64xf32, #tpu.memory_space<vmem>>, vector<1x16xf32>,
        %get3A_107 = vector.shape_cast %get3A_106 : vector<1x16xf32> to vector<16xf32>
        %get3A_108 = arith.index_cast %scan3A_104 : i32 to index
        %get3A_109 = arith.constant 0 : index
        %get3A_110 = tpu.vector_load %arg11[%get3A_108, %get3A_109] {strides = array<i32>} : memref<64x64xf32, #tpu.memory_space<vmem>>, vector<1x16xf32>,
        %get3A_111 = vector.shape_cast %get3A_110 : vector<1x16xf32> to vector<16xf32>
        %add3A_112 = arith.addf %get3A_107, %get3A_111 : vector<16xf32>
        %swap3A = arith.index_cast %scan3A_104 : i32 to index
        %swap3A_113 = arith.constant 0 : index
        %swap3A_114 = tpu.vector_load %arg9[%swap3A, %swap3A_113] {strides = array<i32>} : memref<64x64xf32, #tpu.memory_space<vmem>>, vector<1x16xf32>,
        %swap3A_115 = vector.shape_cast %swap3A_114 : vector<1x16xf32> to vector<16xf32>
        %swap3A_116 = vector.shape_cast %add3A_112 : vector<16xf32> to vector<1x16xf32>
        tpu.vector_store %arg9[%swap3A, %swap3A_113], %swap3A_116 {strides = array<i32>} : memref<64x64xf32, #tpu.memory_space<vmem>>, vector<1x16xf32>,
        %get3A_117 = arith.index_cast %scan3A_104 : i32 to index
        %get3A_118 = arith.constant 16 : index
        %get3A_119 = tpu.vector_load %arg9[%get3A_117, %get3A_118] {strides = array<i32>} : memref<64x64xf32, #tpu.memory_space<vmem>>, vector<1x16xf32>,
        %get3A_120 = vector.shape_cast %get3A_119 : vector<1x16xf32> to vector<16xf32>
        %get3A_121 = arith.index_cast %scan3A_104 : i32 to index
        %get3A_122 = arith.constant 16 : index
        %get3A_123 = tpu.vector_load %arg11[%get3A_121, %get3A_122] {strides = array<i32>} : memref<64x64xf32, #tpu.memory_space<vmem>>, vector<1x16xf32>,
        %get3A_124 = vector.shape_cast %get3A_123 : vector<1x16xf32> to vector<16xf32>
        %add3A_125 = arith.addf %get3A_120, %get3A_124 : vector<16xf32>
        %swap3A_126 = arith.index_cast %scan3A_104 : i32 to index
        %swap3A_127 = arith.constant 16 : index
        %swap3A_128 = tpu.vector_load %arg9[%swap3A_126, %swap3A_127] {strides = array<i32>} : memref<64x64xf32, #tpu.memory_space<vmem>>, vector<1x16xf32>,
        %swap3A_129 = vector.shape_cast %swap3A_128 : vector<1x16xf32> to vector<16xf32>
        %swap3A_130 = vector.shape_cast %add3A_125 : vector<16xf32> to vector<1x16xf32>
        tpu.vector_store %arg9[%swap3A_126, %swap3A_127], %swap3A_130 {strides = array<i32>} : memref<64x64xf32, #tpu.memory_space<vmem>>, vector<1x16xf32>,
        %get3A_131 = arith.index_cast %scan3A_104 : i32 to index
        %get3A_132 = arith.constant 32 : index
        %get3A_133 = tpu.vector_load %arg9[%get3A_131, %get3A_132] {strides = array<i32>} : memref<64x64xf32, #tpu.memory_space<vmem>>, vector<1x16xf32>,
        %get3A_134 = vector.shape_cast %get3A_133 : vector<1x16xf32> to vector<16xf32>
        %get3A_135 = arith.index_cast %scan3A_104 : i32 to index
        %get3A_136 = arith.constant 32 : index
        %get3A_137 = tpu.vector_load %arg11[%get3A_135, %get3A_136] {strides = array<i32>} : memref<64x64xf32, #tpu.memory_space<vmem>>, vector<1x16xf32>,
        %get3A_138 = vector.shape_cast %get3A_137 : vector<1x16xf32> to vector<16xf32>
        %add3A_139 = arith.addf %get3A_134, %get3A_138 : vector<16xf32>
        %swap3A_140 = arith.index_cast %scan3A_104 : i32 to index
        %swap3A_141 = arith.constant 32 : index
        %swap3A_142 = tpu.vector_load %arg9[%swap3A_140, %swap3A_141] {strides = array<i32>} : memref<64x64xf32, #tpu.memory_space<vmem>>, vector<1x16xf32>,
        %swap3A_143 = vector.shape_cast %swap3A_142 : vector<1x16xf32> to vector<16xf32>
        %swap3A_144 = vector.shape_cast %add3A_139 : vector<16xf32> to vector<1x16xf32>
        tpu.vector_store %arg9[%swap3A_140, %swap3A_141], %swap3A_144 {strides = array<i32>} : memref<64x64xf32, #tpu.memory_space<vmem>>, vector<1x16xf32>,
        %get3A_145 = arith.index_cast %scan3A_104 : i32 to index
        %get3A_146 = arith.constant 48 : index
        %get3A_147 = tpu.vector_load %arg9[%get3A_145, %get3A_146] {strides = array<i32>} : memref<64x64xf32, #tpu.memory_space<vmem>>, vector<1x16xf32>,
        %get3A_148 = vector.shape_cast %get3A_147 : vector<1x16xf32> to vector<16xf32>
        %get3A_149 = arith.index_cast %scan3A_104 : i32 to index
        %get3A_150 = arith.constant 48 : index
        %get3A_151 = tpu.vector_load %arg11[%get3A_149, %get3A_150] {strides = array<i32>} : memref<64x64xf32, #tpu.memory_space<vmem>>, vector<1x16xf32>,
        %get3A_152 = vector.shape_cast %get3A_151 : vector<1x16xf32> to vector<16xf32>
        %add3A_153 = arith.addf %get3A_148, %get3A_152 : vector<16xf32>
        %swap3A_154 = arith.index_cast %scan3A_104 : i32 to index
        %swap3A_155 = arith.constant 48 : index
        %swap3A_156 = tpu.vector_load %arg9[%swap3A_154, %swap3A_155] {strides = array<i32>} : memref<64x64xf32, #tpu.memory_space<vmem>>, vector<1x16xf32>,
        %swap3A_157 = vector.shape_cast %swap3A_156 : vector<1x16xf32> to vector<16xf32>
        %swap3A_158 = vector.shape_cast %add3A_153 : vector<16xf32> to vector<1x16xf32>
        tpu.vector_store %arg9[%swap3A_154, %swap3A_155], %swap3A_158 {strides = array<i32>} : memref<64x64xf32, #tpu.memory_space<vmem>>, vector<1x16xf32>,
      }
      %scan3A_69 = arith.constant 64 : i32
      %add3A_70 = arith.addi %mul3A_2, %mul3A_34 : i32
      %lt3A_71 = arith.constant 5000 : i32
      %lt3A_72 = arith.cmpi slt, %add3A_70, %lt3A_71 : i32
      %convert_element_type3A_73 = arith.extui %lt3A_72 : i1 to i32
      %cond3A_74 = arith.constant 0 : i32
      %cond3A_75 = arith.cmpi ne, %convert_element_type3A_73, %cond3A_74 : i32
      scf.if %cond3A_75 {
        %add3A_104 = arith.addi %mul3A_2, %mul3A_34 : i32
        %mul3A_105 = arith.constant 64 : i32
        %mul3A_106 = arith.muli %add3A_104, %mul3A_105 : i32
        %multiple_of3A_107 = tpu.assume_multiple %mul3A_106, 8 : i32
        %dma_start3A_108 = arith.constant 0 : i32
        %dma_start3A_109 = tpu.memref_slice %arg6[%multiple_of3A_107, %dma_start3A_108] : memref<320000x64xf32, #tpu.memory_space<hbm>> -> memref<64x64xf32, #tpu.memory_space<hbm>>
        %dma_start3A_110 = arith.constant 0 : i32
        %dma_start3A_111 = tpu.memref_slice %arg6[%multiple_of3A_107, %dma_start3A_110] : memref<320000x64xf32, #tpu.memory_space<hbm>> -> memref<64x64xf32, #tpu.memory_space<hbm>>
        tpu.enqueue_dma source(%arg9 : memref<64x64xf32, #tpu.memory_space<vmem>>) target(%dma_start3A_111 : memref<64x64xf32, #tpu.memory_space<hbm>>) target_semaphore(%arg19 : memref<!tpu.dma_semaphore, #tpu.memory_space<semaphore_mem>>)
      } else {
      }
      %lt3A_76 = arith.constant 79 : i32
      %lt3A_77 = arith.cmpi slt, %scan3A_32, %lt3A_76 : i32
      %convert_element_type3A_78 = arith.extui %lt3A_77 : i1 to i32
      %cond3A_79 = arith.constant 0 : i32
      %cond3A_80 = arith.cmpi ne, %convert_element_type3A_78, %cond3A_79 : i32
      scf.if %cond3A_80 {
        %add3A_104 = arith.addi %mul3A_2, %mul3A_34 : i32
        %lt3A_105 = arith.constant 5000 : i32
        %lt3A_106 = arith.cmpi slt, %add3A_104, %lt3A_105 : i32
        %convert_element_type3A_107 = arith.extui %lt3A_106 : i1 to i32
        %cond3A_108 = arith.constant 0 : i32
        %cond3A_109 = arith.cmpi ne, %convert_element_type3A_107, %cond3A_108 : i32
        scf.if %cond3A_109 {
          %add3A_123 = arith.addi %mul3A_2, %mul3A_34 : i32
          %mul3A_124 = arith.constant 64 : i32
          %mul3A_125 = arith.muli %add3A_123, %mul3A_124 : i32
          %multiple_of3A_126 = tpu.assume_multiple %mul3A_125, 8 : i32
          %dma_wait3A_127 = arith.constant 0 : i32
          %dma_wait3A_128 = tpu.memref_slice %arg6[%multiple_of3A_126, %dma_wait3A_127] : memref<320000x64xf32, #tpu.memory_space<hbm>> -> memref<64x64xf32, #tpu.memory_space<hbm>>
          %dma_wait3A_129 = arith.constant 0 : i32
          %dma_wait3A_130 = tpu.memref_slice %arg6[%multiple_of3A_126, %dma_wait3A_129] : memref<320000x64xf32, #tpu.memory_space<hbm>> -> memref<64x64xf32, #tpu.memory_space<hbm>>
          tpu.wait_dma2 semaphore(%arg19 : memref<!tpu.dma_semaphore, #tpu.memory_space<semaphore_mem>>) src(%arg9 : memref<64x64xf32, #tpu.memory_space<vmem>>) dst(%dma_wait3A_130 : memref<64x64xf32, #tpu.memory_space<hbm>>)
        } else {
        }
        %add3A_110 = arith.constant 2 : i32
        %add3A_111 = arith.addi %mul3A_34, %add3A_110 : i32
        %mul3A_112 = arith.constant 64 : i32
        %mul3A_113 = arith.muli %add3A_111, %mul3A_112 : i32
        %multiple_of3A_114 = tpu.assume_multiple %mul3A_113, 8 : i32
        %dma_start3A_115 = tpu.memref_slice %arg7[%multiple_of3A_114] : memref<10240xi32, #tpu.memory_space<vmem>> -> memref<64xi32, #tpu.memory_space<vmem>>
        %dma_start3A_116 = arith.constant 0 : i32
        %dma_start3A_117 = arith.constant 0 : i32
        %dma_start3A_118 = tpu.memref_slice %arg13[%dma_start3A_116, %dma_start3A_117] : memref<10240x64xf32, #tpu.memory_space<vmem_shared>> -> memref<10240x64xf32, #tpu.memory_space<vmem_shared>>
        tpu.enqueue_indirect_dma source(%dma_start3A_118 : memref<10240x64xf32, #tpu.memory_space<vmem_shared>>) target(%arg9 : memref<64x64xf32, #tpu.memory_space<vmem>>) offsets(%dma_start3A_115 : memref<64xi32, #tpu.memory_space<vmem>>) semaphore(%arg15 : memref<!tpu.dma_semaphore, #tpu.memory_space<semaphore_mem>>)
        %dma_start3A_119 = tpu.memref_slice %arg8[%multiple_of3A_114] : memref<10240xi32, #tpu.memory_space<vmem>> -> memref<64xi32, #tpu.memory_space<vmem>>
        %dma_start3A_120 = arith.constant 0 : i32
        %dma_start3A_121 = arith.constant 0 : i32
        %dma_start3A_122 = tpu.memref_slice %arg14[%dma_start3A_120, %dma_start3A_121] : memref<10240x64xf32, #tpu.memory_space<vmem_shared>> -> memref<10240x64xf32, #tpu.memory_space<vmem_shared>>
        tpu.enqueue_indirect_dma source(%dma_start3A_122 : memref<10240x64xf32, #tpu.memory_space<vmem_shared>>) target(%arg11 : memref<64x64xf32, #tpu.memory_space<vmem>>) offsets(%dma_start3A_119 : memref<64xi32, #tpu.memory_space<vmem>>) semaphore(%arg17 : memref<!tpu.dma_semaphore, #tpu.memory_space<semaphore_mem>>)
      } else {
      }
      %mul3A_81 = arith.constant 64 : i32
      %mul3A_82 = arith.muli %add3A_38, %mul3A_81 : i32
      %multiple_of3A_83 = tpu.assume_multiple %mul3A_82, 8 : i32
      %dma_wait3A_84 = tpu.memref_slice %arg7[%multiple_of3A_83] : memref<10240xi32, #tpu.memory_space<vmem>> -> memref<64xi32, #tpu.memory_space<vmem>>
      %dma_wait3A_85 = arith.constant 0 : i32
      %dma_wait3A_86 = arith.constant 0 : i32
      %dma_wait3A_87 = tpu.memref_slice %arg13[%dma_wait3A_85, %dma_wait3A_86] : memref<10240x64xf32, #tpu.memory_space<vmem_shared>> -> memref<10240x64xf32, #tpu.memory_space<vmem_shared>>
      tpu.wait_indirect_dma semaphore(%arg16 : memref<!tpu.dma_semaphore, #tpu.memory_space<semaphore_mem>>) src(%dma_wait3A_87 : memref<10240x64xf32, #tpu.memory_space<vmem_shared>>) dst(%arg10 : memref<64x64xf32, #tpu.memory_space<vmem>>)
      %dma_wait3A_88 = tpu.memref_slice %arg8[%multiple_of3A_83] : memref<10240xi32, #tpu.memory_space<vmem>> -> memref<64xi32, #tpu.memory_space<vmem>>
      %dma_wait3A_89 = arith.constant 0 : i32
      %dma_wait3A_90 = arith.constant 0 : i32
      %dma_wait3A_91 = tpu.memref_slice %arg14[%dma_wait3A_89, %dma_wait3A_90] : memref<10240x64xf32, #tpu.memory_space<vmem_shared>> -> memref<10240x64xf32, #tpu.memory_space<vmem_shared>>
      tpu.wait_indirect_dma semaphore(%arg18 : memref<!tpu.dma_semaphore, #tpu.memory_space<semaphore_mem>>) src(%dma_wait3A_91 : memref<10240x64xf32, #tpu.memory_space<vmem_shared>>) dst(%arg12 : memref<64x64xf32, #tpu.memory_space<vmem>>)
      %scan3A_92 = arith.constant 0 : i32
      %scan3A_93 = arith.constant 0 : i32
      %scan3A_94 = arith.constant 64 : i32
      %scan3A_95 = arith.addi %scan3A_93, %scan3A_94 : i32
      %scan3A_96 = arith.constant 1 : i32
      scf.for %scan3A_104 = %scan3A_93 to %scan3A_95 step %scan3A_96  : i32 {
        %get3A = arith.index_cast %scan3A_104 : i32 to index
        %get3A_105 = arith.constant 0 : index
        %get3A_106 = tpu.vector_load %arg10[%get3A, %get3A_105] {strides = array<i32>} : memref<64x64xf32, #tpu.memory_space<vmem>>, vector<1x16xf32>,
        %get3A_107 = vector.shape_cast %get3A_106 : vector<1x16xf32> to vector<16xf32>
        %get3A_108 = arith.index_cast %scan3A_104 : i32 to index
        %get3A_109 = arith.constant 0 : index
        %get3A_110 = tpu.vector_load %arg12[%get3A_108, %get3A_109] {strides = array<i32>} : memref<64x64xf32, #tpu.memory_space<vmem>>, vector<1x16xf32>,
        %get3A_111 = vector.shape_cast %get3A_110 : vector<1x16xf32> to vector<16xf32>
        %add3A_112 = arith.addf %get3A_107, %get3A_111 : vector<16xf32>
        %swap3A = arith.index_cast %scan3A_104 : i32 to index
        %swap3A_113 = arith.constant 0 : index
        %swap3A_114 = tpu.vector_load %arg10[%swap3A, %swap3A_113] {strides = array<i32>} : memref<64x64xf32, #tpu.memory_space<vmem>>, vector<1x16xf32>,
        %swap3A_115 = vector.shape_cast %swap3A_114 : vector<1x16xf32> to vector<16xf32>
        %swap3A_116 = vector.shape_cast %add3A_112 : vector<16xf32> to vector<1x16xf32>
        tpu.vector_store %arg10[%swap3A, %swap3A_113], %swap3A_116 {strides = array<i32>} : memref<64x64xf32, #tpu.memory_space<vmem>>, vector<1x16xf32>,
        %get3A_117 = arith.index_cast %scan3A_104 : i32 to index
        %get3A_118 = arith.constant 16 : index
        %get3A_119 = tpu.vector_load %arg10[%get3A_117, %get3A_118] {strides = array<i32>} : memref<64x64xf32, #tpu.memory_space<vmem>>, vector<1x16xf32>,
        %get3A_120 = vector.shape_cast %get3A_119 : vector<1x16xf32> to vector<16xf32>
        %get3A_121 = arith.index_cast %scan3A_104 : i32 to index
        %get3A_122 = arith.constant 16 : index
        %get3A_123 = tpu.vector_load %arg12[%get3A_121, %get3A_122] {strides = array<i32>} : memref<64x64xf32, #tpu.memory_space<vmem>>, vector<1x16xf32>,
        %get3A_124 = vector.shape_cast %get3A_123 : vector<1x16xf32> to vector<16xf32>
        %add3A_125 = arith.addf %get3A_120, %get3A_124 : vector<16xf32>
        %swap3A_126 = arith.index_cast %scan3A_104 : i32 to index
        %swap3A_127 = arith.constant 16 : index
        %swap3A_128 = tpu.vector_load %arg10[%swap3A_126, %swap3A_127] {strides = array<i32>} : memref<64x64xf32, #tpu.memory_space<vmem>>, vector<1x16xf32>,
        %swap3A_129 = vector.shape_cast %swap3A_128 : vector<1x16xf32> to vector<16xf32>
        %swap3A_130 = vector.shape_cast %add3A_125 : vector<16xf32> to vector<1x16xf32>
        tpu.vector_store %arg10[%swap3A_126, %swap3A_127], %swap3A_130 {strides = array<i32>} : memref<64x64xf32, #tpu.memory_space<vmem>>, vector<1x16xf32>,
        %get3A_131 = arith.index_cast %scan3A_104 : i32 to index
        %get3A_132 = arith.constant 32 : index
        %get3A_133 = tpu.vector_load %arg10[%get3A_131, %get3A_132] {strides = array<i32>} : memref<64x64xf32, #tpu.memory_space<vmem>>, vector<1x16xf32>,
        %get3A_134 = vector.shape_cast %get3A_133 : vector<1x16xf32> to vector<16xf32>
        %get3A_135 = arith.index_cast %scan3A_104 : i32 to index
        %get3A_136 = arith.constant 32 : index
        %get3A_137 = tpu.vector_load %arg12[%get3A_135, %get3A_136] {strides = array<i32>} : memref<64x64xf32, #tpu.memory_space<vmem>>, vector<1x16xf32>,
        %get3A_138 = vector.shape_cast %get3A_137 : vector<1x16xf32> to vector<16xf32>
        %add3A_139 = arith.addf %get3A_134, %get3A_138 : vector<16xf32>
        %swap3A_140 = arith.index_cast %scan3A_104 : i32 to index
        %swap3A_141 = arith.constant 32 : index
        %swap3A_142 = tpu.vector_load %arg10[%swap3A_140, %swap3A_141] {strides = array<i32>} : memref<64x64xf32, #tpu.memory_space<vmem>>, vector<1x16xf32>,
        %swap3A_143 = vector.shape_cast %swap3A_142 : vector<1x16xf32> to vector<16xf32>
        %swap3A_144 = vector.shape_cast %add3A_139 : vector<16xf32> to vector<1x16xf32>
        tpu.vector_store %arg10[%swap3A_140, %swap3A_141], %swap3A_144 {strides = array<i32>} : memref<64x64xf32, #tpu.memory_space<vmem>>, vector<1x16xf32>,
        %get3A_145 = arith.index_cast %scan3A_104 : i32 to index
        %get3A_146 = arith.constant 48 : index
        %get3A_147 = tpu.vector_load %arg10[%get3A_145, %get3A_146] {strides = array<i32>} : memref<64x64xf32, #tpu.memory_space<vmem>>, vector<1x16xf32>,
        %get3A_148 = vector.shape_cast %get3A_147 : vector<1x16xf32> to vector<16xf32>
        %get3A_149 = arith.index_cast %scan3A_104 : i32 to index
        %get3A_150 = arith.constant 48 : index
        %get3A_151 = tpu.vector_load %arg12[%get3A_149, %get3A_150] {strides = array<i32>} : memref<64x64xf32, #tpu.memory_space<vmem>>, vector<1x16xf32>,
        %get3A_152 = vector.shape_cast %get3A_151 : vector<1x16xf32> to vector<16xf32>
        %add3A_153 = arith.addf %get3A_148, %get3A_152 : vector<16xf32>
        %swap3A_154 = arith.index_cast %scan3A_104 : i32 to index
        %swap3A_155 = arith.constant 48 : index
        %swap3A_156 = tpu.vector_load %arg10[%swap3A_154, %swap3A_155] {strides = array<i32>} : memref<64x64xf32, #tpu.memory_space<vmem>>, vector<1x16xf32>,
        %swap3A_157 = vector.shape_cast %swap3A_156 : vector<1x16xf32> to vector<16xf32>
        %swap3A_158 = vector.shape_cast %add3A_153 : vector<16xf32> to vector<1x16xf32>
        tpu.vector_store %arg10[%swap3A_154, %swap3A_155], %swap3A_158 {strides = array<i32>} : memref<64x64xf32, #tpu.memory_space<vmem>>, vector<1x16xf32>,
      }
      %scan3A_97 = arith.constant 64 : i32
      %add3A_98 = arith.addi %mul3A_2, %add3A_38 : i32
      %lt3A_99 = arith.constant 5000 : i32
      %lt3A_100 = arith.cmpi slt, %add3A_98, %lt3A_99 : i32
      %convert_element_type3A_101 = arith.extui %lt3A_100 : i1 to i32
      %cond3A_102 = arith.constant 0 : i32
      %cond3A_103 = arith.cmpi ne, %convert_element_type3A_101, %cond3A_102 : i32
      scf.if %cond3A_103 {
        %add3A_104 = arith.addi %mul3A_2, %add3A_38 : i32
        %mul3A_105 = arith.constant 64 : i32
        %mul3A_106 = arith.muli %add3A_104, %mul3A_105 : i32
        %multiple_of3A_107 = tpu.assume_multiple %mul3A_106, 8 : i32
        %dma_start3A_108 = arith.constant 0 : i32
        %dma_start3A_109 = tpu.memref_slice %arg6[%multiple_of3A_107, %dma_start3A_108] : memref<320000x64xf32, #tpu.memory_space<hbm>> -> memref<64x64xf32, #tpu.memory_space<hbm>>
        %dma_start3A_110 = arith.constant 0 : i32
        %dma_start3A_111 = tpu.memref_slice %arg6[%multiple_of3A_107, %dma_start3A_110] : memref<320000x64xf32, #tpu.memory_space<hbm>> -> memref<64x64xf32, #tpu.memory_space<hbm>>
        tpu.enqueue_dma source(%arg10 : memref<64x64xf32, #tpu.memory_space<vmem>>) target(%dma_start3A_111 : memref<64x64xf32, #tpu.memory_space<hbm>>) target_semaphore(%arg20 : memref<!tpu.dma_semaphore, #tpu.memory_space<semaphore_mem>>)
      } else {
      }
    }
    %scan3A_20 = arith.constant 80 : i32
    %add3A_21 = arith.constant 158 : i32
    %add3A_22 = arith.addi %mul3A_2, %add3A_21 : i32
    %lt3A = arith.constant 5000 : i32
    %lt3A_23 = arith.cmpi slt, %add3A_22, %lt3A : i32
    %convert_element_type3A = arith.extui %lt3A_23 : i1 to i32
    %cond3A = arith.constant 0 : i32
    %cond3A_24 = arith.cmpi ne, %convert_element_type3A, %cond3A : i32
    scf.if %cond3A_24 {
      %add3A_32 = arith.constant 158 : i32
      %add3A_33 = arith.addi %mul3A_2, %add3A_32 : i32
      %mul3A_34 = arith.constant 64 : i32
      %mul3A_35 = arith.muli %add3A_33, %mul3A_34 : i32
      %multiple_of3A_36 = tpu.assume_multiple %mul3A_35, 8 : i32
      %dma_wait3A = arith.constant 0 : i32
      %dma_wait3A_37 = tpu.memref_slice %arg6[%multiple_of3A_36, %dma_wait3A] : memref<320000x64xf32, #tpu.memory_space<hbm>> -> memref<64x64xf32, #tpu.memory_space<hbm>>
      %dma_wait3A_38 = arith.constant 0 : i32
      %dma_wait3A_39 = tpu.memref_slice %arg6[%multiple_of3A_36, %dma_wait3A_38] : memref<320000x64xf32, #tpu.memory_space<hbm>> -> memref<64x64xf32, #tpu.memory_space<hbm>>
      tpu.wait_dma2 semaphore(%arg19 : memref<!tpu.dma_semaphore, #tpu.memory_space<semaphore_mem>>) src(%arg9 : memref<64x64xf32, #tpu.memory_space<vmem>>) dst(%dma_wait3A_39 : memref<64x64xf32, #tpu.memory_space<hbm>>)
    } else {
    }
    %add3A_25 = arith.constant 159 : i32
    %add3A_26 = arith.addi %mul3A_2, %add3A_25 : i32
    %lt3A_27 = arith.constant 5000 : i32
    %lt3A_28 = arith.cmpi slt, %add3A_26, %lt3A_27 : i32
    %convert_element_type3A_29 = arith.extui %lt3A_28 : i1 to i32
    %cond3A_30 = arith.constant 0 : i32
    %cond3A_31 = arith.cmpi ne, %convert_element_type3A_29, %cond3A_30 : i32
    scf.if %cond3A_31 {
      %add3A_32 = arith.constant 159 : i32
      %add3A_33 = arith.addi %mul3A_2, %add3A_32 : i32
      %mul3A_34 = arith.constant 64 : i32
      %mul3A_35 = arith.muli %add3A_33, %mul3A_34 : i32
      %multiple_of3A_36 = tpu.assume_multiple %mul3A_35, 8 : i32
      %dma_wait3A = arith.constant 0 : i32
      %dma_wait3A_37 = tpu.memref_slice %arg6[%multiple_of3A_36, %dma_wait3A] : memref<320000x64xf32, #tpu.memory_space<hbm>> -> memref<64x64xf32, #tpu.memory_space<hbm>>
      %dma_wait3A_38 = arith.constant 0 : i32
      %dma_wait3A_39 = tpu.memref_slice %arg6[%multiple_of3A_36, %dma_wait3A_38] : memref<320000x64xf32, #tpu.memory_space<hbm>> -> memref<64x64xf32, #tpu.memory_space<hbm>>
      tpu.wait_dma2 semaphore(%arg20 : memref<!tpu.dma_semaphore, #tpu.memory_space<semaphore_mem>>) src(%arg10 : memref<64x64xf32, #tpu.memory_space<vmem>>) dst(%dma_wait3A_39 : memref<64x64xf32, #tpu.memory_space<hbm>>)
    } else {
    }
    return
  }
}

#map = affine_map<(d0, d1) -> (0, 0)>
#map1 = affine_map<(d0, d1) -> (0)>
module attributes {stable_mosaic.version = 14 : i64} {
  func.func @k(%arg0: i32, %arg1: i32, %arg2: memref<10240x128xf32, #tpu.memory_space<hbm>>, %arg3: memref<3072xi32, #tpu.memory_space<hbm>>, %arg4: memref<3072x128xf32, #tpu.memory_space<hbm>>, %arg5: memref<96xi32, #tpu.memory_space<vmem>>, %arg6: memref<96x128xf32, #tpu.memory_space<vmem>>, %arg7: memref<!tpu.dma_semaphore, #tpu.memory_space<semaphore_mem>>) attributes {dimension_semantics = [#tpu.dimension_semantics<core_parallel>, #tpu.dimension_semantics<subcore_parallel>], iteration_bounds = array<i64: 2, 16>, scalar_prefetch = 0 : i64, scratch_operands = 3 : i64, tpu.core_type = #tpu.core_type<sc_vector_subcore>, window_params = [{transform_indices = #map}, {transform_indices = #map1}, {transform_indices = #map}]} {
    %mul3A = arith.constant 2 : i32
    %mul3A_0 = arith.muli %arg1, %mul3A : i32
    %add3A = arith.addi %mul3A_0, %arg0 : i32
    %mul3A_1 = arith.constant 96 : i32
    %mul3A_2 = arith.muli %add3A, %mul3A_1 : i32
    %scan3A = arith.constant 0 : i32
    %scan3A_3 = arith.constant 0 : i32
    %mul3A_4 = arith.constant 96 : i32
    %mul3A_5 = arith.muli %scan3A_3, %mul3A_4 : i32
    %add3A_6 = arith.addi %mul3A_2, %mul3A_5 : i32
    %multiple_of3A = tpu.assume_multiple %add3A_6, 8 : i32
    "tpu.region"() ({
      %run_scoped3A = tpu.sem_alloc : memref<!tpu.dma_semaphore, #tpu.memory_space<semaphore_mem>>
      %dma_start3A_12 = tpu.memref_slice %arg3[%multiple_of3A] : memref<3072xi32, #tpu.memory_space<hbm>> -> memref<96xi32, #tpu.memory_space<hbm>>
      %dma_start3A_13 = tpu.memref_slice %arg3[%multiple_of3A] : memref<3072xi32, #tpu.memory_space<hbm>> -> memref<96xi32, #tpu.memory_space<hbm>>
      tpu.enqueue_dma source(%dma_start3A_13 : memref<96xi32, #tpu.memory_space<hbm>>) target(%arg5 : memref<96xi32, #tpu.memory_space<vmem>>) target_semaphore(%run_scoped3A : memref<!tpu.dma_semaphore, #tpu.memory_space<semaphore_mem>>)
      %dma_wait3A_14 = tpu.memref_slice %arg3[%multiple_of3A] : memref<3072xi32, #tpu.memory_space<hbm>> -> memref<96xi32, #tpu.memory_space<hbm>>
      %dma_wait3A_15 = tpu.memref_slice %arg3[%multiple_of3A] : memref<3072xi32, #tpu.memory_space<hbm>> -> memref<96xi32, #tpu.memory_space<hbm>>
      tpu.wait_dma2 semaphore(%run_scoped3A : memref<!tpu.dma_semaphore, #tpu.memory_space<semaphore_mem>>) src(%dma_wait3A_15 : memref<96xi32, #tpu.memory_space<hbm>>) dst(%arg5 : memref<96xi32, #tpu.memory_space<vmem>>)
      tpu.yield
    }) : () -> ()
    %dma_start3A = arith.constant 0 : i32
    %dma_start3A_7 = arith.constant 0 : i32
    %dma_start3A_8 = tpu.memref_slice %arg2[%dma_start3A, %dma_start3A_7] : memref<10240x128xf32, #tpu.memory_space<hbm>> -> memref<10240x128xf32, #tpu.memory_space<hbm>>
    tpu.enqueue_indirect_dma source(%dma_start3A_8 : memref<10240x128xf32, #tpu.memory_space<hbm>>) target(%arg6 : memref<96x128xf32, #tpu.memory_space<vmem>>) offsets(%arg5 : memref<96xi32, #tpu.memory_space<vmem>>) semaphore(%arg7 : memref<!tpu.dma_semaphore, #tpu.memory_space<semaphore_mem>>)
    %dma_wait3A = arith.constant 0 : i32
    %dma_wait3A_9 = arith.constant 0 : i32
    %dma_wait3A_10 = tpu.memref_slice %arg2[%dma_wait3A, %dma_wait3A_9] : memref<10240x128xf32, #tpu.memory_space<hbm>> -> memref<10240x128xf32, #tpu.memory_space<hbm>>
    tpu.wait_indirect_dma semaphore(%arg7 : memref<!tpu.dma_semaphore, #tpu.memory_space<semaphore_mem>>) src(%dma_wait3A_10 : memref<10240x128xf32, #tpu.memory_space<hbm>>) dst(%arg6 : memref<96x128xf32, #tpu.memory_space<vmem>>)
    "tpu.region"() ({
      %run_scoped3A = tpu.sem_alloc : memref<!tpu.dma_semaphore, #tpu.memory_space<semaphore_mem>>
      %dma_start3A_12 = arith.constant 0 : i32
      %dma_start3A_13 = tpu.memref_slice %arg4[%multiple_of3A, %dma_start3A_12] : memref<3072x128xf32, #tpu.memory_space<hbm>> -> memref<96x128xf32, #tpu.memory_space<hbm>>
      %dma_start3A_14 = arith.constant 0 : i32
      %dma_start3A_15 = tpu.memref_slice %arg4[%multiple_of3A, %dma_start3A_14] : memref<3072x128xf32, #tpu.memory_space<hbm>> -> memref<96x128xf32, #tpu.memory_space<hbm>>
      tpu.enqueue_dma source(%arg6 : memref<96x128xf32, #tpu.memory_space<vmem>>) target(%dma_start3A_15 : memref<96x128xf32, #tpu.memory_space<hbm>>) target_semaphore(%run_scoped3A : memref<!tpu.dma_semaphore, #tpu.memory_space<semaphore_mem>>)
      %dma_wait3A_16 = arith.constant 0 : i32
      %dma_wait3A_17 = tpu.memref_slice %arg4[%multiple_of3A, %dma_wait3A_16] : memref<3072x128xf32, #tpu.memory_space<hbm>> -> memref<96x128xf32, #tpu.memory_space<hbm>>
      %dma_wait3A_18 = arith.constant 0 : i32
      %dma_wait3A_19 = tpu.memref_slice %arg4[%multiple_of3A, %dma_wait3A_18] : memref<3072x128xf32, #tpu.memory_space<hbm>> -> memref<96x128xf32, #tpu.memory_space<hbm>>
      tpu.wait_dma2 semaphore(%run_scoped3A : memref<!tpu.dma_semaphore, #tpu.memory_space<semaphore_mem>>) src(%arg6 : memref<96x128xf32, #tpu.memory_space<vmem>>) dst(%dma_wait3A_19 : memref<96x128xf32, #tpu.memory_space<hbm>>)
      tpu.yield
    }) : () -> ()
    %scan3A_11 = arith.constant 1 : i32
    return
  }
}

module attributes {stable_mosaic.version = 14 : i64} {
  func.func @body(%arg0: i32, %arg1: memref<64x128xf32, #tpu.memory_space<vmem>>, %arg2: memref<128x128xf32, #tpu.memory_space<vmem>>, %arg3: memref<1x128xf32, #tpu.memory_space<vmem>>, %arg4: memref<64x128xf32, #tpu.memory_space<vmem>>) attributes {dimension_semantics = [#tpu.dimension_semantics<arbitrary>], iteration_bounds = array<i64: 1>, scalar_prefetch = 0 : i64, scratch_operands = 0 : i64, tpu.core_type = #tpu.core_type<tc>, window_params = [{transform_indices = @transform_0, window_bounds = array<i64: 64, 128>}, {pipeline_mode = #tpu.pipeline_mode<synchronous>, transform_indices = @transform_1, window_bounds = array<i64: 128, 128>}, {pipeline_mode = #tpu.pipeline_mode<synchronous>, transform_indices = @transform_2, window_bounds = array<i64: 1, 128>}, {transform_indices = @transform_3, window_bounds = array<i64: 64, 128>}]} {
    %get3A = arith.constant 0 : index
    %get3A_0 = arith.constant 0 : index
    %get3A_1 = vector.load %arg1[%get3A, %get3A_0] : memref<64x128xf32, #tpu.memory_space<vmem>>, vector<64x128xf32>
    %mul3A = arith.mulf %get3A_1, %get3A_1 : vector<64x128xf32>
    %reduce_sum3A = arith.constant dense<0.000000e+00> : vector<64xf32>
    %reduce_sum3A_2 = vector.multi_reduction <add>, %mul3A, %reduce_sum3A [1] : vector<64x128xf32> to vector<64xf32>
    %broadcast_in_dim3A = vector.shape_cast %reduce_sum3A_2 : vector<64xf32> to vector<64x1xf32>
    %sqrt3A = math.sqrt %broadcast_in_dim3A : vector<64x1xf32>
    %max3A = arith.constant 9.99999996E-13 : f32
    %max3A_3 = vector.broadcast %max3A : f32 to vector<64x1xf32>
    %max3A_4 = arith.maximumf %sqrt3A, %max3A_3 : vector<64x1xf32>
    %div3A = vector.broadcast %max3A_4 : vector<64x1xf32> to vector<64x128xf32>
    %div3A_5 = arith.divf %get3A_1, %div3A : vector<64x128xf32>
    %get3A_6 = arith.constant 0 : index
    %get3A_7 = arith.constant 0 : index
    %get3A_8 = vector.load %arg2[%get3A_6, %get3A_7] : memref<128x128xf32, #tpu.memory_space<vmem>>, vector<128x128xf32>
    %dot_general3A = arith.constant dense<0.000000e+00> : vector<64x128xf32>
    %dot_general3A_9 = tpu.matmul %div3A_5, %get3A_8, %dot_general3A {dimension_numbers = #tpu.dot_dimension_numbers<[1], [0], [0], [1], [0, 0, 1, 1], [], []>, transpose_lhs_hint = false} : vector<64x128xf32>, vector<128x128xf32>, vector<64x128xf32> -> vector<64x128xf32>
    %get3A_10 = arith.constant 0 : index
    %get3A_11 = arith.constant 0 : index
    %get3A_12 = vector.load %arg3[%get3A_10, %get3A_11] : memref<1x128xf32, #tpu.memory_space<vmem>>, vector<1x128xf32>
    %add3A = vector.broadcast %get3A_12 : vector<1x128xf32> to vector<64x128xf32>
    %add3A_13 = arith.addf %dot_general3A_9, %add3A : vector<64x128xf32>
    %max3A_14 = arith.constant 0.000000e+00 : f32
    %max3A_15 = vector.broadcast %max3A_14 : f32 to vector<64x128xf32>
    %max3A_16 = arith.maximumf %add3A_13, %max3A_15 : vector<64x128xf32>
    %swap3A = arith.constant 0 : index
    %swap3A_17 = arith.constant 0 : index
    %swap3A_18 = vector.load %arg4[%swap3A, %swap3A_17] : memref<64x128xf32, #tpu.memory_space<vmem>>, vector<64x128xf32>
    tpu.vector_store %arg4[%swap3A, %swap3A_17], %max3A_16 {strides = array<i32>} : memref<64x128xf32, #tpu.memory_space<vmem>>, vector<64x128xf32>,
    return
  }
  func.func @transform_0(%arg0: i32) -> (i32, i32) {
    %add3A = arith.constant 0 : i32
    %add3A_0 = arith.addi %arg0, %add3A : i32
    %c0_i32 = arith.constant 0 : i32
    %c0_i32_1 = arith.constant 0 : i32
    return %add3A_0, %c0_i32 : i32, i32
  }
  func.func @transform_1(%arg0: i32) -> (i32, i32) {
    %c0_i32 = arith.constant 0 : i32
    %c0_i32_0 = arith.constant 0 : i32
    %c0_i32_1 = arith.constant 0 : i32
    return %c0_i32, %c0_i32_0 : i32, i32
  }
  func.func @transform_2(%arg0: i32) -> (i32, i32) {
    %c0_i32 = arith.constant 0 : i32
    %c0_i32_0 = arith.constant 0 : i32
    %c0_i32_1 = arith.constant 0 : i32
    return %c0_i32, %c0_i32_0 : i32, i32
  }
  func.func @transform_3(%arg0: i32) -> (i32, i32) {
    %c0_i32 = arith.constant 0 : i32
    %c0_i32_0 = arith.constant 0 : i32
    return %arg0, %c0_i32 : i32, i32
  }
}

module attributes {stable_mosaic.version = 14 : i64} {
  func.func @body(%arg0: i32, %arg1: memref<512x128xf32, #tpu.memory_space<vmem>>, %arg2: memref<128x128xf32, #tpu.memory_space<vmem>>, %arg3: memref<1x128xf32, #tpu.memory_space<vmem>>, %arg4: memref<512x128xf32, #tpu.memory_space<vmem>>) attributes {dimension_semantics = [#tpu.dimension_semantics<arbitrary>], iteration_bounds = array<i64: 20>, scalar_prefetch = 0 : i64, scratch_operands = 0 : i64, tpu.core_type = #tpu.core_type<tc>, window_params = [{transform_indices = @transform_0, window_bounds = array<i64: 512, 128>}, {pipeline_mode = #tpu.pipeline_mode<synchronous>, transform_indices = @transform_1, window_bounds = array<i64: 128, 128>}, {pipeline_mode = #tpu.pipeline_mode<synchronous>, transform_indices = @transform_2, window_bounds = array<i64: 1, 128>}, {transform_indices = @transform_3, window_bounds = array<i64: 512, 128>}]} {
    %get3A = arith.constant 0 : index
    %get3A_0 = arith.constant 0 : index
    %get3A_1 = vector.load %arg1[%get3A, %get3A_0] : memref<512x128xf32, #tpu.memory_space<vmem>>, vector<512x128xf32>
    %mul3A = arith.mulf %get3A_1, %get3A_1 : vector<512x128xf32>
    %reduce_sum3A = arith.constant dense<0.000000e+00> : vector<512xf32>
    %reduce_sum3A_2 = vector.multi_reduction <add>, %mul3A, %reduce_sum3A [1] : vector<512x128xf32> to vector<512xf32>
    %broadcast_in_dim3A = vector.shape_cast %reduce_sum3A_2 : vector<512xf32> to vector<512x1xf32>
    %sqrt3A = math.sqrt %broadcast_in_dim3A : vector<512x1xf32>
    %max3A = arith.constant 9.99999996E-13 : f32
    %max3A_3 = vector.broadcast %max3A : f32 to vector<512x1xf32>
    %max3A_4 = arith.maximumf %sqrt3A, %max3A_3 : vector<512x1xf32>
    %div3A = vector.broadcast %max3A_4 : vector<512x1xf32> to vector<512x128xf32>
    %div3A_5 = arith.divf %get3A_1, %div3A : vector<512x128xf32>
    %get3A_6 = arith.constant 0 : index
    %get3A_7 = arith.constant 0 : index
    %get3A_8 = vector.load %arg2[%get3A_6, %get3A_7] : memref<128x128xf32, #tpu.memory_space<vmem>>, vector<128x128xf32>
    %dot_general3A = arith.constant dense<0.000000e+00> : vector<512x128xf32>
    %dot_general3A_9 = tpu.matmul %div3A_5, %get3A_8, %dot_general3A {dimension_numbers = #tpu.dot_dimension_numbers<[1], [0], [0], [1], [0, 0, 1, 1], [], []>, transpose_lhs_hint = false} : vector<512x128xf32>, vector<128x128xf32>, vector<512x128xf32> -> vector<512x128xf32>
    %get3A_10 = arith.constant 0 : index
    %get3A_11 = arith.constant 0 : index
    %get3A_12 = vector.load %arg3[%get3A_10, %get3A_11] : memref<1x128xf32, #tpu.memory_space<vmem>>, vector<1x128xf32>
    %add3A = vector.broadcast %get3A_12 : vector<1x128xf32> to vector<512x128xf32>
    %add3A_13 = arith.addf %dot_general3A_9, %add3A : vector<512x128xf32>
    %max3A_14 = arith.constant 0.000000e+00 : f32
    %max3A_15 = vector.broadcast %max3A_14 : f32 to vector<512x128xf32>
    %max3A_16 = arith.maximumf %add3A_13, %max3A_15 : vector<512x128xf32>
    %iota3A = tpu.iota {dimensions = array<i32: 0>} : vector<512x128xi32>
    %mul3A_17 = arith.constant 512 : i32
    %mul3A_18 = arith.muli %arg0, %mul3A_17 : i32
    %add3A_19 = vector.broadcast %mul3A_18 : i32 to vector<512x128xi32>
    %add3A_20 = arith.addi %iota3A, %add3A_19 : vector<512x128xi32>
    %lt3A = arith.constant 10000 : i32
    %lt3A_21 = vector.broadcast %lt3A : i32 to vector<512x128xi32>
    %lt3A_22 = arith.cmpi slt, %add3A_20, %lt3A_21 : vector<512x128xi32>
    %jit3A = arith.constant -1.000000e+09 : f32
    %broadcast_in_dim3A_23 = vector.broadcast %jit3A : f32 to vector<512x128xf32>
    %select_n3A = arith.select %lt3A_22, %max3A_16, %broadcast_in_dim3A_23 : vector<512x128xi1>, vector<512x128xf32>
    %swap3A = arith.constant 0 : index
    %swap3A_24 = arith.constant 0 : index
    %swap3A_25 = vector.load %arg4[%swap3A, %swap3A_24] : memref<512x128xf32, #tpu.memory_space<vmem>>, vector<512x128xf32>
    tpu.vector_store %arg4[%swap3A, %swap3A_24], %select_n3A {strides = array<i32>} : memref<512x128xf32, #tpu.memory_space<vmem>>, vector<512x128xf32>,
    return
  }
  func.func @transform_0(%arg0: i32) -> (i32, i32) {
    %add3A = arith.constant 0 : i32
    %add3A_0 = arith.addi %arg0, %add3A : i32
    %c0_i32 = arith.constant 0 : i32
    %c0_i32_1 = arith.constant 0 : i32
    return %add3A_0, %c0_i32 : i32, i32
  }
  func.func @transform_1(%arg0: i32) -> (i32, i32) {
    %c0_i32 = arith.constant 0 : i32
    %c0_i32_0 = arith.constant 0 : i32
    %c0_i32_1 = arith.constant 0 : i32
    return %c0_i32, %c0_i32_0 : i32, i32
  }
  func.func @transform_2(%arg0: i32) -> (i32, i32) {
    %c0_i32 = arith.constant 0 : i32
    %c0_i32_0 = arith.constant 0 : i32
    %c0_i32_1 = arith.constant 0 : i32
    return %c0_i32, %c0_i32_0 : i32, i32
  }
  func.func @transform_3(%arg0: i32) -> (i32, i32) {
    %c0_i32 = arith.constant 0 : i32
    %c0_i32_0 = arith.constant 0 : i32
    return %arg0, %c0_i32 : i32, i32
  }
}

module attributes {stable_mosaic.version = 14 : i64} {
  func.func @body(%arg0: i32, %arg1: memref<512x128xf32, #tpu.memory_space<vmem>>, %arg2: memref<2x512x128xf32, #tpu.memory_space<vmem>>, %arg3: memref<128x128xf32, #tpu.memory_space<vmem>>, %arg4: memref<1x128xf32, #tpu.memory_space<vmem>>, %arg5: memref<512x128xf32, #tpu.memory_space<vmem>>) attributes {dimension_semantics = [#tpu.dimension_semantics<arbitrary>], iteration_bounds = array<i64: 20>, scalar_prefetch = 0 : i64, scratch_operands = 0 : i64, tpu.core_type = #tpu.core_type<tc>, window_params = [{transform_indices = @transform_0, window_bounds = array<i64: 512, 128>}, {transform_indices = @transform_1, window_bounds = array<i64: 2, 512, 128>}, {pipeline_mode = #tpu.pipeline_mode<synchronous>, transform_indices = @transform_2, window_bounds = array<i64: 128, 128>}, {pipeline_mode = #tpu.pipeline_mode<synchronous>, transform_indices = @transform_3, window_bounds = array<i64: 1, 128>}, {transform_indices = @transform_4, window_bounds = array<i64: 512, 128>}]} {
    %get3A = arith.constant 0 : index
    %get3A_0 = arith.constant 0 : index
    %get3A_1 = vector.load %arg1[%get3A, %get3A_0] : memref<512x128xf32, #tpu.memory_space<vmem>>, vector<512x128xf32>
    %get3A_2 = arith.constant 0 : index
    %get3A_3 = arith.constant 0 : index
    %get3A_4 = arith.constant 0 : index
    %get3A_5 = vector.load %arg2[%get3A_2, %get3A_3, %get3A_4] : memref<2x512x128xf32, #tpu.memory_space<vmem>>, vector<2x512x128xf32>
    %slice3A = vector.extract_strided_slice %get3A_5 {offsets = [0, 0, 0], sizes = [1, 512, 128], strides = [1, 1, 1]} : vector<2x512x128xf32> to vector<1x512x128xf32>
    %squeeze3A = vector.shape_cast %slice3A : vector<1x512x128xf32> to vector<512x128xf32>
    %add3A = arith.addf %get3A_1, %squeeze3A : vector<512x128xf32>
    %slice3A_6 = vector.extract_strided_slice %get3A_5 {offsets = [1, 0, 0], sizes = [1, 512, 128], strides = [1, 1, 1]} : vector<2x512x128xf32> to vector<1x512x128xf32>
    %squeeze3A_7 = vector.shape_cast %slice3A_6 : vector<1x512x128xf32> to vector<512x128xf32>
    %add3A_8 = arith.addf %add3A, %squeeze3A_7 : vector<512x128xf32>
    %get3A_9 = arith.constant 0 : index
    %get3A_10 = arith.constant 0 : index
    %get3A_11 = vector.load %arg3[%get3A_9, %get3A_10] : memref<128x128xf32, #tpu.memory_space<vmem>>, vector<128x128xf32>
    %dot_general3A = arith.constant dense<0.000000e+00> : vector<512x128xf32>
    %dot_general3A_12 = tpu.matmul %add3A_8, %get3A_11, %dot_general3A {dimension_numbers = #tpu.dot_dimension_numbers<[1], [0], [0], [1], [0, 0, 1, 1], [], []>, transpose_lhs_hint = false} : vector<512x128xf32>, vector<128x128xf32>, vector<512x128xf32> -> vector<512x128xf32>
    %get3A_13 = arith.constant 0 : index
    %get3A_14 = arith.constant 0 : index
    %get3A_15 = vector.load %arg4[%get3A_13, %get3A_14] : memref<1x128xf32, #tpu.memory_space<vmem>>, vector<1x128xf32>
    %add3A_16 = vector.broadcast %get3A_15 : vector<1x128xf32> to vector<512x128xf32>
    %add3A_17 = arith.addf %dot_general3A_12, %add3A_16 : vector<512x128xf32>
    %max3A = arith.constant 0.000000e+00 : f32
    %max3A_18 = vector.broadcast %max3A : f32 to vector<512x128xf32>
    %max3A_19 = arith.maximumf %add3A_17, %max3A_18 : vector<512x128xf32>
    %iota3A = tpu.iota {dimensions = array<i32: 0>} : vector<512x128xi32>
    %mul3A = arith.constant 512 : i32
    %mul3A_20 = arith.muli %arg0, %mul3A : i32
    %add3A_21 = vector.broadcast %mul3A_20 : i32 to vector<512x128xi32>
    %add3A_22 = arith.addi %iota3A, %add3A_21 : vector<512x128xi32>
    %lt3A = arith.constant 10000 : i32
    %lt3A_23 = vector.broadcast %lt3A : i32 to vector<512x128xi32>
    %lt3A_24 = arith.cmpi slt, %add3A_22, %lt3A_23 : vector<512x128xi32>
    %jit3A = arith.constant -1.000000e+09 : f32
    %broadcast_in_dim3A = vector.broadcast %jit3A : f32 to vector<512x128xf32>
    %select_n3A = arith.select %lt3A_24, %max3A_19, %broadcast_in_dim3A : vector<512x128xi1>, vector<512x128xf32>
    %swap3A = arith.constant 0 : index
    %swap3A_25 = arith.constant 0 : index
    %swap3A_26 = vector.load %arg5[%swap3A, %swap3A_25] : memref<512x128xf32, #tpu.memory_space<vmem>>, vector<512x128xf32>
    tpu.vector_store %arg5[%swap3A, %swap3A_25], %select_n3A {strides = array<i32>} : memref<512x128xf32, #tpu.memory_space<vmem>>, vector<512x128xf32>,
    return
  }
  func.func @transform_0(%arg0: i32) -> (i32, i32) {
    %add3A = arith.constant 0 : i32
    %add3A_0 = arith.addi %arg0, %add3A : i32
    %c0_i32 = arith.constant 0 : i32
    %c0_i32_1 = arith.constant 0 : i32
    return %add3A_0, %c0_i32 : i32, i32
  }
  func.func @transform_1(%arg0: i32) -> (i32, i32, i32) {
    %add3A = arith.constant 0 : i32
    %add3A_0 = arith.addi %arg0, %add3A : i32
    %c0_i32 = arith.constant 0 : i32
    %c0_i32_1 = arith.constant 0 : i32
    %c0_i32_2 = arith.constant 0 : i32
    return %c0_i32, %add3A_0, %c0_i32_1 : i32, i32, i32
  }
  func.func @transform_2(%arg0: i32) -> (i32, i32) {
    %c0_i32 = arith.constant 0 : i32
    %c0_i32_0 = arith.constant 0 : i32
    %c0_i32_1 = arith.constant 0 : i32
    return %c0_i32, %c0_i32_0 : i32, i32
  }
  func.func @transform_3(%arg0: i32) -> (i32, i32) {
    %c0_i32 = arith.constant 0 : i32
    %c0_i32_0 = arith.constant 0 : i32
    %c0_i32_1 = arith.constant 0 : i32
    return %c0_i32, %c0_i32_0 : i32, i32
  }
  func.func @transform_4(%arg0: i32) -> (i32, i32) {
    %c0_i32 = arith.constant 0 : i32
    %c0_i32_0 = arith.constant 0 : i32
    return %arg0, %c0_i32 : i32, i32
  }
}

module attributes {stable_mosaic.version = 14 : i64} {
  func.func @body(%arg0: i32, %arg1: memref<512x128xf32, #tpu.memory_space<vmem>>, %arg2: memref<2x512x128xf32, #tpu.memory_space<vmem>>, %arg3: memref<128x128xf32, #tpu.memory_space<vmem>>, %arg4: memref<1x128xf32, #tpu.memory_space<vmem>>, %arg5: memref<512x128xf32, #tpu.memory_space<vmem>>) attributes {dimension_semantics = [#tpu.dimension_semantics<arbitrary>], iteration_bounds = array<i64: 20>, scalar_prefetch = 0 : i64, scratch_operands = 0 : i64, tpu.core_type = #tpu.core_type<tc>, window_params = [{transform_indices = @transform_0, window_bounds = array<i64: 512, 128>}, {transform_indices = @transform_1, window_bounds = array<i64: 2, 512, 128>}, {pipeline_mode = #tpu.pipeline_mode<synchronous>, transform_indices = @transform_2, window_bounds = array<i64: 128, 128>}, {pipeline_mode = #tpu.pipeline_mode<synchronous>, transform_indices = @transform_3, window_bounds = array<i64: 1, 128>}, {transform_indices = @transform_4, window_bounds = array<i64: 512, 128>}]} {
    %get3A = arith.constant 0 : index
    %get3A_0 = arith.constant 0 : index
    %get3A_1 = vector.load %arg1[%get3A, %get3A_0] : memref<512x128xf32, #tpu.memory_space<vmem>>, vector<512x128xf32>
    %get3A_2 = arith.constant 0 : index
    %get3A_3 = arith.constant 0 : index
    %get3A_4 = arith.constant 0 : index
    %get3A_5 = vector.load %arg2[%get3A_2, %get3A_3, %get3A_4] : memref<2x512x128xf32, #tpu.memory_space<vmem>>, vector<2x512x128xf32>
    %slice3A = vector.extract_strided_slice %get3A_5 {offsets = [0, 0, 0], sizes = [1, 512, 128], strides = [1, 1, 1]} : vector<2x512x128xf32> to vector<1x512x128xf32>
    %squeeze3A = vector.shape_cast %slice3A : vector<1x512x128xf32> to vector<512x128xf32>
    %add3A = arith.addf %get3A_1, %squeeze3A : vector<512x128xf32>
    %slice3A_6 = vector.extract_strided_slice %get3A_5 {offsets = [1, 0, 0], sizes = [1, 512, 128], strides = [1, 1, 1]} : vector<2x512x128xf32> to vector<1x512x128xf32>
    %squeeze3A_7 = vector.shape_cast %slice3A_6 : vector<1x512x128xf32> to vector<512x128xf32>
    %add3A_8 = arith.addf %add3A, %squeeze3A_7 : vector<512x128xf32>
    %get3A_9 = arith.constant 0 : index
    %get3A_10 = arith.constant 0 : index
    %get3A_11 = vector.load %arg3[%get3A_9, %get3A_10] : memref<128x128xf32, #tpu.memory_space<vmem>>, vector<128x128xf32>
    %dot_general3A = arith.constant dense<0.000000e+00> : vector<512x128xf32>
    %dot_general3A_12 = tpu.matmul %add3A_8, %get3A_11, %dot_general3A {dimension_numbers = #tpu.dot_dimension_numbers<[1], [0], [0], [1], [0, 0, 1, 1], [], []>, transpose_lhs_hint = false} : vector<512x128xf32>, vector<128x128xf32>, vector<512x128xf32> -> vector<512x128xf32>
    %get3A_13 = arith.constant 0 : index
    %get3A_14 = arith.constant 0 : index
    %get3A_15 = vector.load %arg4[%get3A_13, %get3A_14] : memref<1x128xf32, #tpu.memory_space<vmem>>, vector<1x128xf32>
    %add3A_16 = vector.broadcast %get3A_15 : vector<1x128xf32> to vector<512x128xf32>
    %add3A_17 = arith.addf %dot_general3A_12, %add3A_16 : vector<512x128xf32>
    %swap3A = arith.constant 0 : index
    %swap3A_18 = arith.constant 0 : index
    %swap3A_19 = vector.load %arg5[%swap3A, %swap3A_18] : memref<512x128xf32, #tpu.memory_space<vmem>>, vector<512x128xf32>
    tpu.vector_store %arg5[%swap3A, %swap3A_18], %add3A_17 {strides = array<i32>} : memref<512x128xf32, #tpu.memory_space<vmem>>, vector<512x128xf32>,
    return
  }
  func.func @transform_0(%arg0: i32) -> (i32, i32) {
    %add3A = arith.constant 0 : i32
    %add3A_0 = arith.addi %arg0, %add3A : i32
    %c0_i32 = arith.constant 0 : i32
    %c0_i32_1 = arith.constant 0 : i32
    return %add3A_0, %c0_i32 : i32, i32
  }
  func.func @transform_1(%arg0: i32) -> (i32, i32, i32) {
    %add3A = arith.constant 0 : i32
    %add3A_0 = arith.addi %arg0, %add3A : i32
    %c0_i32 = arith.constant 0 : i32
    %c0_i32_1 = arith.constant 0 : i32
    %c0_i32_2 = arith.constant 0 : i32
    return %c0_i32, %add3A_0, %c0_i32_1 : i32, i32, i32
  }
  func.func @transform_2(%arg0: i32) -> (i32, i32) {
    %c0_i32 = arith.constant 0 : i32
    %c0_i32_0 = arith.constant 0 : i32
    %c0_i32_1 = arith.constant 0 : i32
    return %c0_i32, %c0_i32_0 : i32, i32
  }
  func.func @transform_3(%arg0: i32) -> (i32, i32) {
    %c0_i32 = arith.constant 0 : i32
    %c0_i32_0 = arith.constant 0 : i32
    %c0_i32_1 = arith.constant 0 : i32
    return %c0_i32, %c0_i32_0 : i32, i32
  }
  func.func @transform_4(%arg0: i32) -> (i32, i32) {
    %c0_i32 = arith.constant 0 : i32
    %c0_i32_0 = arith.constant 0 : i32
    return %arg0, %c0_i32 : i32, i32
  }
}

module attributes {stable_mosaic.version = 14 : i64} {
  func.func @body(%arg0: i32, %arg1: memref<512x128xf32, #tpu.memory_space<vmem>>, %arg2: memref<128x64xf32, #tpu.memory_space<vmem>>, %arg3: memref<1x64xf32, #tpu.memory_space<vmem>>, %arg4: memref<128x64xf32, #tpu.memory_space<vmem>>, %arg5: memref<128x8xf32, #tpu.memory_space<vmem>>, %arg6: memref<1x8xf32, #tpu.memory_space<vmem>>, %arg7: memref<512x64xf32, #tpu.memory_space<vmem>>, %arg8: memref<512x64xf32, #tpu.memory_space<vmem>>, %arg9: memref<512x8xf32, #tpu.memory_space<vmem>>) attributes {dimension_semantics = [#tpu.dimension_semantics<arbitrary>], iteration_bounds = array<i64: 20>, scalar_prefetch = 0 : i64, scratch_operands = 0 : i64, tpu.core_type = #tpu.core_type<tc>, window_params = [{transform_indices = @transform_0, window_bounds = array<i64: 512, 128>}, {pipeline_mode = #tpu.pipeline_mode<synchronous>, transform_indices = @transform_1, window_bounds = array<i64: 128, 64>}, {pipeline_mode = #tpu.pipeline_mode<synchronous>, transform_indices = @transform_2, window_bounds = array<i64: 1, 64>}, {pipeline_mode = #tpu.pipeline_mode<synchronous>, transform_indices = @transform_3, window_bounds = array<i64: 128, 64>}, {pipeline_mode = #tpu.pipeline_mode<synchronous>, transform_indices = @transform_4, window_bounds = array<i64: 128, 8>}, {pipeline_mode = #tpu.pipeline_mode<synchronous>, transform_indices = @transform_5, window_bounds = array<i64: 1, 8>}, {transform_indices = @transform_6, window_bounds = array<i64: 512, 64>}, {transform_indices = @transform_7, window_bounds = array<i64: 512, 64>}, {transform_indices = @transform_8, window_bounds = array<i64: 512, 8>}]} {
    %get3A = arith.constant 0 : index
    %get3A_0 = arith.constant 0 : index
    %get3A_1 = vector.load %arg1[%get3A, %get3A_0] : memref<512x128xf32, #tpu.memory_space<vmem>>, vector<512x128xf32>
    %get3A_2 = arith.constant 0 : index
    %get3A_3 = arith.constant 0 : index
    %get3A_4 = vector.load %arg2[%get3A_2, %get3A_3] : memref<128x64xf32, #tpu.memory_space<vmem>>, vector<128x64xf32>
    %dot_general3A = arith.constant dense<0.000000e+00> : vector<512x64xf32>
    %dot_general3A_5 = tpu.matmul %get3A_1, %get3A_4, %dot_general3A {dimension_numbers = #tpu.dot_dimension_numbers<[1], [0], [0], [1], [0, 0, 1, 1], [], []>, transpose_lhs_hint = false} : vector<512x128xf32>, vector<128x64xf32>, vector<512x64xf32> -> vector<512x64xf32>
    %get3A_6 = arith.constant 0 : index
    %get3A_7 = arith.constant 0 : index
    %get3A_8 = vector.load %arg3[%get3A_6, %get3A_7] : memref<1x64xf32, #tpu.memory_space<vmem>>, vector<1x64xf32>
    %add3A = vector.broadcast %get3A_8 : vector<1x64xf32> to vector<512x64xf32>
    %add3A_9 = arith.addf %dot_general3A_5, %add3A : vector<512x64xf32>
    %swap3A = arith.constant 0 : index
    %swap3A_10 = arith.constant 0 : index
    %swap3A_11 = vector.load %arg7[%swap3A, %swap3A_10] : memref<512x64xf32, #tpu.memory_space<vmem>>, vector<512x64xf32>
    tpu.vector_store %arg7[%swap3A, %swap3A_10], %add3A_9 {strides = array<i32>} : memref<512x64xf32, #tpu.memory_space<vmem>>, vector<512x64xf32>,
    %get3A_12 = arith.constant 0 : index
    %get3A_13 = arith.constant 0 : index
    %get3A_14 = vector.load %arg4[%get3A_12, %get3A_13] : memref<128x64xf32, #tpu.memory_space<vmem>>, vector<128x64xf32>
    %dot_general3A_15 = arith.constant dense<0.000000e+00> : vector<512x64xf32>
    %dot_general3A_16 = tpu.matmul %get3A_1, %get3A_14, %dot_general3A_15 {dimension_numbers = #tpu.dot_dimension_numbers<[1], [0], [0], [1], [0, 0, 1, 1], [], []>, transpose_lhs_hint = false} : vector<512x128xf32>, vector<128x64xf32>, vector<512x64xf32> -> vector<512x64xf32>
    %swap3A_17 = arith.constant 0 : index
    %swap3A_18 = arith.constant 0 : index
    %swap3A_19 = vector.load %arg8[%swap3A_17, %swap3A_18] : memref<512x64xf32, #tpu.memory_space<vmem>>, vector<512x64xf32>
    tpu.vector_store %arg8[%swap3A_17, %swap3A_18], %dot_general3A_16 {strides = array<i32>} : memref<512x64xf32, #tpu.memory_space<vmem>>, vector<512x64xf32>,
    %get3A_20 = arith.constant 0 : index
    %get3A_21 = arith.constant 0 : index
    %get3A_22 = vector.load %arg5[%get3A_20, %get3A_21] : memref<128x8xf32, #tpu.memory_space<vmem>>, vector<128x8xf32>
    %dot_general3A_23 = arith.constant dense<0.000000e+00> : vector<512x8xf32>
    %dot_general3A_24 = tpu.matmul %get3A_1, %get3A_22, %dot_general3A_23 {dimension_numbers = #tpu.dot_dimension_numbers<[1], [0], [0], [1], [0, 0, 1, 1], [], []>, transpose_lhs_hint = false} : vector<512x128xf32>, vector<128x8xf32>, vector<512x8xf32> -> vector<512x8xf32>
    %get3A_25 = arith.constant 0 : index
    %get3A_26 = arith.constant 0 : index
    %get3A_27 = vector.load %arg6[%get3A_25, %get3A_26] : memref<1x8xf32, #tpu.memory_space<vmem>>, vector<1x8xf32>
    %add3A_28 = vector.broadcast %get3A_27 : vector<1x8xf32> to vector<512x8xf32>
    %add3A_29 = arith.addf %dot_general3A_24, %add3A_28 : vector<512x8xf32>
    %swap3A_30 = arith.constant 0 : index
    %swap3A_31 = arith.constant 0 : index
    %swap3A_32 = vector.load %arg9[%swap3A_30, %swap3A_31] : memref<512x8xf32, #tpu.memory_space<vmem>>, vector<512x8xf32>
    tpu.vector_store %arg9[%swap3A_30, %swap3A_31], %add3A_29 {strides = array<i32>} : memref<512x8xf32, #tpu.memory_space<vmem>>, vector<512x8xf32>,
    return
  }
  func.func @transform_0(%arg0: i32) -> (i32, i32) {
    %c0_i32 = arith.constant 0 : i32
    %c0_i32_0 = arith.constant 0 : i32
    return %arg0, %c0_i32 : i32, i32
  }
  func.func @transform_1(%arg0: i32) -> (i32, i32) {
    %c0_i32 = arith.constant 0 : i32
    %c0_i32_0 = arith.constant 0 : i32
    %c0_i32_1 = arith.constant 0 : i32
    return %c0_i32, %c0_i32_0 : i32, i32
  }
  func.func @transform_2(%arg0: i32) -> (i32, i32) {
    %c0_i32 = arith.constant 0 : i32
    %c0_i32_0 = arith.constant 0 : i32
    %c0_i32_1 = arith.constant 0 : i32
    return %c0_i32, %c0_i32_0 : i32, i32
  }
  func.func @transform_3(%arg0: i32) -> (i32, i32) {
    %c0_i32 = arith.constant 0 : i32
    %c0_i32_0 = arith.constant 0 : i32
    %c0_i32_1 = arith.constant 0 : i32
    return %c0_i32, %c0_i32_0 : i32, i32
  }
  func.func @transform_4(%arg0: i32) -> (i32, i32) {
    %c0_i32 = arith.constant 0 : i32
    %c0_i32_0 = arith.constant 0 : i32
    %c0_i32_1 = arith.constant 0 : i32
    return %c0_i32, %c0_i32_0 : i32, i32
  }
  func.func @transform_5(%arg0: i32) -> (i32, i32) {
    %c0_i32 = arith.constant 0 : i32
    %c0_i32_0 = arith.constant 0 : i32
    %c0_i32_1 = arith.constant 0 : i32
    return %c0_i32, %c0_i32_0 : i32, i32
  }
  func.func @transform_6(%arg0: i32) -> (i32, i32) {
    %c0_i32 = arith.constant 0 : i32
    %c0_i32_0 = arith.constant 0 : i32
    return %arg0, %c0_i32 : i32, i32
  }
  func.func @transform_7(%arg0: i32) -> (i32, i32) {
    %c0_i32 = arith.constant 0 : i32
    %c0_i32_0 = arith.constant 0 : i32
    return %arg0, %c0_i32 : i32, i32
  }
  func.func @transform_8(%arg0: i32) -> (i32, i32) {
    %c0_i32 = arith.constant 0 : i32
    %c0_i32_0 = arith.constant 0 : i32
    return %arg0, %c0_i32 : i32, i32
  }
}

module attributes {stable_mosaic.version = 14 : i64} {
  func.func @body(%arg0: i32, %arg1: memref<512x128xf32, #tpu.memory_space<vmem>>, %arg2: memref<128x128xf32, #tpu.memory_space<vmem>>, %arg3: memref<1x128xf32, #tpu.memory_space<vmem>>, %arg4: memref<512x128xf32, #tpu.memory_space<vmem>>) attributes {dimension_semantics = [#tpu.dimension_semantics<arbitrary>], iteration_bounds = array<i64: 6>, scalar_prefetch = 0 : i64, scratch_operands = 0 : i64, tpu.core_type = #tpu.core_type<tc>, window_params = [{transform_indices = @transform_0, window_bounds = array<i64: 512, 128>}, {pipeline_mode = #tpu.pipeline_mode<synchronous>, transform_indices = @transform_1, window_bounds = array<i64: 128, 128>}, {pipeline_mode = #tpu.pipeline_mode<synchronous>, transform_indices = @transform_2, window_bounds = array<i64: 1, 128>}, {transform_indices = @transform_3, window_bounds = array<i64: 512, 128>}]} {
    %get3A = arith.constant 0 : index
    %get3A_0 = arith.constant 0 : index
    %get3A_1 = vector.load %arg1[%get3A, %get3A_0] : memref<512x128xf32, #tpu.memory_space<vmem>>, vector<512x128xf32>
    %get3A_2 = arith.constant 0 : index
    %get3A_3 = arith.constant 0 : index
    %get3A_4 = vector.load %arg2[%get3A_2, %get3A_3] : memref<128x128xf32, #tpu.memory_space<vmem>>, vector<128x128xf32>
    %dot_general3A = arith.constant dense<0.000000e+00> : vector<512x128xf32>
    %dot_general3A_5 = tpu.matmul %get3A_1, %get3A_4, %dot_general3A {dimension_numbers = #tpu.dot_dimension_numbers<[1], [0], [0], [1], [0, 0, 1, 1], [], []>, transpose_lhs_hint = false} : vector<512x128xf32>, vector<128x128xf32>, vector<512x128xf32> -> vector<512x128xf32>
    %get3A_6 = arith.constant 0 : index
    %get3A_7 = arith.constant 0 : index
    %get3A_8 = vector.load %arg3[%get3A_6, %get3A_7] : memref<1x128xf32, #tpu.memory_space<vmem>>, vector<1x128xf32>
    %add3A = vector.broadcast %get3A_8 : vector<1x128xf32> to vector<512x128xf32>
    %add3A_9 = arith.addf %dot_general3A_5, %add3A : vector<512x128xf32>
    %swap3A = arith.constant 0 : index
    %swap3A_10 = arith.constant 0 : index
    %swap3A_11 = vector.load %arg4[%swap3A, %swap3A_10] : memref<512x128xf32, #tpu.memory_space<vmem>>, vector<512x128xf32>
    tpu.vector_store %arg4[%swap3A, %swap3A_10], %add3A_9 {strides = array<i32>} : memref<512x128xf32, #tpu.memory_space<vmem>>, vector<512x128xf32>,
    return
  }
  func.func @transform_0(%arg0: i32) -> (i32, i32) {
    %add3A = arith.constant 0 : i32
    %add3A_0 = arith.addi %arg0, %add3A : i32
    %c0_i32 = arith.constant 0 : i32
    %c0_i32_1 = arith.constant 0 : i32
    return %add3A_0, %c0_i32 : i32, i32
  }
  func.func @transform_1(%arg0: i32) -> (i32, i32) {
    %c0_i32 = arith.constant 0 : i32
    %c0_i32_0 = arith.constant 0 : i32
    %c0_i32_1 = arith.constant 0 : i32
    return %c0_i32, %c0_i32_0 : i32, i32
  }
  func.func @transform_2(%arg0: i32) -> (i32, i32) {
    %c0_i32 = arith.constant 0 : i32
    %c0_i32_0 = arith.constant 0 : i32
    %c0_i32_1 = arith.constant 0 : i32
    return %c0_i32, %c0_i32_0 : i32, i32
  }
  func.func @transform_3(%arg0: i32) -> (i32, i32) {
    %c0_i32 = arith.constant 0 : i32
    %c0_i32_0 = arith.constant 0 : i32
    return %arg0, %c0_i32 : i32, i32
  }
}

module attributes {stable_mosaic.version = 14 : i64} {
  func.func @body(%arg0: i32, %arg1: memref<512x128xf32, #tpu.memory_space<vmem>>, %arg2: memref<128x128xf32, #tpu.memory_space<vmem>>, %arg3: memref<1x128xf32, #tpu.memory_space<vmem>>, %arg4: memref<512x128xf32, #tpu.memory_space<vmem>>) attributes {dimension_semantics = [#tpu.dimension_semantics<arbitrary>], iteration_bounds = array<i64: 4>, scalar_prefetch = 0 : i64, scratch_operands = 0 : i64, tpu.core_type = #tpu.core_type<tc>, window_params = [{transform_indices = @transform_0, window_bounds = array<i64: 512, 128>}, {pipeline_mode = #tpu.pipeline_mode<synchronous>, transform_indices = @transform_1, window_bounds = array<i64: 128, 128>}, {pipeline_mode = #tpu.pipeline_mode<synchronous>, transform_indices = @transform_2, window_bounds = array<i64: 1, 128>}, {transform_indices = @transform_3, window_bounds = array<i64: 512, 128>}]} {
    %get3A = arith.constant 0 : index
    %get3A_0 = arith.constant 0 : index
    %get3A_1 = vector.load %arg1[%get3A, %get3A_0] : memref<512x128xf32, #tpu.memory_space<vmem>>, vector<512x128xf32>
    %get3A_2 = arith.constant 0 : index
    %get3A_3 = arith.constant 0 : index
    %get3A_4 = vector.load %arg2[%get3A_2, %get3A_3] : memref<128x128xf32, #tpu.memory_space<vmem>>, vector<128x128xf32>
    %dot_general3A = arith.constant dense<0.000000e+00> : vector<512x128xf32>
    %dot_general3A_5 = tpu.matmul %get3A_1, %get3A_4, %dot_general3A {dimension_numbers = #tpu.dot_dimension_numbers<[1], [0], [0], [1], [0, 0, 1, 1], [], []>, transpose_lhs_hint = false} : vector<512x128xf32>, vector<128x128xf32>, vector<512x128xf32> -> vector<512x128xf32>
    %get3A_6 = arith.constant 0 : index
    %get3A_7 = arith.constant 0 : index
    %get3A_8 = vector.load %arg3[%get3A_6, %get3A_7] : memref<1x128xf32, #tpu.memory_space<vmem>>, vector<1x128xf32>
    %add3A = vector.broadcast %get3A_8 : vector<1x128xf32> to vector<512x128xf32>
    %add3A_9 = arith.addf %dot_general3A_5, %add3A : vector<512x128xf32>
    %swap3A = arith.constant 0 : index
    %swap3A_10 = arith.constant 0 : index
    %swap3A_11 = vector.load %arg4[%swap3A, %swap3A_10] : memref<512x128xf32, #tpu.memory_space<vmem>>, vector<512x128xf32>
    tpu.vector_store %arg4[%swap3A, %swap3A_10], %add3A_9 {strides = array<i32>} : memref<512x128xf32, #tpu.memory_space<vmem>>, vector<512x128xf32>,
    return
  }
  func.func @transform_0(%arg0: i32) -> (i32, i32) {
    %add3A = arith.constant 2 : i32
    %add3A_0 = arith.addi %arg0, %add3A : i32
    %c0_i32 = arith.constant 0 : i32
    %c0_i32_1 = arith.constant 0 : i32
    return %add3A_0, %c0_i32 : i32, i32
  }
  func.func @transform_1(%arg0: i32) -> (i32, i32) {
    %c0_i32 = arith.constant 0 : i32
    %c0_i32_0 = arith.constant 0 : i32
    %c0_i32_1 = arith.constant 0 : i32
    return %c0_i32, %c0_i32_0 : i32, i32
  }
  func.func @transform_2(%arg0: i32) -> (i32, i32) {
    %c0_i32 = arith.constant 0 : i32
    %c0_i32_0 = arith.constant 0 : i32
    %c0_i32_1 = arith.constant 0 : i32
    return %c0_i32, %c0_i32_0 : i32, i32
  }
  func.func @transform_3(%arg0: i32) -> (i32, i32) {
    %c0_i32 = arith.constant 0 : i32
    %c0_i32_0 = arith.constant 0 : i32
    return %arg0, %c0_i32 : i32, i32
  }
}

</mosaic_0001>

<sc_bundles>
// kernel: kernel.14.cloned.1.call-start
scs
__scs_entry_jumppad:
0x0: {  	(pc) =	sbr.rel $0x88, $3  }
0x1: {  	(tag) =	ssettag $0x0;
	lr =	simm.s32 $0x1  }
0x2: {  	[smem:$0x3F8C] =	sst lr;
	_ =	strace $0xD0000000  }
0x3: {  	_ = 	snop  }
0x4: {  	_ = 	snop  }
0x5: {  	_ = 	snop  }
0x6: {  	_ = 	snop  }
0x7: {  	_ = 	snop  }
__scs_overlays_trampoline_lowered:
0x8: {  	[smem:$0x3F9B] =	sst s0  }
0x9: {  	[smem:$0x3F9C] =	sst s1  }
0xa: {  	[smem:$0x3F9D] =	sst s2  }
0xb: {  	[smem:$0x3F9E] =	sst s3  }
0xc: {  	[smem:$0x3F9F] =	sst s4  }
0xd: {  	[smem:$0x3FA0] =	sst s5  }
0xe: {  	[smem:$0x3FA1] =	sst s6  }
0xf: {  	[smem:$0x3FA2] =	sst s7  }
0x10: {  	[smem:$0x3FA3] =	sst s8  }
0x11: {  	[smem:$0x3FA4] =	sst s9;
	s0 =	simm.s32 @!p0 $0x0  }
0x12: {  	s1 =	sld [smem:$0x3F8A];
	s0 =	simm.s32 @p0 $0x1  }
0x13: {  	[smem:$0x3FA5] =	sst s0;
	s0 =	simm.s32 @!p1 $0x0  }
0x14: {  	s2 =	sld [smem:$0x3F89];
	s0 =	simm.s32 @p1 $0x1  }
0x15: {  	[smem:$0x3FA6] =	sst s0;
	s0 =	simm.s32 @!p2 $0x0  }
0x16: {  	s3 =	sld [smem:$0x3FDB];
	s0 =	simm.s32 @p2 $0x1  }
0x17: {  	s4 =	simm.s32 $0x1BF5;
	[smem:$0x3FA8] =	sst s0  }
0x18: {  	s0 =	sld [smem:$0x3F8B];
	_ =	swait.ge [sflag:s4], $0x0  }
0x19: {  	s7 =	sld [smem:$0x3F8C]  }
0x1a: {  	s8 =	sadd.s32 $0xFFFFE003, lr  }
0x1b: {  	s9 =	sadd.s32 $0xFFFFFEF7, lr;
	s5 =	simm.s32 $0xFFFFFFFF;
	p2 =	slt.u32 s8, $0xFFFFF086  }
0x1c: {  	p1 =	slt.u32 s9, $0xF7A;
	s5 =	simm.s32 @!p2 $0x0  }
0x1d: {  	s5 =	simm.s32 @p1 $0x1;
	p0 =	seq.s32 s7, s2  }
0x1e: {  	s7 =	smul.u32 @!p0 $0xF7A, s2;
	p2 =	seq.s32 @!p0 s5, $0x0  }
0x1f: {  	s9 =	smul.u32 $0xF7A, s1;
	s8 =	simm.s32 @!p0 $0x1BF5;
	p2 =	por !p2, p0  }
0x20: {  	[sflag:s8] =	ssyncset.s32 @!p0 $0xFFFFF086;
	s6 =	sadd.s32 @!p0 s3, s7;
	s7 =	simm.s32 @!p0 $0x108  }
0x21: {  	s3 =	sadd.s32 s3, s9;
	s6 =	sadd.s32 @!p0 $0x88, s6;
	s7 =	simm.s32 @p2 $0x1082  }
0x22: {  	[simem:s7], [sflag:s8] =	dma.local @!p0 [hbm:s6], $0xF7A  }
0x23: {  	s9 =	sor.u32 $0xD0000000, s2;
	s6 =	simm.s32 $0x108;
	_ =	swait.ge @!p0 [sflag:s8], $0x0  }
0x24: {  	s3 =	sadd.s32 $0x88, s3;
	s6 =	simm.s32 @!p1 $0x1082;
	[sflag:s4] =	ssyncset.s32 $0xFFFFF086  }
0x25: {  	[simem:s6], [sflag:s4] =	dma.local [hbm:s3], $0xF7A  }
0x26: {  	[smem:$0x3F8C] =	sst s1;
	(tag) =	ssettag s2;
	_ =	strace s9  }
0x27: {  	s1 =	sld [smem:$0x3F9C]  }
0x28: {  	s2 =	sld [smem:$0x3F9D]  }
0x29: {  	s4 =	sld [smem:$0x3F9F]  }
0x2a: {  	p0 =	seq.s32 s5, $0x0;
	s5 =	sld [smem:$0x3FA0]  }
0x2b: {  	s6 =	sld [smem:$0x3FA1]  }
0x2c: {  	s7 =	sld [smem:$0x3FA2]  }
0x2d: {  	s3 =	simm.s32 $0x108;
	s8 =	sld [smem:$0x3FA3]  }
0x2e: {  	s3 =	simm.s32 @!p0 $0x1082;
	s9 =	sld [smem:$0x3FA4]  }
0x2f: {  	lr =	sadd.s32 s0, s3;
	s0 =	sld [smem:$0x3F9B]  }
0x30: {  	s3 =	sld [smem:$0x3F9E]  }
0x31: {  	[smem:$0x3FA7] =	sst s10  }
0x32: {  	s10 =	sld [smem:$0x3FA5];
	_ =	sdelay $0x3  }
0x33: {  	p0 =	seq.s32 s10, $0x1;
	s10 =	sld [smem:$0x3FA7];
	_ =	sdelay $0x3  }
0x34: {  	[smem:$0x3FA7] =	sst s10  }
0x35: {  	s10 =	sld [smem:$0x3FA6];
	_ =	sdelay $0x3  }
0x36: {  	p1 =	seq.s32 s10, $0x1;
	s10 =	sld [smem:$0x3FA7];
	_ =	sdelay $0x3  }
0x37: {  	[smem:$0x3FA7] =	sst s10  }
0x38: {  	s10 =	sld [smem:$0x3FA8]  }
0x39: {  	_ = 	snop;
	(pc) =	sbr.ind lr, $3  }
0x3a: {  	_ = 	snop  }
0x3b: {  	_ = 	snop  }
0x3c: {  	p2 =	seq.s32 s10, $0x1;
	s10 =	sld [smem:$0x3FA7]  }
0x3d: {  	_ =	shalt  }
0x3e: {  	_ =	shalt  }
0x3f: {  	_ =	shalt  }
0x40: {  	_ =	shalt  }
0x41: {  	_ =	shalt  }
0x42: {  	_ =	shalt  }
0x43: {  	_ =	shalt  }
0x44: {  	_ =	shalt  }
0x45: {  	_ =	shalt  }
0x46: {  	_ =	shalt  }
0x47: {  	_ =	shalt  }
0x48: {  	_ =	shalt  }
0x49: {  	_ =	shalt  }
0x4a: {  	_ =	shalt  }
0x4b: {  	_ =	shalt  }
0x4c: {  	_ =	shalt  }
0x4d: {  	_ =	shalt  }
0x4e: {  	_ =	shalt  }
0x4f: {  	_ =	shalt  }
0x50: {  	_ =	shalt  }
0x51: {  	_ =	shalt  }
0x52: {  	_ =	shalt  }
0x53: {  	_ =	shalt  }
0x54: {  	_ =	shalt  }
0x55: {  	_ =	shalt  }
0x56: {  	_ =	shalt  }
0x57: {  	_ =	shalt  }
0x58: {  	_ =	shalt  }
0x59: {  	_ =	shalt  }
0x5a: {  	_ =	shalt  }
0x5b: {  	_ =	shalt  }
0x5c: {  	_ =	shalt  }
0x5d: {  	_ =	shalt  }
0x5e: {  	_ =	shalt  }
0x5f: {  	_ =	shalt  }
0x60: {  	_ =	shalt  }
0x61: {  	_ =	shalt  }
0x62: {  	_ =	shalt  }
0x63: {  	_ =	shalt  }
0x64: {  	_ =	shalt  }
0x65: {  	_ =	shalt  }
0x66: {  	_ =	shalt  }
0x67: {  	_ =	shalt  }
0x68: {  	_ =	shalt  }
0x69: {  	_ =	shalt  }
0x6a: {  	_ =	shalt  }
0x6b: {  	_ =	shalt  }
0x6c: {  	_ =	shalt  }
0x6d: {  	_ =	shalt  }
0x6e: {  	_ =	shalt  }
0x6f: {  	_ =	shalt  }
0x70: {  	_ =	shalt  }
0x71: {  	_ =	shalt  }
0x72: {  	_ =	shalt  }
0x73: {  	_ =	shalt  }
0x74: {  	_ =	shalt  }
0x75: {  	_ =	shalt  }
0x76: {  	_ =	shalt  }
0x77: {  	_ =	shalt  }
0x78: {  	_ =	shalt  }
0x79: {  	_ =	shalt  }
0x7a: {  	_ =	shalt  }
0x7b: {  	_ =	shalt  }
0x7c: {  	_ =	shalt  }
0x7d: {  	_ =	shalt  }
0x7e: {  	_ =	shalt  }
0x7f: {  	_ =	shalt  }
0x80: {  	_ =	shalt  }
0x81: {  	_ =	shalt  }
0x82: {  	_ =	shalt  }
0x83: {  	_ =	shalt  }
0x84: {  	_ =	shalt  }
0x85: {  	_ =	shalt  }
0x86: {  	_ =	shalt  }
0x87: {  	_ =	shalt  }
.Lfunc_end0:
.L_simem_size_0:
called_computation.1_lowered:
.L_overlay_start_0:
0x88: {  	s2 =	sld [smem:$0x3FD9]  }
0x89: {  	s3 =	sld [smem:$0x3FFE];
	_ =	sdelay $0x1  }
0x8a: {  	s1 =	srdreg.scid  }
0x8b: {  	s0 =	sand.u32 $0x1, s1  }
0x8c: {  	s15 =	sshll.u32 s0, $0xA;
	s2 =	sadd.s32 s3, s2  }
0x8d: {  	s2 =	sadd.s32 s2, s15  }
0x8e: {  	[smem:$0x3FB3] =	sst s2  }
0x8f: {  	_ = 	snop  }
0x90: {  	s2 =	sld [smem:$0x3FD0];
	_ =	sdelay $0x2  }
0x91: {  	s4 =	simm.s32 $0xB;
	s5 =	simm.s32 $0x10;
	s16 =	sld [smem:$0x3FC4]  }
0x92: {  	[smem:s5], [sflag:s4] =	dma.local [hbm:s2], $0x1  }
0x93: {  	_ =	swait.eq [sflag:s4], $0x1  }
0x94: {  	[sflag:s4] =	ssyncset.done $0x0  }
0x95: {  	s17 =	sld [smem:$0x10];
	[sflag:s4] =	ssyncadd.s32 $0xFFFFFFFF  }
0x96: {  	s18 =	sld [smem:$0x12];
	(tm) =	ssettm $0x1  }
0x97: {  	s19 =	sld [smem:$0x3FFB];
	_ =	sdelay $0x3  }
0x98: {  	_ =	strace s19  }
0x99: {  	s5 =	sld [smem:$0x3FFC];
	_ =	sdelay $0x3  }
0x9a: {  	_ =	strace s5  }
0x9b: {  	s5 =	sld [smem:$0x3FFD];
	_ =	sdelay $0x3  }
0x9c: {  	_ =	strace s5  }
0x9d: {  	_ =	strace $0x8FFFFFFF  }
0x9e: {  	s20 =	sld [smem:$0x3FDB];
	_ =	sdelay $0x1  }
0x9f: {  	s6 =	simm.s32 $_scs_section_size  }
0xa0: {  	s7 =	simm.s32 $_size__tile_overlayer_lowered;
	s8 =	simm.s32 $_tile_overlayer_lowered  }
0xa1: {  	s23 =	simm.s32 $0x1BFF;
	s22 =	sshll.u32 s8, $0x1;
	s5 =	sadd.s32 s6, s20  }
0xa2: {  	s9 =	simm.s32 $0x0;
	s21 =	sshll.u32 s7, $0x1;
	s7 =	sadd.s32 s22, s5  }
0xa3: {  	[timem:s9], [sflag:s23] =	dma.local [hbm:s7], s21  }
0xa4: {  	_ =	swait.ge [sflag:s23], s21  }
0xa5: {  	s6 =	ssub.s32 $0x0, s21;
	[sflag:s23] =	ssyncset.done $0x0  }
0xa6: {  	[sflag:s23] =	ssyncadd.s32 s6;
	_ =	sdelay $0x1  }
0xa7: {  	s24 =	simm.s32 $0x1B8B  }
0xa8: {  	_ =	swait.ge [sflag:s24], $0x1  }
0xa9: {  	[sflag:s24] =	ssyncset.done $0x0  }
0xaa: {  	s25 =	simm.s32 $0x1B8E;
	[sflag:s24] =	ssyncadd.s32 $0xFFFFFFFF  }
0xab: {  	s26 =	simm.s32 $execute0_lowered;
	[smem:$0x3FD2] =	sst s25  }
0xac: {  	s6 =	sshll.u32 s26, $0x1;
	_ =	strace $0x80000046;
	[dreg:$0x1] =	wrdreg $0xFFFFFFFF  }
0xad: {  	s28 =	simm.s32 $_size_execute0_lowered;
	s5 =	sadd.s32 s5, s6;
	[dreg:$0x0] =	wrdreg $0x0  }
0xae: {  	s6 =	sshll.u32 s28, $0x1;
	[dreg:$0x2] =	wrdreg s5  }
0xaf: {  	[dreg:$0x3] =	wrdreg s6  }
0xb0: {  	[dreg:$0x4] =	wrdreg $0xC0  }
0xb1: {  	_ =	task [dreg:s9], $0x5FFFF  }
0xb2: {  	[dreg:$0x1] =	wrdreg $0xFFFFFFFF  }
0xb3: {  	[dreg:$0x0] =	wrdreg $0x60  }
0xb4: {  	[dreg:$0x2] =	wrdreg s16  }
0xb5: {  	[dreg:$0x3] =	wrdreg s18  }
0xb6: {  	[dreg:$0x4] =	wrdreg s17  }
0xb7: {  	[dreg:$0x5] =	wrdreg $0x9  }
0xb8: {  	_ =	task.clear_ibuf [dreg:s9], $0x6FFFF;
	_ =	strace $0x90000046  }
0xb9: {  	s29 =	simm.s32 $0x9;
	_ =	strace $0x80000048  }
0xba: {  	_ =	swait.ge [sflag:s29], $0x1  }
0xbb: {  	[sflag:s29] =	ssyncadd.s32 $0xFFFFFFFF  }
0xbc: {  	_ =	strace $0x90000048  }
0xbd: {  	_ =	sfence  }
0xbe: {  	s30 =	sld [smem:$0x0];
	_ =	sdelay $0x2  }
0xbf: {  	s31 =	sshll.u32 s1, $0xD;
	s1 =	sshrl.u32 s1, $0x2  }
0xc0: {  	s3 =	sand.u32 $0x4000, s31;
	s1 =	sadd.s32 s1, s30  }
0xc1: {  	s0 =	sor.u32 s3, s0;
	s1 =	sshll.u32 s1, $0x11  }
0xc2: {  	s0 =	sor.u32 s1, s0  }
0xc3: {  	s0 =	sadd.s32 $0x8F2B, s0  }
0xc4: {  	[sflag:s0] =	ssyncadd.remote.s32 $0x1  }
0xc5: {  	_ =	sfence.sel $0xFFFF  }
0xc6: {  	[dreg:$0x0] =	wrdreg $0xFFFFFFFF;
	(pc) =	sbr.abs _section_cstart, $3  }
0xc7: {  	[dreg:$0x1] =	wrdreg $0xFFFFFFFF  }
0xc8: {  	_ =	task.clear_ibuf [dreg:s9], $0x2FFFF;
	_ =	strace $0x9FFFFFFF  }
0xc9: {  	(tm) =	ssettm $0x7FFFFFFF  }
tec
execute0_lowered:
.L_overlay_start_1:
0x0: {  	(tag) =	ssettag $0x1  }
0x1: {  	s1 =	srdreg.scid;
	s0 =	stileid.u32  }
0x2: {  	s2 =	rddreg [dreg:$0x0];
	s18 =	sand.u32 $0x1, s1;
	s30 =	sshll.u32 s0, $0x1  }
0x3: {  	s16 =	rddreg [dreg:$0x1];
	s9 =	sor.u32 s18, s30  }
0x4: {  	s17 =	rddreg [dreg:$0x2];
	s19 =	smul.u32 $0x140, s9  }
0x5: {  	s3 =	simm.s32 $0x0;
	s1 =	rddreg [dreg:$0x3]  }
0x6: {  	[smem:$0x7FF] =	sst s3;
	s4 =	sshrl.u32 s19, $0x3  }
0x7: {  	_ =	strace $0x80000047;
	s5 =	sadd.s32 s16, s4;
	s4 =	simm.s32 $0x2  }
0x8: {  	[tilespmem:s3], [sflag:$0x2] =	stream.linear.gather [hbm4b:s5+s3], $0x40, $0x38;
	[tilespmem:$0x2080] =	vst v63  }
0x9: {  	_ =	swait.ge [sflag:s4], $0x40  }
0xa: {  	s6 =	simm.s32 $0x40;
	[sflag:s4] =	ssyncset.done $0x0  }
0xb: {  	s7 =	simm.s32 $0x80;
	s8 =	simm.s32 $0x1;
	[sflag:s4] =	ssyncadd.s32 $0xFFFFFFC0  }
0xc: {  	[tilespmem:s7], [sflag:$0x1] =	stream.indirect.gather [hbm4b:s2+s6], $0x80, s3, s6, $0xb8;
	[tilespmem:$0x2080] =	vst v63  }
0xd: {  	s9 =	smul.u32 $0x1400, s9;
	_ =	swait.ge [sflag:s8], $0x2000  }
0xe: {  	[sflag:s8] =	ssyncset.done $0x0  }
0xf: {  	s9 =	sadd.s32 s17, s9;
	[sflag:s8] =	ssyncadd.s32 $0xFFFFE000  }
0x10: {  	[hbm4b:s9+s3] =	stream.linear.scatter [tilespmem:s7], [sflag:$0x2], $0x2000, $0x38;
	[tilespmem:$0x2080] =	vst v63  }
0x11: {  	s11 =	sadd.s32 $0x40, s19;
	_ =	swait.ge [sflag:s4], $0x2000  }
0x12: {  	s10 =	sshrl.u32 s11, $0x3;
	[sflag:s4] =	ssyncset.done $0x0  }
0x13: {  	s10 =	sadd.s32 s16, s10;
	[sflag:s4] =	ssyncadd.s32 $0xFFFFE000  }
0x14: {  	[tilespmem:s3], [sflag:$0x2] =	stream.linear.gather [hbm4b:s10+s3], $0x40, $0x38;
	[tilespmem:$0x2080] =	vst v63  }
0x15: {  	_ =	swait.ge [sflag:s4], $0x40  }
0x16: {  	[sflag:s4] =	ssyncset.done $0x0  }
0x17: {  	[sflag:s4] =	ssyncadd.s32 $0xFFFFFFC0  }
0x18: {  	[tilespmem:s7], [sflag:$0x1] =	stream.indirect.gather [hbm4b:s2+s6], $0x80, s3, s6, $0xb8;
	[tilespmem:$0x2080] =	vst v63  }
0x19: {  	_ =	swait.ge [sflag:s8], $0x2000  }
0x1a: {  	s11 =	sshll.u32 s11, $0x4;
	[sflag:s8] =	ssyncset.done $0x0  }
0x1b: {  	s11 =	sadd.s32 s17, s11;
	[sflag:s8] =	ssyncadd.s32 $0xFFFFE000  }
0x1c: {  	[hbm4b:s11+s3] =	stream.linear.scatter [tilespmem:s7], [sflag:$0x2], $0x2000, $0x38;
	[tilespmem:$0x2080] =	vst v63  }
0x1d: {  	s13 =	sadd.s32 $0x80, s19;
	_ =	swait.ge [sflag:s4], $0x2000  }
0x1e: {  	s12 =	sshrl.u32 s13, $0x3;
	[sflag:s4] =	ssyncset.done $0x0  }
0x1f: {  	s12 =	sadd.s32 s16, s12;
	[sflag:s4] =	ssyncadd.s32 $0xFFFFE000  }
0x20: {  	[tilespmem:s3], [sflag:$0x2] =	stream.linear.gather [hbm4b:s12+s3], $0x40, $0x38;
	[tilespmem:$0x2080] =	vst v63  }
0x21: {  	_ =	swait.ge [sflag:s4], $0x40  }
0x22: {  	[sflag:s4] =	ssyncset.done $0x0  }
0x23: {  	[sflag:s4] =	ssyncadd.s32 $0xFFFFFFC0  }
0x24: {  	[tilespmem:s7], [sflag:$0x1] =	stream.indirect.gather [hbm4b:s2+s6], $0x80, s3, s6, $0xb8;
	[tilespmem:$0x2080] =	vst v63  }
0x25: {  	_ =	swait.ge [sflag:s8], $0x2000  }
0x26: {  	s13 =	sshll.u32 s13, $0x4;
	[sflag:s8] =	ssyncset.done $0x0  }
0x27: {  	s13 =	sadd.s32 s17, s13;
	[sflag:s8] =	ssyncadd.s32 $0xFFFFE000  }
0x28: {  	[hbm4b:s13+s3] =	stream.linear.scatter [tilespmem:s7], [sflag:$0x2], $0x2000, $0x38;
	[tilespmem:$0x2080] =	vst v63  }
0x29: {  	s15 =	sadd.s32 $0xC0, s19;
	_ =	swait.ge [sflag:s4], $0x2000  }
0x2a: {  	s14 =	sshrl.u32 s15, $0x3;
	[sflag:s4] =	ssyncset.done $0x0  }
0x2b: {  	s14 =	sadd.s32 s16, s14;
	[sflag:s4] =	ssyncadd.s32 $0xFFFFE000  }
0x2c: {  	[tilespmem:s3], [sflag:$0x2] =	stream.linear.gather [hbm4b:s14+s3], $0x40, $0x38;
	[tilespmem:$0x2080] =	vst v63  }
0x2d: {  	_ =	swait.ge [sflag:s4], $0x40  }
0x2e: {  	[sflag:s4] =	ssyncset.done $0x0  }
0x2f: {  	[sflag:s4] =	ssyncadd.s32 $0xFFFFFFC0  }
0x30: {  	[tilespmem:s7], [sflag:$0x1] =	stream.indirect.gather [hbm4b:s2+s6], $0x80, s3, s6, $0xb8;
	[tilespmem:$0x2080] =	vst v63  }
0x31: {  	_ =	swait.ge [sflag:s8], $0x2000  }
0x32: {  	s15 =	sshll.u32 s15, $0x4;
	[sflag:s8] =	ssyncset.done $0x0  }
0x33: {  	s15 =	sadd.s32 s17, s15;
	[sflag:s8] =	ssyncadd.s32 $0xFFFFE000  }
0x34: {  	[hbm4b:s15+s3] =	stream.linear.scatter [tilespmem:s7], [sflag:$0x2], $0x2000, $0x38;
	[tilespmem:$0x2080] =	vst v63  }
0x35: {  	s19 =	sadd.s32 $0x100, s19;
	_ =	swait.ge [sflag:s4], $0x2000  }
0x36: {  	s20 =	sshrl.u32 s19, $0x3;
	[sflag:s4] =	ssyncset.done $0x0  }
0x37: {  	s18 =	ssub.s32 $0x2, s18;
	s16 =	sadd.s32 s16, s20;
	[sflag:s4] =	ssyncadd.s32 $0xFFFFE000  }
0x38: {  	[tilespmem:s3], [sflag:$0x2] =	stream.linear.gather [hbm4b:s16+s3], $0x40, $0x38;
	[tilespmem:$0x2080] =	vst v63  }
0x39: {  	s31 =	sshrl.u32 s18, $0x1;
	_ =	swait.ge [sflag:s4], $0x40  }
0x3a: {  	s18 =	ssub.s32 s18, s31;
	[sflag:s4] =	ssyncset.done $0x0  }
0x3b: {  	s18 =	smax.u32 s18, $0x1;
	[sflag:s4] =	ssyncadd.s32 $0xFFFFFFC0  }
0x3c: {  	[tilespmem:s7], [sflag:$0x1] =	stream.indirect.gather [hbm4b:s2+s6], $0x80, s3, s6, $0xb8;
	[tilespmem:$0x2080] =	vst v63  }
0x3d: {  	p0 =	sne.s32 s18, $0x1;
	_ =	swait.ge [sflag:s8], $0x2000  }
.Ltmp0:
0x3e: {  	s19 =	sshll.u32 s19, $0x4;
	[sflag:s8] =	ssyncset.done $0x0;
	(pc) =	sbr.rel @!p0 .LBB2_2-.Ltmp0, $4  }
0x3f: {  	s17 =	sadd.s32 s17, s19;
	[sflag:s8] =	ssyncadd.s32 $0xFFFFE000  }
0x40: {  	[hbm4b:s17+s3] =	stream.linear.scatter [tilespmem:s7], [sflag:$0x2], $0x2000, $0x38;
	[tilespmem:$0x2080] =	vst v63  }
0x41: {  	_ =	swait.ge [sflag:s4], $0x2000  }
0x42: {  	s18 =	sadd.s32 $0xFFFFFFFF, s18;
	[sflag:s4] =	ssyncset.done $0x0  }
.LBB2_1:
0x43: {  	p0 =	sne.s32 s18, $0x1;
	s18 =	sadd.s32 $0xFFFFFFFF, s18;
	[sflag:s4] =	ssyncadd.s32 $0xFFFFE000  }
0x44: {  	[tilespmem:s3], [sflag:$0x2] =	stream.linear.gather [hbm4b:s5+s3], $0x40, $0x38;
	[tilespmem:$0x2080] =	vst v63  }
0x45: {  	_ =	swait.ge [sflag:s4], $0x40  }
0x46: {  	[sflag:s4] =	ssyncset.done $0x0  }
0x47: {  	[sflag:s4] =	ssyncadd.s32 $0xFFFFFFC0  }
0x48: {  	[tilespmem:s7], [sflag:$0x1] =	stream.indirect.gather [hbm4b:s2+s6], $0x80, s3, s6, $0xb8;
	[tilespmem:$0x2080] =	vst v63  }
0x49: {  	_ =	swait.ge [sflag:s8], $0x2000  }
0x4a: {  	[sflag:s8] =	ssyncset.done $0x0  }
0x4b: {  	[sflag:s8] =	ssyncadd.s32 $0xFFFFE000  }
0x4c: {  	[hbm4b:s9+s3] =	stream.linear.scatter [tilespmem:s7], [sflag:$0x2], $0x2000, $0x38;
	[tilespmem:$0x2080] =	vst v63  }
0x4d: {  	_ =	swait.ge [sflag:s4], $0x2000  }
0x4e: {  	[sflag:s4] =	ssyncset.done $0x0  }
0x4f: {  	[sflag:s4] =	ssyncadd.s32 $0xFFFFE000  }
0x50: {  	[tilespmem:s3], [sflag:$0x2] =	stream.linear.gather [hbm4b:s10+s3], $0x40, $0x38;
	[tilespmem:$0x2080] =	vst v63  }
0x51: {  	_ =	swait.ge [sflag:s4], $0x40  }
0x52: {  	[sflag:s4] =	ssyncset.done $0x0  }
0x53: {  	[sflag:s4] =	ssyncadd.s32 $0xFFFFFFC0  }
0x54: {  	[tilespmem:s7], [sflag:$0x1] =	stream.indirect.gather [hbm4b:s2+s6], $0x80, s3, s6, $0xb8;
	[tilespmem:$0x2080] =	vst v63  }
0x55: {  	_ =	swait.ge [sflag:s8], $0x2000  }
0x56: {  	[sflag:s8] =	ssyncset.done $0x0  }
0x57: {  	[sflag:s8] =	ssyncadd.s32 $0xFFFFE000  }
0x58: {  	[hbm4b:s11+s3] =	stream.linear.scatter [tilespmem:s7], [sflag:$0x2], $0x2000, $0x38;
	[tilespmem:$0x2080] =	vst v63  }
0x59: {  	_ =	swait.ge [sflag:s4], $0x2000  }
0x5a: {  	[sflag:s4] =	ssyncset.done $0x0  }
0x5b: {  	[sflag:s4] =	ssyncadd.s32 $0xFFFFE000  }
0x5c: {  	[tilespmem:s3], [sflag:$0x2] =	stream.linear.gather [hbm4b:s12+s3], $0x40, $0x38;
	[tilespmem:$0x2080] =	vst v63  }
0x5d: {  	_ =	swait.ge [sflag:s4], $0x40  }
0x5e: {  	[sflag:s4] =	ssyncset.done $0x0  }
0x5f: {  	[sflag:s4] =	ssyncadd.s32 $0xFFFFFFC0  }
0x60: {  	[tilespmem:s7], [sflag:$0x1] =	stream.indirect.gather [hbm4b:s2+s6], $0x80, s3, s6, $0xb8;
	[tilespmem:$0x2080] =	vst v63  }
0x61: {  	_ =	swait.ge [sflag:s8], $0x2000  }
0x62: {  	[sflag:s8] =	ssyncset.done $0x0  }
0x63: {  	[sflag:s8] =	ssyncadd.s32 $0xFFFFE000  }
0x64: {  	[hbm4b:s13+s3] =	stream.linear.scatter [tilespmem:s7], [sflag:$0x2], $0x2000, $0x38;
	[tilespmem:$0x2080] =	vst v63  }
0x65: {  	_ =	swait.ge [sflag:s4], $0x2000  }
0x66: {  	[sflag:s4] =	ssyncset.done $0x0  }
0x67: {  	[sflag:s4] =	ssyncadd.s32 $0xFFFFE000  }
0x68: {  	[tilespmem:s3], [sflag:$0x2] =	stream.linear.gather [hbm4b:s14+s3], $0x40, $0x38;
	[tilespmem:$0x2080] =	vst v63  }
0x69: {  	_ =	swait.ge [sflag:s4], $0x40  }
0x6a: {  	[sflag:s4] =	ssyncset.done $0x0  }
0x6b: {  	[sflag:s4] =	ssyncadd.s32 $0xFFFFFFC0  }
0x6c: {  	[tilespmem:s7], [sflag:$0x1] =	stream.indirect.gather [hbm4b:s2+s6], $0x80, s3, s6, $0xb8;
	[tilespmem:$0x2080] =	vst v63  }
0x6d: {  	_ =	swait.ge [sflag:s8], $0x2000  }
0x6e: {  	[sflag:s8] =	ssyncset.done $0x0  }
0x6f: {  	[sflag:s8] =	ssyncadd.s32 $0xFFFFE000  }
0x70: {  	[hbm4b:s15+s3] =	stream.linear.scatter [tilespmem:s7], [sflag:$0x2], $0x2000, $0x38;
	[tilespmem:$0x2080] =	vst v63  }
0x71: {  	_ =	swait.ge [sflag:s4], $0x2000  }
0x72: {  	[sflag:s4] =	ssyncset.done $0x0  }
0x73: {  	[sflag:s4] =	ssyncadd.s32 $0xFFFFE000  }
0x74: {  	[tilespmem:s3], [sflag:$0x2] =	stream.linear.gather [hbm4b:s16+s3], $0x40, $0x38;
	[tilespmem:$0x2080] =	vst v63  }
0x75: {  	_ =	swait.ge [sflag:s4], $0x40  }
0x76: {  	[sflag:s4] =	ssyncset.done $0x0  }
0x77: {  	[sflag:s4] =	ssyncadd.s32 $0xFFFFFFC0  }
0x78: {  	[tilespmem:s7], [sflag:$0x1] =	stream.indirect.gather [hbm4b:s2+s6], $0x80, s3, s6, $0xb8;
	[tilespmem:$0x2080] =	vst v63  }
0x79: {  	_ =	swait.ge [sflag:s8], $0x2000  }
.Ltmp1:
0x7a: {  	[sflag:s8] =	ssyncset.done $0x0;
	(pc) =	sbr.rel @p0 .LBB2_1-.Ltmp1, $4  }
0x7b: {  	[sflag:s8] =	ssyncadd.s32 $0xFFFFE000  }
0x7c: {  	[hbm4b:s17+s3] =	stream.linear.scatter [tilespmem:s7], [sflag:$0x2], $0x2000, $0x38;
	[tilespmem:$0x2080] =	vst v63  }
0x7d: {  	_ =	swait.ge [sflag:s4], $0x2000  }
0x7e: {  	[sflag:s4] =	ssyncset.done $0x0  }
.LBB2_2:
0x7f: {  	[sflag:s4] =	ssyncadd.s32 $0xFFFFE000  }
0x80: {  	_ =	sfence.sel $0x180000  }
0x81: {  	[bflag:$0x0] =	sbarrier.arrive $0xFFFF  }
0x82: {  	p0 =	sne.s32 s0, $0x0;
	_ =	strace $0x90000047  }
0x83: {  	s0 =	sadd.s32 @!p0 $0x100000, s1;
	[bflag:$0x2] =	sbarrier.arrive $0xFFFF  }
0x84: {  	[sflag:s0] =	ssyncadd.tile.s32 @!p0 $0x1;
	_ =	shalt  }
.Lfunc_end2:
_tile_overlayer_lowered:
.L_overlay_start_2:
0x85: {  	(tag) =	ssettag $0x2  }
0x86: {  	s0 =	rddreg [dreg:$0x0];
	s2 =	stileid.u32  }
0x87: {  	s1 =	rddreg [dreg:$0x1];
	p0 =	sne.s32 s2, $0x0  }
0x88: {  	s3 =	rddreg [dreg:$0x2];
	[bflag:$0x3] =	sbarrier.arrive $0xFFFF;
	s2 =	simm.s32 @!p0 $0x1C02  }
0x89: {  	[timem:s3], [sflag:s2] =	dma.local @!p0 [hbm:s0], s1  }
0x8a: {  	s0 =	simm.s32 @!p0 $0x2  }
0x8b: {  	_ =	swait.ge @!p0 [sflag:s0], s1  }
0x8c: {  	s1 =	ssub.s32 @!p0 $0x0, s1;
	[sflag:s0] =	ssyncset.done @!p0 $0x0  }
0x8d: {  	[sflag:s0] =	ssyncadd.s32 @!p0 s1  }
0x8e: {  	[bflag:$0x3] =	sbarrier.arrive $0xFFFF  }
0x8f: {  	_ =	shalt  }

// kernel: kernel.17.cloned.1.call-start
scs
__scs_entry_jumppad:
0x0: {  	(pc) =	sbr.rel $0x88, $3  }
0x1: {  	(tag) =	ssettag $0x0;
	lr =	simm.s32 $0x1  }
0x2: {  	[smem:$0x3F8C] =	sst lr;
	_ =	strace $0xD0000000  }
0x3: {  	_ = 	snop  }
0x4: {  	_ = 	snop  }
0x5: {  	_ = 	snop  }
0x6: {  	_ = 	snop  }
0x7: {  	_ = 	snop  }
__scs_overlays_trampoline_lowered:
0x8: {  	[smem:$0x3F9B] =	sst s0  }
0x9: {  	[smem:$0x3F9C] =	sst s1  }
0xa: {  	[smem:$0x3F9D] =	sst s2  }
0xb: {  	[smem:$0x3F9E] =	sst s3  }
0xc: {  	[smem:$0x3F9F] =	sst s4  }
0xd: {  	[smem:$0x3FA0] =	sst s5  }
0xe: {  	[smem:$0x3FA1] =	sst s6  }
0xf: {  	[smem:$0x3FA2] =	sst s7  }
0x10: {  	[smem:$0x3FA3] =	sst s8  }
0x11: {  	[smem:$0x3FA4] =	sst s9;
	s0 =	simm.s32 @!p0 $0x0  }
0x12: {  	s1 =	sld [smem:$0x3F8A];
	s0 =	simm.s32 @p0 $0x1  }
0x13: {  	[smem:$0x3FA5] =	sst s0;
	s0 =	simm.s32 @!p1 $0x0  }
0x14: {  	s2 =	sld [smem:$0x3F89];
	s0 =	simm.s32 @p1 $0x1  }
0x15: {  	[smem:$0x3FA6] =	sst s0;
	s0 =	simm.s32 @!p2 $0x0  }
0x16: {  	s3 =	sld [smem:$0x3FDB];
	s0 =	simm.s32 @p2 $0x1  }
0x17: {  	s4 =	simm.s32 $0x1BF5;
	[smem:$0x3FA8] =	sst s0  }
0x18: {  	s0 =	sld [smem:$0x3F8B];
	_ =	swait.ge [sflag:s4], $0x0  }
0x19: {  	s7 =	sld [smem:$0x3F8C]  }
0x1a: {  	s8 =	sadd.s32 $0xFFFFE003, lr  }
0x1b: {  	s9 =	sadd.s32 $0xFFFFFEF7, lr;
	s5 =	simm.s32 $0xFFFFFFFF;
	p2 =	slt.u32 s8, $0xFFFFF086  }
0x1c: {  	p1 =	slt.u32 s9, $0xF7A;
	s5 =	simm.s32 @!p2 $0x0  }
0x1d: {  	s5 =	simm.s32 @p1 $0x1;
	p0 =	seq.s32 s7, s2  }
0x1e: {  	s7 =	smul.u32 @!p0 $0xF7A, s2;
	p2 =	seq.s32 @!p0 s5, $0x0  }
0x1f: {  	s9 =	smul.u32 $0xF7A, s1;
	s8 =	simm.s32 @!p0 $0x1BF5;
	p2 =	por !p2, p0  }
0x20: {  	[sflag:s8] =	ssyncset.s32 @!p0 $0xFFFFF086;
	s6 =	sadd.s32 @!p0 s3, s7;
	s7 =	simm.s32 @!p0 $0x108  }
0x21: {  	s3 =	sadd.s32 s3, s9;
	s6 =	sadd.s32 @!p0 $0x88, s6;
	s7 =	simm.s32 @p2 $0x1082  }
0x22: {  	[simem:s7], [sflag:s8] =	dma.local @!p0 [hbm:s6], $0xF7A  }
0x23: {  	s9 =	sor.u32 $0xD0000000, s2;
	s6 =	simm.s32 $0x108;
	_ =	swait.ge @!p0 [sflag:s8], $0x0  }
0x24: {  	s3 =	sadd.s32 $0x88, s3;
	s6 =	simm.s32 @!p1 $0x1082;
	[sflag:s4] =	ssyncset.s32 $0xFFFFF086  }
0x25: {  	[simem:s6], [sflag:s4] =	dma.local [hbm:s3], $0xF7A  }
0x26: {  	[smem:$0x3F8C] =	sst s1;
	(tag) =	ssettag s2;
	_ =	strace s9  }
0x27: {  	s1 =	sld [smem:$0x3F9C]  }
0x28: {  	s2 =	sld [smem:$0x3F9D]  }
0x29: {  	s4 =	sld [smem:$0x3F9F]  }
0x2a: {  	p0 =	seq.s32 s5, $0x0;
	s5 =	sld [smem:$0x3FA0]  }
0x2b: {  	s6 =	sld [smem:$0x3FA1]  }
0x2c: {  	s7 =	sld [smem:$0x3FA2]  }
0x2d: {  	s3 =	simm.s32 $0x108;
	s8 =	sld [smem:$0x3FA3]  }
0x2e: {  	s3 =	simm.s32 @!p0 $0x1082;
	s9 =	sld [smem:$0x3FA4]  }
0x2f: {  	lr =	sadd.s32 s0, s3;
	s0 =	sld [smem:$0x3F9B]  }
0x30: {  	s3 =	sld [smem:$0x3F9E]  }
0x31: {  	[smem:$0x3FA7] =	sst s10  }
0x32: {  	s10 =	sld [smem:$0x3FA5];
	_ =	sdelay $0x3  }
0x33: {  	p0 =	seq.s32 s10, $0x1;
	s10 =	sld [smem:$0x3FA7];
	_ =	sdelay $0x3  }
0x34: {  	[smem:$0x3FA7] =	sst s10  }
0x35: {  	s10 =	sld [smem:$0x3FA6];
	_ =	sdelay $0x3  }
0x36: {  	p1 =	seq.s32 s10, $0x1;
	s10 =	sld [smem:$0x3FA7];
	_ =	sdelay $0x3  }
0x37: {  	[smem:$0x3FA7] =	sst s10  }
0x38: {  	s10 =	sld [smem:$0x3FA8]  }
0x39: {  	_ = 	snop;
	(pc) =	sbr.ind lr, $3  }
0x3a: {  	_ = 	snop  }
0x3b: {  	_ = 	snop  }
0x3c: {  	p2 =	seq.s32 s10, $0x1;
	s10 =	sld [smem:$0x3FA7]  }
0x3d: {  	_ =	shalt  }
0x3e: {  	_ =	shalt  }
0x3f: {  	_ =	shalt  }
0x40: {  	_ =	shalt  }
0x41: {  	_ =	shalt  }
0x42: {  	_ =	shalt  }
0x43: {  	_ =	shalt  }
0x44: {  	_ =	shalt  }
0x45: {  	_ =	shalt  }
0x46: {  	_ =	shalt  }
0x47: {  	_ =	shalt  }
0x48: {  	_ =	shalt  }
0x49: {  	_ =	shalt  }
0x4a: {  	_ =	shalt  }
0x4b: {  	_ =	shalt  }
0x4c: {  	_ =	shalt  }
0x4d: {  	_ =	shalt  }
0x4e: {  	_ =	shalt  }
0x4f: {  	_ =	shalt  }
0x50: {  	_ =	shalt  }
0x51: {  	_ =	shalt  }
0x52: {  	_ =	shalt  }
0x53: {  	_ =	shalt  }
0x54: {  	_ =	shalt  }
0x55: {  	_ =	shalt  }
0x56: {  	_ =	shalt  }
0x57: {  	_ =	shalt  }
0x58: {  	_ =	shalt  }
0x59: {  	_ =	shalt  }
0x5a: {  	_ =	shalt  }
0x5b: {  	_ =	shalt  }
0x5c: {  	_ =	shalt  }
0x5d: {  	_ =	shalt  }
0x5e: {  	_ =	shalt  }
0x5f: {  	_ =	shalt  }
0x60: {  	_ =	shalt  }
0x61: {  	_ =	shalt  }
0x62: {  	_ =	shalt  }
0x63: {  	_ =	shalt  }
0x64: {  	_ =	shalt  }
0x65: {  	_ =	shalt  }
0x66: {  	_ =	shalt  }
0x67: {  	_ =	shalt  }
0x68: {  	_ =	shalt  }
0x69: {  	_ =	shalt  }
0x6a: {  	_ =	shalt  }
0x6b: {  	_ =	shalt  }
0x6c: {  	_ =	shalt  }
0x6d: {  	_ =	shalt  }
0x6e: {  	_ =	shalt  }
0x6f: {  	_ =	shalt  }
0x70: {  	_ =	shalt  }
0x71: {  	_ =	shalt  }
0x72: {  	_ =	shalt  }
0x73: {  	_ =	shalt  }
0x74: {  	_ =	shalt  }
0x75: {  	_ =	shalt  }
0x76: {  	_ =	shalt  }
0x77: {  	_ =	shalt  }
0x78: {  	_ =	shalt  }
0x79: {  	_ =	shalt  }
0x7a: {  	_ =	shalt  }
0x7b: {  	_ =	shalt  }
0x7c: {  	_ =	shalt  }
0x7d: {  	_ =	shalt  }
0x7e: {  	_ =	shalt  }
0x7f: {  	_ =	shalt  }
0x80: {  	_ =	shalt  }
0x81: {  	_ =	shalt  }
0x82: {  	_ =	shalt  }
0x83: {  	_ =	shalt  }
0x84: {  	_ =	shalt  }
0x85: {  	_ =	shalt  }
0x86: {  	_ =	shalt  }
0x87: {  	_ =	shalt  }
.Lfunc_end0:
.L_simem_size_0:
called_computation.2_lowered:
.L_overlay_start_0:
0x88: {  	s2 =	sld [smem:$0x3FD9]  }
0x89: {  	s3 =	sld [smem:$0x3FFE];
	_ =	sdelay $0x1  }
0x8a: {  	s1 =	srdreg.scid  }
0x8b: {  	s0 =	sand.u32 $0x1, s1  }
0x8c: {  	s14 =	sshll.u32 s0, $0xA;
	s2 =	sadd.s32 s3, s2  }
0x8d: {  	s2 =	sadd.s32 s2, s14  }
0x8e: {  	[smem:$0x3FB3] =	sst s2  }
0x8f: {  	_ = 	snop  }
0x90: {  	s2 =	sld [smem:$0x3FD0];
	_ =	sdelay $0x2  }
0x91: {  	s15 =	simm.s32 $0xB;
	s4 =	simm.s32 $0x10  }
0x92: {  	[smem:s4], [sflag:s15] =	dma.local [hbm:s2], $0x1  }
0x93: {  	_ =	swait.eq [sflag:s15], $0x1  }
0x94: {  	s16 =	sld [smem:$0x10];
	[sflag:s15] =	ssyncset.done $0x0  }
0x95: {  	s17 =	sld [smem:$0x12];
	[sflag:s15] =	ssyncadd.s32 $0xFFFFFFFF  }
0x96: {  	s18 =	sld [smem:$0x13];
	(tm) =	ssettm $0x1  }
0x97: {  	s5 =	sld [smem:$0x3FFB];
	_ =	sdelay $0x3  }
0x98: {  	_ =	strace s5  }
0x99: {  	s5 =	sld [smem:$0x3FFC];
	_ =	sdelay $0x3  }
0x9a: {  	_ =	strace s5  }
0x9b: {  	s5 =	sld [smem:$0x3FFD];
	_ =	sdelay $0x3  }
0x9c: {  	_ =	strace s5  }
0x9d: {  	_ =	strace $0x8FFFFFFF  }
0x9e: {  	s19 =	sld [smem:$0x3FDB];
	_ =	sdelay $0x1  }
0x9f: {  	s6 =	simm.s32 $_scs_section_size  }
0xa0: {  	s7 =	simm.s32 $_size__tile_overlayer_lowered;
	s8 =	simm.s32 $_tile_overlayer_lowered  }
0xa1: {  	s22 =	simm.s32 $0x1BFF;
	s21 =	sshll.u32 s8, $0x1;
	s5 =	sadd.s32 s6, s19  }
0xa2: {  	s9 =	simm.s32 $0x0;
	s20 =	sshll.u32 s7, $0x1;
	s7 =	sadd.s32 s21, s5  }
0xa3: {  	[timem:s9], [sflag:s22] =	dma.local [hbm:s7], s20  }
0xa4: {  	_ =	swait.ge [sflag:s22], s20  }
0xa5: {  	s6 =	ssub.s32 $0x0, s20;
	[sflag:s22] =	ssyncset.done $0x0  }
0xa6: {  	[sflag:s22] =	ssyncadd.s32 s6;
	_ =	sdelay $0x1  }
0xa7: {  	s23 =	simm.s32 $0x1B8B  }
0xa8: {  	_ =	swait.ge [sflag:s23], $0x1  }
0xa9: {  	[sflag:s23] =	ssyncset.done $0x0  }
0xaa: {  	s25 =	simm.s32 $0x1B8E;
	s24 =	sld [smem:$0x3FFE];
	[sflag:s23] =	ssyncadd.s32 $0xFFFFFFFF  }
0xab: {  	s26 =	simm.s32 $execute0_lowered;
	[smem:$0x3FD2] =	sst s25  }
0xac: {  	s7 =	sshll.u32 s26, $0x1;
	_ =	strace $0x80000049;
	[dreg:$0x1] =	wrdreg $0xFFFFFFFF  }
0xad: {  	s28 =	simm.s32 $_size_execute0_lowered;
	s5 =	sadd.s32 s5, s7;
	[dreg:$0x0] =	wrdreg $0x0  }
0xae: {  	s7 =	sshll.u32 s28, $0x1;
	[dreg:$0x2] =	wrdreg s5  }
0xaf: {  	[dreg:$0x3] =	wrdreg s7  }
0xb0: {  	[dreg:$0x4] =	wrdreg $0xC0  }
0xb1: {  	_ =	task [dreg:s9], $0x5FFFF  }
0xb2: {  	[dreg:$0x1] =	wrdreg $0xFFFFFFFF  }
0xb3: {  	[dreg:$0x0] =	wrdreg $0x60  }
0xb4: {  	[dreg:$0x2] =	wrdreg s24  }
0xb5: {  	[dreg:$0x3] =	wrdreg s18  }
0xb6: {  	[dreg:$0x4] =	wrdreg s17  }
0xb7: {  	[dreg:$0x5] =	wrdreg s16  }
0xb8: {  	[dreg:$0x6] =	wrdreg $0x84000  }
0xb9: {  	[dreg:$0x7] =	wrdreg $0x1C4000  }
0xba: {  	[dreg:$0x8] =	wrdreg $0x9  }
0xbb: {  	_ =	task.clear_ibuf [dreg:s9], $0x9FFFF;
	_ =	strace $0x90000049  }
0xbc: {  	s29 =	simm.s32 $0x9;
	_ =	strace $0x8000004B  }
0xbd: {  	_ =	swait.ge [sflag:s29], $0x1  }
0xbe: {  	[sflag:s29] =	ssyncadd.s32 $0xFFFFFFFF  }
0xbf: {  	_ =	strace $0x9000004B  }
0xc0: {  	_ =	sfence  }
0xc1: {  	s30 =	sld [smem:$0x0];
	_ =	sdelay $0x2  }
0xc2: {  	s31 =	sshll.u32 s1, $0xD;
	s1 =	sshrl.u32 s1, $0x2  }
0xc3: {  	s3 =	sand.u32 $0x4000, s31;
	s1 =	sadd.s32 s1, s30  }
0xc4: {  	s0 =	sor.u32 s3, s0;
	s1 =	sshll.u32 s1, $0x11  }
0xc5: {  	s0 =	sor.u32 s1, s0  }
0xc6: {  	s0 =	sadd.s32 $0x8F2B, s0  }
0xc7: {  	[sflag:s0] =	ssyncadd.remote.s32 $0x1  }
0xc8: {  	_ =	sfence.sel $0xFFFF  }
0xc9: {  	[dreg:$0x0] =	wrdreg $0xFFFFFFFF;
	(pc) =	sbr.abs _section_cstart, $3  }
0xca: {  	[dreg:$0x1] =	wrdreg $0xFFFFFFFF  }
0xcb: {  	_ =	task.clear_ibuf [dreg:s9], $0x2FFFF;
	_ =	strace $0x9FFFFFFF  }
0xcc: {  	(tm) =	ssettm $0x7FFFFFFF  }
0xcd: {  	_ =	shalt  }
tec
execute0_lowered:
.L_overlay_start_1:
0x0: {  	(tag) =	ssettag $0x1  }
0x1: {  	s0 =	rddreg [dreg:$0x0]  }
0x2: {  	s1 =	rddreg [dreg:$0x3]  }
0x3: {  	s3 =	rddreg [dreg:$0x4]  }
0x4: {  	s4 =	rddreg [dreg:$0x5]  }
0x5: {  	s5 =	srdreg.scid;
	s2 =	stileid.u32;
	s6 =	simm.s32 $0x0  }
0x6: {  	s28 =	simm.s32 $0x8300;
	s29 =	simm.s32 $0x8380;
	s31 =	simm.s32 $0x0  }
0x7: {  	s5 =	sand.u32 $0x1, s5;
	s7 =	sshll.u32 s2, $0x1;
	[smem:$0x7FF] =	sst s6  }
0x8: {  	s9 =	sadd.s32 $0xF400, s0;
	s12 =	smul.u32 $0x50000, s2;
	s10 =	sadd.s32 $0x5400, s0  }
0x9: {  	s13 =	smul.u32 $0x14000, s2;
	p0 =	sne.s32 s2, $0x0;
	s8 =	sor.u32 s5, s7  }
0xa: {  	_ =	strace $0x8000004A;
	s26 =	ssub.s32 $0x2, s5;
	s5 =	smul.u32 $0x140000, s5  }
0xb: {  	s7 =	sadd.s32 $0x23400, s0;
	s11 =	smul.u32 $0x2800, s8;
	s8 =	sadd.s32 $0x19400, s0  }
0xc: {  	s14 =	sshrl.u32 s26, $0x1;
	s12 =	sshrl.u32 s12, $0x2;
	s21 =	sadd.s32 $0xC000, s13  }
0xd: {  	s0 =	ssub.s32 s26, s14;
	s19 =	sadd.s32 s12, s3;
	s12 =	sadd.s32 $0x4000, s13  }
0xe: {  	s15 =	sadd.s32 s5, s13;
	s18 =	sadd.s32 s5, s21;
	s30 =	sshrl.u32 s11, $0x3  }
0xf: {  	s16 =	sadd.s32 s5, s12;
	s15 =	sshrl.u32 s15, $0x3;
	s22 =	sshrl.u32 s18, $0x3  }
0x10: {  	s0 =	smax.u32 s0, $0x1;
	s14 =	sadd.s32 $0x4000, s19;
	[dreg:$0x7] =	wrdreg s19  }
0x11: {  	s18 =	sadd.s32 $0xC000, s19;
	s17 =	sadd.s32 s8, s30;
	[dreg:$0x13] =	wrdreg s0  }
0x12: {  	s16 =	sshrl.u32 s16, $0x3;
	s15 =	sadd.s32 s1, s15;
	[dreg:$0x8] =	wrdreg s17  }
0x13: {  	s23 =	sor.u32 $0x8, s30;
	s24 =	sadd.s32 s10, s30;
	[dreg:$0x9] =	wrdreg s15  }
0x14: {  	s25 =	sadd.s32 s9, s30;
	s16 =	sadd.s32 s1, s16;
	[dreg:$0xe] =	wrdreg s24  }
0x15: {  	s17 =	sadd.s32 $0x8000, s13;
	s13 =	sadd.s32 $0x10000, s13;
	[dreg:$0xf] =	wrdreg s25  }
0x16: {  	s26 =	sadd.s32 s8, s23;
	s30 =	sadd.s32 s10, s23;
	[dreg:$0xa] =	wrdreg s16  }
0x17: {  	s24 =	sor.u32 $0xC0, s11;
	s20 =	sadd.s32 s5, s17;
	[dreg:$0x10] =	wrdreg s26  }
0x18: {  	s5 =	sadd.s32 s5, s13;
	[dreg:$0x11] =	wrdreg s30;
	s15 =	sadd.s32 s13, s3  }
0x19: {  	s16 =	sshrl.u32 s20, $0x3;
	s5 =	sshrl.u32 s5, $0x3;
	s30 =	sshrl.u32 s15, $0x3  }
0x1a: {  	s15 =	simm.s32 $0x180;
	s16 =	sadd.s32 s1, s16;
	[dreg:$0x1b] =	wrdreg s30  }
0x1b: {  	[dreg:$0xb] =	wrdreg s16;
	s16 =	sadd.s32 s1, s22;
	s1 =	sadd.s32 s1, s5  }
0x1c: {  	s5 =	sadd.s32 s17, s3;
	s17 =	sadd.s32 $0x8000, s19;
	[dreg:$0xc] =	wrdreg s16  }
0x1d: {  	s19 =	sadd.s32 $0x10000, s19;
	[dreg:$0xd] =	wrdreg s1;
	s1 =	sadd.s32 s9, s23  }
0x1e: {  	s23 =	sor.u32 $0x80, s11;
	s16 =	sshrl.u32 s14, $0x3;
	s20 =	sshrl.u32 s17, $0x3  }
0x1f: {  	s22 =	sshrl.u32 s19, $0x3;
	s25 =	sshrl.u32 s5, $0x3;
	[dreg:$0x12] =	wrdreg s1  }
0x20: {  	s14 =	simm.s32 $0x80;
	s17 =	simm.s32 $0x5;
	[dreg:$0x14] =	wrdreg s16  }
0x21: {  	s19 =	simm.s32 $0x4300;
	s1 =	sadd.s32 s12, s3;
	[dreg:$0x15] =	wrdreg s20  }
0x22: {  	s12 =	sadd.s32 s21, s3;
	s21 =	sshrl.u32 s18, $0x3;
	[dreg:$0x17] =	wrdreg s22  }
.Ltmp0:
0x23: {  	[dreg:$0x19] =	wrdreg s25;
	s16 =	simm.s32 $0x280;
	(pc) =	sbr.rel .LBB2_1-.Ltmp0, $4  }
0x24: {  	s18 =	simm.s32 $0x40;
	s20 =	simm.s32 $0x6;
	s22 =	simm.s32 $0x6300  }
0x25: {  	s25 =	simm.s32 $0x1;
	[dreg:$0x16] =	wrdreg s21;
	s0 =	sshrl.u32 s1, $0x3  }
0x26: {  	s26 =	sshrl.u32 s12, $0x3;
	s12 =	simm.s32 $0x9;
	[dreg:$0x18] =	wrdreg s0  }
0x27: {  	s21 =	simm.s32 $0x2300;
	[dreg:$0x1a] =	wrdreg s26;
	s26 =	simm.s32 $0x3  }
.LBB2_8:
0x28: {  	s1 =	simm.s32 $0x7  }
0x29: {  	_ =	swait.ge [sflag:s1], $0x2000  }
0x2a: {  	[sflag:s1] =	ssyncset.done $0x0  }
0x2b: {  	s13 =	simm.s32 $0x8;
	[sflag:s1] =	ssyncadd.s32 $0xFFFFE000  }
0x2c: {  	_ =	swait.ge [sflag:s13], $0x2000  }
0x2d: {  	[sflag:s13] =	ssyncset.done $0x0  }
0x2e: {  	[sflag:s13] =	ssyncadd.s32 $0xFFFFE000  }
0x2f: {  	[bflag:$0x0] =	sbarrier.arrive $0xFFFF  }
0x30: {  	s30 =	rddreg [dreg:$0x9]  }
0x31: {  	s2 =	rddreg [dreg:$0x1c]  }
0x32: {  	[hbm:s30], [sflag:s0] =	dma.local [spmem:s2], $0x800  }
0x33: {  	_ =	swait.ge [sflag:s12], $0x800  }
0x34: {  	[sflag:s12] =	ssyncset.done $0x0;
	s5 =	rddreg [dreg:$0xa]  }
0x35: {  	s11 =	rddreg [dreg:$0x18];
	[sflag:s12] =	ssyncadd.s32 $0xFFFFF800  }
0x36: {  	[hbm:s5], [sflag:s0] =	dma.local [spmem:s11], $0x800  }
0x37: {  	_ =	swait.ge [sflag:s12], $0x800  }
0x38: {  	[sflag:s12] =	ssyncset.done $0x0;
	s13 =	rddreg [dreg:$0xb]  }
0x39: {  	s30 =	rddreg [dreg:$0x19];
	[sflag:s12] =	ssyncadd.s32 $0xFFFFF800  }
0x3a: {  	[hbm:s13], [sflag:s0] =	dma.local [spmem:s30], $0x800  }
0x3b: {  	_ =	swait.ge [sflag:s12], $0x800  }
0x3c: {  	[sflag:s12] =	ssyncset.done $0x0;
	s2 =	rddreg [dreg:$0xc]  }
0x3d: {  	s5 =	rddreg [dreg:$0x1a];
	[sflag:s12] =	ssyncadd.s32 $0xFFFFF800  }
0x3e: {  	[hbm:s2], [sflag:s0] =	dma.local [spmem:s5], $0x800  }
0x3f: {  	_ =	swait.ge [sflag:s12], $0x800  }
0x40: {  	[sflag:s12] =	ssyncset.done $0x0;
	s11 =	rddreg [dreg:$0xd]  }
0x41: {  	s13 =	rddreg [dreg:$0x1b];
	[sflag:s12] =	ssyncadd.s32 $0xFFFFF800  }
0x42: {  	[hbm:s11], [sflag:s0] =	dma.local [spmem:s13], $0x800  }
0x43: {  	_ =	swait.ge [sflag:s12], $0x800  }
0x44: {  	s31 =	sadd.s32 $0x1, s31;
	s30 =	rddreg [dreg:$0x13]  }
0x45: {  	p1 =	sne.s32 s31, s30  }
.Ltmp1:
0x46: {  	_ = 	snop;
	(pc) =	sbr.rel @!p1 .LBB2_9-.Ltmp1, $3  }
0x47: {  	_ =	sdelay $0x1  }
0x48: {  	[sflag:s12] =	ssyncset.done $0x0  }
0x49: {  	[sflag:s12] =	ssyncadd.s32 $0xFFFFF800  }
.LBB2_1:
0x4a: {  	s0 =	sshrl.u32 @!p0 s4, $0x3;
	s1 =	simm.s32 @!p0 $0x1C09;
	s2 =	rddreg [dreg:$0x1]  }
0x4b: {  	[spmem:s0], [sflag:s1] =	dma.local @!p0 [hbm:s2], $0x400  }
0x4c: {  	s0 =	simm.s32 @!p0 $0x9  }
0x4d: {  	_ =	swait.ge @!p0 [sflag:s0], $0x400  }
0x4e: {  	s30 =	stileid.u32;
	[sflag:s0] =	ssyncset.done @!p0 $0x0  }
0x4f: {  	s1 =	sshll.u32 s30, $0x6;
	s2 =	rddreg [dreg:$0x7];
	[sflag:s0] =	ssyncadd.s32 @!p0 $0xFFFFFC00  }
0x50: {  	s0 =	sor.u32 $0x1C09, s1;
	s5 =	sshrl.u32 s2, $0x3;
	s1 =	rddreg [dreg:$0x2]  }
0x51: {  	[dreg:$0x1c] =	wrdreg s5  }
0x52: {  	[spmem:s5], [sflag:s0] =	dma.local [hbm:s1], $0x800  }
0x53: {  	_ =	swait.ge [sflag:s12], $0x800  }
0x54: {  	[sflag:s12] =	ssyncset.done $0x0  }
0x55: {  	s11 =	rddreg [dreg:$0x14];
	[sflag:s12] =	ssyncadd.s32 $0xFFFFF800  }
0x56: {  	[spmem:s11], [sflag:s0] =	dma.local [hbm:s1], $0x800  }
0x57: {  	_ =	swait.ge [sflag:s12], $0x800  }
0x58: {  	[sflag:s12] =	ssyncset.done $0x0  }
0x59: {  	s13 =	rddreg [dreg:$0x15];
	[sflag:s12] =	ssyncadd.s32 $0xFFFFF800  }
0x5a: {  	[spmem:s13], [sflag:s0] =	dma.local [hbm:s1], $0x800  }
0x5b: {  	_ =	swait.ge [sflag:s12], $0x800  }
0x5c: {  	[sflag:s12] =	ssyncset.done $0x0  }
0x5d: {  	s30 =	rddreg [dreg:$0x16];
	[sflag:s12] =	ssyncadd.s32 $0xFFFFF800  }
0x5e: {  	[spmem:s30], [sflag:s0] =	dma.local [hbm:s1], $0x800  }
0x5f: {  	_ =	swait.ge [sflag:s12], $0x800  }
0x60: {  	[sflag:s12] =	ssyncset.done $0x0  }
0x61: {  	s5 =	rddreg [dreg:$0x17];
	[sflag:s12] =	ssyncadd.s32 $0xFFFFF800  }
0x62: {  	[spmem:s5], [sflag:s0] =	dma.local [hbm:s1], $0x800  }
0x63: {  	_ =	swait.ge [sflag:s12], $0x800  }
0x64: {  	[sflag:s12] =	ssyncset.done $0x0  }
0x65: {  	[sflag:s12] =	ssyncadd.s32 $0xFFFFF800  }
0x66: {  	[bflag:$0x0] =	sbarrier.arrive $0xFFFF  }
0x67: {  	s11 =	rddreg [dreg:$0x8]  }
0x68: {  	[tilespmem:s6], [sflag:$0x5] =	stream.linear.gather [hbm4b:s11+s6], $0x40, $0x38;
	[tilespmem:$0x1C600] =	vst v63  }
0x69: {  	s2 =	simm.s32 $0x100;
	s13 =	rddreg [dreg:$0xe]  }
0x6a: {  	[tilespmem:s2], [sflag:$0x5] =	stream.linear.gather [hbm4b:s13+s6], $0x40, $0x38;
	[tilespmem:$0x1C600] =	vst v63  }
0x6b: {  	s5 =	simm.s32 $0x200;
	s30 =	rddreg [dreg:$0xf]  }
0x6c: {  	[tilespmem:s5], [sflag:$0x5] =	stream.linear.gather [hbm4b:s30+s6], $0x40, $0x38;
	[tilespmem:$0x1C600] =	vst v63  }
0x6d: {  	s5 =	rddreg [dreg:$0x10]  }
0x6e: {  	[tilespmem:s14], [sflag:$0x6] =	stream.linear.gather [hbm4b:s5+s6], $0x40, $0x38;
	[tilespmem:$0x1C600] =	vst v63  }
0x6f: {  	s11 =	rddreg [dreg:$0x11]  }
0x70: {  	[tilespmem:s15], [sflag:$0x6] =	stream.linear.gather [hbm4b:s11+s6], $0x40, $0x38;
	[tilespmem:$0x1C600] =	vst v63  }
0x71: {  	s13 =	rddreg [dreg:$0x12]  }
0x72: {  	[tilespmem:s16], [sflag:$0x6] =	stream.linear.gather [hbm4b:s13+s6], $0x40, $0x38;
	[tilespmem:$0x1C600] =	vst v63  }
0x73: {  	_ =	swait.ge [sflag:s17], $0x40  }
0x74: {  	[sflag:s17] =	ssyncset.done $0x0  }
0x75: {  	[sflag:s17] =	ssyncadd.s32 $0xFFFFFFC0  }
0x76: {  	_ =	swait.ge [sflag:s17], $0x40  }
0x77: {  	[sflag:s17] =	ssyncset.done $0x0  }
0x78: {  	[sflag:s17] =	ssyncadd.s32 $0xFFFFFFC0  }
0x79: {  	_ =	swait.ge [sflag:s17], $0x40  }
0x7a: {  	[sflag:s17] =	ssyncset.done $0x0  }
0x7b: {  	s30 =	simm.s32 $0x300;
	[sflag:s17] =	ssyncadd.s32 $0xFFFFFFC0  }
0x7c: {  	[tilespmem:s30], [sflag:$0x1] =	stream.indirect.gather [hbm4b:s7+s18], $0x80, s6, s18, $0xb8;
	[tilespmem:$0x1C600] =	vst v63  }
0x7d: {  	s5 =	simm.s32 $0x0  }
0x7e: {  	[tilespmem:s19], [sflag:$0x3] =	stream.indirect.gather [spmem:s4], $0x80, s2, s18, $0xb8;
	[tilespmem:$0x1C600] =	vst v63  }
.LBB2_2:
0x7f: {  	_ =	swait.ge [sflag:s20], $0x40  }
0x80: {  	[sflag:s20] =	ssyncset.done $0x0  }
0x81: {  	[sflag:s20] =	ssyncadd.s32 $0xFFFFFFC0  }
0x82: {  	_ =	swait.ge [sflag:s20], $0x40  }
0x83: {  	[sflag:s20] =	ssyncset.done $0x0  }
0x84: {  	[sflag:s20] =	ssyncadd.s32 $0xFFFFFFC0  }
0x85: {  	_ =	swait.ge [sflag:s20], $0x40  }
0x86: {  	p1 =	seq.s32 s5, $0x0;
	[sflag:s20] =	ssyncset.done $0x0  }
0x87: {  	s11 =	simm.s32 @!p1 $0x8;
	[sflag:s20] =	ssyncadd.s32 $0xFFFFFFC0  }
0x88: {  	_ =	swait.ge @!p1 [sflag:s11], $0x2000  }
0x89: {  	[sflag:s11] =	ssyncset.done @!p1 $0x0  }
0x8a: {  	[sflag:s11] =	ssyncadd.s32 @!p1 $0xFFFFE000  }
0x8b: {  	[tilespmem:s21], [sflag:$0x2] =	stream.indirect.gather [hbm4b:s7+s18], $0x80, s14, s18, $0xb8;
	[tilespmem:$0x1C600] =	vst v63  }
0x8c: {  	_ = 	snop  }
0x8d: {  	[tilespmem:s22], [sflag:$0x4] =	stream.indirect.gather [spmem:s4], $0x80, s15, s18, $0xb8;
	[tilespmem:$0x1C600] =	vst v63  }
0x8e: {  	_ =	swait.ge [sflag:s25], $0x2000  }
0x8f: {  	[sflag:s25] =	ssyncset.done $0x0  }
0x90: {  	[sflag:s25] =	ssyncadd.s32 $0xFFFFE000  }
0x91: {  	_ =	swait.ge [sflag:s26], $0x2000  }
0x92: {  	[sflag:s26] =	ssyncset.done $0x0  }
0x93: {  	s13 =	simm.s32 $0x0;
	[sflag:s26] =	ssyncadd.s32 $0xFFFFE000  }
0x94: {  	v6 =	vld [tilespmem:s13+$0x300]  }
0x95: {  	v11 =	vld [tilespmem:s13+$0x310]  }
0x96: {  	v5 =	vld [tilespmem:s13+$0x320]  }
0x97: {  	v4 =	vld [tilespmem:s13+$0x330]  }
0x98: {  	v3 =	vld [tilespmem:s13+$0x340]  }
0x99: {  	v2 =	vld [tilespmem:s13+$0x350]  }
0x9a: {  	v1 =	vld [tilespmem:s13+$0x360]  }
0x9b: {  	v0 =	vld [tilespmem:s13+$0x370]  }
0x9c: {  	v12 =	vld [tilespmem:s13+$0x4300]  }
0x9d: {  	v13 =	vld [tilespmem:s13+$0x4310]  }
0x9e: {  	v10 =	vld [tilespmem:s13+$0x4320]  }
0x9f: {  	v9 =	vld [tilespmem:s13+$0x4330]  }
0xa0: {  	v8 =	vld [tilespmem:s13+$0x4340]  }
0xa1: {  	v7 =	vld [tilespmem:s13+$0x4350];
	v12 =	vadd.f32 v12, v6  }
0xa2: {  	s30 =	simm.s32 $0x200;
	s11 =	sshll.u32 s5, $0x7;
	v11 =	vadd.f32 v13, v11;
	v6 =	vld [tilespmem:s13+$0x4360]  }
.LBB2_3:
0xa3: {  	s2 =	sshra.s32 s30, $0x2;
	p1 =	sne.s32 s30, $0x7E00;
	v12 =	vmax.f32 v12, $0.0e+00;
	v5 =	vadd.f32 v10, v5;
	v10 =	vld [tilespmem:s13+$0x4370]  }
0xa4: {  	v13 =	vld [tilespmem:s2+$0x300];
	[tilespmem:s13+$0x4300] =	vst v12;
	v11 =	vmax.f32 v11, $0.0e+00;
	v4 =	vadd.f32 v9, v4  }
0xa5: {  	v14 =	vld [tilespmem:s2+$0x310];
	[tilespmem:s13+$0x4310] =	vst v11;
	v9 =	vmax.f32 v5, $0.0e+00;
	v3 =	vadd.f32 v8, v3  }
0xa6: {  	v5 =	vld [tilespmem:s2+$0x320];
	[tilespmem:s13+$0x4320] =	vst v9;
	v8 =	vmax.f32 v4, $0.0e+00;
	v2 =	vadd.f32 v7, v2  }
0xa7: {  	v4 =	vld [tilespmem:s2+$0x330];
	[tilespmem:s13+$0x4330] =	vst v8;
	v7 =	vmax.f32 v3, $0.0e+00;
	v1 =	vadd.f32 v6, v1  }
0xa8: {  	v3 =	vld [tilespmem:s2+$0x340];
	[tilespmem:s13+$0x4340] =	vst v7;
	v6 =	vmax.f32 v2, $0.0e+00;
	v0 =	vadd.f32 v10, v0  }
0xa9: {  	v2 =	vld [tilespmem:s2+$0x350];
	[tilespmem:s13+$0x4350] =	vst v6;
	v6 =	vmax.f32 v1, $0.0e+00  }
0xaa: {  	v1 =	vld [tilespmem:s2+$0x360];
	[tilespmem:s13+$0x4360] =	vst v6;
	v6 =	vmax.f32 v0, $0.0e+00  }
0xab: {  	v0 =	vld [tilespmem:s2+$0x370];
	[tilespmem:s13+$0x4370] =	vst v6;
	s13 =	smov.u32 s2  }
0xac: {  	v6 =	vld [tilespmem:s13+$0x4300]  }
0xad: {  	v11 =	vld [tilespmem:s13+$0x4310]  }
.Ltmp2:
0xae: {  	v10 =	vld [tilespmem:s13+$0x4320];
	(pc) =	sbr.rel @p1 .LBB2_3-.Ltmp2, $4  }
0xaf: {  	v9 =	vld [tilespmem:s13+$0x4330]  }
0xb0: {  	v8 =	vld [tilespmem:s13+$0x4340]  }
0xb1: {  	v12 =	vadd.f32 v6, v13;
	v7 =	vld [tilespmem:s13+$0x4350]  }
0xb2: {  	s30 =	sadd.s32 $0x200, s30;
	v11 =	vadd.f32 v11, v14;
	v6 =	vld [tilespmem:s13+$0x4360]  }
0xb3: {  	v12 =	vmax.f32 v12, $0.0e+00;
	v5 =	vadd.f32 v10, v5;
	v10 =	vld [tilespmem:s13+$0x4370]  }
0xb4: {  	[tilespmem:s13+$0x4300] =	vst v12;
	v11 =	vmax.f32 v11, $0.0e+00;
	v4 =	vadd.f32 v9, v4  }
0xb5: {  	[tilespmem:s13+$0x4310] =	vst v11;
	v5 =	vmax.f32 v5, $0.0e+00;
	v3 =	vadd.f32 v8, v3  }
0xb6: {  	[tilespmem:s13+$0x4320] =	vst v5;
	v4 =	vmax.f32 v4, $0.0e+00;
	v2 =	vadd.f32 v7, v2  }
0xb7: {  	[tilespmem:s13+$0x4330] =	vst v4;
	v3 =	vmax.f32 v3, $0.0e+00;
	v1 =	vadd.f32 v6, v1  }
0xb8: {  	[tilespmem:s13+$0x4340] =	vst v3;
	v2 =	vmax.f32 v2, $0.0e+00;
	v0 =	vadd.f32 v10, v0  }
0xb9: {  	[tilespmem:s13+$0x4350] =	vst v2;
	v1 =	vmax.f32 v1, $0.0e+00  }
0xba: {  	[tilespmem:s13+$0x4360] =	vst v1;
	v0 =	vmax.f32 v0, $0.0e+00  }
0xbb: {  	[tilespmem:s13+$0x4370] =	vst v0  }
0xbc: {  	v0 =	vld [tilespmem:$0x200]  }
0xbd: {  	v1 =	vld [tilespmem:$0x210]  }
0xbe: {  	v2 =	vld [tilespmem:$0x220]  }
0xbf: {  	v3 =	vld [tilespmem:$0x230];
	_ =	sdelay $0x1  }
0xc0: {  	[tilespmem:$0x8300] =	vst v0  }
0xc1: {  	[tilespmem:$0x8310] =	vst v1  }
0xc2: {  	p1 =	seq.s32 s5, $0x4F;
	[tilespmem:$0x8320] =	vst v2  }
0xc3: {  	s2 =	simm.s32 @p1 $0x2;
	[tilespmem:$0x8330] =	vst v3  }
0xc4: {  	[spmem:s3] =	stream.indirect.scatter.add.f32 [tilespmem:s19], [sflag:$0x7], $0x80, s28, s18, $0xb8;
	[tilespmem:$0x1C600] =	vst v63  }
0xc5: {  	_ =	swait.ge @p1 [sflag:s2], $0x2000  }
0xc6: {  	[sflag:s2] =	ssyncset.done @p1 $0x0  }
0xc7: {  	[sflag:s2] =	ssyncadd.s32 @p1 $0xFFFFE000;
	s2 =	simm.s32 @p1 $0x4  }
0xc8: {  	s13 =	sadd.s32 @!p1 s11, s23;
	_ =	swait.ge @p1 [sflag:s2], $0x2000  }
0xc9: {  	s13 =	sshrl.u32 @!p1 s13, $0x3;
	[sflag:s2] =	ssyncset.done @p1 $0x0  }
0xca: {  	s30 =	simm.s32 @!p1 $0x0;
	[sflag:s2] =	ssyncadd.s32 @p1 $0xFFFFE000;
	s2 =	sadd.s32 @!p1 s8, s13  }
0xcb: {  	[tilespmem:s30], [sflag:$0x5] =	stream.linear.gather @!p1 [hbm4b:s2+s30], $0x40, $0x38;
	[tilespmem:$0x1C600] =	vst v63  }
0xcc: {  	s1 =	simm.s32 @!p1 $0x100;
	s2 =	sadd.s32 @!p1 s10, s13  }
0xcd: {  	[tilespmem:s1], [sflag:$0x5] =	stream.linear.gather @!p1 [hbm4b:s2+s30], $0x40, $0x38;
	[tilespmem:$0x1C600] =	vst v63  }
0xce: {  	s2 =	sadd.s32 @!p1 s9, s13;
	s13 =	simm.s32 @!p1 $0x200  }
0xcf: {  	[tilespmem:s13], [sflag:$0x5] =	stream.linear.gather @!p1 [hbm4b:s2+s30], $0x40, $0x38;
	[tilespmem:$0x1C600] =	vst v63  }
0xd0: {  	s2 =	simm.s32 @!p1 $0x2  }
0xd1: {  	_ =	swait.ge @!p1 [sflag:s2], $0x2000  }
0xd2: {  	[sflag:s2] =	ssyncset.done @!p1 $0x0  }
0xd3: {  	[sflag:s2] =	ssyncadd.s32 @!p1 $0xFFFFE000;
	s2 =	simm.s32 @!p1 $0x4  }
0xd4: {  	_ =	swait.ge @!p1 [sflag:s2], $0x2000  }
0xd5: {  	[sflag:s2] =	ssyncset.done @!p1 $0x0  }
0xd6: {  	[sflag:s2] =	ssyncadd.s32 @!p1 $0xFFFFE000;
	s2 =	simm.s32 @!p1 $0x5  }
0xd7: {  	_ =	swait.ge @!p1 [sflag:s2], $0x40  }
0xd8: {  	[sflag:s2] =	ssyncset.done @!p1 $0x0  }
0xd9: {  	[sflag:s2] =	ssyncadd.s32 @!p1 $0xFFFFFFC0  }
0xda: {  	_ =	swait.ge @!p1 [sflag:s2], $0x40  }
0xdb: {  	[sflag:s2] =	ssyncset.done @!p1 $0x0  }
0xdc: {  	[sflag:s2] =	ssyncadd.s32 @!p1 $0xFFFFFFC0  }
0xdd: {  	_ =	swait.ge @!p1 [sflag:s2], $0x40  }
0xde: {  	[sflag:s2] =	ssyncset.done @!p1 $0x0  }
0xdf: {  	[sflag:s2] =	ssyncadd.s32 @!p1 $0xFFFFFFC0;
	s2 =	simm.s32 @!p1 $0x7  }
0xe0: {  	_ =	swait.ge @!p1 [sflag:s2], $0x2000  }
0xe1: {  	[sflag:s2] =	ssyncset.done @!p1 $0x0  }
0xe2: {  	s13 =	simm.s32 @!p1 $0x300;
	[sflag:s2] =	ssyncadd.s32 @!p1 $0xFFFFE000;
	s2 =	simm.s32 @!p1 $0x40  }
0xe3: {  	[tilespmem:s13], [sflag:$0x1] =	stream.indirect.gather @!p1 [hbm4b:s7+s2], $0x80, s30, s2, $0xb8;
	[tilespmem:$0x1C600] =	vst v63  }
0xe4: {  	s13 =	simm.s32 @!p1 $0x4300  }
0xe5: {  	[tilespmem:s13], [sflag:$0x3] =	stream.indirect.gather @!p1 [spmem:s4], $0x80, s1, s2, $0xb8;
	[tilespmem:$0x1C600] =	vst v63  }
0xe6: {  	s13 =	simm.s32 $0x0  }
0xe7: {  	v6 =	vld [tilespmem:s13+$0x2300]  }
0xe8: {  	v11 =	vld [tilespmem:s13+$0x2310]  }
0xe9: {  	v5 =	vld [tilespmem:s13+$0x2320]  }
0xea: {  	v4 =	vld [tilespmem:s13+$0x2330]  }
0xeb: {  	v3 =	vld [tilespmem:s13+$0x2340]  }
0xec: {  	v2 =	vld [tilespmem:s13+$0x2350]  }
0xed: {  	v1 =	vld [tilespmem:s13+$0x2360]  }
0xee: {  	v0 =	vld [tilespmem:s13+$0x2370]  }
0xef: {  	v12 =	vld [tilespmem:s13+$0x6300]  }
0xf0: {  	v13 =	vld [tilespmem:s13+$0x6310]  }
0xf1: {  	v10 =	vld [tilespmem:s13+$0x6320]  }
0xf2: {  	v9 =	vld [tilespmem:s13+$0x6330]  }
0xf3: {  	v8 =	vld [tilespmem:s13+$0x6340]  }
0xf4: {  	v7 =	vld [tilespmem:s13+$0x6350];
	v12 =	vadd.f32 v12, v6  }
0xf5: {  	s30 =	simm.s32 $0x200;
	v11 =	vadd.f32 v13, v11;
	v6 =	vld [tilespmem:s13+$0x6360]  }
.LBB2_5:
0xf6: {  	s1 =	sshra.s32 s30, $0x2;
	p2 =	sne.s32 s30, $0x7E00;
	v12 =	vmax.f32 v12, $0.0e+00;
	v5 =	vadd.f32 v10, v5;
	v10 =	vld [tilespmem:s13+$0x6370]  }
0xf7: {  	v13 =	vld [tilespmem:s1+$0x2300];
	[tilespmem:s13+$0x6300] =	vst v12;
	v11 =	vmax.f32 v11, $0.0e+00;
	v4 =	vadd.f32 v9, v4  }
0xf8: {  	v14 =	vld [tilespmem:s1+$0x2310];
	[tilespmem:s13+$0x6310] =	vst v11;
	v9 =	vmax.f32 v5, $0.0e+00;
	v3 =	vadd.f32 v8, v3  }
0xf9: {  	v5 =	vld [tilespmem:s1+$0x2320];
	[tilespmem:s13+$0x6320] =	vst v9;
	v8 =	vmax.f32 v4, $0.0e+00;
	v2 =	vadd.f32 v7, v2  }
0xfa: {  	v4 =	vld [tilespmem:s1+$0x2330];
	[tilespmem:s13+$0x6330] =	vst v8;
	v7 =	vmax.f32 v3, $0.0e+00;
	v1 =	vadd.f32 v6, v1  }
0xfb: {  	v3 =	vld [tilespmem:s1+$0x2340];
	[tilespmem:s13+$0x6340] =	vst v7;
	v6 =	vmax.f32 v2, $0.0e+00;
	v0 =	vadd.f32 v10, v0  }
0xfc: {  	v2 =	vld [tilespmem:s1+$0x2350];
	[tilespmem:s13+$0x6350] =	vst v6;
	v6 =	vmax.f32 v1, $0.0e+00  }
0xfd: {  	v1 =	vld [tilespmem:s1+$0x2360];
	[tilespmem:s13+$0x6360] =	vst v6;
	v6 =	vmax.f32 v0, $0.0e+00  }
0xfe: {  	v0 =	vld [tilespmem:s1+$0x2370];
	[tilespmem:s13+$0x6370] =	vst v6;
	s13 =	smov.u32 s1  }
0xff: {  	v6 =	vld [tilespmem:s13+$0x6300]  }
0x100: {  	v11 =	vld [tilespmem:s13+$0x6310]  }
.Ltmp3:
0x101: {  	v10 =	vld [tilespmem:s13+$0x6320];
	(pc) =	sbr.rel @p2 .LBB2_5-.Ltmp3, $4  }
0x102: {  	v9 =	vld [tilespmem:s13+$0x6330]  }
0x103: {  	v8 =	vld [tilespmem:s13+$0x6340]  }
0x104: {  	v12 =	vadd.f32 v6, v13;
	v7 =	vld [tilespmem:s13+$0x6350]  }
0x105: {  	s30 =	sadd.s32 $0x200, s30;
	v11 =	vadd.f32 v11, v14;
	v6 =	vld [tilespmem:s13+$0x6360]  }
0x106: {  	v12 =	vmax.f32 v12, $0.0e+00;
	v5 =	vadd.f32 v10, v5;
	v63 =	vld [tilespmem:s13+$0x6370]  }
0x107: {  	[tilespmem:s13+$0x6300] =	vst v12;
	v11 =	vmax.f32 v11, $0.0e+00;
	v4 =	vadd.f32 v9, v4  }
0x108: {  	[tilespmem:s13+$0x6310] =	vst v11;
	v5 =	vmax.f32 v5, $0.0e+00;
	v3 =	vadd.f32 v8, v3  }
0x109: {  	[tilespmem:s13+$0x6320] =	vst v5;
	v4 =	vmax.f32 v4, $0.0e+00;
	v2 =	vadd.f32 v7, v2  }
0x10a: {  	[tilespmem:s13+$0x6330] =	vst v4;
	v3 =	vmax.f32 v3, $0.0e+00;
	v1 =	vadd.f32 v6, v1  }
0x10b: {  	[tilespmem:s13+$0x6340] =	vst v3;
	v2 =	vmax.f32 v2, $0.0e+00;
	v0 =	vadd.f32 v63, v0  }
0x10c: {  	[tilespmem:s13+$0x6350] =	vst v2;
	v1 =	vmax.f32 v1, $0.0e+00  }
0x10d: {  	[tilespmem:s13+$0x6360] =	vst v1;
	v0 =	vmax.f32 v0, $0.0e+00  }
0x10e: {  	[tilespmem:s13+$0x6370] =	vst v0  }
0x10f: {  	v0 =	vld [tilespmem:$0x280]  }
0x110: {  	v1 =	vld [tilespmem:$0x290]  }
0x111: {  	v2 =	vld [tilespmem:$0x2A0]  }
0x112: {  	v3 =	vld [tilespmem:$0x2B0];
	_ =	sdelay $0x1  }
.Ltmp4:
0x113: {  	[tilespmem:$0x8380] =	vst v0;
	(pc) =	sbr.rel @p1 .LBB2_8-.Ltmp4, $4  }
0x114: {  	[tilespmem:$0x8390] =	vst v1  }
0x115: {  	[tilespmem:$0x83A0] =	vst v2  }
0x116: {  	[tilespmem:$0x83B0] =	vst v3  }
0x117: {  	[spmem:s3] =	stream.indirect.scatter.add.f32 [tilespmem:s22], [sflag:$0x8], $0x80, s29, s18, $0xb8;
	[tilespmem:$0x1C600] =	vst v63  }
0x118: {  	s1 =	sadd.s32 s11, s24  }
0x119: {  	s1 =	sshrl.u32 s1, $0x3  }
0x11a: {  	s2 =	sadd.s32 s8, s1  }
0x11b: {  	[tilespmem:s14], [sflag:$0x6] =	stream.linear.gather [hbm4b:s2+s6], $0x40, $0x38;
	[tilespmem:$0x1C600] =	vst v63  }
.Ltmp5:
0x11c: {  	_ = 	snop;
	(pc) =	sbr.rel .LBB2_2-.Ltmp5, $4  }
0x11d: {  	s30 =	sadd.s32 s10, s1  }
0x11e: {  	[tilespmem:s15], [sflag:$0x6] =	stream.linear.gather [hbm4b:s30+s6], $0x40, $0x38;
	[tilespmem:$0x1C600] =	vst v63  }
0x11f: {  	s5 =	sadd.s32 $0x1, s5;
	s1 =	sadd.s32 s9, s1  }
0x120: {  	[tilespmem:s16], [sflag:$0x6] =	stream.linear.gather [hbm4b:s1+s6], $0x40, $0x38;
	[tilespmem:$0x1C600] =	vst v63  }
.LBB2_9:
0x121: {  	_ =	sfence.sel $0x180000  }
0x122: {  	[bflag:$0x0] =	sbarrier.arrive $0xFFFF  }
0x123: {  	_ =	strace $0x9000004A  }
0x124: {  	[bflag:$0x2] =	sbarrier.arrive $0xFFFF  }
0x125: {  	s0 =	rddreg [dreg:$0x6]  }
0x126: {  	s0 =	sadd.s32 @!p0 $0x100000, s0  }
0x127: {  	[sflag:s0] =	ssyncadd.tile.s32 @!p0 $0x1;
	_ =	shalt  }
.Lfunc_end2:
_tile_overlayer_lowered:
.L_overlay_start_2:
0x128: {  	(tag) =	ssettag $0x2  }
0x129: {  	s0 =	rddreg [dreg:$0x0];
	s2 =	stileid.u32  }
0x12a: {  	s1 =	rddreg [dreg:$0x1];
	p0 =	sne.s32 s2, $0x0  }
0x12b: {  	s3 =	rddreg [dreg:$0x2];
	[bflag:$0x3] =	sbarrier.arrive $0xFFFF;
	s2 =	simm.s32 @!p0 $0x1C09  }
0x12c: {  	[timem:s3], [sflag:s2] =	dma.local @!p0 [hbm:s0], s1  }
0x12d: {  	s0 =	simm.s32 @!p0 $0x9  }
0x12e: {  	_ =	swait.ge @!p0 [sflag:s0], s1  }
0x12f: {  	s1 =	ssub.s32 @!p0 $0x0, s1;
	[sflag:s0] =	ssyncset.done @!p0 $0x0  }
0x130: {  	[sflag:s0] =	ssyncadd.s32 @!p0 s1  }
0x131: {  	[bflag:$0x3] =	sbarrier.arrive $0xFFFF  }
0x132: {  	_ =	shalt  }

// kernel: kernel.20.cloned.1.call-start
scs
__scs_entry_jumppad:
0x0: {  	(pc) =	sbr.rel $0x88, $3  }
0x1: {  	(tag) =	ssettag $0x0;
	lr =	simm.s32 $0x1  }
0x2: {  	[smem:$0x3F8C] =	sst lr;
	_ =	strace $0xD0000000  }
0x3: {  	_ = 	snop  }
0x4: {  	_ = 	snop  }
0x5: {  	_ = 	snop  }
0x6: {  	_ = 	snop  }
0x7: {  	_ = 	snop  }
__scs_overlays_trampoline_lowered:
0x8: {  	[smem:$0x3F9B] =	sst s0  }
0x9: {  	[smem:$0x3F9C] =	sst s1  }
0xa: {  	[smem:$0x3F9D] =	sst s2  }
0xb: {  	[smem:$0x3F9E] =	sst s3  }
0xc: {  	[smem:$0x3F9F] =	sst s4  }
0xd: {  	[smem:$0x3FA0] =	sst s5  }
0xe: {  	[smem:$0x3FA1] =	sst s6  }
0xf: {  	[smem:$0x3FA2] =	sst s7  }
0x10: {  	[smem:$0x3FA3] =	sst s8  }
0x11: {  	[smem:$0x3FA4] =	sst s9;
	s0 =	simm.s32 @!p0 $0x0  }
0x12: {  	s1 =	sld [smem:$0x3F8A];
	s0 =	simm.s32 @p0 $0x1  }
0x13: {  	[smem:$0x3FA5] =	sst s0;
	s0 =	simm.s32 @!p1 $0x0  }
0x14: {  	s2 =	sld [smem:$0x3F89];
	s0 =	simm.s32 @p1 $0x1  }
0x15: {  	[smem:$0x3FA6] =	sst s0;
	s0 =	simm.s32 @!p2 $0x0  }
0x16: {  	s3 =	sld [smem:$0x3FDB];
	s0 =	simm.s32 @p2 $0x1  }
0x17: {  	s4 =	simm.s32 $0x1BF5;
	[smem:$0x3FA8] =	sst s0  }
0x18: {  	s0 =	sld [smem:$0x3F8B];
	_ =	swait.ge [sflag:s4], $0x0  }
0x19: {  	s7 =	sld [smem:$0x3F8C]  }
0x1a: {  	s8 =	sadd.s32 $0xFFFFE003, lr  }
0x1b: {  	s9 =	sadd.s32 $0xFFFFFEF7, lr;
	s5 =	simm.s32 $0xFFFFFFFF;
	p2 =	slt.u32 s8, $0xFFFFF086  }
0x1c: {  	p1 =	slt.u32 s9, $0xF7A;
	s5 =	simm.s32 @!p2 $0x0  }
0x1d: {  	s5 =	simm.s32 @p1 $0x1;
	p0 =	seq.s32 s7, s2  }
0x1e: {  	s7 =	smul.u32 @!p0 $0xF7A, s2;
	p2 =	seq.s32 @!p0 s5, $0x0  }
0x1f: {  	s9 =	smul.u32 $0xF7A, s1;
	s8 =	simm.s32 @!p0 $0x1BF5;
	p2 =	por !p2, p0  }
0x20: {  	[sflag:s8] =	ssyncset.s32 @!p0 $0xFFFFF086;
	s6 =	sadd.s32 @!p0 s3, s7;
	s7 =	simm.s32 @!p0 $0x108  }
0x21: {  	s3 =	sadd.s32 s3, s9;
	s6 =	sadd.s32 @!p0 $0x88, s6;
	s7 =	simm.s32 @p2 $0x1082  }
0x22: {  	[simem:s7], [sflag:s8] =	dma.local @!p0 [hbm:s6], $0xF7A  }
0x23: {  	s9 =	sor.u32 $0xD0000000, s2;
	s6 =	simm.s32 $0x108;
	_ =	swait.ge @!p0 [sflag:s8], $0x0  }
0x24: {  	s3 =	sadd.s32 $0x88, s3;
	s6 =	simm.s32 @!p1 $0x1082;
	[sflag:s4] =	ssyncset.s32 $0xFFFFF086  }
0x25: {  	[simem:s6], [sflag:s4] =	dma.local [hbm:s3], $0xF7A  }
0x26: {  	[smem:$0x3F8C] =	sst s1;
	(tag) =	ssettag s2;
	_ =	strace s9  }
0x27: {  	s1 =	sld [smem:$0x3F9C]  }
0x28: {  	s2 =	sld [smem:$0x3F9D]  }
0x29: {  	s4 =	sld [smem:$0x3F9F]  }
0x2a: {  	p0 =	seq.s32 s5, $0x0;
	s5 =	sld [smem:$0x3FA0]  }
0x2b: {  	s6 =	sld [smem:$0x3FA1]  }
0x2c: {  	s7 =	sld [smem:$0x3FA2]  }
0x2d: {  	s3 =	simm.s32 $0x108;
	s8 =	sld [smem:$0x3FA3]  }
0x2e: {  	s3 =	simm.s32 @!p0 $0x1082;
	s9 =	sld [smem:$0x3FA4]  }
0x2f: {  	lr =	sadd.s32 s0, s3;
	s0 =	sld [smem:$0x3F9B]  }
0x30: {  	s3 =	sld [smem:$0x3F9E]  }
0x31: {  	[smem:$0x3FA7] =	sst s10  }
0x32: {  	s10 =	sld [smem:$0x3FA5];
	_ =	sdelay $0x3  }
0x33: {  	p0 =	seq.s32 s10, $0x1;
	s10 =	sld [smem:$0x3FA7];
	_ =	sdelay $0x3  }
0x34: {  	[smem:$0x3FA7] =	sst s10  }
0x35: {  	s10 =	sld [smem:$0x3FA6];
	_ =	sdelay $0x3  }
0x36: {  	p1 =	seq.s32 s10, $0x1;
	s10 =	sld [smem:$0x3FA7];
	_ =	sdelay $0x3  }
0x37: {  	[smem:$0x3FA7] =	sst s10  }
0x38: {  	s10 =	sld [smem:$0x3FA8]  }
0x39: {  	_ = 	snop;
	(pc) =	sbr.ind lr, $3  }
0x3a: {  	_ = 	snop  }
0x3b: {  	_ = 	snop  }
0x3c: {  	p2 =	seq.s32 s10, $0x1;
	s10 =	sld [smem:$0x3FA7]  }
0x3d: {  	_ =	shalt  }
0x3e: {  	_ =	shalt  }
0x3f: {  	_ =	shalt  }
0x40: {  	_ =	shalt  }
0x41: {  	_ =	shalt  }
0x42: {  	_ =	shalt  }
0x43: {  	_ =	shalt  }
0x44: {  	_ =	shalt  }
0x45: {  	_ =	shalt  }
0x46: {  	_ =	shalt  }
0x47: {  	_ =	shalt  }
0x48: {  	_ =	shalt  }
0x49: {  	_ =	shalt  }
0x4a: {  	_ =	shalt  }
0x4b: {  	_ =	shalt  }
0x4c: {  	_ =	shalt  }
0x4d: {  	_ =	shalt  }
0x4e: {  	_ =	shalt  }
0x4f: {  	_ =	shalt  }
0x50: {  	_ =	shalt  }
0x51: {  	_ =	shalt  }
0x52: {  	_ =	shalt  }
0x53: {  	_ =	shalt  }
0x54: {  	_ =	shalt  }
0x55: {  	_ =	shalt  }
0x56: {  	_ =	shalt  }
0x57: {  	_ =	shalt  }
0x58: {  	_ =	shalt  }
0x59: {  	_ =	shalt  }
0x5a: {  	_ =	shalt  }
0x5b: {  	_ =	shalt  }
0x5c: {  	_ =	shalt  }
0x5d: {  	_ =	shalt  }
0x5e: {  	_ =	shalt  }
0x5f: {  	_ =	shalt  }
0x60: {  	_ =	shalt  }
0x61: {  	_ =	shalt  }
0x62: {  	_ =	shalt  }
0x63: {  	_ =	shalt  }
0x64: {  	_ =	shalt  }
0x65: {  	_ =	shalt  }
0x66: {  	_ =	shalt  }
0x67: {  	_ =	shalt  }
0x68: {  	_ =	shalt  }
0x69: {  	_ =	shalt  }
0x6a: {  	_ =	shalt  }
0x6b: {  	_ =	shalt  }
0x6c: {  	_ =	shalt  }
0x6d: {  	_ =	shalt  }
0x6e: {  	_ =	shalt  }
0x6f: {  	_ =	shalt  }
0x70: {  	_ =	shalt  }
0x71: {  	_ =	shalt  }
0x72: {  	_ =	shalt  }
0x73: {  	_ =	shalt  }
0x74: {  	_ =	shalt  }
0x75: {  	_ =	shalt  }
0x76: {  	_ =	shalt  }
0x77: {  	_ =	shalt  }
0x78: {  	_ =	shalt  }
0x79: {  	_ =	shalt  }
0x7a: {  	_ =	shalt  }
0x7b: {  	_ =	shalt  }
0x7c: {  	_ =	shalt  }
0x7d: {  	_ =	shalt  }
0x7e: {  	_ =	shalt  }
0x7f: {  	_ =	shalt  }
0x80: {  	_ =	shalt  }
0x81: {  	_ =	shalt  }
0x82: {  	_ =	shalt  }
0x83: {  	_ =	shalt  }
0x84: {  	_ =	shalt  }
0x85: {  	_ =	shalt  }
0x86: {  	_ =	shalt  }
0x87: {  	_ =	shalt  }
.Lfunc_end0:
.L_simem_size_0:
called_computation.3_lowered:
.L_overlay_start_0:
0x88: {  	s2 =	sld [smem:$0x3FD9]  }
0x89: {  	s3 =	sld [smem:$0x3FFE];
	_ =	sdelay $0x1  }
0x8a: {  	s1 =	srdreg.scid  }
0x8b: {  	s0 =	sand.u32 $0x1, s1  }
0x8c: {  	s14 =	sshll.u32 s0, $0xA;
	s2 =	sadd.s32 s3, s2  }
0x8d: {  	s2 =	sadd.s32 s2, s14  }
0x8e: {  	[smem:$0x3FB3] =	sst s2  }
0x8f: {  	_ = 	snop  }
0x90: {  	s2 =	sld [smem:$0x3FD0];
	_ =	sdelay $0x2  }
0x91: {  	s15 =	simm.s32 $0xB;
	s4 =	simm.s32 $0x10  }
0x92: {  	[smem:s4], [sflag:s15] =	dma.local [hbm:s2], $0x1  }
0x93: {  	_ =	swait.eq [sflag:s15], $0x1  }
0x94: {  	s16 =	sld [smem:$0x10];
	[sflag:s15] =	ssyncset.done $0x0  }
0x95: {  	s17 =	sld [smem:$0x12];
	[sflag:s15] =	ssyncadd.s32 $0xFFFFFFFF  }
0x96: {  	s18 =	sld [smem:$0x13];
	(tm) =	ssettm $0x1  }
0x97: {  	s5 =	sld [smem:$0x3FFB];
	_ =	sdelay $0x3  }
0x98: {  	_ =	strace s5  }
0x99: {  	s5 =	sld [smem:$0x3FFC];
	_ =	sdelay $0x3  }
0x9a: {  	_ =	strace s5  }
0x9b: {  	s5 =	sld [smem:$0x3FFD];
	_ =	sdelay $0x3  }
0x9c: {  	_ =	strace s5  }
0x9d: {  	_ =	strace $0x8FFFFFFF  }
0x9e: {  	s19 =	sld [smem:$0x3FDB];
	_ =	sdelay $0x1  }
0x9f: {  	s6 =	simm.s32 $_scs_section_size  }
0xa0: {  	s7 =	simm.s32 $_size__tile_overlayer_lowered;
	s8 =	simm.s32 $_tile_overlayer_lowered  }
0xa1: {  	s22 =	simm.s32 $0x1BFF;
	s21 =	sshll.u32 s8, $0x1;
	s5 =	sadd.s32 s6, s19  }
0xa2: {  	s9 =	simm.s32 $0x0;
	s20 =	sshll.u32 s7, $0x1;
	s7 =	sadd.s32 s21, s5  }
0xa3: {  	[timem:s9], [sflag:s22] =	dma.local [hbm:s7], s20  }
0xa4: {  	_ =	swait.ge [sflag:s22], s20  }
0xa5: {  	s6 =	ssub.s32 $0x0, s20;
	[sflag:s22] =	ssyncset.done $0x0  }
0xa6: {  	[sflag:s22] =	ssyncadd.s32 s6;
	_ =	sdelay $0x1  }
0xa7: {  	s23 =	simm.s32 $0x1B8B  }
0xa8: {  	_ =	swait.ge [sflag:s23], $0x1  }
0xa9: {  	[sflag:s23] =	ssyncset.done $0x0  }
0xaa: {  	s25 =	simm.s32 $0x1B8E;
	s24 =	sld [smem:$0x3FFE];
	[sflag:s23] =	ssyncadd.s32 $0xFFFFFFFF  }
0xab: {  	s26 =	simm.s32 $execute0_lowered;
	[smem:$0x3FD2] =	sst s25  }
0xac: {  	s7 =	sshll.u32 s26, $0x1;
	_ =	strace $0x8000004C;
	[dreg:$0x1] =	wrdreg $0xFFFFFFFF  }
0xad: {  	s28 =	simm.s32 $_size_execute0_lowered;
	s5 =	sadd.s32 s5, s7;
	[dreg:$0x0] =	wrdreg $0x0  }
0xae: {  	s7 =	sshll.u32 s28, $0x1;
	[dreg:$0x2] =	wrdreg s5  }
0xaf: {  	[dreg:$0x3] =	wrdreg s7  }
0xb0: {  	[dreg:$0x4] =	wrdreg $0xC0  }
0xb1: {  	_ =	task [dreg:s9], $0x5FFFF  }
0xb2: {  	[dreg:$0x1] =	wrdreg $0xFFFFFFFF  }
0xb3: {  	[dreg:$0x0] =	wrdreg $0x60  }
0xb4: {  	[dreg:$0x2] =	wrdreg s24  }
0xb5: {  	[dreg:$0x3] =	wrdreg s18  }
0xb6: {  	[dreg:$0x4] =	wrdreg s17  }
0xb7: {  	[dreg:$0x5] =	wrdreg s16  }
0xb8: {  	[dreg:$0x6] =	wrdreg $0x84000  }
0xb9: {  	[dreg:$0x7] =	wrdreg $0x1C4000  }
0xba: {  	[dreg:$0x8] =	wrdreg $0x9  }
0xbb: {  	_ =	task.clear_ibuf [dreg:s9], $0x9FFFF;
	_ =	strace $0x9000004C  }
0xbc: {  	s29 =	simm.s32 $0x9;
	_ =	strace $0x8000004E  }
0xbd: {  	_ =	swait.ge [sflag:s29], $0x1  }
0xbe: {  	[sflag:s29] =	ssyncadd.s32 $0xFFFFFFFF  }
0xbf: {  	_ =	strace $0x9000004E  }
0xc0: {  	_ =	sfence  }
0xc1: {  	s30 =	sld [smem:$0x0];
	_ =	sdelay $0x2  }
0xc2: {  	s31 =	sshll.u32 s1, $0xD;
	s1 =	sshrl.u32 s1, $0x2  }
0xc3: {  	s3 =	sand.u32 $0x4000, s31;
	s1 =	sadd.s32 s1, s30  }
0xc4: {  	s0 =	sor.u32 s3, s0;
	s1 =	sshll.u32 s1, $0x11  }
0xc5: {  	s0 =	sor.u32 s1, s0  }
0xc6: {  	s0 =	sadd.s32 $0x8F2B, s0  }
0xc7: {  	[sflag:s0] =	ssyncadd.remote.s32 $0x1  }
0xc8: {  	_ =	sfence.sel $0xFFFF  }
0xc9: {  	[dreg:$0x0] =	wrdreg $0xFFFFFFFF;
	(pc) =	sbr.abs _section_cstart, $3  }
0xca: {  	[dreg:$0x1] =	wrdreg $0xFFFFFFFF  }
0xcb: {  	_ =	task.clear_ibuf [dreg:s9], $0x2FFFF;
	_ =	strace $0x9FFFFFFF  }
0xcc: {  	(tm) =	ssettm $0x7FFFFFFF  }
0xcd: {  	_ =	shalt  }
tec
execute0_lowered:
.L_overlay_start_1:
0x0: {  	(tag) =	ssettag $0x1  }
0x1: {  	s0 =	rddreg [dreg:$0x0]  }
0x2: {  	s1 =	rddreg [dreg:$0x3]  }
0x3: {  	s3 =	rddreg [dreg:$0x4]  }
0x4: {  	s4 =	rddreg [dreg:$0x5]  }
0x5: {  	s5 =	srdreg.scid;
	s2 =	stileid.u32;
	s6 =	simm.s32 $0x0  }
0x6: {  	s28 =	simm.s32 $0x8300;
	s29 =	simm.s32 $0x8380;
	s31 =	simm.s32 $0x0  }
0x7: {  	s5 =	sand.u32 $0x1, s5;
	s7 =	sshll.u32 s2, $0x1;
	[smem:$0x7FF] =	sst s6  }
0x8: {  	s9 =	sadd.s32 $0xF400, s0;
	s12 =	smul.u32 $0x50000, s2;
	s10 =	sadd.s32 $0x5400, s0  }
0x9: {  	s13 =	smul.u32 $0x14000, s2;
	p0 =	sne.s32 s2, $0x0;
	s8 =	sor.u32 s5, s7  }
0xa: {  	_ =	strace $0x8000004D;
	s26 =	ssub.s32 $0x2, s5;
	s5 =	smul.u32 $0x140000, s5  }
0xb: {  	s7 =	sadd.s32 $0x23400, s0;
	s11 =	smul.u32 $0x2800, s8;
	s8 =	sadd.s32 $0x19400, s0  }
0xc: {  	s14 =	sshrl.u32 s26, $0x1;
	s12 =	sshrl.u32 s12, $0x2;
	s21 =	sadd.s32 $0xC000, s13  }
0xd: {  	s0 =	ssub.s32 s26, s14;
	s19 =	sadd.s32 s12, s3;
	s12 =	sadd.s32 $0x4000, s13  }
0xe: {  	s15 =	sadd.s32 s5, s13;
	s18 =	sadd.s32 s5, s21;
	s30 =	sshrl.u32 s11, $0x3  }
0xf: {  	s16 =	sadd.s32 s5, s12;
	s15 =	sshrl.u32 s15, $0x3;
	s22 =	sshrl.u32 s18, $0x3  }
0x10: {  	s0 =	smax.u32 s0, $0x1;
	s14 =	sadd.s32 $0x4000, s19;
	[dreg:$0x7] =	wrdreg s19  }
0x11: {  	s18 =	sadd.s32 $0xC000, s19;
	s17 =	sadd.s32 s8, s30;
	[dreg:$0x13] =	wrdreg s0  }
0x12: {  	s16 =	sshrl.u32 s16, $0x3;
	s15 =	sadd.s32 s1, s15;
	[dreg:$0x8] =	wrdreg s17  }
0x13: {  	s23 =	sor.u32 $0x8, s30;
	s24 =	sadd.s32 s10, s30;
	[dreg:$0x9] =	wrdreg s15  }
0x14: {  	s25 =	sadd.s32 s9, s30;
	s16 =	sadd.s32 s1, s16;
	[dreg:$0xe] =	wrdreg s24  }
0x15: {  	s17 =	sadd.s32 $0x8000, s13;
	s13 =	sadd.s32 $0x10000, s13;
	[dreg:$0xf] =	wrdreg s25  }
0x16: {  	s26 =	sadd.s32 s8, s23;
	s30 =	sadd.s32 s10, s23;
	[dreg:$0xa] =	wrdreg s16  }
0x17: {  	s24 =	sor.u32 $0xC0, s11;
	s20 =	sadd.s32 s5, s17;
	[dreg:$0x10] =	wrdreg s26  }
0x18: {  	s5 =	sadd.s32 s5, s13;
	[dreg:$0x11] =	wrdreg s30;
	s15 =	sadd.s32 s13, s3  }
0x19: {  	s16 =	sshrl.u32 s20, $0x3;
	s5 =	sshrl.u32 s5, $0x3;
	s30 =	sshrl.u32 s15, $0x3  }
0x1a: {  	s15 =	simm.s32 $0x180;
	s16 =	sadd.s32 s1, s16;
	[dreg:$0x1b] =	wrdreg s30  }
0x1b: {  	[dreg:$0xb] =	wrdreg s16;
	s16 =	sadd.s32 s1, s22;
	s1 =	sadd.s32 s1, s5  }
0x1c: {  	s5 =	sadd.s32 s17, s3;
	s17 =	sadd.s32 $0x8000, s19;
	[dreg:$0xc] =	wrdreg s16  }
0x1d: {  	s19 =	sadd.s32 $0x10000, s19;
	[dreg:$0xd] =	wrdreg s1;
	s1 =	sadd.s32 s9, s23  }
0x1e: {  	s23 =	sor.u32 $0x80, s11;
	s16 =	sshrl.u32 s14, $0x3;
	s20 =	sshrl.u32 s17, $0x3  }
0x1f: {  	s22 =	sshrl.u32 s19, $0x3;
	s25 =	sshrl.u32 s5, $0x3;
	[dreg:$0x12] =	wrdreg s1  }
0x20: {  	s14 =	simm.s32 $0x80;
	s17 =	simm.s32 $0x5;
	[dreg:$0x14] =	wrdreg s16  }
0x21: {  	s19 =	simm.s32 $0x4300;
	s1 =	sadd.s32 s12, s3;
	[dreg:$0x15] =	wrdreg s20  }
0x22: {  	s12 =	sadd.s32 s21, s3;
	s21 =	sshrl.u32 s18, $0x3;
	[dreg:$0x17] =	wrdreg s22  }
.Ltmp0:
0x23: {  	[dreg:$0x19] =	wrdreg s25;
	s16 =	simm.s32 $0x280;
	(pc) =	sbr.rel .LBB2_1-.Ltmp0, $4  }
0x24: {  	s18 =	simm.s32 $0x40;
	s20 =	simm.s32 $0x6;
	s22 =	simm.s32 $0x6300  }
0x25: {  	s25 =	simm.s32 $0x1;
	[dreg:$0x16] =	wrdreg s21;
	s0 =	sshrl.u32 s1, $0x3  }
0x26: {  	s26 =	sshrl.u32 s12, $0x3;
	s12 =	simm.s32 $0x9;
	[dreg:$0x18] =	wrdreg s0  }
0x27: {  	s21 =	simm.s32 $0x2300;
	[dreg:$0x1a] =	wrdreg s26;
	s26 =	simm.s32 $0x3  }
.LBB2_8:
0x28: {  	s1 =	simm.s32 $0x7  }
0x29: {  	_ =	swait.ge [sflag:s1], $0x2000  }
0x2a: {  	[sflag:s1] =	ssyncset.done $0x0  }
0x2b: {  	s13 =	simm.s32 $0x8;
	[sflag:s1] =	ssyncadd.s32 $0xFFFFE000  }
0x2c: {  	_ =	swait.ge [sflag:s13], $0x2000  }
0x2d: {  	[sflag:s13] =	ssyncset.done $0x0  }
0x2e: {  	[sflag:s13] =	ssyncadd.s32 $0xFFFFE000  }
0x2f: {  	[bflag:$0x0] =	sbarrier.arrive $0xFFFF  }
0x30: {  	s30 =	rddreg [dreg:$0x9]  }
0x31: {  	s2 =	rddreg [dreg:$0x1c]  }
0x32: {  	[hbm:s30], [sflag:s0] =	dma.local [spmem:s2], $0x800  }
0x33: {  	_ =	swait.ge [sflag:s12], $0x800  }
0x34: {  	[sflag:s12] =	ssyncset.done $0x0;
	s5 =	rddreg [dreg:$0xa]  }
0x35: {  	s11 =	rddreg [dreg:$0x18];
	[sflag:s12] =	ssyncadd.s32 $0xFFFFF800  }
0x36: {  	[hbm:s5], [sflag:s0] =	dma.local [spmem:s11], $0x800  }
0x37: {  	_ =	swait.ge [sflag:s12], $0x800  }
0x38: {  	[sflag:s12] =	ssyncset.done $0x0;
	s13 =	rddreg [dreg:$0xb]  }
0x39: {  	s30 =	rddreg [dreg:$0x19];
	[sflag:s12] =	ssyncadd.s32 $0xFFFFF800  }
0x3a: {  	[hbm:s13], [sflag:s0] =	dma.local [spmem:s30], $0x800  }
0x3b: {  	_ =	swait.ge [sflag:s12], $0x800  }
0x3c: {  	[sflag:s12] =	ssyncset.done $0x0;
	s2 =	rddreg [dreg:$0xc]  }
0x3d: {  	s5 =	rddreg [dreg:$0x1a];
	[sflag:s12] =	ssyncadd.s32 $0xFFFFF800  }
0x3e: {  	[hbm:s2], [sflag:s0] =	dma.local [spmem:s5], $0x800  }
0x3f: {  	_ =	swait.ge [sflag:s12], $0x800  }
0x40: {  	[sflag:s12] =	ssyncset.done $0x0;
	s11 =	rddreg [dreg:$0xd]  }
0x41: {  	s13 =	rddreg [dreg:$0x1b];
	[sflag:s12] =	ssyncadd.s32 $0xFFFFF800  }
0x42: {  	[hbm:s11], [sflag:s0] =	dma.local [spmem:s13], $0x800  }
0x43: {  	_ =	swait.ge [sflag:s12], $0x800  }
0x44: {  	s31 =	sadd.s32 $0x1, s31;
	s30 =	rddreg [dreg:$0x13]  }
0x45: {  	p1 =	sne.s32 s31, s30  }
.Ltmp1:
0x46: {  	_ = 	snop;
	(pc) =	sbr.rel @!p1 .LBB2_9-.Ltmp1, $3  }
0x47: {  	_ =	sdelay $0x1  }
0x48: {  	[sflag:s12] =	ssyncset.done $0x0  }
0x49: {  	[sflag:s12] =	ssyncadd.s32 $0xFFFFF800  }
.LBB2_1:
0x4a: {  	s0 =	sshrl.u32 @!p0 s4, $0x3;
	s1 =	simm.s32 @!p0 $0x1C09;
	s2 =	rddreg [dreg:$0x1]  }
0x4b: {  	[spmem:s0], [sflag:s1] =	dma.local @!p0 [hbm:s2], $0x400  }
0x4c: {  	s0 =	simm.s32 @!p0 $0x9  }
0x4d: {  	_ =	swait.ge @!p0 [sflag:s0], $0x400  }
0x4e: {  	s30 =	stileid.u32;
	[sflag:s0] =	ssyncset.done @!p0 $0x0  }
0x4f: {  	s1 =	sshll.u32 s30, $0x6;
	s2 =	rddreg [dreg:$0x7];
	[sflag:s0] =	ssyncadd.s32 @!p0 $0xFFFFFC00  }
0x50: {  	s0 =	sor.u32 $0x1C09, s1;
	s5 =	sshrl.u32 s2, $0x3;
	s1 =	rddreg [dreg:$0x2]  }
0x51: {  	[dreg:$0x1c] =	wrdreg s5  }
0x52: {  	[spmem:s5], [sflag:s0] =	dma.local [hbm:s1], $0x800  }
0x53: {  	_ =	swait.ge [sflag:s12], $0x800  }
0x54: {  	[sflag:s12] =	ssyncset.done $0x0  }
0x55: {  	s11 =	rddreg [dreg:$0x14];
	[sflag:s12] =	ssyncadd.s32 $0xFFFFF800  }
0x56: {  	[spmem:s11], [sflag:s0] =	dma.local [hbm:s1], $0x800  }
0x57: {  	_ =	swait.ge [sflag:s12], $0x800  }
0x58: {  	[sflag:s12] =	ssyncset.done $0x0  }
0x59: {  	s13 =	rddreg [dreg:$0x15];
	[sflag:s12] =	ssyncadd.s32 $0xFFFFF800  }
0x5a: {  	[spmem:s13], [sflag:s0] =	dma.local [hbm:s1], $0x800  }
0x5b: {  	_ =	swait.ge [sflag:s12], $0x800  }
0x5c: {  	[sflag:s12] =	ssyncset.done $0x0  }
0x5d: {  	s30 =	rddreg [dreg:$0x16];
	[sflag:s12] =	ssyncadd.s32 $0xFFFFF800  }
0x5e: {  	[spmem:s30], [sflag:s0] =	dma.local [hbm:s1], $0x800  }
0x5f: {  	_ =	swait.ge [sflag:s12], $0x800  }
0x60: {  	[sflag:s12] =	ssyncset.done $0x0  }
0x61: {  	s5 =	rddreg [dreg:$0x17];
	[sflag:s12] =	ssyncadd.s32 $0xFFFFF800  }
0x62: {  	[spmem:s5], [sflag:s0] =	dma.local [hbm:s1], $0x800  }
0x63: {  	_ =	swait.ge [sflag:s12], $0x800  }
0x64: {  	[sflag:s12] =	ssyncset.done $0x0  }
0x65: {  	[sflag:s12] =	ssyncadd.s32 $0xFFFFF800  }
0x66: {  	[bflag:$0x0] =	sbarrier.arrive $0xFFFF  }
0x67: {  	s11 =	rddreg [dreg:$0x8]  }
0x68: {  	[tilespmem:s6], [sflag:$0x5] =	stream.linear.gather [hbm4b:s11+s6], $0x40, $0x38;
	[tilespmem:$0x1C600] =	vst v63  }
0x69: {  	s2 =	simm.s32 $0x100;
	s13 =	rddreg [dreg:$0xe]  }
0x6a: {  	[tilespmem:s2], [sflag:$0x5] =	stream.linear.gather [hbm4b:s13+s6], $0x40, $0x38;
	[tilespmem:$0x1C600] =	vst v63  }
0x6b: {  	s5 =	simm.s32 $0x200;
	s30 =	rddreg [dreg:$0xf]  }
0x6c: {  	[tilespmem:s5], [sflag:$0x5] =	stream.linear.gather [hbm4b:s30+s6], $0x40, $0x38;
	[tilespmem:$0x1C600] =	vst v63  }
0x6d: {  	s5 =	rddreg [dreg:$0x10]  }
0x6e: {  	[tilespmem:s14], [sflag:$0x6] =	stream.linear.gather [hbm4b:s5+s6], $0x40, $0x38;
	[tilespmem:$0x1C600] =	vst v63  }
0x6f: {  	s11 =	rddreg [dreg:$0x11]  }
0x70: {  	[tilespmem:s15], [sflag:$0x6] =	stream.linear.gather [hbm4b:s11+s6], $0x40, $0x38;
	[tilespmem:$0x1C600] =	vst v63  }
0x71: {  	s13 =	rddreg [dreg:$0x12]  }
0x72: {  	[tilespmem:s16], [sflag:$0x6] =	stream.linear.gather [hbm4b:s13+s6], $0x40, $0x38;
	[tilespmem:$0x1C600] =	vst v63  }
0x73: {  	_ =	swait.ge [sflag:s17], $0x40  }
0x74: {  	[sflag:s17] =	ssyncset.done $0x0  }
0x75: {  	[sflag:s17] =	ssyncadd.s32 $0xFFFFFFC0  }
0x76: {  	_ =	swait.ge [sflag:s17], $0x40  }
0x77: {  	[sflag:s17] =	ssyncset.done $0x0  }
0x78: {  	[sflag:s17] =	ssyncadd.s32 $0xFFFFFFC0  }
0x79: {  	_ =	swait.ge [sflag:s17], $0x40  }
0x7a: {  	[sflag:s17] =	ssyncset.done $0x0  }
0x7b: {  	s30 =	simm.s32 $0x300;
	[sflag:s17] =	ssyncadd.s32 $0xFFFFFFC0  }
0x7c: {  	[tilespmem:s30], [sflag:$0x1] =	stream.indirect.gather [hbm4b:s7+s18], $0x80, s6, s18, $0xb8;
	[tilespmem:$0x1C600] =	vst v63  }
0x7d: {  	s5 =	simm.s32 $0x0  }
0x7e: {  	[tilespmem:s19], [sflag:$0x3] =	stream.indirect.gather [spmem:s4], $0x80, s2, s18, $0xb8;
	[tilespmem:$0x1C600] =	vst v63  }
.LBB2_2:
0x7f: {  	_ =	swait.ge [sflag:s20], $0x40  }
0x80: {  	[sflag:s20] =	ssyncset.done $0x0  }
0x81: {  	[sflag:s20] =	ssyncadd.s32 $0xFFFFFFC0  }
0x82: {  	_ =	swait.ge [sflag:s20], $0x40  }
0x83: {  	[sflag:s20] =	ssyncset.done $0x0  }
0x84: {  	[sflag:s20] =	ssyncadd.s32 $0xFFFFFFC0  }
0x85: {  	_ =	swait.ge [sflag:s20], $0x40  }
0x86: {  	p1 =	seq.s32 s5, $0x0;
	[sflag:s20] =	ssyncset.done $0x0  }
0x87: {  	s11 =	simm.s32 @!p1 $0x8;
	[sflag:s20] =	ssyncadd.s32 $0xFFFFFFC0  }
0x88: {  	_ =	swait.ge @!p1 [sflag:s11], $0x2000  }
0x89: {  	[sflag:s11] =	ssyncset.done @!p1 $0x0  }
0x8a: {  	[sflag:s11] =	ssyncadd.s32 @!p1 $0xFFFFE000  }
0x8b: {  	[tilespmem:s21], [sflag:$0x2] =	stream.indirect.gather [hbm4b:s7+s18], $0x80, s14, s18, $0xb8;
	[tilespmem:$0x1C600] =	vst v63  }
0x8c: {  	_ = 	snop  }
0x8d: {  	[tilespmem:s22], [sflag:$0x4] =	stream.indirect.gather [spmem:s4], $0x80, s15, s18, $0xb8;
	[tilespmem:$0x1C600] =	vst v63  }
0x8e: {  	_ =	swait.ge [sflag:s25], $0x2000  }
0x8f: {  	[sflag:s25] =	ssyncset.done $0x0  }
0x90: {  	[sflag:s25] =	ssyncadd.s32 $0xFFFFE000  }
0x91: {  	_ =	swait.ge [sflag:s26], $0x2000  }
0x92: {  	[sflag:s26] =	ssyncset.done $0x0  }
0x93: {  	s13 =	simm.s32 $0x0;
	[sflag:s26] =	ssyncadd.s32 $0xFFFFE000  }
0x94: {  	v6 =	vld [tilespmem:s13+$0x300]  }
0x95: {  	v11 =	vld [tilespmem:s13+$0x310]  }
0x96: {  	v5 =	vld [tilespmem:s13+$0x320]  }
0x97: {  	v4 =	vld [tilespmem:s13+$0x330]  }
0x98: {  	v3 =	vld [tilespmem:s13+$0x340]  }
0x99: {  	v2 =	vld [tilespmem:s13+$0x350]  }
0x9a: {  	v1 =	vld [tilespmem:s13+$0x360]  }
0x9b: {  	v0 =	vld [tilespmem:s13+$0x370]  }
0x9c: {  	v12 =	vld [tilespmem:s13+$0x4300]  }
0x9d: {  	v13 =	vld [tilespmem:s13+$0x4310]  }
0x9e: {  	v10 =	vld [tilespmem:s13+$0x4320]  }
0x9f: {  	v9 =	vld [tilespmem:s13+$0x4330]  }
0xa0: {  	v8 =	vld [tilespmem:s13+$0x4340]  }
0xa1: {  	v7 =	vld [tilespmem:s13+$0x4350];
	v12 =	vadd.f32 v12, v6  }
0xa2: {  	s30 =	simm.s32 $0x200;
	s11 =	sshll.u32 s5, $0x7;
	v11 =	vadd.f32 v13, v11;
	v6 =	vld [tilespmem:s13+$0x4360]  }
.LBB2_3:
0xa3: {  	s2 =	sshra.s32 s30, $0x2;
	p1 =	sne.s32 s30, $0x7E00;
	v12 =	vmax.f32 v12, $0.0e+00;
	v5 =	vadd.f32 v10, v5;
	v10 =	vld [tilespmem:s13+$0x4370]  }
0xa4: {  	v13 =	vld [tilespmem:s2+$0x300];
	[tilespmem:s13+$0x4300] =	vst v12;
	v11 =	vmax.f32 v11, $0.0e+00;
	v4 =	vadd.f32 v9, v4  }
0xa5: {  	v14 =	vld [tilespmem:s2+$0x310];
	[tilespmem:s13+$0x4310] =	vst v11;
	v9 =	vmax.f32 v5, $0.0e+00;
	v3 =	vadd.f32 v8, v3  }
0xa6: {  	v5 =	vld [tilespmem:s2+$0x320];
	[tilespmem:s13+$0x4320] =	vst v9;
	v8 =	vmax.f32 v4, $0.0e+00;
	v2 =	vadd.f32 v7, v2  }
0xa7: {  	v4 =	vld [tilespmem:s2+$0x330];
	[tilespmem:s13+$0x4330] =	vst v8;
	v7 =	vmax.f32 v3, $0.0e+00;
	v1 =	vadd.f32 v6, v1  }
0xa8: {  	v3 =	vld [tilespmem:s2+$0x340];
	[tilespmem:s13+$0x4340] =	vst v7;
	v6 =	vmax.f32 v2, $0.0e+00;
	v0 =	vadd.f32 v10, v0  }
0xa9: {  	v2 =	vld [tilespmem:s2+$0x350];
	[tilespmem:s13+$0x4350] =	vst v6;
	v6 =	vmax.f32 v1, $0.0e+00  }
0xaa: {  	v1 =	vld [tilespmem:s2+$0x360];
	[tilespmem:s13+$0x4360] =	vst v6;
	v6 =	vmax.f32 v0, $0.0e+00  }
0xab: {  	v0 =	vld [tilespmem:s2+$0x370];
	[tilespmem:s13+$0x4370] =	vst v6;
	s13 =	smov.u32 s2  }
0xac: {  	v6 =	vld [tilespmem:s13+$0x4300]  }
0xad: {  	v11 =	vld [tilespmem:s13+$0x4310]  }
.Ltmp2:
0xae: {  	v10 =	vld [tilespmem:s13+$0x4320];
	(pc) =	sbr.rel @p1 .LBB2_3-.Ltmp2, $4  }
0xaf: {  	v9 =	vld [tilespmem:s13+$0x4330]  }
0xb0: {  	v8 =	vld [tilespmem:s13+$0x4340]  }
0xb1: {  	v12 =	vadd.f32 v6, v13;
	v7 =	vld [tilespmem:s13+$0x4350]  }
0xb2: {  	s30 =	sadd.s32 $0x200, s30;
	v11 =	vadd.f32 v11, v14;
	v6 =	vld [tilespmem:s13+$0x4360]  }
0xb3: {  	v12 =	vmax.f32 v12, $0.0e+00;
	v5 =	vadd.f32 v10, v5;
	v10 =	vld [tilespmem:s13+$0x4370]  }
0xb4: {  	[tilespmem:s13+$0x4300] =	vst v12;
	v11 =	vmax.f32 v11, $0.0e+00;
	v4 =	vadd.f32 v9, v4  }
0xb5: {  	[tilespmem:s13+$0x4310] =	vst v11;
	v5 =	vmax.f32 v5, $0.0e+00;
	v3 =	vadd.f32 v8, v3  }
0xb6: {  	[tilespmem:s13+$0x4320] =	vst v5;
	v4 =	vmax.f32 v4, $0.0e+00;
	v2 =	vadd.f32 v7, v2  }
0xb7: {  	[tilespmem:s13+$0x4330] =	vst v4;
	v3 =	vmax.f32 v3, $0.0e+00;
	v1 =	vadd.f32 v6, v1  }
0xb8: {  	[tilespmem:s13+$0x4340] =	vst v3;
	v2 =	vmax.f32 v2, $0.0e+00;
	v0 =	vadd.f32 v10, v0  }
0xb9: {  	[tilespmem:s13+$0x4350] =	vst v2;
	v1 =	vmax.f32 v1, $0.0e+00  }
0xba: {  	[tilespmem:s13+$0x4360] =	vst v1;
	v0 =	vmax.f32 v0, $0.0e+00  }
0xbb: {  	[tilespmem:s13+$0x4370] =	vst v0  }
0xbc: {  	v0 =	vld [tilespmem:$0x200]  }
0xbd: {  	v1 =	vld [tilespmem:$0x210]  }
0xbe: {  	v2 =	vld [tilespmem:$0x220]  }
0xbf: {  	v3 =	vld [tilespmem:$0x230];
	_ =	sdelay $0x1  }
0xc0: {  	[tilespmem:$0x8300] =	vst v0  }
0xc1: {  	[tilespmem:$0x8310] =	vst v1  }
0xc2: {  	p1 =	seq.s32 s5, $0x4F;
	[tilespmem:$0x8320] =	vst v2  }
0xc3: {  	s2 =	simm.s32 @p1 $0x2;
	[tilespmem:$0x8330] =	vst v3  }
0xc4: {  	[spmem:s3] =	stream.indirect.scatter.add.f32 [tilespmem:s19], [sflag:$0x7], $0x80, s28, s18, $0xb8;
	[tilespmem:$0x1C600] =	vst v63  }
0xc5: {  	_ =	swait.ge @p1 [sflag:s2], $0x2000  }
0xc6: {  	[sflag:s2] =	ssyncset.done @p1 $0x0  }
0xc7: {  	[sflag:s2] =	ssyncadd.s32 @p1 $0xFFFFE000;
	s2 =	simm.s32 @p1 $0x4  }
0xc8: {  	s13 =	sadd.s32 @!p1 s11, s23;
	_ =	swait.ge @p1 [sflag:s2], $0x2000  }
0xc9: {  	s13 =	sshrl.u32 @!p1 s13, $0x3;
	[sflag:s2] =	ssyncset.done @p1 $0x0  }
0xca: {  	s30 =	simm.s32 @!p1 $0x0;
	[sflag:s2] =	ssyncadd.s32 @p1 $0xFFFFE000;
	s2 =	sadd.s32 @!p1 s8, s13  }
0xcb: {  	[tilespmem:s30], [sflag:$0x5] =	stream.linear.gather @!p1 [hbm4b:s2+s30], $0x40, $0x38;
	[tilespmem:$0x1C600] =	vst v63  }
0xcc: {  	s1 =	simm.s32 @!p1 $0x100;
	s2 =	sadd.s32 @!p1 s10, s13  }
0xcd: {  	[tilespmem:s1], [sflag:$0x5] =	stream.linear.gather @!p1 [hbm4b:s2+s30], $0x40, $0x38;
	[tilespmem:$0x1C600] =	vst v63  }
0xce: {  	s2 =	sadd.s32 @!p1 s9, s13;
	s13 =	simm.s32 @!p1 $0x200  }
0xcf: {  	[tilespmem:s13], [sflag:$0x5] =	stream.linear.gather @!p1 [hbm4b:s2+s30], $0x40, $0x38;
	[tilespmem:$0x1C600] =	vst v63  }
0xd0: {  	s2 =	simm.s32 @!p1 $0x2  }
0xd1: {  	_ =	swait.ge @!p1 [sflag:s2], $0x2000  }
0xd2: {  	[sflag:s2] =	ssyncset.done @!p1 $0x0  }
0xd3: {  	[sflag:s2] =	ssyncadd.s32 @!p1 $0xFFFFE000;
	s2 =	simm.s32 @!p1 $0x4  }
0xd4: {  	_ =	swait.ge @!p1 [sflag:s2], $0x2000  }
0xd5: {  	[sflag:s2] =	ssyncset.done @!p1 $0x0  }
0xd6: {  	[sflag:s2] =	ssyncadd.s32 @!p1 $0xFFFFE000;
	s2 =	simm.s32 @!p1 $0x5  }
0xd7: {  	_ =	swait.ge @!p1 [sflag:s2], $0x40  }
0xd8: {  	[sflag:s2] =	ssyncset.done @!p1 $0x0  }
0xd9: {  	[sflag:s2] =	ssyncadd.s32 @!p1 $0xFFFFFFC0  }
0xda: {  	_ =	swait.ge @!p1 [sflag:s2], $0x40  }
0xdb: {  	[sflag:s2] =	ssyncset.done @!p1 $0x0  }
0xdc: {  	[sflag:s2] =	ssyncadd.s32 @!p1 $0xFFFFFFC0  }
0xdd: {  	_ =	swait.ge @!p1 [sflag:s2], $0x40  }
0xde: {  	[sflag:s2] =	ssyncset.done @!p1 $0x0  }
0xdf: {  	[sflag:s2] =	ssyncadd.s32 @!p1 $0xFFFFFFC0;
	s2 =	simm.s32 @!p1 $0x7  }
0xe0: {  	_ =	swait.ge @!p1 [sflag:s2], $0x2000  }
0xe1: {  	[sflag:s2] =	ssyncset.done @!p1 $0x0  }
0xe2: {  	s13 =	simm.s32 @!p1 $0x300;
	[sflag:s2] =	ssyncadd.s32 @!p1 $0xFFFFE000;
	s2 =	simm.s32 @!p1 $0x40  }
0xe3: {  	[tilespmem:s13], [sflag:$0x1] =	stream.indirect.gather @!p1 [hbm4b:s7+s2], $0x80, s30, s2, $0xb8;
	[tilespmem:$0x1C600] =	vst v63  }
0xe4: {  	s13 =	simm.s32 @!p1 $0x4300  }
0xe5: {  	[tilespmem:s13], [sflag:$0x3] =	stream.indirect.gather @!p1 [spmem:s4], $0x80, s1, s2, $0xb8;
	[tilespmem:$0x1C600] =	vst v63  }
0xe6: {  	s13 =	simm.s32 $0x0  }
0xe7: {  	v6 =	vld [tilespmem:s13+$0x2300]  }
0xe8: {  	v11 =	vld [tilespmem:s13+$0x2310]  }
0xe9: {  	v5 =	vld [tilespmem:s13+$0x2320]  }
0xea: {  	v4 =	vld [tilespmem:s13+$0x2330]  }
0xeb: {  	v3 =	vld [tilespmem:s13+$0x2340]  }
0xec: {  	v2 =	vld [tilespmem:s13+$0x2350]  }
0xed: {  	v1 =	vld [tilespmem:s13+$0x2360]  }
0xee: {  	v0 =	vld [tilespmem:s13+$0x2370]  }
0xef: {  	v12 =	vld [tilespmem:s13+$0x6300]  }
0xf0: {  	v13 =	vld [tilespmem:s13+$0x6310]  }
0xf1: {  	v10 =	vld [tilespmem:s13+$0x6320]  }
0xf2: {  	v9 =	vld [tilespmem:s13+$0x6330]  }
0xf3: {  	v8 =	vld [tilespmem:s13+$0x6340]  }
0xf4: {  	v7 =	vld [tilespmem:s13+$0x6350];
	v12 =	vadd.f32 v12, v6  }
0xf5: {  	s30 =	simm.s32 $0x200;
	v11 =	vadd.f32 v13, v11;
	v6 =	vld [tilespmem:s13+$0x6360]  }
.LBB2_5:
0xf6: {  	s1 =	sshra.s32 s30, $0x2;
	p2 =	sne.s32 s30, $0x7E00;
	v12 =	vmax.f32 v12, $0.0e+00;
	v5 =	vadd.f32 v10, v5;
	v10 =	vld [tilespmem:s13+$0x6370]  }
0xf7: {  	v13 =	vld [tilespmem:s1+$0x2300];
	[tilespmem:s13+$0x6300] =	vst v12;
	v11 =	vmax.f32 v11, $0.0e+00;
	v4 =	vadd.f32 v9, v4  }
0xf8: {  	v14 =	vld [tilespmem:s1+$0x2310];
	[tilespmem:s13+$0x6310] =	vst v11;
	v9 =	vmax.f32 v5, $0.0e+00;
	v3 =	vadd.f32 v8, v3  }
0xf9: {  	v5 =	vld [tilespmem:s1+$0x2320];
	[tilespmem:s13+$0x6320] =	vst v9;
	v8 =	vmax.f32 v4, $0.0e+00;
	v2 =	vadd.f32 v7, v2  }
0xfa: {  	v4 =	vld [tilespmem:s1+$0x2330];
	[tilespmem:s13+$0x6330] =	vst v8;
	v7 =	vmax.f32 v3, $0.0e+00;
	v1 =	vadd.f32 v6, v1  }
0xfb: {  	v3 =	vld [tilespmem:s1+$0x2340];
	[tilespmem:s13+$0x6340] =	vst v7;
	v6 =	vmax.f32 v2, $0.0e+00;
	v0 =	vadd.f32 v10, v0  }
0xfc: {  	v2 =	vld [tilespmem:s1+$0x2350];
	[tilespmem:s13+$0x6350] =	vst v6;
	v6 =	vmax.f32 v1, $0.0e+00  }
0xfd: {  	v1 =	vld [tilespmem:s1+$0x2360];
	[tilespmem:s13+$0x6360] =	vst v6;
	v6 =	vmax.f32 v0, $0.0e+00  }
0xfe: {  	v0 =	vld [tilespmem:s1+$0x2370];
	[tilespmem:s13+$0x6370] =	vst v6;
	s13 =	smov.u32 s1  }
0xff: {  	v6 =	vld [tilespmem:s13+$0x6300]  }
0x100: {  	v11 =	vld [tilespmem:s13+$0x6310]  }
.Ltmp3:
0x101: {  	v10 =	vld [tilespmem:s13+$0x6320];
	(pc) =	sbr.rel @p2 .LBB2_5-.Ltmp3, $4  }
0x102: {  	v9 =	vld [tilespmem:s13+$0x6330]  }
0x103: {  	v8 =	vld [tilespmem:s13+$0x6340]  }
0x104: {  	v12 =	vadd.f32 v6, v13;
	v7 =	vld [tilespmem:s13+$0x6350]  }
0x105: {  	s30 =	sadd.s32 $0x200, s30;
	v11 =	vadd.f32 v11, v14;
	v6 =	vld [tilespmem:s13+$0x6360]  }
0x106: {  	v12 =	vmax.f32 v12, $0.0e+00;
	v5 =	vadd.f32 v10, v5;
	v63 =	vld [tilespmem:s13+$0x6370]  }
0x107: {  	[tilespmem:s13+$0x6300] =	vst v12;
	v11 =	vmax.f32 v11, $0.0e+00;
	v4 =	vadd.f32 v9, v4  }
0x108: {  	[tilespmem:s13+$0x6310] =	vst v11;
	v5 =	vmax.f32 v5, $0.0e+00;
	v3 =	vadd.f32 v8, v3  }
0x109: {  	[tilespmem:s13+$0x6320] =	vst v5;
	v4 =	vmax.f32 v4, $0.0e+00;
	v2 =	vadd.f32 v7, v2  }
0x10a: {  	[tilespmem:s13+$0x6330] =	vst v4;
	v3 =	vmax.f32 v3, $0.0e+00;
	v1 =	vadd.f32 v6, v1  }
0x10b: {  	[tilespmem:s13+$0x6340] =	vst v3;
	v2 =	vmax.f32 v2, $0.0e+00;
	v0 =	vadd.f32 v63, v0  }
0x10c: {  	[tilespmem:s13+$0x6350] =	vst v2;
	v1 =	vmax.f32 v1, $0.0e+00  }
0x10d: {  	[tilespmem:s13+$0x6360] =	vst v1;
	v0 =	vmax.f32 v0, $0.0e+00  }
0x10e: {  	[tilespmem:s13+$0x6370] =	vst v0  }
0x10f: {  	v0 =	vld [tilespmem:$0x280]  }
0x110: {  	v1 =	vld [tilespmem:$0x290]  }
0x111: {  	v2 =	vld [tilespmem:$0x2A0]  }
0x112: {  	v3 =	vld [tilespmem:$0x2B0];
	_ =	sdelay $0x1  }
.Ltmp4:
0x113: {  	[tilespmem:$0x8380] =	vst v0;
	(pc) =	sbr.rel @p1 .LBB2_8-.Ltmp4, $4  }
0x114: {  	[tilespmem:$0x8390] =	vst v1  }
0x115: {  	[tilespmem:$0x83A0] =	vst v2  }
0x116: {  	[tilespmem:$0x83B0] =	vst v3  }
0x117: {  	[spmem:s3] =	stream.indirect.scatter.add.f32 [tilespmem:s22], [sflag:$0x8], $0x80, s29, s18, $0xb8;
	[tilespmem:$0x1C600] =	vst v63  }
0x118: {  	s1 =	sadd.s32 s11, s24  }
0x119: {  	s1 =	sshrl.u32 s1, $0x3  }
0x11a: {  	s2 =	sadd.s32 s8, s1  }
0x11b: {  	[tilespmem:s14], [sflag:$0x6] =	stream.linear.gather [hbm4b:s2+s6], $0x40, $0x38;
	[tilespmem:$0x1C600] =	vst v63  }
.Ltmp5:
0x11c: {  	_ = 	snop;
	(pc) =	sbr.rel .LBB2_2-.Ltmp5, $4  }
0x11d: {  	s30 =	sadd.s32 s10, s1  }
0x11e: {  	[tilespmem:s15], [sflag:$0x6] =	stream.linear.gather [hbm4b:s30+s6], $0x40, $0x38;
	[tilespmem:$0x1C600] =	vst v63  }
0x11f: {  	s5 =	sadd.s32 $0x1, s5;
	s1 =	sadd.s32 s9, s1  }
0x120: {  	[tilespmem:s16], [sflag:$0x6] =	stream.linear.gather [hbm4b:s1+s6], $0x40, $0x38;
	[tilespmem:$0x1C600] =	vst v63  }
.LBB2_9:
0x121: {  	_ =	sfence.sel $0x180000  }
0x122: {  	[bflag:$0x0] =	sbarrier.arrive $0xFFFF  }
0x123: {  	_ =	strace $0x9000004D  }
0x124: {  	[bflag:$0x2] =	sbarrier.arrive $0xFFFF  }
0x125: {  	s0 =	rddreg [dreg:$0x6]  }
0x126: {  	s0 =	sadd.s32 @!p0 $0x100000, s0  }
0x127: {  	[sflag:s0] =	ssyncadd.tile.s32 @!p0 $0x1;
	_ =	shalt  }
.Lfunc_end2:
_tile_overlayer_lowered:
.L_overlay_start_2:
0x128: {  	(tag) =	ssettag $0x2  }
0x129: {  	s0 =	rddreg [dreg:$0x0];
	s2 =	stileid.u32  }
0x12a: {  	s1 =	rddreg [dreg:$0x1];
	p0 =	sne.s32 s2, $0x0  }
0x12b: {  	s3 =	rddreg [dreg:$0x2];
	[bflag:$0x3] =	sbarrier.arrive $0xFFFF;
	s2 =	simm.s32 @!p0 $0x1C09  }
0x12c: {  	[timem:s3], [sflag:s2] =	dma.local @!p0 [hbm:s0], s1  }
0x12d: {  	s0 =	simm.s32 @!p0 $0x9  }
0x12e: {  	_ =	swait.ge @!p0 [sflag:s0], s1  }
0x12f: {  	s1 =	ssub.s32 @!p0 $0x0, s1;
	[sflag:s0] =	ssyncset.done @!p0 $0x0  }
0x130: {  	[sflag:s0] =	ssyncadd.s32 @!p0 s1  }
0x131: {  	[bflag:$0x3] =	sbarrier.arrive $0xFFFF  }
0x132: {  	_ =	shalt  }

// kernel: kernel.23.cloned.1.call-start
scs
__scs_entry_jumppad:
0x0: {  	(pc) =	sbr.rel $0x88, $3  }
0x1: {  	(tag) =	ssettag $0x0;
	lr =	simm.s32 $0x1  }
0x2: {  	[smem:$0x3F8C] =	sst lr;
	_ =	strace $0xD0000000  }
0x3: {  	_ = 	snop  }
0x4: {  	_ = 	snop  }
0x5: {  	_ = 	snop  }
0x6: {  	_ = 	snop  }
0x7: {  	_ = 	snop  }
__scs_overlays_trampoline_lowered:
0x8: {  	[smem:$0x3F9B] =	sst s0  }
0x9: {  	[smem:$0x3F9C] =	sst s1  }
0xa: {  	[smem:$0x3F9D] =	sst s2  }
0xb: {  	[smem:$0x3F9E] =	sst s3  }
0xc: {  	[smem:$0x3F9F] =	sst s4  }
0xd: {  	[smem:$0x3FA0] =	sst s5  }
0xe: {  	[smem:$0x3FA1] =	sst s6  }
0xf: {  	[smem:$0x3FA2] =	sst s7  }
0x10: {  	[smem:$0x3FA3] =	sst s8  }
0x11: {  	[smem:$0x3FA4] =	sst s9;
	s0 =	simm.s32 @!p0 $0x0  }
0x12: {  	s1 =	sld [smem:$0x3F8A];
	s0 =	simm.s32 @p0 $0x1  }
0x13: {  	[smem:$0x3FA5] =	sst s0;
	s0 =	simm.s32 @!p1 $0x0  }
0x14: {  	s2 =	sld [smem:$0x3F89];
	s0 =	simm.s32 @p1 $0x1  }
0x15: {  	[smem:$0x3FA6] =	sst s0;
	s0 =	simm.s32 @!p2 $0x0  }
0x16: {  	s3 =	sld [smem:$0x3FDB];
	s0 =	simm.s32 @p2 $0x1  }
0x17: {  	s4 =	simm.s32 $0x1BF5;
	[smem:$0x3FA8] =	sst s0  }
0x18: {  	s0 =	sld [smem:$0x3F8B];
	_ =	swait.ge [sflag:s4], $0x0  }
0x19: {  	s7 =	sld [smem:$0x3F8C]  }
0x1a: {  	s8 =	sadd.s32 $0xFFFFE003, lr  }
0x1b: {  	s9 =	sadd.s32 $0xFFFFFEF7, lr;
	s5 =	simm.s32 $0xFFFFFFFF;
	p2 =	slt.u32 s8, $0xFFFFF086  }
0x1c: {  	p1 =	slt.u32 s9, $0xF7A;
	s5 =	simm.s32 @!p2 $0x0  }
0x1d: {  	s5 =	simm.s32 @p1 $0x1;
	p0 =	seq.s32 s7, s2  }
0x1e: {  	s7 =	smul.u32 @!p0 $0xF7A, s2;
	p2 =	seq.s32 @!p0 s5, $0x0  }
0x1f: {  	s9 =	smul.u32 $0xF7A, s1;
	s8 =	simm.s32 @!p0 $0x1BF5;
	p2 =	por !p2, p0  }
0x20: {  	[sflag:s8] =	ssyncset.s32 @!p0 $0xFFFFF086;
	s6 =	sadd.s32 @!p0 s3, s7;
	s7 =	simm.s32 @!p0 $0x108  }
0x21: {  	s3 =	sadd.s32 s3, s9;
	s6 =	sadd.s32 @!p0 $0x88, s6;
	s7 =	simm.s32 @p2 $0x1082  }
0x22: {  	[simem:s7], [sflag:s8] =	dma.local @!p0 [hbm:s6], $0xF7A  }
0x23: {  	s9 =	sor.u32 $0xD0000000, s2;
	s6 =	simm.s32 $0x108;
	_ =	swait.ge @!p0 [sflag:s8], $0x0  }
0x24: {  	s3 =	sadd.s32 $0x88, s3;
	s6 =	simm.s32 @!p1 $0x1082;
	[sflag:s4] =	ssyncset.s32 $0xFFFFF086  }
0x25: {  	[simem:s6], [sflag:s4] =	dma.local [hbm:s3], $0xF7A  }
0x26: {  	[smem:$0x3F8C] =	sst s1;
	(tag) =	ssettag s2;
	_ =	strace s9  }
0x27: {  	s1 =	sld [smem:$0x3F9C]  }
0x28: {  	s2 =	sld [smem:$0x3F9D]  }
0x29: {  	s4 =	sld [smem:$0x3F9F]  }
0x2a: {  	p0 =	seq.s32 s5, $0x0;
	s5 =	sld [smem:$0x3FA0]  }
0x2b: {  	s6 =	sld [smem:$0x3FA1]  }
0x2c: {  	s7 =	sld [smem:$0x3FA2]  }
0x2d: {  	s3 =	simm.s32 $0x108;
	s8 =	sld [smem:$0x3FA3]  }
0x2e: {  	s3 =	simm.s32 @!p0 $0x1082;
	s9 =	sld [smem:$0x3FA4]  }
0x2f: {  	lr =	sadd.s32 s0, s3;
	s0 =	sld [smem:$0x3F9B]  }
0x30: {  	s3 =	sld [smem:$0x3F9E]  }
0x31: {  	[smem:$0x3FA7] =	sst s10  }
0x32: {  	s10 =	sld [smem:$0x3FA5];
	_ =	sdelay $0x3  }
0x33: {  	p0 =	seq.s32 s10, $0x1;
	s10 =	sld [smem:$0x3FA7];
	_ =	sdelay $0x3  }
0x34: {  	[smem:$0x3FA7] =	sst s10  }
0x35: {  	s10 =	sld [smem:$0x3FA6];
	_ =	sdelay $0x3  }
0x36: {  	p1 =	seq.s32 s10, $0x1;
	s10 =	sld [smem:$0x3FA7];
	_ =	sdelay $0x3  }
0x37: {  	[smem:$0x3FA7] =	sst s10  }
0x38: {  	s10 =	sld [smem:$0x3FA8]  }
0x39: {  	_ = 	snop;
	(pc) =	sbr.ind lr, $3  }
0x3a: {  	_ = 	snop  }
0x3b: {  	_ = 	snop  }
0x3c: {  	p2 =	seq.s32 s10, $0x1;
	s10 =	sld [smem:$0x3FA7]  }
0x3d: {  	_ =	shalt  }
0x3e: {  	_ =	shalt  }
0x3f: {  	_ =	shalt  }
0x40: {  	_ =	shalt  }
0x41: {  	_ =	shalt  }
0x42: {  	_ =	shalt  }
0x43: {  	_ =	shalt  }
0x44: {  	_ =	shalt  }
0x45: {  	_ =	shalt  }
0x46: {  	_ =	shalt  }
0x47: {  	_ =	shalt  }
0x48: {  	_ =	shalt  }
0x49: {  	_ =	shalt  }
0x4a: {  	_ =	shalt  }
0x4b: {  	_ =	shalt  }
0x4c: {  	_ =	shalt  }
0x4d: {  	_ =	shalt  }
0x4e: {  	_ =	shalt  }
0x4f: {  	_ =	shalt  }
0x50: {  	_ =	shalt  }
0x51: {  	_ =	shalt  }
0x52: {  	_ =	shalt  }
0x53: {  	_ =	shalt  }
0x54: {  	_ =	shalt  }
0x55: {  	_ =	shalt  }
0x56: {  	_ =	shalt  }
0x57: {  	_ =	shalt  }
0x58: {  	_ =	shalt  }
0x59: {  	_ =	shalt  }
0x5a: {  	_ =	shalt  }
0x5b: {  	_ =	shalt  }
0x5c: {  	_ =	shalt  }
0x5d: {  	_ =	shalt  }
0x5e: {  	_ =	shalt  }
0x5f: {  	_ =	shalt  }
0x60: {  	_ =	shalt  }
0x61: {  	_ =	shalt  }
0x62: {  	_ =	shalt  }
0x63: {  	_ =	shalt  }
0x64: {  	_ =	shalt  }
0x65: {  	_ =	shalt  }
0x66: {  	_ =	shalt  }
0x67: {  	_ =	shalt  }
0x68: {  	_ =	shalt  }
0x69: {  	_ =	shalt  }
0x6a: {  	_ =	shalt  }
0x6b: {  	_ =	shalt  }
0x6c: {  	_ =	shalt  }
0x6d: {  	_ =	shalt  }
0x6e: {  	_ =	shalt  }
0x6f: {  	_ =	shalt  }
0x70: {  	_ =	shalt  }
0x71: {  	_ =	shalt  }
0x72: {  	_ =	shalt  }
0x73: {  	_ =	shalt  }
0x74: {  	_ =	shalt  }
0x75: {  	_ =	shalt  }
0x76: {  	_ =	shalt  }
0x77: {  	_ =	shalt  }
0x78: {  	_ =	shalt  }
0x79: {  	_ =	shalt  }
0x7a: {  	_ =	shalt  }
0x7b: {  	_ =	shalt  }
0x7c: {  	_ =	shalt  }
0x7d: {  	_ =	shalt  }
0x7e: {  	_ =	shalt  }
0x7f: {  	_ =	shalt  }
0x80: {  	_ =	shalt  }
0x81: {  	_ =	shalt  }
0x82: {  	_ =	shalt  }
0x83: {  	_ =	shalt  }
0x84: {  	_ =	shalt  }
0x85: {  	_ =	shalt  }
0x86: {  	_ =	shalt  }
0x87: {  	_ =	shalt  }
.Lfunc_end0:
.L_simem_size_0:
called_computation.4_lowered:
.L_overlay_start_0:
0x88: {  	s2 =	sld [smem:$0x3FD9]  }
0x89: {  	s3 =	sld [smem:$0x3FFE];
	_ =	sdelay $0x1  }
0x8a: {  	s1 =	srdreg.scid  }
0x8b: {  	s0 =	sand.u32 $0x1, s1  }
0x8c: {  	s14 =	sshll.u32 s0, $0xA;
	s2 =	sadd.s32 s3, s2  }
0x8d: {  	s2 =	sadd.s32 s2, s14  }
0x8e: {  	[smem:$0x3FB3] =	sst s2  }
0x8f: {  	_ = 	snop  }
0x90: {  	s2 =	sld [smem:$0x3FD0];
	_ =	sdelay $0x2  }
0x91: {  	s15 =	simm.s32 $0xB;
	s4 =	simm.s32 $0x10  }
0x92: {  	[smem:s4], [sflag:s15] =	dma.local [hbm:s2], $0x1  }
0x93: {  	_ =	swait.eq [sflag:s15], $0x1  }
0x94: {  	[sflag:s15] =	ssyncset.done $0x0  }
0x95: {  	[sflag:s15] =	ssyncadd.s32 $0xFFFFFFFF  }
0x96: {  	s16 =	sld [smem:$0x10];
	(tm) =	ssettm $0x1  }
0x97: {  	s17 =	sld [smem:$0x3FFB];
	_ =	sdelay $0x3  }
0x98: {  	_ =	strace s17  }
0x99: {  	s3 =	sld [smem:$0x3FFC];
	_ =	sdelay $0x3  }
0x9a: {  	_ =	strace s3  }
0x9b: {  	s3 =	sld [smem:$0x3FFD];
	_ =	sdelay $0x3  }
0x9c: {  	_ =	strace s3  }
0x9d: {  	_ =	strace $0x8FFFFFFF  }
0x9e: {  	s18 =	sld [smem:$0x3FDB];
	_ =	sdelay $0x1  }
0x9f: {  	s19 =	simm.s32 $_scs_section_size  }
0xa0: {  	s5 =	simm.s32 $_size__tile_overlayer_lowered;
	s6 =	simm.s32 $_tile_overlayer_lowered  }
0xa1: {  	s22 =	simm.s32 $0x1BFF;
	s21 =	sshll.u32 s6, $0x1;
	s3 =	sadd.s32 s19, s18  }
0xa2: {  	s7 =	simm.s32 $0x0;
	s20 =	sshll.u32 s5, $0x1;
	s5 =	sadd.s32 s21, s3  }
0xa3: {  	[timem:s7], [sflag:s22] =	dma.local [hbm:s5], s20  }
0xa4: {  	_ =	swait.ge [sflag:s22], s20  }
0xa5: {  	s4 =	ssub.s32 $0x0, s20;
	[sflag:s22] =	ssyncset.done $0x0  }
0xa6: {  	[sflag:s22] =	ssyncadd.s32 s4;
	_ =	sdelay $0x1  }
0xa7: {  	s23 =	simm.s32 $0x1B8B  }
0xa8: {  	_ =	swait.ge [sflag:s23], $0x1  }
0xa9: {  	[sflag:s23] =	ssyncset.done $0x0  }
0xaa: {  	s25 =	simm.s32 $0x1B8E;
	s24 =	sld [smem:$0x3FFE];
	[sflag:s23] =	ssyncadd.s32 $0xFFFFFFFF  }
0xab: {  	s26 =	simm.s32 $execute0_lowered;
	[smem:$0x3FD2] =	sst s25  }
0xac: {  	s5 =	sshll.u32 s26, $0x1;
	_ =	strace $0x8000004F;
	[dreg:$0x1] =	wrdreg $0xFFFFFFFF  }
0xad: {  	s28 =	simm.s32 $_size_execute0_lowered;
	s3 =	sadd.s32 s3, s5;
	[dreg:$0x0] =	wrdreg $0x0  }
0xae: {  	s5 =	sshll.u32 s28, $0x1;
	[dreg:$0x2] =	wrdreg s3  }
0xaf: {  	[dreg:$0x3] =	wrdreg s5  }
0xb0: {  	[dreg:$0x4] =	wrdreg $0xC0  }
0xb1: {  	_ =	task [dreg:s7], $0x5FFFF  }
0xb2: {  	[dreg:$0x1] =	wrdreg $0xFFFFFFFF  }
0xb3: {  	[dreg:$0x0] =	wrdreg $0x60  }
0xb4: {  	[dreg:$0x2] =	wrdreg s24  }
0xb5: {  	[dreg:$0x3] =	wrdreg s16  }
0xb6: {  	[dreg:$0x4] =	wrdreg $0x90000  }
0xb7: {  	[dreg:$0x5] =	wrdreg $0x130000  }
0xb8: {  	[dreg:$0x6] =	wrdreg $0xA  }
0xb9: {  	_ =	task.clear_ibuf [dreg:s7], $0x7FFFF;
	_ =	strace $0x9000004F  }
0xba: {  	s29 =	simm.s32 $0xA;
	_ =	strace $0x80000051  }
0xbb: {  	_ =	swait.ge [sflag:s29], $0x1  }
0xbc: {  	[sflag:s29] =	ssyncadd.s32 $0xFFFFFFFF  }
0xbd: {  	_ =	strace $0x90000051  }
0xbe: {  	_ =	sfence  }
0xbf: {  	s30 =	sld [smem:$0x0];
	_ =	sdelay $0x2  }
0xc0: {  	s31 =	sshll.u32 s1, $0xD;
	s1 =	sshrl.u32 s1, $0x2  }
0xc1: {  	s3 =	sand.u32 $0x4000, s31;
	s1 =	sadd.s32 s1, s30  }
0xc2: {  	s0 =	sor.u32 s3, s0;
	s1 =	sshll.u32 s1, $0x11  }
0xc3: {  	s0 =	sor.u32 s1, s0  }
0xc4: {  	s0 =	sadd.s32 $0x8F2B, s0  }
0xc5: {  	[sflag:s0] =	ssyncadd.remote.s32 $0x1  }
0xc6: {  	_ =	sfence.sel $0xFFFF  }
0xc7: {  	[dreg:$0x0] =	wrdreg $0xFFFFFFFF;
	(pc) =	sbr.abs _section_cstart, $3  }
0xc8: {  	[dreg:$0x1] =	wrdreg $0xFFFFFFFF  }
0xc9: {  	_ =	task.clear_ibuf [dreg:s7], $0x2FFFF;
	_ =	strace $0x9FFFFFFF  }
0xca: {  	(tm) =	ssettm $0x7FFFFFFF  }
0xcb: {  	_ =	shalt  }
tec
execute0_lowered:
.L_overlay_start_1:
0x0: {  	(tag) =	ssettag $0x1  }
0x1: {  	s0 =	rddreg [dreg:$0x0]  }
0x2: {  	s2 =	rddreg [dreg:$0x1]  }
0x3: {  	s3 =	rddreg [dreg:$0x2]  }
0x4: {  	s4 =	rddreg [dreg:$0x3]  }
0x5: {  	s11 =	stileid.u32;
	s1 =	srdreg.scid;
	s5 =	simm.s32 $0x0  }
0x6: {  	s15 =	simm.s32 $0x7;
	s17 =	simm.s32 $0x2800;
	s18 =	simm.s32 $0x40  }
0x7: {  	s19 =	simm.s32 $0x5000;
	s20 =	simm.s32 $0x7000;
	s21 =	simm.s32 $0x6000  }
0x8: {  	s22 =	simm.s32 $0x8000;
	s23 =	simm.s32 $0x1;
	s24 =	simm.s32 $0x3  }
0x9: {  	s28 =	simm.s32 $0x4;
	s29 =	simm.s32 $0x0;
	s1 =	sand.u32 $0x1, s1  }
0xa: {  	s6 =	sshll.u32 s11, $0x1;
	s7 =	smul.u32 $0xA000, s11;
	[smem:$0x7FF] =	sst s5  }
0xb: {  	s26 =	sshll.u32 s11, $0x6;
	s25 =	sor.u32 s1, s6;
	s1 =	ssub.s32 $0x2, s1  }
0xc: {  	_ =	strace $0x80000050;
	s6 =	smul.u32 $0x500, s25;
	s8 =	sshrl.u32 s7, $0x3  }
0xd: {  	s9 =	sshrl.u32 s1, $0x1;
	s14 =	sadd.s32 s7, s3;
	s7 =	sadd.s32 s7, s4  }
0xe: {  	p0 =	seq.s32 s25, $0x1F;
	s10 =	sadd.s32 s8, s0;
	s1 =	ssub.s32 s1, s9  }
0xf: {  	s8 =	sor.u32 $0x1C07, s26;
	s14 =	sshrl.u32 s14, $0x3;
	s16 =	sshrl.u32 s7, $0x3  }
0x10: {  	s26 =	simm.s32 $0x2;
	s0 =	sadd.s32 s6, s0;
	s30 =	sadd.s32 $0x2D400, s10  }
0x11: {  	s6 =	smul.u32 $0xA0, s25;
	s31 =	sadd.s32 $0x87400, s10;
	[dreg:$0x5] =	wrdreg s30  }
0x12: {  	s12 =	smax.u32 s1, $0x1;
	s25 =	simm.s32 $0x5;
	[dreg:$0x6] =	wrdreg s31  }
0x13: {  	s10 =	sadd.s32 $0x55400, s0;
	s11 =	sadd.s32 $0x4B400, s0;
	s13 =	ssub.s32 $0x1389, s6  }
.LBB2_1:
0x14: {  	s0 =	rddreg [dreg:$0x5]  }
0x15: {  	[spmem:s14], [sflag:s8] =	dma.local [hbm:s0], $0x1400  }
0x16: {  	_ =	swait.ge [sflag:s15], $0x1400  }
0x17: {  	[sflag:s15] =	ssyncset.done $0x0  }
0x18: {  	s31 =	rddreg [dreg:$0x6];
	[sflag:s15] =	ssyncadd.s32 $0xFFFFEC00  }
0x19: {  	[spmem:s16], [sflag:s8] =	dma.local [hbm:s31], $0x1400  }
0x1a: {  	_ =	swait.ge [sflag:s15], $0x1400  }
0x1b: {  	[sflag:s15] =	ssyncset.done $0x0  }
0x1c: {  	[sflag:s15] =	ssyncadd.s32 $0xFFFFEC00  }
0x1d: {  	[tilespmem:s5], [sflag:$0x7] =	stream.linear.gather [hbm4b:s10+s5], $0x2800, $0x38;
	[tilespmem:$0x1D000] =	vst v63  }
0x1e: {  	_ =	swait.ge [sflag:s15], $0x2800  }
0x1f: {  	[sflag:s15] =	ssyncset.done $0x0  }
0x20: {  	[sflag:s15] =	ssyncadd.s32 $0xFFFFD800  }
0x21: {  	[tilespmem:s17], [sflag:$0x7] =	stream.linear.gather [hbm4b:s11+s5], $0x2800, $0x38;
	[tilespmem:$0x1D000] =	vst v63  }
0x22: {  	_ =	swait.ge [sflag:s15], $0x2800  }
0x23: {  	[sflag:s15] =	ssyncset.done $0x0  }
0x24: {  	[sflag:s15] =	ssyncadd.s32 $0xFFFFD800  }
0x25: {  	[bflag:$0x0] =	sbarrier.arrive $0xFFFF  }
0x26: {  	[tilespmem:s19], [sflag:$0x1] =	stream.indirect.gather [spmem:s3], $0x40, s5, s18, $0xb8;
	[tilespmem:$0x1D000] =	vst v63  }
0x27: {  	s30 =	simm.s32 $0x0  }
0x28: {  	[tilespmem:s20], [sflag:$0x3] =	stream.indirect.gather [spmem:s4], $0x40, s17, s18, $0xb8;
	[tilespmem:$0x1D000] =	vst v63  }
.LBB2_2:
0x29: {  	s0 =	sshll.u32 s30, $0x1;
	p1 =	seq.s32 s30, $0x0  }
0x2a: {  	p2 =	sge.s32 @!p1 s0, s13  }
0x2b: {  	p1 =	por p2, p1  }
0x2c: {  	s1 =	simm.s32 @!p1 $0x6  }
0x2d: {  	_ =	swait.ge @!p1 [sflag:s1], $0x1000  }
0x2e: {  	s31 =	sshllo.u32 s30, $0x1;
	[sflag:s1] =	ssyncset.done @!p1 $0x0  }
0x2f: {  	s9 =	sshll.u32 s31, $0x6;
	[sflag:s1] =	ssyncadd.s32 @!p1 $0xFFFFF000  }
0x30: {  	[tilespmem:s21], [sflag:$0x2] =	stream.indirect.gather [spmem:s3], $0x40, s9, s18, $0xb8;
	[tilespmem:$0x1D000] =	vst v63  }
0x31: {  	s1 =	sadd.s32 $0x2800, s9  }
0x32: {  	[tilespmem:s22], [sflag:$0x4] =	stream.indirect.gather [spmem:s4], $0x40, s1, s18, $0xb8;
	[tilespmem:$0x1D000] =	vst v63  }
0x33: {  	_ =	swait.ge [sflag:s23], $0x1000  }
0x34: {  	[sflag:s23] =	ssyncset.done $0x0  }
0x35: {  	[sflag:s23] =	ssyncadd.s32 $0xFFFFF000  }
0x36: {  	_ =	swait.ge [sflag:s24], $0x1000  }
0x37: {  	[sflag:s24] =	ssyncset.done $0x0  }
0x38: {  	s1 =	simm.s32 $0x0;
	[sflag:s24] =	ssyncadd.s32 $0xFFFFF000  }
0x39: {  	v5 =	vld [tilespmem:s1+$0x7000]  }
0x3a: {  	v6 =	vld [tilespmem:s1+$0x7010]  }
0x3b: {  	v1 =	vld [tilespmem:s1+$0x7020]  }
0x3c: {  	v0 =	vld [tilespmem:s1+$0x7030]  }
0x3d: {  	v2 =	vld [tilespmem:s1+$0x5000]  }
0x3e: {  	v4 =	vld [tilespmem:s1+$0x5010]  }
0x3f: {  	s7 =	simm.s32 $0x100;
	v3 =	vld [tilespmem:s1+$0x5020]  }
.LBB2_3:
0x40: {  	s9 =	sshra.s32 s7, $0x2;
	p1 =	sne.s32 s7, $0x3F00;
	v7 =	vld [tilespmem:s1+$0x5030];
	v8 =	vmov v1  }
0x41: {  	v9 =	vld [tilespmem:s9+$0x7000];
	v10 =	vmov v0  }
0x42: {  	v11 =	vld [tilespmem:s9+$0x7010];
	v2 =	vadd.f32 v5, v2  }
.Ltmp0:
0x43: {  	v1 =	vld [tilespmem:s9+$0x7020];
	v4 =	vadd.f32 v6, v4;
	(pc) =	sbr.rel @p1 .LBB2_3-.Ltmp0, $4  }
0x44: {  	v0 =	vld [tilespmem:s9+$0x7030];
	[tilespmem:s1+$0x5000] =	vst v2;
	v3 =	vadd.f32 v8, v3  }
0x45: {  	v2 =	vld [tilespmem:s9+$0x5000];
	[tilespmem:s1+$0x5010] =	vst v4;
	v7 =	vadd.f32 v10, v7  }
0x46: {  	v4 =	vld [tilespmem:s9+$0x5010];
	[tilespmem:s1+$0x5020] =	vst v3;
	v5 =	vmov v9  }
0x47: {  	s7 =	sadd.s32 $0x100, s7;
	v3 =	vld [tilespmem:s9+$0x5020];
	[tilespmem:s1+$0x5030] =	vst v7;
	v6 =	vmov v11;
	s1 =	smov.u32 s9  }
0x48: {  	v7 =	vld [tilespmem:s1+$0x5030]  }
0x49: {  	s0 =	sadd.s32 s6, s0  }
0x4a: {  	p2 =	sgt.u32 s0, $0x1387;
	v2 =	vadd.f32 v5, v2  }
.Ltmp1:
0x4b: {  	v4 =	vadd.f32 v6, v4;
	(pc) =	sbr.rel @p2 .LBB2_13-.Ltmp1, $4  }
0x4c: {  	[tilespmem:s1+$0x5000] =	vst v2;
	v1 =	vadd.f32 v1, v3  }
0x4d: {  	[tilespmem:s1+$0x5010] =	vst v4;
	v0 =	vadd.f32 v0, v7  }
0x4e: {  	[tilespmem:s1+$0x5020] =	vst v1  }
0x4f: {  	p1 =	seq.s32 s30, $0x4F;
	[tilespmem:s1+$0x5030] =	vst v0  }
.Ltmp2:
0x50: {  	(pc) =	sbr.rel @p1 .LBB2_8-.Ltmp2, $4  }
0x51: {  	_ = 	snop  }
0x52: {  	s0 =	sshll.u32 s0, $0x9  }
0x53: {  	s0 =	sadd.s32 s2, s0  }
0x54: {  	[hbm4b:s0+s5] =	stream.linear.scatter [tilespmem:s19], [sflag:$0x5], $0x1000, $0x38;
	[tilespmem:$0x1D000] =	vst v63  }
.Ltmp3:
0x55: {  	(pc) =	sbr.rel .LBB2_7-.Ltmp3, $4  }
0x56: {  	_ = 	snop  }
0x57: {  	_ =	swait.ge [sflag:s25], $0x1000  }
0x58: {  	[sflag:s25] =	ssyncset.done $0x0  }
0x59: {  	[sflag:s25] =	ssyncadd.s32 $0xFFFFF000  }
.LBB2_13:
.Ltmp4:
0x5a: {  	(pc) =	sbr.rel @p1 .LBB2_8-.Ltmp4, $1  }
0x5b: {  	_ =	sdelay $0x3  }
.LBB2_7:
0x5c: {  	s0 =	sshll.u32 s30, $0x7  }
0x5d: {  	s1 =	sadd.s32 $0x80, s0  }
0x5e: {  	[tilespmem:s19], [sflag:$0x1] =	stream.indirect.gather [spmem:s3], $0x40, s1, s18, $0xb8;
	[tilespmem:$0x1D000] =	vst v63  }
0x5f: {  	s0 =	sadd.s32 $0x2880, s0  }
0x60: {  	[tilespmem:s20], [sflag:$0x3] =	stream.indirect.gather [spmem:s4], $0x40, s0, s18, $0xb8;
	[tilespmem:$0x1D000] =	vst v63  }
.LBB2_8:
0x61: {  	_ =	swait.ge [sflag:s26], $0x1000  }
0x62: {  	[sflag:s26] =	ssyncset.done $0x0  }
0x63: {  	[sflag:s26] =	ssyncadd.s32 $0xFFFFF000  }
0x64: {  	_ =	swait.ge [sflag:s28], $0x1000  }
0x65: {  	[sflag:s28] =	ssyncset.done $0x0  }
0x66: {  	s0 =	simm.s32 $0x0;
	[sflag:s28] =	ssyncadd.s32 $0xFFFFF000  }
0x67: {  	v5 =	vld [tilespmem:s0+$0x8000]  }
0x68: {  	v6 =	vld [tilespmem:s0+$0x8010]  }
0x69: {  	v1 =	vld [tilespmem:s0+$0x8020]  }
0x6a: {  	v0 =	vld [tilespmem:s0+$0x8030]  }
0x6b: {  	v2 =	vld [tilespmem:s0+$0x6000]  }
0x6c: {  	v4 =	vld [tilespmem:s0+$0x6010]  }
0x6d: {  	s1 =	simm.s32 $0x100;
	v3 =	vld [tilespmem:s0+$0x6020]  }
.LBB2_9:
0x6e: {  	s7 =	sshra.s32 s1, $0x2;
	p1 =	sne.s32 s1, $0x3F00;
	v7 =	vld [tilespmem:s0+$0x6030];
	v8 =	vmov v1  }
0x6f: {  	v9 =	vld [tilespmem:s7+$0x8000];
	v10 =	vmov v0  }
0x70: {  	v11 =	vld [tilespmem:s7+$0x8010];
	v2 =	vadd.f32 v5, v2  }
.Ltmp5:
0x71: {  	v1 =	vld [tilespmem:s7+$0x8020];
	v4 =	vadd.f32 v6, v4;
	(pc) =	sbr.rel @p1 .LBB2_9-.Ltmp5, $4  }
0x72: {  	v0 =	vld [tilespmem:s7+$0x8030];
	[tilespmem:s0+$0x6000] =	vst v2;
	v3 =	vadd.f32 v8, v3  }
0x73: {  	v2 =	vld [tilespmem:s7+$0x6000];
	[tilespmem:s0+$0x6010] =	vst v4;
	v7 =	vadd.f32 v10, v7  }
0x74: {  	v4 =	vld [tilespmem:s7+$0x6010];
	[tilespmem:s0+$0x6020] =	vst v3;
	v5 =	vmov v9  }
0x75: {  	s1 =	sadd.s32 $0x100, s1;
	v3 =	vld [tilespmem:s7+$0x6020];
	[tilespmem:s0+$0x6030] =	vst v7;
	v6 =	vmov v11;
	s0 =	smov.u32 s7  }
0x76: {  	v7 =	vld [tilespmem:s0+$0x6030];
	_ =	sdelay $0x1  }
0x77: {  	v2 =	vadd.f32 v5, v2  }
0x78: {  	v4 =	vadd.f32 v6, v4  }
0x79: {  	s1 =	sadd.s32 s6, s31;
	[tilespmem:s0+$0x6000] =	vst v2;
	v1 =	vadd.f32 v1, v3  }
0x7a: {  	p1 =	sgt.u32 s1, $0x1387;
	[tilespmem:s0+$0x6010] =	vst v4;
	v0 =	vadd.f32 v0, v7  }
0x7b: {  	s30 =	sadd.s32 $0x1, s30;
	s1 =	sshll.u32 @!p1 s1, $0x9;
	[tilespmem:s0+$0x6020] =	vst v1  }
0x7c: {  	s7 =	simm.s32 @!p1 $0x6000;
	[tilespmem:s0+$0x6030] =	vst v0;
	s0 =	sadd.s32 @!p1 s2, s1;
	s1 =	simm.s32 @!p1 $0x0  }
0x7d: {  	[hbm4b:s0+s1] =	stream.linear.scatter @!p1 [tilespmem:s7], [sflag:$0x6], $0x1000, $0x38;
	[tilespmem:$0x1D000] =	vst v63  }
0x7e: {  	p1 =	sne.s32 s30, $0x50  }
.Ltmp6:
0x7f: {  	_ = 	snop;
	(pc) =	sbr.rel @p1 .LBB2_2-.Ltmp6, $1  }
0x80: {  	_ =	sdelay $0x3  }
0x81: {  	s0 =	simm.s32 @!p0 $0x5;
	s29 =	sadd.s32 $0x1, s29  }
0x82: {  	_ =	swait.ge @!p0 [sflag:s0], $0x1000;
	p1 =	sne.s32 s29, s12  }
.Ltmp7:
0x83: {  	[sflag:s0] =	ssyncset.done @!p0 $0x0;
	(pc) =	sbr.rel @p1 .LBB2_1-.Ltmp7, $4  }
0x84: {  	[sflag:s0] =	ssyncadd.s32 @!p0 $0xFFFFF000;
	s0 =	simm.s32 @!p0 $0x6  }
0x85: {  	_ =	swait.ge @!p0 [sflag:s0], $0x1000  }
0x86: {  	[sflag:s0] =	ssyncset.done @!p0 $0x0  }
0x87: {  	[sflag:s0] =	ssyncadd.s32 @!p0 $0xFFFFF000  }
0x88: {  	_ =	sfence.sel $0x180000  }
0x89: {  	[bflag:$0x0] =	sbarrier.arrive $0xFFFF  }
0x8a: {  	_ =	strace $0x90000050  }
0x8b: {  	s0 =	stileid.u32;
	[bflag:$0x2] =	sbarrier.arrive $0xFFFF  }
0x8c: {  	p0 =	sne.s32 s0, $0x0;
	s0 =	rddreg [dreg:$0x4]  }
0x8d: {  	s0 =	sadd.s32 @!p0 $0x100000, s0  }
0x8e: {  	[sflag:s0] =	ssyncadd.tile.s32 @!p0 $0x1;
	_ =	shalt  }
.Lfunc_end2:
_tile_overlayer_lowered:
.L_overlay_start_2:
0x8f: {  	(tag) =	ssettag $0x2  }
0x90: {  	s0 =	rddreg [dreg:$0x0];
	s2 =	stileid.u32  }
0x91: {  	s1 =	rddreg [dreg:$0x1];
	p0 =	sne.s32 s2, $0x0  }
0x92: {  	s3 =	rddreg [dreg:$0x2];
	[bflag:$0x3] =	sbarrier.arrive $0xFFFF;
	s2 =	simm.s32 @!p0 $0x1C07  }
0x93: {  	[timem:s3], [sflag:s2] =	dma.local @!p0 [hbm:s0], s1  }
0x94: {  	s0 =	simm.s32 @!p0 $0x7  }
0x95: {  	_ =	swait.ge @!p0 [sflag:s0], s1  }
0x96: {  	s1 =	ssub.s32 @!p0 $0x0, s1;
	[sflag:s0] =	ssyncset.done @!p0 $0x0  }
0x97: {  	[sflag:s0] =	ssyncadd.s32 @!p0 s1  }
0x98: {  	[bflag:$0x3] =	sbarrier.arrive $0xFFFF  }
0x99: {  	_ =	shalt  }

// kernel: kernel.26.cloned.1.call-start
scs
__scs_entry_jumppad:
0x0: {  	(pc) =	sbr.rel $0x88, $3  }
0x1: {  	(tag) =	ssettag $0x0;
	lr =	simm.s32 $0x1  }
0x2: {  	[smem:$0x3F8C] =	sst lr;
	_ =	strace $0xD0000000  }
0x3: {  	_ = 	snop  }
0x4: {  	_ = 	snop  }
0x5: {  	_ = 	snop  }
0x6: {  	_ = 	snop  }
0x7: {  	_ = 	snop  }
__scs_overlays_trampoline_lowered:
0x8: {  	[smem:$0x3F9B] =	sst s0  }
0x9: {  	[smem:$0x3F9C] =	sst s1  }
0xa: {  	[smem:$0x3F9D] =	sst s2  }
0xb: {  	[smem:$0x3F9E] =	sst s3  }
0xc: {  	[smem:$0x3F9F] =	sst s4  }
0xd: {  	[smem:$0x3FA0] =	sst s5  }
0xe: {  	[smem:$0x3FA1] =	sst s6  }
0xf: {  	[smem:$0x3FA2] =	sst s7  }
0x10: {  	[smem:$0x3FA3] =	sst s8  }
0x11: {  	[smem:$0x3FA4] =	sst s9;
	s0 =	simm.s32 @!p0 $0x0  }
0x12: {  	s1 =	sld [smem:$0x3F8A];
	s0 =	simm.s32 @p0 $0x1  }
0x13: {  	[smem:$0x3FA5] =	sst s0;
	s0 =	simm.s32 @!p1 $0x0  }
0x14: {  	s2 =	sld [smem:$0x3F89];
	s0 =	simm.s32 @p1 $0x1  }
0x15: {  	[smem:$0x3FA6] =	sst s0;
	s0 =	simm.s32 @!p2 $0x0  }
0x16: {  	s3 =	sld [smem:$0x3FDB];
	s0 =	simm.s32 @p2 $0x1  }
0x17: {  	s4 =	simm.s32 $0x1BF5;
	[smem:$0x3FA8] =	sst s0  }
0x18: {  	s0 =	sld [smem:$0x3F8B];
	_ =	swait.ge [sflag:s4], $0x0  }
0x19: {  	s7 =	sld [smem:$0x3F8C]  }
0x1a: {  	s8 =	sadd.s32 $0xFFFFE003, lr  }
0x1b: {  	s9 =	sadd.s32 $0xFFFFFEF7, lr;
	s5 =	simm.s32 $0xFFFFFFFF;
	p2 =	slt.u32 s8, $0xFFFFF086  }
0x1c: {  	p1 =	slt.u32 s9, $0xF7A;
	s5 =	simm.s32 @!p2 $0x0  }
0x1d: {  	s5 =	simm.s32 @p1 $0x1;
	p0 =	seq.s32 s7, s2  }
0x1e: {  	s7 =	smul.u32 @!p0 $0xF7A, s2;
	p2 =	seq.s32 @!p0 s5, $0x0  }
0x1f: {  	s9 =	smul.u32 $0xF7A, s1;
	s8 =	simm.s32 @!p0 $0x1BF5;
	p2 =	por !p2, p0  }
0x20: {  	[sflag:s8] =	ssyncset.s32 @!p0 $0xFFFFF086;
	s6 =	sadd.s32 @!p0 s3, s7;
	s7 =	simm.s32 @!p0 $0x108  }
0x21: {  	s3 =	sadd.s32 s3, s9;
	s6 =	sadd.s32 @!p0 $0x88, s6;
	s7 =	simm.s32 @p2 $0x1082  }
0x22: {  	[simem:s7], [sflag:s8] =	dma.local @!p0 [hbm:s6], $0xF7A  }
0x23: {  	s9 =	sor.u32 $0xD0000000, s2;
	s6 =	simm.s32 $0x108;
	_ =	swait.ge @!p0 [sflag:s8], $0x0  }
0x24: {  	s3 =	sadd.s32 $0x88, s3;
	s6 =	simm.s32 @!p1 $0x1082;
	[sflag:s4] =	ssyncset.s32 $0xFFFFF086  }
0x25: {  	[simem:s6], [sflag:s4] =	dma.local [hbm:s3], $0xF7A  }
0x26: {  	[smem:$0x3F8C] =	sst s1;
	(tag) =	ssettag s2;
	_ =	strace s9  }
0x27: {  	s1 =	sld [smem:$0x3F9C]  }
0x28: {  	s2 =	sld [smem:$0x3F9D]  }
0x29: {  	s4 =	sld [smem:$0x3F9F]  }
0x2a: {  	p0 =	seq.s32 s5, $0x0;
	s5 =	sld [smem:$0x3FA0]  }
0x2b: {  	s6 =	sld [smem:$0x3FA1]  }
0x2c: {  	s7 =	sld [smem:$0x3FA2]  }
0x2d: {  	s3 =	simm.s32 $0x108;
	s8 =	sld [smem:$0x3FA3]  }
0x2e: {  	s3 =	simm.s32 @!p0 $0x1082;
	s9 =	sld [smem:$0x3FA4]  }
0x2f: {  	lr =	sadd.s32 s0, s3;
	s0 =	sld [smem:$0x3F9B]  }
0x30: {  	s3 =	sld [smem:$0x3F9E]  }
0x31: {  	[smem:$0x3FA7] =	sst s10  }
0x32: {  	s10 =	sld [smem:$0x3FA5];
	_ =	sdelay $0x3  }
0x33: {  	p0 =	seq.s32 s10, $0x1;
	s10 =	sld [smem:$0x3FA7];
	_ =	sdelay $0x3  }
0x34: {  	[smem:$0x3FA7] =	sst s10  }
0x35: {  	s10 =	sld [smem:$0x3FA6];
	_ =	sdelay $0x3  }
0x36: {  	p1 =	seq.s32 s10, $0x1;
	s10 =	sld [smem:$0x3FA7];
	_ =	sdelay $0x3  }
0x37: {  	[smem:$0x3FA7] =	sst s10  }
0x38: {  	s10 =	sld [smem:$0x3FA8]  }
0x39: {  	_ = 	snop;
	(pc) =	sbr.ind lr, $3  }
0x3a: {  	_ = 	snop  }
0x3b: {  	_ = 	snop  }
0x3c: {  	p2 =	seq.s32 s10, $0x1;
	s10 =	sld [smem:$0x3FA7]  }
0x3d: {  	_ =	shalt  }
0x3e: {  	_ =	shalt  }
0x3f: {  	_ =	shalt  }
0x40: {  	_ =	shalt  }
0x41: {  	_ =	shalt  }
0x42: {  	_ =	shalt  }
0x43: {  	_ =	shalt  }
0x44: {  	_ =	shalt  }
0x45: {  	_ =	shalt  }
0x46: {  	_ =	shalt  }
0x47: {  	_ =	shalt  }
0x48: {  	_ =	shalt  }
0x49: {  	_ =	shalt  }
0x4a: {  	_ =	shalt  }
0x4b: {  	_ =	shalt  }
0x4c: {  	_ =	shalt  }
0x4d: {  	_ =	shalt  }
0x4e: {  	_ =	shalt  }
0x4f: {  	_ =	shalt  }
0x50: {  	_ =	shalt  }
0x51: {  	_ =	shalt  }
0x52: {  	_ =	shalt  }
0x53: {  	_ =	shalt  }
0x54: {  	_ =	shalt  }
0x55: {  	_ =	shalt  }
0x56: {  	_ =	shalt  }
0x57: {  	_ =	shalt  }
0x58: {  	_ =	shalt  }
0x59: {  	_ =	shalt  }
0x5a: {  	_ =	shalt  }
0x5b: {  	_ =	shalt  }
0x5c: {  	_ =	shalt  }
0x5d: {  	_ =	shalt  }
0x5e: {  	_ =	shalt  }
0x5f: {  	_ =	shalt  }
0x60: {  	_ =	shalt  }
0x61: {  	_ =	shalt  }
0x62: {  	_ =	shalt  }
0x63: {  	_ =	shalt  }
0x64: {  	_ =	shalt  }
0x65: {  	_ =	shalt  }
0x66: {  	_ =	shalt  }
0x67: {  	_ =	shalt  }
0x68: {  	_ =	shalt  }
0x69: {  	_ =	shalt  }
0x6a: {  	_ =	shalt  }
0x6b: {  	_ =	shalt  }
0x6c: {  	_ =	shalt  }
0x6d: {  	_ =	shalt  }
0x6e: {  	_ =	shalt  }
0x6f: {  	_ =	shalt  }
0x70: {  	_ =	shalt  }
0x71: {  	_ =	shalt  }
0x72: {  	_ =	shalt  }
0x73: {  	_ =	shalt  }
0x74: {  	_ =	shalt  }
0x75: {  	_ =	shalt  }
0x76: {  	_ =	shalt  }
0x77: {  	_ =	shalt  }
0x78: {  	_ =	shalt  }
0x79: {  	_ =	shalt  }
0x7a: {  	_ =	shalt  }
0x7b: {  	_ =	shalt  }
0x7c: {  	_ =	shalt  }
0x7d: {  	_ =	shalt  }
0x7e: {  	_ =	shalt  }
0x7f: {  	_ =	shalt  }
0x80: {  	_ =	shalt  }
0x81: {  	_ =	shalt  }
0x82: {  	_ =	shalt  }
0x83: {  	_ =	shalt  }
0x84: {  	_ =	shalt  }
0x85: {  	_ =	shalt  }
0x86: {  	_ =	shalt  }
0x87: {  	_ =	shalt  }
.Lfunc_end0:
.L_simem_size_0:
called_computation.5_lowered:
.L_overlay_start_0:
0x88: {  	s2 =	sld [smem:$0x3FD9]  }
0x89: {  	s3 =	sld [smem:$0x3FFE];
	_ =	sdelay $0x1  }
0x8a: {  	s1 =	srdreg.scid  }
0x8b: {  	s0 =	sand.u32 $0x1, s1  }
0x8c: {  	s15 =	sshll.u32 s0, $0xA;
	s2 =	sadd.s32 s3, s2  }
0x8d: {  	s2 =	sadd.s32 s2, s15  }
0x8e: {  	[smem:$0x3FB3] =	sst s2  }
0x8f: {  	_ = 	snop  }
0x90: {  	s2 =	sld [smem:$0x3FD0];
	_ =	sdelay $0x2  }
0x91: {  	s16 =	simm.s32 $0xB;
	s4 =	simm.s32 $0x10  }
0x92: {  	[smem:s4], [sflag:s16] =	dma.local [hbm:s2], $0x1  }
0x93: {  	_ =	swait.eq [sflag:s16], $0x1  }
0x94: {  	[sflag:s16] =	ssyncset.done $0x0  }
0x95: {  	[sflag:s16] =	ssyncadd.s32 $0xFFFFFFFF  }
0x96: {  	s17 =	sld [smem:$0x12];
	(tm) =	ssettm $0x1  }
0x97: {  	s18 =	sld [smem:$0x3FFB];
	_ =	sdelay $0x3  }
0x98: {  	_ =	strace s18  }
0x99: {  	s2 =	sld [smem:$0x3FFC];
	_ =	sdelay $0x3  }
0x9a: {  	_ =	strace s2  }
0x9b: {  	s2 =	sld [smem:$0x3FFD];
	_ =	sdelay $0x3  }
0x9c: {  	_ =	strace s2  }
0x9d: {  	_ =	strace $0x8FFFFFFF  }
0x9e: {  	s19 =	sld [smem:$0x3FDB];
	_ =	sdelay $0x1  }
0x9f: {  	s20 =	simm.s32 $_scs_section_size  }
0xa0: {  	s5 =	simm.s32 $_size__tile_overlayer_lowered;
	s6 =	simm.s32 $_tile_overlayer_lowered  }
0xa1: {  	s7 =	simm.s32 $0x1BFF;
	s21 =	sshll.u32 s6, $0x1;
	s4 =	sadd.s32 s20, s19  }
0xa2: {  	s22 =	simm.s32 $0x0;
	s5 =	sshll.u32 s5, $0x1;
	s6 =	sadd.s32 s21, s4  }
0xa3: {  	[timem:s22], [sflag:s7] =	dma.local [hbm:s6], s5  }
0xa4: {  	_ =	swait.ge [sflag:s7], s5  }
0xa5: {  	s5 =	ssub.s32 $0x0, s5;
	[sflag:s7] =	ssyncset.done $0x0  }
0xa6: {  	[sflag:s7] =	ssyncadd.s32 s5;
	_ =	sdelay $0x1  }
0xa7: {  	s23 =	simm.s32 $0x1B8B  }
0xa8: {  	_ =	swait.ge [sflag:s23], $0x1  }
0xa9: {  	[sflag:s23] =	ssyncset.done $0x0  }
0xaa: {  	[sflag:s23] =	ssyncadd.s32 $0xFFFFFFFF  }
0xab: {  	s5 =	sld [smem:$0x0]  }
0xac: {  	s6 =	sand.u32 $0xFFFFFFFE, s1  }
0xad: {  	p0 =	sne.s32 s1, s6  }
0xae: {  	s6 =	sshll.u32 @p0 s6, $0xE  }
0xaf: {  	s6 =	sadd.s32 @p0 $0x11B8D, s6;
	s7 =	sshll.u32 @p0 s5, $0x11  }
0xb0: {  	s6 =	sor.u32 @p0 s7, s6  }
0xb1: {  	[sflag:s6] =	ssyncadd.remote.s32 @p0 $0x1;
	_ =	sdelay $0x1  }
0xb2: {  	s6 =	simm.s32 @p0 $0x1B8D  }
0xb3: {  	_ =	swait.eq @p0 [sflag:s6], $0x1  }
0xb4: {  	[sflag:s6] =	ssyncadd.s32 @p0 $0xFFFFFFFF  }
0xb5: {  	s7 =	sshll.u32 @!p0 s1, $0xE  }
0xb6: {  	s7 =	sor.u32 @!p0 $0x4000, s7;
	s6 =	simm.s32 @!p0 $0x1B8D  }
0xb7: {  	s5 =	sshll.u32 @!p0 s5, $0x11;
	s7 =	sadd.s32 @!p0 $0x11B8D, s7;
	_ =	swait.eq @!p0 [sflag:s6], $0x1  }
0xb8: {  	s5 =	sor.u32 @!p0 s5, s7;
	[sflag:s6] =	ssyncadd.s32 @!p0 $0xFFFFFFFF  }
0xb9: {  	s25 =	simm.s32 $0x1B8E;
	s24 =	sld [smem:$0x3FFE];
	[sflag:s5] =	ssyncadd.remote.s32 @!p0 $0x1  }
0xba: {  	s26 =	simm.s32 $execute0_lowered;
	[smem:$0x3FD2] =	sst s25  }
0xbb: {  	s6 =	sshll.u32 s26, $0x1;
	_ =	strace $0x80000052;
	[dreg:$0x1] =	wrdreg $0xFFFFFFFF  }
0xbc: {  	s28 =	simm.s32 $_size_execute0_lowered;
	s4 =	sadd.s32 s4, s6;
	[dreg:$0x0] =	wrdreg $0x0  }
0xbd: {  	s6 =	sshll.u32 s28, $0x1;
	[dreg:$0x2] =	wrdreg s4  }
0xbe: {  	[dreg:$0x3] =	wrdreg s6  }
0xbf: {  	[dreg:$0x4] =	wrdreg $0xC0  }
0xc0: {  	_ =	task [dreg:s22], $0x5FFFF  }
0xc1: {  	[dreg:$0x1] =	wrdreg $0xFFFFFFFF  }
0xc2: {  	[dreg:$0x0] =	wrdreg $0x60  }
0xc3: {  	[dreg:$0x2] =	wrdreg s24  }
0xc4: {  	[dreg:$0x3] =	wrdreg s17  }
0xc5: {  	[dreg:$0x4] =	wrdreg $0x9  }
0xc6: {  	_ =	task.clear_ibuf [dreg:s22], $0x5FFFF;
	_ =	strace $0x90000052  }
0xc7: {  	s29 =	simm.s32 $0x9;
	_ =	strace $0x80000054  }
0xc8: {  	_ =	swait.ge [sflag:s29], $0x1  }
0xc9: {  	[sflag:s29] =	ssyncadd.s32 $0xFFFFFFFF  }
0xca: {  	_ =	strace $0x90000054  }
0xcb: {  	_ =	sfence  }
0xcc: {  	s30 =	sld [smem:$0x0];
	_ =	sdelay $0x2  }
0xcd: {  	s31 =	sshll.u32 s1, $0xD;
	s1 =	sshrl.u32 s1, $0x2  }
0xce: {  	s4 =	sand.u32 $0x4000, s31;
	s1 =	sadd.s32 s1, s30  }
0xcf: {  	s0 =	sor.u32 s4, s0;
	s1 =	sshll.u32 s1, $0x11  }
0xd0: {  	s0 =	sor.u32 s1, s0  }
0xd1: {  	s0 =	sadd.s32 $0x8F2B, s0  }
0xd2: {  	[sflag:s0] =	ssyncadd.remote.s32 $0x1  }
0xd3: {  	_ =	sfence.sel $0xFFFF  }
0xd4: {  	[dreg:$0x0] =	wrdreg $0xFFFFFFFF;
	(pc) =	sbr.abs _section_cstart, $3  }
0xd5: {  	[dreg:$0x1] =	wrdreg $0xFFFFFFFF  }
0xd6: {  	_ =	task.clear_ibuf [dreg:s22], $0x2FFFF;
	_ =	strace $0x9FFFFFFF  }
0xd7: {  	(tm) =	ssettm $0x7FFFFFFF  }
tec
execute0_lowered:
.L_overlay_start_1:
0x0: {  	(tag) =	ssettag $0x1  }
0x1: {  	s1 =	srdreg.scid  }
0x2: {  	s0 =	stileid.u32;
	s9 =	rddreg [dreg:$0x0]  }
0x3: {  	s3 =	rddreg [dreg:$0x1];
	s6 =	sand.u32 $0x1, s1;
	s30 =	sshll.u32 s0, $0x1  }
0x4: {  	s2 =	simm.s32 $0x0;
	s1 =	rddreg [dreg:$0x2];
	s7 =	sor.u32 s6, s30  }
0x5: {  	s8 =	simm.s32 $0x1;
	[smem:$0x7FF] =	sst s2;
	s4 =	smul.u32 $0xC, s7  }
0x6: {  	s5 =	sadd.s32 $0x5400, s9;
	_ =	strace $0x80000053;
	s11 =	ssub.s32 $0x2, s6  }
0x7: {  	s6 =	simm.s32 $0x60;
	s4 =	sadd.s32 s3, s4;
	s3 =	simm.s32 $0x2  }
0x8: {  	[tilespmem:s2], [sflag:$0x2] =	stream.linear.gather [hbm4b:s4+s2], $0x60, $0x38;
	[tilespmem:$0x3080] =	vst v63  }
0x9: {  	s10 =	smul.u32 $0x600, s7;
	s12 =	sshrl.u32 s11, $0x1;
	_ =	swait.ge [sflag:s3], $0x60  }
0xa: {  	s7 =	simm.s32 $0x80;
	s31 =	ssub.s32 s11, s12;
	[sflag:s3] =	ssyncset.done $0x0  }
0xb: {  	s9 =	sadd.s32 s10, s9;
	s10 =	smax.u32 s31, $0x1;
	[sflag:s3] =	ssyncadd.s32 $0xFFFFFFA0  }
0xc: {  	[tilespmem:s7], [sflag:$0x1] =	stream.indirect.gather [hbm4b:s5+s6], $0x80, s2, s6, $0xb8;
	[tilespmem:$0x3080] =	vst v63  }
0xd: {  	p0 =	sne.s32 s10, $0x1;
	_ =	swait.ge [sflag:s8], $0x3000  }
.Ltmp0:
0xe: {  	[sflag:s8] =	ssyncset.done $0x0;
	(pc) =	sbr.rel @!p0 .LBB2_2-.Ltmp0, $4  }
0xf: {  	s9 =	sadd.s32 $0x9B400, s9;
	[sflag:s8] =	ssyncadd.s32 $0xFFFFD000  }
0x10: {  	[hbm4b:s9+s2] =	stream.linear.scatter [tilespmem:s7], [sflag:$0x2], $0x3000, $0x38;
	[tilespmem:$0x3080] =	vst v63  }
0x11: {  	_ =	swait.ge [sflag:s3], $0x3000  }
0x12: {  	s10 =	sadd.s32 $0xFFFFFFFF, s10;
	[sflag:s3] =	ssyncset.done $0x0  }
.LBB2_1:
0x13: {  	p0 =	sne.s32 s10, $0x1;
	s10 =	sadd.s32 $0xFFFFFFFF, s10;
	[sflag:s3] =	ssyncadd.s32 $0xFFFFD000  }
0x14: {  	[tilespmem:s2], [sflag:$0x2] =	stream.linear.gather [hbm4b:s4+s2], $0x60, $0x38;
	[tilespmem:$0x3080] =	vst v63  }
0x15: {  	_ =	swait.ge [sflag:s3], $0x60  }
0x16: {  	[sflag:s3] =	ssyncset.done $0x0  }
0x17: {  	[sflag:s3] =	ssyncadd.s32 $0xFFFFFFA0  }
0x18: {  	[tilespmem:s7], [sflag:$0x1] =	stream.indirect.gather [hbm4b:s5+s6], $0x80, s2, s6, $0xb8;
	[tilespmem:$0x3080] =	vst v63  }
0x19: {  	_ =	swait.ge [sflag:s8], $0x3000  }
.Ltmp1:
0x1a: {  	[sflag:s8] =	ssyncset.done $0x0;
	(pc) =	sbr.rel @p0 .LBB2_1-.Ltmp1, $4  }
0x1b: {  	[sflag:s8] =	ssyncadd.s32 $0xFFFFD000  }
0x1c: {  	[hbm4b:s9+s2] =	stream.linear.scatter [tilespmem:s7], [sflag:$0x2], $0x3000, $0x38;
	[tilespmem:$0x3080] =	vst v63  }
0x1d: {  	_ =	swait.ge [sflag:s3], $0x3000  }
0x1e: {  	[sflag:s3] =	ssyncset.done $0x0  }
.LBB2_2:
0x1f: {  	[sflag:s3] =	ssyncadd.s32 $0xFFFFD000  }
0x20: {  	_ =	sfence.sel $0x180000  }
0x21: {  	[bflag:$0x0] =	sbarrier.arrive $0xFFFF  }
0x22: {  	p0 =	sne.s32 s0, $0x0;
	_ =	strace $0x90000053  }
0x23: {  	s0 =	sadd.s32 @!p0 $0x100000, s1;
	[bflag:$0x2] =	sbarrier.arrive $0xFFFF  }
0x24: {  	[sflag:s0] =	ssyncadd.tile.s32 @!p0 $0x1;
	_ =	shalt  }
.Lfunc_end2:
_tile_overlayer_lowered:
.L_overlay_start_2:
0x25: {  	(tag) =	ssettag $0x2  }
0x26: {  	s0 =	rddreg [dreg:$0x0];
	s2 =	stileid.u32  }
0x27: {  	s1 =	rddreg [dreg:$0x1];
	p0 =	sne.s32 s2, $0x0  }
0x28: {  	s3 =	rddreg [dreg:$0x2];
	[bflag:$0x3] =	sbarrier.arrive $0xFFFF;
	s2 =	simm.s32 @!p0 $0x1C02  }
0x29: {  	[timem:s3], [sflag:s2] =	dma.local @!p0 [hbm:s0], s1  }
0x2a: {  	s0 =	simm.s32 @!p0 $0x2  }
0x2b: {  	_ =	swait.ge @!p0 [sflag:s0], s1  }
0x2c: {  	s1 =	ssub.s32 @!p0 $0x0, s1;
	[sflag:s0] =	ssyncset.done @!p0 $0x0  }
0x2d: {  	[sflag:s0] =	ssyncadd.s32 @!p0 s1  }
0x2e: {  	[bflag:$0x3] =	sbarrier.arrive $0xFFFF  }
0x2f: {  	_ =	shalt  }

// kernel: sparse-core-data-format-call.cloned.1.call-start
scs
called_computation_lowered:
.L_overlay_start_0:
0x0: {  	s2 =	sld [smem:$0x3FD9]  }
0x1: {  	s3 =	sld [smem:$0x3FFE];
	_ =	sdelay $0x1  }
0x2: {  	s1 =	srdreg.scid  }
0x3: {  	s0 =	sand.u32 $0x1, s1  }
0x4: {  	s16 =	sshll.u32 s0, $0xA;
	s2 =	sadd.s32 s3, s2  }
0x5: {  	s2 =	sadd.s32 s2, s16  }
0x6: {  	[smem:$0x3FB3] =	sst s2  }
0x7: {  	_ = 	snop  }
0x8: {  	s2 =	sld [smem:$0x3FD0];
	_ =	sdelay $0x2  }
0x9: {  	s17 =	simm.s32 $0xB;
	s4 =	simm.s32 $0x10  }
0xa: {  	[smem:s4], [sflag:s17] =	dma.local [hbm:s2], $0x1  }
0xb: {  	_ =	swait.eq [sflag:s17], $0x1  }
0xc: {  	[sflag:s17] =	ssyncset.done $0x0  }
0xd: {  	[sflag:s17] =	ssyncadd.s32 $0xFFFFFFFF  }
0xe: {  	s18 =	sld [smem:$0x10];
	(tm) =	ssettm $0x1  }
0xf: {  	s19 =	sld [smem:$0x3FFB];
	_ =	sdelay $0x3  }
0x10: {  	_ =	strace s19  }
0x11: {  	s2 =	sld [smem:$0x3FFC];
	_ =	sdelay $0x3  }
0x12: {  	_ =	strace s2  }
0x13: {  	s2 =	sld [smem:$0x3FFD];
	_ =	sdelay $0x3  }
0x14: {  	_ =	strace s2  }
0x15: {  	_ =	strace $0x8FFFFFFF  }
0x16: {  	s20 =	sld [smem:$0x3FDB];
	_ =	sdelay $0x1  }
0x17: {  	s21 =	simm.s32 $_scs_section_size  }
0x18: {  	s5 =	simm.s32 $_size__tile_overlayer_lowered;
	s6 =	simm.s32 $_tile_overlayer_lowered  }
0x19: {  	s7 =	simm.s32 $0x1BFF;
	s22 =	sshll.u32 s6, $0x1;
	s4 =	sadd.s32 s21, s20  }
0x1a: {  	s23 =	simm.s32 $0x0;
	s5 =	sshll.u32 s5, $0x1;
	s6 =	sadd.s32 s22, s4  }
0x1b: {  	[timem:s23], [sflag:s7] =	dma.local [hbm:s6], s5  }
0x1c: {  	_ =	swait.ge [sflag:s7], s5  }
0x1d: {  	s5 =	ssub.s32 $0x0, s5;
	[sflag:s7] =	ssyncset.done $0x0  }
0x1e: {  	[sflag:s7] =	ssyncadd.s32 s5;
	_ =	sdelay $0x1  }
0x1f: {  	s24 =	simm.s32 $0x1B8B  }
0x20: {  	_ =	swait.ge [sflag:s24], $0x1  }
0x21: {  	[sflag:s24] =	ssyncset.done $0x0  }
0x22: {  	[sflag:s24] =	ssyncadd.s32 $0xFFFFFFFF  }
0x23: {  	s5 =	sld [smem:$0x0]  }
0x24: {  	s6 =	sand.u32 $0xFFFFFFFE, s1  }
0x25: {  	p0 =	sne.s32 s1, s6  }
0x26: {  	s6 =	sshll.u32 @p0 s6, $0xE  }
0x27: {  	s6 =	sadd.s32 @p0 $0x11B8D, s6;
	s7 =	sshll.u32 @p0 s5, $0x11  }
0x28: {  	s6 =	sor.u32 @p0 s7, s6  }
0x29: {  	[sflag:s6] =	ssyncadd.remote.s32 @p0 $0x1;
	_ =	sdelay $0x1  }
0x2a: {  	s6 =	simm.s32 @p0 $0x1B8D  }
0x2b: {  	_ =	swait.eq @p0 [sflag:s6], $0x1  }
0x2c: {  	[sflag:s6] =	ssyncadd.s32 @p0 $0xFFFFFFFF  }
0x2d: {  	s7 =	sshll.u32 @!p0 s1, $0xE  }
0x2e: {  	s7 =	sor.u32 @!p0 $0x4000, s7;
	s6 =	simm.s32 @!p0 $0x1B8D  }
0x2f: {  	s5 =	sshll.u32 @!p0 s5, $0x11;
	s7 =	sadd.s32 @!p0 $0x11B8D, s7;
	_ =	swait.eq @!p0 [sflag:s6], $0x1  }
0x30: {  	s5 =	sor.u32 @!p0 s5, s7;
	[sflag:s6] =	ssyncadd.s32 @!p0 $0xFFFFFFFF  }
0x31: {  	s26 =	simm.s32 $0x1B8E;
	s25 =	sld [smem:$0x3FFE];
	[sflag:s5] =	ssyncadd.remote.s32 @!p0 $0x1  }
0x32: {  	s27 =	simm.s32 $execute0_lowered;
	[smem:$0x3FD2] =	sst s26  }
0x33: {  	s6 =	sshll.u32 s27, $0x1;
	_ =	strace $0x80000055;
	[dreg:$0x1] =	wrdreg $0xFFFFFFFF  }
0x34: {  	s28 =	simm.s32 $_size_execute0_lowered;
	s4 =	sadd.s32 s4, s6;
	[dreg:$0x0] =	wrdreg $0x0  }
0x35: {  	s6 =	sshll.u32 s28, $0x1;
	[dreg:$0x2] =	wrdreg s4  }
0x36: {  	[dreg:$0x3] =	wrdreg s6  }
0x37: {  	[dreg:$0x4] =	wrdreg $0xC0  }
0x38: {  	_ =	task [dreg:s23], $0x5FFFF  }
0x39: {  	[dreg:$0x1] =	wrdreg $0xFFFFFFFF  }
0x3a: {  	[dreg:$0x0] =	wrdreg $0x60  }
0x3b: {  	[dreg:$0x2] =	wrdreg s25  }
0x3c: {  	[dreg:$0x3] =	wrdreg s18  }
0x3d: {  	[dreg:$0x4] =	wrdreg $0xA  }
0x3e: {  	_ =	task.clear_ibuf [dreg:s23], $0x5FFFF;
	_ =	strace $0x90000055  }
0x3f: {  	s29 =	simm.s32 $0xA;
	_ =	strace $0x80000057  }
0x40: {  	_ =	swait.ge [sflag:s29], $0x1  }
0x41: {  	[sflag:s29] =	ssyncadd.s32 $0xFFFFFFFF  }
0x42: {  	_ =	strace $0x90000057  }
0x43: {  	_ =	sfence  }
0x44: {  	s30 =	sld [smem:$0x0];
	_ =	sdelay $0x2  }
0x45: {  	s31 =	sshll.u32 s1, $0xD;
	s1 =	sshrl.u32 s1, $0x2  }
0x46: {  	s4 =	sand.u32 $0x4000, s31;
	s1 =	sadd.s32 s1, s30  }
0x47: {  	s0 =	sor.u32 s4, s0;
	s1 =	sshll.u32 s1, $0x11  }
0x48: {  	s0 =	sor.u32 s1, s0  }
0x49: {  	s0 =	sadd.s32 $0x8F2B, s0  }
0x4a: {  	[sflag:s0] =	ssyncadd.remote.s32 $0x1  }
0x4b: {  	_ =	sfence.sel $0xFFFF  }
0x4c: {  	[dreg:$0x0] =	wrdreg $0xFFFFFFFF;
	(pc) =	sbr.abs _section_cstart, $3  }
0x4d: {  	[dreg:$0x1] =	wrdreg $0xFFFFFFFF  }
0x4e: {  	_ =	task.clear_ibuf [dreg:s23], $0x2FFFF;
	_ =	strace $0x9FFFFFFF  }
0x4f: {  	(tm) =	ssettm $0x7FFFFFFF  }
tec
execute0_lowered:
.L_overlay_start_1:
0x0: {  	(tag) =	ssettag $0x1  }
0x1: {  	s0 =	srdreg.scid  }
0x2: {  	s1 =	sshll.u32 s0, $0x4  }
0x3: {  	s4 =	rddreg [dreg:$0x0];
	s0 =	stileid.u32;
	s1 =	sand.u32 $0x10, s1  }
0x4: {  	s2 =	rddreg [dreg:$0x1];
	s7 =	simm.s32 $0x1;
	s1 =	sor.u32 s0, s1  }
0x5: {  	s8 =	simm.s32 $0x2;
	s11 =	simm.s32 $0x0;
	s3 =	sshll.u32 s1, $0x7  }
0x6: {  	s10 =	simm.s32 $0x0;
	s4 =	sadd.s32 $0xA7400, s4;
	s6 =	ssub.s32 $0x4E200, s3  }
.Ltmp0:
0x7: {  	s1 =	rddreg [dreg:$0x2];
	s5 =	sand.u32 $0xF80, s6;
	(pc) =	sbr.rel .LBB1_1-.Ltmp0, $4  }
0x8: {  	_ =	strace $0x80000056;
	s9 =	smov.u32 s3;
	p0 =	sne.s32 s5, $0x0  }
0x9: {  	s6 =	sshrl.u32 s6, $0xC;
	s5 =	simm.s32 $0x1;
	s7 =	simm.s32 @!p0 $0x0  }
0xa: {  	[sflag:s5] =	ssyncpa.u1 $0x0;
	p0 =	por $0x0, $0x0;
	s6 =	sadd.s32 s7, s6  }
0xb: {  	[sflag:s8] =	ssyncpa.u1 $0x0;
	s8 =	simm.s32 $0x271000;
	s7 =	sadd.s32 $0x1, s6  }
.LBB1_4:
0xc: {  	s14 =	sshll.u32 s11, $0x3  }
0xd: {  	s30 =	sand.u32 $0x7F, s11;
	s14 =	sand.u32 $0xFFFFFC00, s14  }
0xe: {  	s11 =	sor.u32 s30, s14  }
0xf: {  	s15 =	smulhi.u32 $0xD1B71759, s11;
	_ =	sdelay $0x1  }
0x10: {  	s14 =	smulhi.u32 $0xD1B71759, s14;
	s15 =	sshrl.u32 s15, $0x12  }
0x11: {  	s15 =	smul.u32 $0x4E200, s15  }
0x12: {  	s14 =	sshrl.u32 s14, $0x12  }
0x13: {  	s14 =	sand.u32 $0x3F, s14;
	s11 =	ssub.s32 s11, s15  }
0x14: {  	[tilespmem:s13+$0x810 ss:$0x81] =	vst.msk $0xffff, v2;
	s14 =	smul.u32 $0x9C40, s14;
	s15 =	sshrl.u32 s11, $0x3;
	s11 =	sand.u32 $0x7, s11  }
0x15: {  	[tilespmem:s13+$0x1020 ss:$0x81] =	vst.msk $0xffff, v0;
	s15 =	sadd.s32 s2, s15;
	s11 =	sshll.u32 s11, $0x12  }
0x16: {  	[tilespmem:s13+$0x0 ss:$0x81] =	vst.msk $0xffff, v1;
	s31 =	sadd.s32 s14, s15;
	s11 =	sor.u32 $0x400, s11  }
0x17: {  	[hbm4b:s31+s11] =	stream.strided.scatter [tilespmem:s12], [sflag:$0x2], $0x2000, s8, s11, $0x20;
	[tilespmem:$0x8080] =	vst v63  }
.LBB1_5:
0x18: {  	s13 =	sadd.s32 $0x1000, s9  }
0x19: {  	p2 =	sgt.s32 s13, $0x4E1FF  }
0x1a: {  	s13 =	smov.u32 @p2 s3;
	p2 =	sne.s32 s10, s7  }
.Ltmp1:
0x1b: {  	p1 =	slt.u32 s10, $0x2;
	(pc) =	sbr.rel @!p2 .LBB1_6-.Ltmp1, $4  }
0x1c: {  	s12 =	simm.s32 @!p1 $0x2  }
0x1d: {  	s14 =	sadd.s32 $0x1, s10;
	_ =	swait.ge @!p1 [sflag:s12], $0x2000  }
0x1e: {  	s11 =	smov.u32 s9;
	p0 =	por !p0, !p0;
	[sflag:s12] =	ssyncset.done @!p1 $0x0  }
0x1f: {  	s10 =	smov.u32 s14;
	s9 =	smov.u32 s13;
	[sflag:s12] =	ssyncadd.s32 @!p1 $0xFFFFE000  }
.LBB1_1:
0x20: {  	p1 =	sge.u32 s10, s6  }
0x21: {  	s12 =	sand.u32 @!p1 $0x1FFFFFF, s9  }
0x22: {  	s13 =	smulhi.u32 @!p1 $0x1A36E2F, s12;
	_ =	sdelay $0x1  }
0x23: {  	s13 =	sshrl.u32 @!p1 s13, $0xB  }
0x24: {  	s13 =	smul.u32 @!p1 $0x4E200, s13;
	_ =	sdelay $0x1  }
0x25: {  	s31 =	sadd.s32 $0xFFFFFFFF, s10;
	s14 =	sxor.u32 @!p1 $0xFFFFFFFF, s10;
	s12 =	ssub.s32 @!p1 s12, s13  }
0x26: {  	s15 =	simm.s32 @!p1 $0x80;
	s14 =	sshll.u32 @!p1 s14, $0xD;
	s12 =	sshll.u32 @!p1 s12, $0x4  }
0x27: {  	s13 =	sand.u32 @!p1 $0x2000, s14;
	s14 =	simm.s32 @!p1 $0x40;
	s12 =	sadd.s32 @!p1 s4, s12  }
0x28: {  	[tilespmem:s13], [sflag:$0x1] =	stream.strided.gather @!p1 [hbm4b:s12+s14], $0x2000, s15, s14, $0x38;
	[tilespmem:$0x8080] =	vst v63  }
0x29: {  	p1 =	sge.u32 s31, s6  }
.Ltmp2:
0x2a: {  	_ = 	snop;
	(pc) =	sbr.rel @p1 .LBB1_5-.Ltmp2, $1  }
0x2b: {  	_ =	sdelay $0x3  }
0x2c: {  	s12 =	simm.s32 $0x1  }
0x2d: {  	_ =	swait.ge [sflag:s5], $0x2000;
	s12 =	simm.s32 @!p0 $0x0  }
0x2e: {  	[sflag:s5] =	ssyncset.done $0x0;
	s13 =	sshll.u32 s12, $0xD  }
0x2f: {  	[sflag:s5] =	ssyncadd.s32 $0xFFFFE000;
	s16 =	sor.u32 $0x20, s13  }
0x30: {  	s12 =	smul.u32 $0x8100, s12;
	v3 =	vld [tilespmem:s16+$0x10]  }
0x31: {  	s30 =	sand.u32 $0x1, s10;
	v2 =	vld [tilespmem:s16+$0xFFFFFFF0]  }
0x32: {  	s13 =	smul.u32 $0x8100, s30;
	s12 =	sshrl.u32 s12, $0x2;
	v0 =	vld [tilespmem:s16+$0x0]  }
0x33: {  	v1 =	vld [tilespmem:s16+$0xFFFFFFE0];
	s14 =	sor.u32 $0x4000, s12  }
0x34: {  	s31 =	sshrl.u32 s13, $0x2;
	s13 =	sadd.s32 $0x0, s14  }
0x35: {  	s15 =	simm.s32 $0x4;
	s16 =	sadd.s32 $0x40, s16;
	s12 =	sor.u32 $0x4000, s31;
	[tilespmem:s13+$0x1830 ss:$0x81] =	vst.msk $0xffff, v3  }
.LBB1_3:
0x36: {  	v3 =	vld [tilespmem:s16+$0x10];
	p1 =	sne.s32 s15, $0x1FC;
	[tilespmem:s13+$0x810 ss:$0x81] =	vst.msk $0xffff, v2;
	s17 =	smov.u32 s15;
	s15 =	sadd.s32 $0x4, s15  }
.Ltmp3:
0x37: {  	v2 =	vld [tilespmem:s16+$0xFFFFFFF0];
	[tilespmem:s13+$0x1020 ss:$0x81] =	vst.msk $0xffff, v0;
	(pc) =	sbr.rel @p1 .LBB1_3-.Ltmp3, $4  }
0x38: {  	v0 =	vld [tilespmem:s16+$0x0];
	[tilespmem:s13+$0x0 ss:$0x81] =	vst.msk $0xffff, v1  }
0x39: {  	s13 =	sshra.s32 s17, $0x2;
	v1 =	vld [tilespmem:s16+$0xFFFFFFE0]  }
0x3a: {  	s13 =	sadd.s32 s13, s14  }
0x3b: {  	s16 =	sadd.s32 $0x40, s16;
	[tilespmem:s13+$0x1830 ss:$0x81] =	vst.msk $0xffff, v3  }
.Ltmp4:
0x3c: {  	_ = 	snop;
	(pc) =	sbr.rel .LBB1_4-.Ltmp4, $1  }
0x3d: {  	_ =	sdelay $0x3  }
.LBB1_6:
0x3e: {  	_ =	sfence.sel $0x180000  }
0x3f: {  	s2 =	simm.s32 $0x1;
	[bflag:$0x0] =	sbarrier.arrive $0xFFFF  }
0x40: {  	s31 =	simm.s32 $0x2;
	[sflag:s2] =	ssyncpa.u1 $0x1  }
0x41: {  	[sflag:s31] =	ssyncpa.u1 $0x1  }
0x42: {  	p0 =	sne.s32 s0, $0x0;
	_ =	strace $0x90000056  }
0x43: {  	s0 =	sadd.s32 @!p0 $0x100000, s1;
	[bflag:$0x2] =	sbarrier.arrive $0xFFFF  }
0x44: {  	[sflag:s0] =	ssyncadd.tile.s32 @!p0 $0x1;
	_ =	shalt  }
.Lfunc_end1:
_tile_overlayer_lowered:
.L_overlay_start_2:
0x45: {  	(tag) =	ssettag $0x2  }
0x46: {  	s0 =	rddreg [dreg:$0x0];
	s2 =	stileid.u32  }
0x47: {  	s1 =	rddreg [dreg:$0x1];
	p0 =	sne.s32 s2, $0x0  }
0x48: {  	s3 =	rddreg [dreg:$0x2];
	[bflag:$0x3] =	sbarrier.arrive $0xFFFF;
	s2 =	simm.s32 @!p0 $0x1C01  }
0x49: {  	[timem:s3], [sflag:s2] =	dma.local @!p0 [hbm:s0], s1  }
0x4a: {  	s0 =	simm.s32 @!p0 $0x1  }
0x4b: {  	_ =	swait.ge @!p0 [sflag:s0], s1  }
0x4c: {  	s1 =	ssub.s32 @!p0 $0x0, s1;
	[sflag:s0] =	ssyncset.done @!p0 $0x0  }
0x4d: {  	[sflag:s0] =	ssyncadd.s32 @!p0 s1  }
0x4e: {  	[bflag:$0x3] =	sbarrier.arrive $0xFFFF  }
0x4f: {  	_ =	shalt  }

</sc_bundles>
